<compile_context>
chip_gen: v7x
topology: tpu7x:2x2x1
jax: 0.10.2.dev20260603
libtpu: 0.0.44.dev20260713+nightly
codegen_flags: <defaults>
</compile_context>

<pallas_src>
import functools

import jax
import jax.numpy as jnp
from jax.experimental import pallas as pl
from jax.experimental.pallas import tpu as pltpu
from jax.experimental.pallas import tpu_sc as plsc

N_PRIORS_C = 21420
P_PAD = 21504
BATCH_C = 8
N_OBJ_C = 16
N_IGN_C = 4
N_CLASSES_C = 4
THRESHOLD_C = 0.4
NEG_POS_RATIO_C = 2
THETA_C = 0.1
ATT_HW = 56 * 96
NCHUNK = P_PAD // 16


def _pairwise_iou(bx1, by1, bx2, by2, px1, py1, px2, py2):
    lt_x = jnp.maximum(bx1, px1)
    lt_y = jnp.maximum(by1, py1)
    rb_x = jnp.minimum(bx2, px2)
    rb_y = jnp.minimum(by2, py2)
    inter = jnp.clip(rb_x - lt_x, 0.0, None) * jnp.clip(rb_y - lt_y, 0.0, None)
    area_b = (bx2 - bx1) * (by2 - by1)
    area_p = (px2 - px1) * (py2 - py1)
    union = area_b + area_p - inter
    return inter / union


def _image_kernel(scores_ref, boxes_ref, labels_ref,
                  ign_ref, priors_ref, cn_ref, npos_ref, obj_ref, posf_ref,
                  tot_ref, acc_ref):
    i = pl.program_id(0)

    @pl.when(i == 0)
    def _init():
        acc_ref[0] = 0.0
        acc_ref[1] = 0.0

    lane = jax.lax.broadcasted_iota(jnp.int32, (1, P_PAD), 1)
    lane_valid = lane < N_PRIORS_C

    pcx = priors_ref[0:1, :]
    pcy = priors_ref[1:2, :]
    pw = priors_ref[2:3, :]
    ph = priors_ref[3:4, :]
    px1 = pcx - pw * 0.5
    py1 = pcy - ph * 0.5
    px2 = pcx + pw * 0.5
    py2 = pcy + ph * 0.5

    b = boxes_ref[0]
    bx1 = b[:, 0:1]
    by1 = b[:, 1:2]
    bx2 = b[:, 2:3]
    by2 = b[:, 3:4]

    ov = _pairwise_iou(bx1, by1, bx2, by2, px1, py1, px2, py2)

    iota_obj = jax.lax.broadcasted_iota(jnp.int32, (N_OBJ_C, P_PAD), 0)
    iota_pri = jax.lax.broadcasted_iota(jnp.int32, (N_OBJ_C, P_PAD), 1)

    ofp = jnp.max(ov, axis=0, keepdims=True)
    obj_fp = jnp.min(jnp.where(ov == ofp, iota_obj, N_OBJ_C), axis=0,
                     keepdims=True)

    ofo = jnp.max(ov, axis=1, keepdims=True)
    pfo = jnp.min(jnp.where(ov == ofo, iota_pri, P_PAD), axis=1,
                  keepdims=True)
    valid = ofo > 0.0

    c = valid.astype(jnp.int32)
    for s in (1, 2, 4, 8):
        shifted = jnp.concatenate(
            [jnp.zeros((s, 1), jnp.int32), c[: N_OBJ_C - s, :]], axis=0)
        c = c + shifted
    rank = c - 1

    obj_j = jax.lax.broadcasted_iota(jnp.int32, (N_OBJ_C, 1), 0)
    match = pfo == lane
    j_sel = jnp.max(jnp.where(match, obj_j, -1), axis=0, keepdims=True)
    onehot2 = (j_sel == iota_obj).astype(jnp.float32)
    w2 = jnp.concatenate([valid.astype(jnp.float32),
                          rank.astype(jnp.float32)], axis=1)
    g2 = jax.lax.dot_general(w2, onehot2, (((0,), (0,)), ((), ())),
                             preferred_element_type=jnp.float32)
    valid_sel = g2[0:1, :] >= 0.5
    ofp = jnp.where(valid_sel, 1.0, ofp)
    obj_f = jnp.where(valid_sel, g2[1:2, :], obj_fp.astype(jnp.float32))

    iota_obj_f = iota_obj.astype(jnp.float32)
    onehot = (obj_f == iota_obj_f).astype(jnp.float32)
    labels_col = labels_ref[0].astype(jnp.float32)
    g5 = jax.lax.dot_general(labels_col, onehot, (((0,), (0,)), ((), ())),
                             preferred_element_type=jnp.float32)
    lab = jnp.where(ofp < THRESHOLD_C, 0.0, g5[0:1, :])

    pos = lab > 0.0
    posf = pos.astype(jnp.float32)
    n_pos = jnp.sum(posf)

    g = ign_ref[0]
    gx1 = g[:, 0:1]
    gy1 = g[:, 1:2]
    gx2 = g[:, 2:3]
    gy2 = g[:, 3:4]
    i_x = jnp.clip(jnp.minimum(gx2, px2) - jnp.maximum(gx1, px1), 0.0, None)
    i_y = jnp.clip(jnp.minimum(gy2, py2) - jnp.maximum(gy1, py1), 0.0, None)
    inter_g = i_x * i_y
    area_sum = (gx2 - gx1) * (gy2 - gy1) + (px2 - px1) * (py2 - py1)
    ign = jnp.max(jnp.where(11.0 * inter_g >= area_sum, 1, 0), axis=0,
                  keepdims=True) > 0

    s = scores_ref[0]
    s0 = s[0:1, :]
    s1 = s[1:2, :]
    s2 = s[2:3, :]
    s3 = s[3:4, :]
    m = jnp.maximum(jnp.maximum(s0, s1), jnp.maximum(s2, s3))
    lse = m + jnp.log(jnp.exp(s0 - m) + jnp.exp(s1 - m)
                      + jnp.exp(s2 - m) + jnp.exp(s3 - m))
    picked = jnp.where(lab == 0.0, s0, 0.0) + jnp.where(lab == 1.0, s1, 0.0) \
        + jnp.where(lab == 2.0, s2, 0.0) + jnp.where(lab == 3.0, s3, 0.0)
    ce = lse - picked
    conf_pos_sum = jnp.sum(ce * posf)

    neg_mask = jnp.logical_not(pos | ign) & lane_valid
    cn_ref[0] = jnp.where(neg_mask, ce, 0.0)
    npos_ref[0] = jnp.full((1, 128), n_pos, jnp.float32)
    obj_ref[0] = obj_f
    posf_ref[0] = posf

    acc_ref[0] = acc_ref[0] + n_pos
    acc_ref[1] = acc_ref[1] + conf_pos_sum

    @pl.when(i == BATCH_C - 1)
    def _fin():
        tot_ref[0, 0] = acc_ref[0]
        tot_ref[0, 1] = acc_ref[1]


def _decode_kernel(locs_ref, att_ref, boxes_ref, priors_ref, obj_ref,
                   posf_ref, tot_ref, acc_ref):
    i = pl.program_id(0)

    @pl.when(i == 0)
    def _init():
        acc_ref[0] = 0.0
        acc_ref[1] = 0.0

    pcx = priors_ref[0:1, :]
    pcy = priors_ref[1:2, :]
    pw = priors_ref[2:3, :]
    ph = priors_ref[3:4, :]

    b = boxes_ref[0]
    obj_f = obj_ref[0]
    posf = posf_ref[0]
    iota_obj_f = jax.lax.broadcasted_iota(
        jnp.int32, (N_OBJ_C, P_PAD), 0).astype(jnp.float32)
    onehot = (obj_f == iota_obj_f).astype(jnp.float32)
    g4 = jax.lax.dot_general(b, onehot, (((0,), (0,)), ((), ())),
                             preferred_element_type=jnp.float32)
    tx1 = g4[0:1, :]
    ty1 = g4[1:2, :]
    tx2 = g4[2:3, :]
    ty2 = g4[3:4, :]

    gl = locs_ref[0]
    d_cx = gl[0:1, :] * pw / 10.0 + pcx
    d_cy = gl[1:2, :] * ph / 10.0 + pcy
    d_w = jnp.exp(gl[2:3, :] / 5.0) * pw
    d_h = jnp.exp(gl[3:4, :] / 5.0) * ph
    dx1 = d_cx - d_w * 0.5
    dy1 = d_cy - d_h * 0.5
    dx2 = d_cx + d_w * 0.5
    dy2 = d_cy + d_h * 0.5

    ix1 = jnp.maximum(dx1, tx1)
    iy1 = jnp.maximum(dy1, ty1)
    ix2 = jnp.minimum(dx2, tx2)
    iy2 = jnp.minimum(dy2, ty2)
    inter = jnp.clip(ix2 - ix1, 0.0, None) * jnp.clip(iy2 - iy1, 0.0, None)
    ap = (dx2 - dx1) * (dy2 - dy1)
    at = (tx2 - tx1) * (ty2 - ty1)
    union = ap + at - inter
    iou = inter / (union + 1e-9)
    cxp = (dx1 + dx2) * 0.5
    cyp = (dy1 + dy2) * 0.5
    cxt = (tx1 + tx2) * 0.5
    cyt = (ty1 + ty2) * 0.5
    d2 = (cxp - cxt) ** 2 + (cyp - cyt) ** 2
    ex1 = jnp.minimum(dx1, tx1)
    ey1 = jnp.minimum(dy1, ty1)
    ex2 = jnp.maximum(dx2, tx2)
    ey2 = jnp.maximum(dy2, ty2)
    c2 = (ex2 - ex1) ** 2 + (ey2 - ey1) ** 2 + 1e-7
    diou = 1.0 - iou + d2 / c2
    loc_sum = jnp.sum(diou * posf)

    a = att_ref[0]
    seg = -jnp.sum(jnp.clip(jnp.log(1.0 - a), -100.0, None))

    acc_ref[0] = acc_ref[0] + loc_sum
    acc_ref[1] = acc_ref[1] + seg

    @pl.when(i == BATCH_C - 1)
    def _fin():
        tot_ref[0, 0] = acc_ref[0]
        tot_ref[0, 1] = acc_ref[1]


def _sc_topk_kernel(cn_hbm, npos_hbm, out_hbm, vals, npv, hcnt, hsum, orow,
                    sem):
    wid = jax.lax.axis_index("s") * 2 + jax.lax.axis_index("c")

    @pl.when(wid < BATCH_C)
    def _active():
        img = wid
        pltpu.sync_copy(cn_hbm.at[img], vals)
        pltpu.sync_copy(npos_hbm.at[img], npv)

        lanes = jax.lax.broadcasted_iota(jnp.int32, (16,), 0)
        ones_i = jnp.ones((16,), jnp.int32)
        zeros_i = jnp.zeros((16,), jnp.int32)
        zeros_f = jnp.zeros((16,), jnp.float32)
        lane_base = lanes * 256

        n_pos = jnp.sum(jnp.where(lanes == 0, npv[...], 0.0))
        k = jnp.minimum(
            NEG_POS_RATIO_C * n_pos.astype(jnp.int32), N_PRIORS_C)

        def _zero_hists():
            @plsc.parallel_loop(0, 4 * 256, unroll=8)
            def _z(bb):
                hcnt[pl.ds(bb * 16, 16)] = zeros_i
                hsum[pl.ds(bb * 16, 16)] = zeros_f

        def _suffix_stats(kk):
            ccnt = []
            csum = []
            for j in range(16):
                def cbody(l, carry):
                    ac, asm = carry
                    off = l * 256 + j * 16
                    return (ac + hcnt[pl.ds(off, 16)],
                            asm + hsum[pl.ds(off, 16)])
                ac, asm = jax.lax.fori_loop(0, 64, cbody,
                                            (zeros_i, zeros_f))
                ccnt.append(ac)
                csum.append(asm)
            carry = jnp.int32(0)
            nb = jnp.int32(0)
            sgrp = [None] * 16
            for j in range(15, -1, -1):
                r = jax.lax.rev(ccnt[j], (0,))
                sfx = jax.lax.rev(jnp.cumsum(r), (0,)) + carry
                sgrp[j] = sfx
                carry = carry + jnp.sum(ccnt[j])
            for j in range(16):
                nb = nb + jnp.sum((sgrp[j] >= kk).astype(jnp.int32))
            bstar = nb - 1
            cnt_above = jnp.int32(0)
            sum_above = jnp.float32(0.0)
            bcnt = jnp.int32(0)
            bsum = jnp.float32(0.0)
            for j in range(16):
                binv = lanes + j * 16
                above = binv > bstar
                at_b = binv == bstar
                cnt_above = cnt_above + jnp.sum(
                    jnp.where(above, ccnt[j], 0))
                sum_above = sum_above + jnp.sum(
                    jnp.where(above, csum[j], 0.0))
                bcnt = bcnt + jnp.sum(jnp.where(at_b, ccnt[j], 0))
                bsum = bsum + jnp.sum(jnp.where(at_b, csum[j], 0.0))
            return bstar, cnt_above, sum_above, bcnt, bsum

        _zero_hists()

        @plsc.parallel_loop(0, NCHUNK, unroll=4)
        def pass1(cc):
            v = vals[pl.ds(cc * 16, 16)]
            bits = plsc.bitcast(v, jnp.int32)
            copy = (cc & 3) * 4096
            idx = jax.lax.shift_right_logical(bits, 23) + lane_base + copy
            plsc.addupdate_scatter(hcnt, [idx], ones_i)
            plsc.addupdate_scatter(hsum, [idx], v)

        bstar, cnt_ab1, sum_ab1, _, _ = _suffix_stats(k)

        _zero_hists()
        k2 = k - cnt_ab1

        @plsc.parallel_loop(0, NCHUNK, unroll=4)
        def pass2(cc):
            v = vals[pl.ds(cc * 16, 16)]
            bits = plsc.bitcast(v, jnp.int32)
            coarse = jax.lax.shift_right_logical(bits, 23)
            fine = jax.lax.shift_right_logical(bits, 15) & 0xFF
            msk = coarse == bstar
            copy = (cc & 3) * 4096
            idx = fine + lane_base + copy
            plsc.addupdate_scatter(hcnt, [idx], ones_i, mask=msk)
            plsc.addupdate_scatter(hsum, [idx], v, mask=msk)

        _, cnt_ab2, sum_ab2, bcnt, bsum = _suffix_stats(k2)

        ties_v = jnp.full((16,), (k2 - cnt_ab2).astype(jnp.float32))
        bsum_v = jnp.full((16,), bsum)
        bcnt_v = jnp.maximum(jnp.full((16,), bcnt.astype(jnp.float32)), 1.0)
        t_v = bsum_v / bcnt_v
        sum_v = jnp.full((16,), sum_ab1 + sum_ab2)
        k_v = jnp.full((16,), k)
        topk_v = jnp.where(k_v > 0, sum_v + ties_v * t_v,
                           jnp.zeros((16,), jnp.float32))
        orow[...] = topk_v
        pltpu.sync_copy(orow, out_hbm.at[img])


_sc_topk = functools.partial(
    pl.kernel,
    mesh=plsc.VectorSubcoreMesh(core_axis_name="c", subcore_axis_name="s"),
    out_type=jax.ShapeDtypeStruct((BATCH_C, 16), jnp.float32),
    scratch_types=[
        pltpu.VMEM((P_PAD,), jnp.float32),
        pltpu.VMEM((16,), jnp.float32),
        pltpu.VMEM((16384,), jnp.int32),
        pltpu.VMEM((16384,), jnp.float32),
        pltpu.VMEM((16,), jnp.float32),
        pltpu.SemaphoreType.DMA,
    ],
    compiler_params=pltpu.CompilerParams(needs_layout_passes=False),
)(_sc_topk_kernel)


@jax.jit
def kernel(odm_locs, odm_scores, attention_map, boxes, labels,
           ignored_regions, priors_cxcy):
    B, P, _ = odm_scores.shape
    pad = P_PAD - P

    locs_t = jnp.pad(jnp.transpose(odm_locs, (0, 2, 1)),
                     ((0, 0), (0, 0), (0, pad)))
    scores_t = jnp.pad(jnp.transpose(odm_scores, (0, 2, 1)),
                       ((0, 0), (0, 0), (0, pad)))
    sentinel = jnp.tile(jnp.array([[-9.0], [-9.0], [1.0], [1.0]],
                                  jnp.float32), (1, pad))
    priors_t = jnp.concatenate(
        [jnp.transpose(priors_cxcy, (1, 0)), sentinel], axis=1)
    att = attention_map.reshape(B, 1, ATT_HW)
    labels_c = labels.astype(jnp.int32).reshape(B, N_OBJ_C, 1)

    cn, npos, obj, posf, tot = pl.pallas_call(
        _image_kernel,
        grid=(B,),
        in_specs=[
            pl.BlockSpec((1, 4, P_PAD), lambda i: (i, 0, 0)),
            pl.BlockSpec((1, N_OBJ_C, 4), lambda i: (i, 0, 0)),
            pl.BlockSpec((1, N_OBJ_C, 1), lambda i: (i, 0, 0)),
            pl.BlockSpec((1, N_IGN_C, 4), lambda i: (i, 0, 0)),
            pl.BlockSpec((4, P_PAD), lambda i: (0, 0)),
        ],
        out_specs=[
            pl.BlockSpec((1, 1, P_PAD), lambda i: (i, 0, 0)),
            pl.BlockSpec((1, 1, 128), lambda i: (i, 0, 0)),
            pl.BlockSpec((1, 1, P_PAD), lambda i: (i, 0, 0)),
            pl.BlockSpec((1, 1, P_PAD), lambda i: (i, 0, 0)),
            pl.BlockSpec(memory_space=pltpu.SMEM),
        ],
        out_shape=[
            jax.ShapeDtypeStruct((B, 1, P_PAD), jnp.float32),
            jax.ShapeDtypeStruct((B, 1, 128), jnp.float32),
            jax.ShapeDtypeStruct((B, 1, P_PAD), jnp.float32),
            jax.ShapeDtypeStruct((B, 1, P_PAD), jnp.float32),
            jax.ShapeDtypeStruct((1, 2), jnp.float32),
        ],
        scratch_shapes=[pltpu.SMEM((2,), jnp.float32)],
    )(scores_t, boxes, labels_c, ignored_regions, priors_t)

    topk_rows = _sc_topk(cn.reshape(B, P_PAD), npos[:, 0, 0:16])

    tot2 = pl.pallas_call(
        _decode_kernel,
        grid=(B,),
        in_specs=[
            pl.BlockSpec((1, 4, P_PAD), lambda i: (i, 0, 0)),
            pl.BlockSpec((1, 1, ATT_HW), lambda i: (i, 0, 0)),
            pl.BlockSpec((1, N_OBJ_C, 4), lambda i: (i, 0, 0)),
            pl.BlockSpec((4, P_PAD), lambda i: (0, 0)),
            pl.BlockSpec((1, 1, P_PAD), lambda i: (i, 0, 0)),
            pl.BlockSpec((1, 1, P_PAD), lambda i: (i, 0, 0)),
        ],
        out_specs=pl.BlockSpec(memory_space=pltpu.SMEM),
        out_shape=jax.ShapeDtypeStruct((1, 2), jnp.float32),
        scratch_shapes=[pltpu.SMEM((2,), jnp.float32)],
    )(locs_t, att, boxes, priors_t, obj, posf)

    total_pos = tot[0, 0]
    loss = ((tot[0, 1] + jnp.sum(topk_rows[:, 0]) + tot2[0, 0]) / total_pos
            + tot2[0, 1])
    return loss.reshape(())

# --- scband reference (transcript-rebuilt; emitter-appended) ---
"""Pipeline reference for scband-dark-traffic-attention-detector-loss-5738076308213 (READ-ONLY COPY).

The authoritative reference and input builder live on the scoring server;
editing this copy changes nothing except your own understanding.
"""

import jax, jax.numpy as jnp
import numpy as np

N_PRIORS = 21420
BATCH = 8
N_OBJ = 16
N_IGN = 4
N_CLASSES = 4
THRESHOLD = 0.4
NEG_POS_RATIO = 2
THETA = 0.1
ALPHA = 1.0


def cxcy_to_xy(c):
    return jnp.concatenate([c[..., :2] - c[..., 2:] / 2.0, c[..., :2] + c[..., 2:] / 2.0], axis=-1)


def gcxgcy_to_cxcy(g, p):
    return jnp.concatenate([g[..., :2] * p[..., 2:] / 10.0 + p[..., :2],
                            jnp.exp(g[..., 2:] / 5.0) * p[..., 2:]], axis=-1)


def jaccard(a, b):
    lt = jnp.maximum(a[:, None, :2], b[None, :, :2])
    rb = jnp.minimum(a[:, None, 2:], b[None, :, 2:])
    wh = jnp.clip(rb - lt, 0.0, None)
    inter = wh[..., 0] * wh[..., 1]
    area_a = (a[:, 2] - a[:, 0]) * (a[:, 3] - a[:, 1])
    area_b = (b[:, 2] - b[:, 0]) * (b[:, 3] - b[:, 1])
    union = area_a[:, None] + area_b[None, :] - inter
    return inter / union


def diou_per_box(pred, tgt):
    ix1 = jnp.maximum(pred[:, 0], tgt[:, 0]); iy1 = jnp.maximum(pred[:, 1], tgt[:, 1])
    ix2 = jnp.minimum(pred[:, 2], tgt[:, 2]); iy2 = jnp.minimum(pred[:, 3], tgt[:, 3])
    inter = jnp.clip(ix2 - ix1, 0.0, None) * jnp.clip(iy2 - iy1, 0.0, None)
    ap = (pred[:, 2] - pred[:, 0]) * (pred[:, 3] - pred[:, 1])
    at = (tgt[:, 2] - tgt[:, 0]) * (tgt[:, 3] - tgt[:, 1])
    union = ap + at - inter
    iou = inter / (union + 1e-9)
    cxp = (pred[:, 0] + pred[:, 2]) / 2.0; cyp = (pred[:, 1] + pred[:, 3]) / 2.0
    cxt = (tgt[:, 0] + tgt[:, 2]) / 2.0; cyt = (tgt[:, 1] + tgt[:, 3]) / 2.0
    d2 = (cxp - cxt) ** 2 + (cyp - cyt) ** 2
    ex1 = jnp.minimum(pred[:, 0], tgt[:, 0]); ey1 = jnp.minimum(pred[:, 1], tgt[:, 1])
    ex2 = jnp.maximum(pred[:, 2], tgt[:, 2]); ey2 = jnp.maximum(pred[:, 3], tgt[:, 3])
    c2 = (ex2 - ex1) ** 2 + (ey2 - ey1) ** 2 + 1e-7
    return 1.0 - iou + d2 / c2


def cross_entropy(logits, labels):
    lse = jax.scipy.special.logsumexp(logits, axis=-1)
    picked = jnp.take_along_axis(logits, labels[:, None], axis=-1)[:, 0]
    return lse - picked


def make_boxes(key, b, n):
    k1, k2 = jax.random.split(key)
    c = jax.random.uniform(k1, (b, n, 2), minval=0.2, maxval=0.8)
    wh = jax.random.uniform(k2, (b, n, 2), minval=0.05, maxval=0.25)
    return jnp.concatenate([c - wh / 2.0, c + wh / 2.0], axis=-1)


def setup_inputs(seed: int = 0):
    key = jax.random.key(seed)
    ks = jax.random.split(key, 8)
    odm_locs = jax.random.normal(ks[0], (BATCH, N_PRIORS, 4), jnp.float32) * 0.1
    odm_scores = jax.random.normal(ks[1], (BATCH, N_PRIORS, N_CLASSES), jnp.float32)
    attention_map = jax.random.uniform(ks[2], (BATCH, 1, 56, 96), jnp.float32, 0.01, 0.6)
    boxes = make_boxes(ks[3], BATCH, N_OBJ)
    labels = jax.random.randint(ks[4], (BATCH, N_OBJ), 1, N_CLASSES)
    ignored_regions = make_boxes(ks[5], BATCH, N_IGN)
    pc = jax.random.uniform(ks[6], (N_PRIORS, 2), minval=0.05, maxval=0.95)
    pwh = jax.random.uniform(ks[7], (N_PRIORS, 2), minval=0.03, maxval=0.3)
    priors_cxcy = jnp.concatenate([pc, pwh], axis=-1)
    return {"odm_locs": odm_locs, "odm_scores": odm_scores, "attention_map": attention_map,
            "boxes": boxes, "labels": labels, "ignored_regions": ignored_regions,
            "priors_cxcy": priors_cxcy}


def forward(odm_locs, odm_scores, attention_map, boxes, labels, ignored_regions, priors_cxcy):
    B, n_priors, n_classes = odm_scores.shape
    priors_xy = cxcy_to_xy(priors_cxcy)
    true_locs = []; true_classes = []; ignored = []; decoded = []
    for i in range(B):
        ov = jaccard(boxes[i], priors_xy)
        ign_ov = jaccard(ignored_regions[i], priors_xy).max(axis=0)
        ofp = ov.max(axis=0)
        obj_fp = jnp.argmax(ov, axis=0)
        ofo = ov.max(axis=1)
        pfo = jnp.argmax(ov, axis=1)
        valid = ofo > 0
        rank = (jnp.cumsum(valid.astype(jnp.int32)) - 1).astype(obj_fp.dtype)
        ofp = ofp.at[pfo].set(jnp.where(valid, 1.0, ofp[pfo]))
        obj_fp = obj_fp.at[pfo].set(jnp.where(valid, rank, obj_fp[pfo]))
        lab = labels[i][obj_fp]
        lab = jnp.where(ofp < THRESHOLD, 0, lab)
        true_classes.append(lab)
        ignored.append(ign_ov >= THETA)
        true_locs.append(boxes[i][obj_fp])
        decoded.append(cxcy_to_xy(gcxgcy_to_cxcy(odm_locs[i], priors_cxcy)))
    true_locs = jnp.stack(true_locs)
    true_classes = jnp.stack(true_classes)
    ignored = jnp.stack(ignored)
    decoded = jnp.stack(decoded)
    pos = true_classes > 0
    posf = pos.astype(jnp.float32)
    n_pos = posf.sum(axis=1)
    total_pos = n_pos.sum()
    diou = diou_per_box(decoded.reshape(-1, 4), true_locs.reshape(-1, 4))
    loc_loss = jnp.sum(diou * posf.reshape(-1)) / total_pos
    conf_all = cross_entropy(odm_scores.reshape(-1, n_classes), true_classes.reshape(-1)).reshape(B, -1)
    conf_neg = jnp.where(pos | ignored, 0.0, conf_all)
    conf_neg_sorted = -jnp.sort(-conf_neg, axis=-1)
    n_hard = NEG_POS_RATIO * n_pos
    hard_mask = (jnp.arange(n_priors)[None, :].astype(jnp.float32) < n_hard[:, None]).astype(jnp.float32)
    conf_loss = (jnp.sum(conf_neg_sorted * hard_mask) + jnp.sum(conf_all * posf)) / total_pos
    odm_loss = conf_loss + ALPHA * loc_loss
    # faithful to original: gt_map construction has no assignment, so target stays all-zeros
    seg_loss = -jnp.sum(jnp.clip(jnp.log(1.0 - attention_map), -100.0, None))
    return odm_loss + seg_loss


def reference(odm_locs, odm_scores, attention_map, boxes, labels, ignored_regions, priors_cxcy):
    return forward(odm_locs, odm_scores, attention_map, boxes, labels, ignored_regions, priors_cxcy)

if __name__ == "__main__":
    import jax
    _d = setup_inputs()
    print(jax.jit(kernel)(*tuple(_d.values())))

</pallas_src>

<mosaic_0001>
#map = affine_map<(d0, d1) -> (0, 0)>
module attributes {stable_mosaic.version = 14 : i64} {
  func.func @_sc_topk_kernel(%arg0: i32, %arg1: i32, %arg2: memref<8x21504xf32, #tpu.memory_space<hbm>>, %arg3: memref<8x16xf32, #tpu.memory_space<hbm>>, %arg4: memref<8x16xf32, #tpu.memory_space<hbm>>, %arg5: memref<21504xf32, #tpu.memory_space<vmem>>, %arg6: memref<16xf32, #tpu.memory_space<vmem>>, %arg7: memref<16384xi32, #tpu.memory_space<vmem>>, %arg8: memref<16384xf32, #tpu.memory_space<vmem>>, %arg9: memref<16xf32, #tpu.memory_space<vmem>>, %arg10: memref<!tpu.dma_semaphore, #tpu.memory_space<semaphore_mem>>) attributes {dimension_semantics = [#tpu.dimension_semantics<core_parallel>, #tpu.dimension_semantics<subcore_parallel>], iteration_bounds = array<i64: 2, 16>, scalar_prefetch = 0 : i64, scratch_operands = 6 : i64, tpu.core_type = #tpu.core_type<sc_vector_subcore>, window_params = [{transform_indices = #map}, {transform_indices = #map}, {transform_indices = #map}]} {
    %mul3A = arith.constant 2 : i32
    %mul3A_0 = arith.muli %arg1, %mul3A : i32
    %add3A = arith.addi %mul3A_0, %arg0 : i32
    %lt3A = arith.constant 8 : i32
    %lt3A_1 = arith.cmpi slt, %add3A, %lt3A : i32
    %convert_element_type3A = arith.extui %lt3A_1 : i1 to i32
    %cond3A = arith.constant 0 : i32
    %cond3A_2 = arith.cmpi ne, %convert_element_type3A, %cond3A : i32
    scf.if %cond3A_2 {
      "tpu.region"() ({
        %run_scoped3A = tpu.sem_alloc : memref<!tpu.dma_semaphore, #tpu.memory_space<semaphore_mem>>
        %dma_start3A = arith.constant 0 : i32
        %dma_start3A_2402 = tpu.memref_slice %arg2[%add3A, %dma_start3A] : memref<8x21504xf32, #tpu.memory_space<hbm>> -> memref<1x21504xf32, #tpu.memory_space<hbm>>
        %dma_start3A_2403 = tpu.memref_squeeze %dma_start3A_2402 : memref<1x21504xf32, #tpu.memory_space<hbm>> -> memref<21504xf32, #tpu.memory_space<hbm>>
        %dma_start3A_2404 = arith.constant 0 : i32
        %dma_start3A_2405 = tpu.memref_slice %arg2[%add3A, %dma_start3A_2404] : memref<8x21504xf32, #tpu.memory_space<hbm>> -> memref<1x21504xf32, #tpu.memory_space<hbm>>
        %dma_start3A_2406 = tpu.memref_squeeze %dma_start3A_2405 : memref<1x21504xf32, #tpu.memory_space<hbm>> -> memref<21504xf32, #tpu.memory_space<hbm>>
        tpu.enqueue_dma source(%dma_start3A_2406 : memref<21504xf32, #tpu.memory_space<hbm>>) target(%arg5 : memref<21504xf32, #tpu.memory_space<vmem>>) target_semaphore(%run_scoped3A : memref<!tpu.dma_semaphore, #tpu.memory_space<semaphore_mem>>)
        %dma_wait3A = arith.constant 0 : i32
        %dma_wait3A_2407 = tpu.memref_slice %arg2[%add3A, %dma_wait3A] : memref<8x21504xf32, #tpu.memory_space<hbm>> -> memref<1x21504xf32, #tpu.memory_space<hbm>>
        %dma_wait3A_2408 = tpu.memref_squeeze %dma_wait3A_2407 : memref<1x21504xf32, #tpu.memory_space<hbm>> -> memref<21504xf32, #tpu.memory_space<hbm>>
        %dma_wait3A_2409 = arith.constant 0 : i32
        %dma_wait3A_2410 = tpu.memref_slice %arg2[%add3A, %dma_wait3A_2409] : memref<8x21504xf32, #tpu.memory_space<hbm>> -> memref<1x21504xf32, #tpu.memory_space<hbm>>
        %dma_wait3A_2411 = tpu.memref_squeeze %dma_wait3A_2410 : memref<1x21504xf32, #tpu.memory_space<hbm>> -> memref<21504xf32, #tpu.memory_space<hbm>>
        tpu.wait_dma2 semaphore(%run_scoped3A : memref<!tpu.dma_semaphore, #tpu.memory_space<semaphore_mem>>) src(%dma_wait3A_2411 : memref<21504xf32, #tpu.memory_space<hbm>>) dst(%arg5 : memref<21504xf32, #tpu.memory_space<vmem>>)
        tpu.yield
      }) : () -> ()
      "tpu.region"() ({
        %run_scoped3A = tpu.sem_alloc : memref<!tpu.dma_semaphore, #tpu.memory_space<semaphore_mem>>
        %dma_start3A = arith.constant 0 : i32
        %dma_start3A_2402 = tpu.memref_slice %arg3[%add3A, %dma_start3A] : memref<8x16xf32, #tpu.memory_space<hbm>> -> memref<1x16xf32, #tpu.memory_space<hbm>>
        %dma_start3A_2403 = tpu.memref_squeeze %dma_start3A_2402 : memref<1x16xf32, #tpu.memory_space<hbm>> -> memref<16xf32, #tpu.memory_space<hbm>>
        %dma_start3A_2404 = arith.constant 0 : i32
        %dma_start3A_2405 = tpu.memref_slice %arg3[%add3A, %dma_start3A_2404] : memref<8x16xf32, #tpu.memory_space<hbm>> -> memref<1x16xf32, #tpu.memory_space<hbm>>
        %dma_start3A_2406 = tpu.memref_squeeze %dma_start3A_2405 : memref<1x16xf32, #tpu.memory_space<hbm>> -> memref<16xf32, #tpu.memory_space<hbm>>
        tpu.enqueue_dma source(%dma_start3A_2406 : memref<16xf32, #tpu.memory_space<hbm>>) target(%arg6 : memref<16xf32, #tpu.memory_space<vmem>>) target_semaphore(%run_scoped3A : memref<!tpu.dma_semaphore, #tpu.memory_space<semaphore_mem>>)
        %dma_wait3A = arith.constant 0 : i32
        %dma_wait3A_2407 = tpu.memref_slice %arg3[%add3A, %dma_wait3A] : memref<8x16xf32, #tpu.memory_space<hbm>> -> memref<1x16xf32, #tpu.memory_space<hbm>>
        %dma_wait3A_2408 = tpu.memref_squeeze %dma_wait3A_2407 : memref<1x16xf32, #tpu.memory_space<hbm>> -> memref<16xf32, #tpu.memory_space<hbm>>
        %dma_wait3A_2409 = arith.constant 0 : i32
        %dma_wait3A_2410 = tpu.memref_slice %arg3[%add3A, %dma_wait3A_2409] : memref<8x16xf32, #tpu.memory_space<hbm>> -> memref<1x16xf32, #tpu.memory_space<hbm>>
        %dma_wait3A_2411 = tpu.memref_squeeze %dma_wait3A_2410 : memref<1x16xf32, #tpu.memory_space<hbm>> -> memref<16xf32, #tpu.memory_space<hbm>>
        tpu.wait_dma2 semaphore(%run_scoped3A : memref<!tpu.dma_semaphore, #tpu.memory_space<semaphore_mem>>) src(%dma_wait3A_2411 : memref<16xf32, #tpu.memory_space<hbm>>) dst(%arg6 : memref<16xf32, #tpu.memory_space<vmem>>)
        tpu.yield
      }) : () -> ()
      %iota3A = tpu.iota {dimensions = array<i32: 0>} : vector<16xi32>
      %broadcast_in_dim3A = arith.constant 1 : i32
      %broadcast_in_dim3A_3 = vector.broadcast %broadcast_in_dim3A : i32 to vector<16xi32>
      %broadcast_in_dim3A_4 = arith.constant 0 : i32
      %broadcast_in_dim3A_5 = vector.broadcast %broadcast_in_dim3A_4 : i32 to vector<16xi32>
      %broadcast_in_dim3A_6 = arith.constant 0.000000e+00 : f32
      %broadcast_in_dim3A_7 = vector.broadcast %broadcast_in_dim3A_6 : f32 to vector<16xf32>
      %mul3A_8 = arith.constant 256 : i32
      %mul3A_9 = vector.broadcast %mul3A_8 : i32 to vector<16xi32>
      %mul3A_10 = arith.muli %iota3A, %mul3A_9 : vector<16xi32>
      %eq3A = arith.constant 0 : i32
      %eq3A_11 = vector.broadcast %eq3A : i32 to vector<16xi32>
      %eq3A_12 = arith.cmpi eq, %iota3A, %eq3A_11 : vector<16xi32>
      %get3A = arith.constant 0 : index
      %get3A_13 = tpu.vector_load %arg6[%get3A] {strides = array<i32>} : memref<16xf32, #tpu.memory_space<vmem>>, vector<16xf32>,
      %jit3A = arith.constant 0.000000e+00 : f32
      %broadcast_in_dim3A_14 = vector.broadcast %jit3A : f32 to vector<16xf32>
      %select_n3A = arith.select %eq3A_12, %get3A_13, %broadcast_in_dim3A_14 : vector<16xi1>, vector<16xf32>
      %reduce_sum3A = arith.constant true
      %reduce_sum3A_15 = vector.broadcast %reduce_sum3A : i1 to vector<16xi1>
      %reduce_sum3A_16 = tpu.scan <sum>, %select_n3A masked %reduce_sum3A_15 : vector<16xf32>, vector<16xi1> -> vector<16xf32>
      %reduce_sum3A_17 = vector.extract %reduce_sum3A_16[15] : f32 from vector<16xf32>
      %convert_element_type3A_18 = arith.fptosi %reduce_sum3A_17 : f32 to i32
      %mul3A_19 = arith.constant 2 : i32
      %mul3A_20 = arith.muli %mul3A_19, %convert_element_type3A_18 : i32
      %min3A = arith.constant 21420 : i32
      %min3A_21 = arith.minsi %mul3A_20, %min3A : i32
      %parallel_loop3A = arith.constant 0 : i32
      %parallel_loop3A_22 = arith.constant 1024 : i32
      %parallel_loop3A_23 = arith.constant 1 : i32
      scf.for %parallel_loop3A_2402 = %parallel_loop3A to %parallel_loop3A_22 step %parallel_loop3A_23  : i32 {
        %parallel_loop3A_2403 = arith.constant 16 : i32
        %parallel_loop3A_2404 = arith.muli %parallel_loop3A_2402, %parallel_loop3A_2403 : i32
        %parallel_loop3A_2405 = arith.index_cast %parallel_loop3A_2404 : i32 to index
        %parallel_loop3A_2406 = tpu.vector_load %arg7[%parallel_loop3A_2405] {strides = array<i32>} : memref<16384xi32, #tpu.memory_space<vmem>>, vector<16xi32>,
        tpu.vector_store %arg7[%parallel_loop3A_2405], %broadcast_in_dim3A_5 {strides = array<i32>} : memref<16384xi32, #tpu.memory_space<vmem>>, vector<16xi32>,
        %parallel_loop3A_2407 = arith.constant 16 : i32
        %parallel_loop3A_2408 = arith.muli %parallel_loop3A_2402, %parallel_loop3A_2407 : i32
        %parallel_loop3A_2409 = arith.index_cast %parallel_loop3A_2408 : i32 to index
        %parallel_loop3A_2410 = tpu.vector_load %arg8[%parallel_loop3A_2409] {strides = array<i32>} : memref<16384xf32, #tpu.memory_space<vmem>>, vector<16xf32>,
        tpu.vector_store %arg8[%parallel_loop3A_2409], %broadcast_in_dim3A_7 {strides = array<i32>} : memref<16384xf32, #tpu.memory_space<vmem>>, vector<16xf32>,
      } {sc.loop_unroll_factor = 8 : i64, sc.parallel_access}
      %parallel_loop3A_24 = arith.constant 0 : i32
      %parallel_loop3A_25 = arith.constant 1344 : i32
      %parallel_loop3A_26 = arith.constant 1 : i32
      scf.for %parallel_loop3A_2402 = %parallel_loop3A_24 to %parallel_loop3A_25 step %parallel_loop3A_26  : i32 {
        %parallel_loop3A_2403 = arith.constant 16 : i32
        %parallel_loop3A_2404 = arith.muli %parallel_loop3A_2402, %parallel_loop3A_2403 : i32
        %parallel_loop3A_2405 = arith.index_cast %parallel_loop3A_2404 : i32 to index
        %parallel_loop3A_2406 = tpu.vector_load %arg5[%parallel_loop3A_2405] {strides = array<i32>} : memref<21504xf32, #tpu.memory_space<vmem>>, vector<16xf32>,
        %parallel_loop3A_2407 = vector.bitcast %parallel_loop3A_2406 : vector<16xf32> to vector<16xi32>
        %parallel_loop3A_2408 = arith.constant 3 : i32
        %parallel_loop3A_2409 = arith.andi %parallel_loop3A_2402, %parallel_loop3A_2408 : i32
        %parallel_loop3A_2410 = arith.constant 4096 : i32
        %parallel_loop3A_2411 = arith.muli %parallel_loop3A_2409, %parallel_loop3A_2410 : i32
        %parallel_loop3A_2412 = arith.constant 23 : i32
        %parallel_loop3A_2413 = vector.broadcast %parallel_loop3A_2412 : i32 to vector<16xi32>
        %parallel_loop3A_2414 = arith.shrui %parallel_loop3A_2407, %parallel_loop3A_2413 : vector<16xi32>
        %parallel_loop3A_2415 = arith.addi %parallel_loop3A_2414, %mul3A_10 : vector<16xi32>
        %parallel_loop3A_2416 = vector.broadcast %parallel_loop3A_2411 : i32 to vector<16xi32>
        %parallel_loop3A_2417 = arith.addi %parallel_loop3A_2415, %parallel_loop3A_2416 : vector<16xi32>
        tpu.vector_store_idx %arg7[%parallel_loop3A_2417], %broadcast_in_dim3A_3 {add = true} : memref<16384xi32, #tpu.memory_space<vmem>>[vector<16xi32>], vector<16xi32>,
        tpu.vector_store_idx %arg8[%parallel_loop3A_2417], %parallel_loop3A_2406 {add = true} : memref<16384xf32, #tpu.memory_space<vmem>>[vector<16xi32>], vector<16xf32>,
      } {sc.loop_unroll_factor = 4 : i64, sc.parallel_access}
      %scan3A = arith.constant 0 : i32
      %scan3A_27 = arith.constant 64 : i32
      %scan3A_28 = arith.addi %scan3A, %scan3A_27 : i32
      %scan3A_29 = arith.constant 1 : i32
      %scan3A_30:2 = scf.for %scan3A_2402 = %scan3A to %scan3A_28 step %scan3A_29 iter_args(%scan3A_2403 = %broadcast_in_dim3A_5, %scan3A_2404 = %broadcast_in_dim3A_7) -> (vector<16xi32>, vector<16xf32>)  : i32 {
        %mul3A_2405 = arith.constant 256 : i32
        %mul3A_2406 = arith.muli %scan3A_2402, %mul3A_2405 : i32
        %add3A_2407 = arith.constant 0 : i32
        %add3A_2408 = arith.addi %mul3A_2406, %add3A_2407 : i32
        %get3A_2409 = arith.index_cast %add3A_2408 : i32 to index
        %get3A_2410 = tpu.vector_load %arg7[%get3A_2409] {strides = array<i32>} : memref<16384xi32, #tpu.memory_space<vmem>>, vector<16xi32>,
        %add3A_2411 = arith.addi %scan3A_2403, %get3A_2410 : vector<16xi32>
        %get3A_2412 = arith.index_cast %add3A_2408 : i32 to index
        %get3A_2413 = tpu.vector_load %arg8[%get3A_2412] {strides = array<i32>} : memref<16384xf32, #tpu.memory_space<vmem>>, vector<16xf32>,
        %add3A_2414 = arith.addf %scan3A_2404, %get3A_2413 : vector<16xf32>
        scf.yield %add3A_2411, %add3A_2414 : vector<16xi32>, vector<16xf32>
      }
      %scan3A_31 = arith.constant 64 : i32
      %scan3A_32 = arith.constant 0 : i32
      %scan3A_33 = arith.constant 64 : i32
      %scan3A_34 = arith.addi %scan3A_32, %scan3A_33 : i32
      %scan3A_35 = arith.constant 1 : i32
      %scan3A_36:2 = scf.for %scan3A_2402 = %scan3A_32 to %scan3A_34 step %scan3A_35 iter_args(%scan3A_2403 = %broadcast_in_dim3A_5, %scan3A_2404 = %broadcast_in_dim3A_7) -> (vector<16xi32>, vector<16xf32>)  : i32 {
        %mul3A_2405 = arith.constant 256 : i32
        %mul3A_2406 = arith.muli %scan3A_2402, %mul3A_2405 : i32
        %add3A_2407 = arith.constant 16 : i32
        %add3A_2408 = arith.addi %mul3A_2406, %add3A_2407 : i32
        %get3A_2409 = arith.index_cast %add3A_2408 : i32 to index
        %get3A_2410 = tpu.vector_load %arg7[%get3A_2409] {strides = array<i32>} : memref<16384xi32, #tpu.memory_space<vmem>>, vector<16xi32>,
        %add3A_2411 = arith.addi %scan3A_2403, %get3A_2410 : vector<16xi32>
        %get3A_2412 = arith.index_cast %add3A_2408 : i32 to index
        %get3A_2413 = tpu.vector_load %arg8[%get3A_2412] {strides = array<i32>} : memref<16384xf32, #tpu.memory_space<vmem>>, vector<16xf32>,
        %add3A_2414 = arith.addf %scan3A_2404, %get3A_2413 : vector<16xf32>
        scf.yield %add3A_2411, %add3A_2414 : vector<16xi32>, vector<16xf32>
      }
      %scan3A_37 = arith.constant 64 : i32
      %scan3A_38 = arith.constant 0 : i32
      %scan3A_39 = arith.constant 64 : i32
      %scan3A_40 = arith.addi %scan3A_38, %scan3A_39 : i32
      %scan3A_41 = arith.constant 1 : i32
      %scan3A_42:2 = scf.for %scan3A_2402 = %scan3A_38 to %scan3A_40 step %scan3A_41 iter_args(%scan3A_2403 = %broadcast_in_dim3A_5, %scan3A_2404 = %broadcast_in_dim3A_7) -> (vector<16xi32>, vector<16xf32>)  : i32 {
        %mul3A_2405 = arith.constant 256 : i32
        %mul3A_2406 = arith.muli %scan3A_2402, %mul3A_2405 : i32
        %add3A_2407 = arith.constant 32 : i32
        %add3A_2408 = arith.addi %mul3A_2406, %add3A_2407 : i32
        %get3A_2409 = arith.index_cast %add3A_2408 : i32 to index
        %get3A_2410 = tpu.vector_load %arg7[%get3A_2409] {strides = array<i32>} : memref<16384xi32, #tpu.memory_space<vmem>>, vector<16xi32>,
        %add3A_2411 = arith.addi %scan3A_2403, %get3A_2410 : vector<16xi32>
        %get3A_2412 = arith.index_cast %add3A_2408 : i32 to index
        %get3A_2413 = tpu.vector_load %arg8[%get3A_2412] {strides = array<i32>} : memref<16384xf32, #tpu.memory_space<vmem>>, vector<16xf32>,
        %add3A_2414 = arith.addf %scan3A_2404, %get3A_2413 : vector<16xf32>
        scf.yield %add3A_2411, %add3A_2414 : vector<16xi32>, vector<16xf32>
      }
      %scan3A_43 = arith.constant 64 : i32
      %scan3A_44 = arith.constant 0 : i32
      %scan3A_45 = arith.constant 64 : i32
      %scan3A_46 = arith.addi %scan3A_44, %scan3A_45 : i32
      %scan3A_47 = arith.constant 1 : i32
      %scan3A_48:2 = scf.for %scan3A_2402 = %scan3A_44 to %scan3A_46 step %scan3A_47 iter_args(%scan3A_2403 = %broadcast_in_dim3A_5, %scan3A_2404 = %broadcast_in_dim3A_7) -> (vector<16xi32>, vector<16xf32>)  : i32 {
        %mul3A_2405 = arith.constant 256 : i32
        %mul3A_2406 = arith.muli %scan3A_2402, %mul3A_2405 : i32
        %add3A_2407 = arith.constant 48 : i32
        %add3A_2408 = arith.addi %mul3A_2406, %add3A_2407 : i32
        %get3A_2409 = arith.index_cast %add3A_2408 : i32 to index
        %get3A_2410 = tpu.vector_load %arg7[%get3A_2409] {strides = array<i32>} : memref<16384xi32, #tpu.memory_space<vmem>>, vector<16xi32>,
        %add3A_2411 = arith.addi %scan3A_2403, %get3A_2410 : vector<16xi32>
        %get3A_2412 = arith.index_cast %add3A_2408 : i32 to index
        %get3A_2413 = tpu.vector_load %arg8[%get3A_2412] {strides = array<i32>} : memref<16384xf32, #tpu.memory_space<vmem>>, vector<16xf32>,
        %add3A_2414 = arith.addf %scan3A_2404, %get3A_2413 : vector<16xf32>
        scf.yield %add3A_2411, %add3A_2414 : vector<16xi32>, vector<16xf32>
      }
      %scan3A_49 = arith.constant 64 : i32
      %scan3A_50 = arith.constant 0 : i32
      %scan3A_51 = arith.constant 64 : i32
      %scan3A_52 = arith.addi %scan3A_50, %scan3A_51 : i32
      %scan3A_53 = arith.constant 1 : i32
      %scan3A_54:2 = scf.for %scan3A_2402 = %scan3A_50 to %scan3A_52 step %scan3A_53 iter_args(%scan3A_2403 = %broadcast_in_dim3A_5, %scan3A_2404 = %broadcast_in_dim3A_7) -> (vector<16xi32>, vector<16xf32>)  : i32 {
        %mul3A_2405 = arith.constant 256 : i32
        %mul3A_2406 = arith.muli %scan3A_2402, %mul3A_2405 : i32
        %add3A_2407 = arith.constant 64 : i32
        %add3A_2408 = arith.addi %mul3A_2406, %add3A_2407 : i32
        %get3A_2409 = arith.index_cast %add3A_2408 : i32 to index
        %get3A_2410 = tpu.vector_load %arg7[%get3A_2409] {strides = array<i32>} : memref<16384xi32, #tpu.memory_space<vmem>>, vector<16xi32>,
        %add3A_2411 = arith.addi %scan3A_2403, %get3A_2410 : vector<16xi32>
        %get3A_2412 = arith.index_cast %add3A_2408 : i32 to index
        %get3A_2413 = tpu.vector_load %arg8[%get3A_2412] {strides = array<i32>} : memref<16384xf32, #tpu.memory_space<vmem>>, vector<16xf32>,
        %add3A_2414 = arith.addf %scan3A_2404, %get3A_2413 : vector<16xf32>
        scf.yield %add3A_2411, %add3A_2414 : vector<16xi32>, vector<16xf32>
      }
      %scan3A_55 = arith.constant 64 : i32
      %scan3A_56 = arith.constant 0 : i32
      %scan3A_57 = arith.constant 64 : i32
      %scan3A_58 = arith.addi %scan3A_56, %scan3A_57 : i32
      %scan3A_59 = arith.constant 1 : i32
      %scan3A_60:2 = scf.for %scan3A_2402 = %scan3A_56 to %scan3A_58 step %scan3A_59 iter_args(%scan3A_2403 = %broadcast_in_dim3A_5, %scan3A_2404 = %broadcast_in_dim3A_7) -> (vector<16xi32>, vector<16xf32>)  : i32 {
        %mul3A_2405 = arith.constant 256 : i32
        %mul3A_2406 = arith.muli %scan3A_2402, %mul3A_2405 : i32
        %add3A_2407 = arith.constant 80 : i32
        %add3A_2408 = arith.addi %mul3A_2406, %add3A_2407 : i32
        %get3A_2409 = arith.index_cast %add3A_2408 : i32 to index
        %get3A_2410 = tpu.vector_load %arg7[%get3A_2409] {strides = array<i32>} : memref<16384xi32, #tpu.memory_space<vmem>>, vector<16xi32>,
        %add3A_2411 = arith.addi %scan3A_2403, %get3A_2410 : vector<16xi32>
        %get3A_2412 = arith.index_cast %add3A_2408 : i32 to index
        %get3A_2413 = tpu.vector_load %arg8[%get3A_2412] {strides = array<i32>} : memref<16384xf32, #tpu.memory_space<vmem>>, vector<16xf32>,
        %add3A_2414 = arith.addf %scan3A_2404, %get3A_2413 : vector<16xf32>
        scf.yield %add3A_2411, %add3A_2414 : vector<16xi32>, vector<16xf32>
      }
      %scan3A_61 = arith.constant 64 : i32
      %scan3A_62 = arith.constant 0 : i32
      %scan3A_63 = arith.constant 64 : i32
      %scan3A_64 = arith.addi %scan3A_62, %scan3A_63 : i32
      %scan3A_65 = arith.constant 1 : i32
      %scan3A_66:2 = scf.for %scan3A_2402 = %scan3A_62 to %scan3A_64 step %scan3A_65 iter_args(%scan3A_2403 = %broadcast_in_dim3A_5, %scan3A_2404 = %broadcast_in_dim3A_7) -> (vector<16xi32>, vector<16xf32>)  : i32 {
        %mul3A_2405 = arith.constant 256 : i32
        %mul3A_2406 = arith.muli %scan3A_2402, %mul3A_2405 : i32
        %add3A_2407 = arith.constant 96 : i32
        %add3A_2408 = arith.addi %mul3A_2406, %add3A_2407 : i32
        %get3A_2409 = arith.index_cast %add3A_2408 : i32 to index
        %get3A_2410 = tpu.vector_load %arg7[%get3A_2409] {strides = array<i32>} : memref<16384xi32, #tpu.memory_space<vmem>>, vector<16xi32>,
        %add3A_2411 = arith.addi %scan3A_2403, %get3A_2410 : vector<16xi32>
        %get3A_2412 = arith.index_cast %add3A_2408 : i32 to index
        %get3A_2413 = tpu.vector_load %arg8[%get3A_2412] {strides = array<i32>} : memref<16384xf32, #tpu.memory_space<vmem>>, vector<16xf32>,
        %add3A_2414 = arith.addf %scan3A_2404, %get3A_2413 : vector<16xf32>
        scf.yield %add3A_2411, %add3A_2414 : vector<16xi32>, vector<16xf32>
      }
      %scan3A_67 = arith.constant 64 : i32
      %scan3A_68 = arith.constant 0 : i32
      %scan3A_69 = arith.constant 64 : i32
      %scan3A_70 = arith.addi %scan3A_68, %scan3A_69 : i32
      %scan3A_71 = arith.constant 1 : i32
      %scan3A_72:2 = scf.for %scan3A_2402 = %scan3A_68 to %scan3A_70 step %scan3A_71 iter_args(%scan3A_2403 = %broadcast_in_dim3A_5, %scan3A_2404 = %broadcast_in_dim3A_7) -> (vector<16xi32>, vector<16xf32>)  : i32 {
        %mul3A_2405 = arith.constant 256 : i32
        %mul3A_2406 = arith.muli %scan3A_2402, %mul3A_2405 : i32
        %add3A_2407 = arith.constant 112 : i32
        %add3A_2408 = arith.addi %mul3A_2406, %add3A_2407 : i32
        %get3A_2409 = arith.index_cast %add3A_2408 : i32 to index
        %get3A_2410 = tpu.vector_load %arg7[%get3A_2409] {strides = array<i32>} : memref<16384xi32, #tpu.memory_space<vmem>>, vector<16xi32>,
        %add3A_2411 = arith.addi %scan3A_2403, %get3A_2410 : vector<16xi32>
        %get3A_2412 = arith.index_cast %add3A_2408 : i32 to index
        %get3A_2413 = tpu.vector_load %arg8[%get3A_2412] {strides = array<i32>} : memref<16384xf32, #tpu.memory_space<vmem>>, vector<16xf32>,
        %add3A_2414 = arith.addf %scan3A_2404, %get3A_2413 : vector<16xf32>
        scf.yield %add3A_2411, %add3A_2414 : vector<16xi32>, vector<16xf32>
      }
      %scan3A_73 = arith.constant 64 : i32
      %scan3A_74 = arith.constant 0 : i32
      %scan3A_75 = arith.constant 64 : i32
      %scan3A_76 = arith.addi %scan3A_74, %scan3A_75 : i32
      %scan3A_77 = arith.constant 1 : i32
      %scan3A_78:2 = scf.for %scan3A_2402 = %scan3A_74 to %scan3A_76 step %scan3A_77 iter_args(%scan3A_2403 = %broadcast_in_dim3A_5, %scan3A_2404 = %broadcast_in_dim3A_7) -> (vector<16xi32>, vector<16xf32>)  : i32 {
        %mul3A_2405 = arith.constant 256 : i32
        %mul3A_2406 = arith.muli %scan3A_2402, %mul3A_2405 : i32
        %add3A_2407 = arith.constant 128 : i32
        %add3A_2408 = arith.addi %mul3A_2406, %add3A_2407 : i32
        %get3A_2409 = arith.index_cast %add3A_2408 : i32 to index
        %get3A_2410 = tpu.vector_load %arg7[%get3A_2409] {strides = array<i32>} : memref<16384xi32, #tpu.memory_space<vmem>>, vector<16xi32>,
        %add3A_2411 = arith.addi %scan3A_2403, %get3A_2410 : vector<16xi32>
        %get3A_2412 = arith.index_cast %add3A_2408 : i32 to index
        %get3A_2413 = tpu.vector_load %arg8[%get3A_2412] {strides = array<i32>} : memref<16384xf32, #tpu.memory_space<vmem>>, vector<16xf32>,
        %add3A_2414 = arith.addf %scan3A_2404, %get3A_2413 : vector<16xf32>
        scf.yield %add3A_2411, %add3A_2414 : vector<16xi32>, vector<16xf32>
      }
      %scan3A_79 = arith.constant 64 : i32
      %scan3A_80 = arith.constant 0 : i32
      %scan3A_81 = arith.constant 64 : i32
      %scan3A_82 = arith.addi %scan3A_80, %scan3A_81 : i32
      %scan3A_83 = arith.constant 1 : i32
      %scan3A_84:2 = scf.for %scan3A_2402 = %scan3A_80 to %scan3A_82 step %scan3A_83 iter_args(%scan3A_2403 = %broadcast_in_dim3A_5, %scan3A_2404 = %broadcast_in_dim3A_7) -> (vector<16xi32>, vector<16xf32>)  : i32 {
        %mul3A_2405 = arith.constant 256 : i32
        %mul3A_2406 = arith.muli %scan3A_2402, %mul3A_2405 : i32
        %add3A_2407 = arith.constant 144 : i32
        %add3A_2408 = arith.addi %mul3A_2406, %add3A_2407 : i32
        %get3A_2409 = arith.index_cast %add3A_2408 : i32 to index
        %get3A_2410 = tpu.vector_load %arg7[%get3A_2409] {strides = array<i32>} : memref<16384xi32, #tpu.memory_space<vmem>>, vector<16xi32>,
        %add3A_2411 = arith.addi %scan3A_2403, %get3A_2410 : vector<16xi32>
        %get3A_2412 = arith.index_cast %add3A_2408 : i32 to index
        %get3A_2413 = tpu.vector_load %arg8[%get3A_2412] {strides = array<i32>} : memref<16384xf32, #tpu.memory_space<vmem>>, vector<16xf32>,
        %add3A_2414 = arith.addf %scan3A_2404, %get3A_2413 : vector<16xf32>
        scf.yield %add3A_2411, %add3A_2414 : vector<16xi32>, vector<16xf32>
      }
      %scan3A_85 = arith.constant 64 : i32
      %scan3A_86 = arith.constant 0 : i32
      %scan3A_87 = arith.constant 64 : i32
      %scan3A_88 = arith.addi %scan3A_86, %scan3A_87 : i32
      %scan3A_89 = arith.constant 1 : i32
      %scan3A_90:2 = scf.for %scan3A_2402 = %scan3A_86 to %scan3A_88 step %scan3A_89 iter_args(%scan3A_2403 = %broadcast_in_dim3A_5, %scan3A_2404 = %broadcast_in_dim3A_7) -> (vector<16xi32>, vector<16xf32>)  : i32 {
        %mul3A_2405 = arith.constant 256 : i32
        %mul3A_2406 = arith.muli %scan3A_2402, %mul3A_2405 : i32
        %add3A_2407 = arith.constant 160 : i32
        %add3A_2408 = arith.addi %mul3A_2406, %add3A_2407 : i32
        %get3A_2409 = arith.index_cast %add3A_2408 : i32 to index
        %get3A_2410 = tpu.vector_load %arg7[%get3A_2409] {strides = array<i32>} : memref<16384xi32, #tpu.memory_space<vmem>>, vector<16xi32>,
        %add3A_2411 = arith.addi %scan3A_2403, %get3A_2410 : vector<16xi32>
        %get3A_2412 = arith.index_cast %add3A_2408 : i32 to index
        %get3A_2413 = tpu.vector_load %arg8[%get3A_2412] {strides = array<i32>} : memref<16384xf32, #tpu.memory_space<vmem>>, vector<16xf32>,
        %add3A_2414 = arith.addf %scan3A_2404, %get3A_2413 : vector<16xf32>
        scf.yield %add3A_2411, %add3A_2414 : vector<16xi32>, vector<16xf32>
      }
      %scan3A_91 = arith.constant 64 : i32
      %scan3A_92 = arith.constant 0 : i32
      %scan3A_93 = arith.constant 64 : i32
      %scan3A_94 = arith.addi %scan3A_92, %scan3A_93 : i32
      %scan3A_95 = arith.constant 1 : i32
      %scan3A_96:2 = scf.for %scan3A_2402 = %scan3A_92 to %scan3A_94 step %scan3A_95 iter_args(%scan3A_2403 = %broadcast_in_dim3A_5, %scan3A_2404 = %broadcast_in_dim3A_7) -> (vector<16xi32>, vector<16xf32>)  : i32 {
        %mul3A_2405 = arith.constant 256 : i32
        %mul3A_2406 = arith.muli %scan3A_2402, %mul3A_2405 : i32
        %add3A_2407 = arith.constant 176 : i32
        %add3A_2408 = arith.addi %mul3A_2406, %add3A_2407 : i32
        %get3A_2409 = arith.index_cast %add3A_2408 : i32 to index
        %get3A_2410 = tpu.vector_load %arg7[%get3A_2409] {strides = array<i32>} : memref<16384xi32, #tpu.memory_space<vmem>>, vector<16xi32>,
        %add3A_2411 = arith.addi %scan3A_2403, %get3A_2410 : vector<16xi32>
        %get3A_2412 = arith.index_cast %add3A_2408 : i32 to index
        %get3A_2413 = tpu.vector_load %arg8[%get3A_2412] {strides = array<i32>} : memref<16384xf32, #tpu.memory_space<vmem>>, vector<16xf32>,
        %add3A_2414 = arith.addf %scan3A_2404, %get3A_2413 : vector<16xf32>
        scf.yield %add3A_2411, %add3A_2414 : vector<16xi32>, vector<16xf32>
      }
      %scan3A_97 = arith.constant 64 : i32
      %scan3A_98 = arith.constant 0 : i32
      %scan3A_99 = arith.constant 64 : i32
      %scan3A_100 = arith.addi %scan3A_98, %scan3A_99 : i32
      %scan3A_101 = arith.constant 1 : i32
      %scan3A_102:2 = scf.for %scan3A_2402 = %scan3A_98 to %scan3A_100 step %scan3A_101 iter_args(%scan3A_2403 = %broadcast_in_dim3A_5, %scan3A_2404 = %broadcast_in_dim3A_7) -> (vector<16xi32>, vector<16xf32>)  : i32 {
        %mul3A_2405 = arith.constant 256 : i32
        %mul3A_2406 = arith.muli %scan3A_2402, %mul3A_2405 : i32
        %add3A_2407 = arith.constant 192 : i32
        %add3A_2408 = arith.addi %mul3A_2406, %add3A_2407 : i32
        %get3A_2409 = arith.index_cast %add3A_2408 : i32 to index
        %get3A_2410 = tpu.vector_load %arg7[%get3A_2409] {strides = array<i32>} : memref<16384xi32, #tpu.memory_space<vmem>>, vector<16xi32>,
        %add3A_2411 = arith.addi %scan3A_2403, %get3A_2410 : vector<16xi32>
        %get3A_2412 = arith.index_cast %add3A_2408 : i32 to index
        %get3A_2413 = tpu.vector_load %arg8[%get3A_2412] {strides = array<i32>} : memref<16384xf32, #tpu.memory_space<vmem>>, vector<16xf32>,
        %add3A_2414 = arith.addf %scan3A_2404, %get3A_2413 : vector<16xf32>
        scf.yield %add3A_2411, %add3A_2414 : vector<16xi32>, vector<16xf32>
      }
      %scan3A_103 = arith.constant 64 : i32
      %scan3A_104 = arith.constant 0 : i32
      %scan3A_105 = arith.constant 64 : i32
      %scan3A_106 = arith.addi %scan3A_104, %scan3A_105 : i32
      %scan3A_107 = arith.constant 1 : i32
      %scan3A_108:2 = scf.for %scan3A_2402 = %scan3A_104 to %scan3A_106 step %scan3A_107 iter_args(%scan3A_2403 = %broadcast_in_dim3A_5, %scan3A_2404 = %broadcast_in_dim3A_7) -> (vector<16xi32>, vector<16xf32>)  : i32 {
        %mul3A_2405 = arith.constant 256 : i32
        %mul3A_2406 = arith.muli %scan3A_2402, %mul3A_2405 : i32
        %add3A_2407 = arith.constant 208 : i32
        %add3A_2408 = arith.addi %mul3A_2406, %add3A_2407 : i32
        %get3A_2409 = arith.index_cast %add3A_2408 : i32 to index
        %get3A_2410 = tpu.vector_load %arg7[%get3A_2409] {strides = array<i32>} : memref<16384xi32, #tpu.memory_space<vmem>>, vector<16xi32>,
        %add3A_2411 = arith.addi %scan3A_2403, %get3A_2410 : vector<16xi32>
        %get3A_2412 = arith.index_cast %add3A_2408 : i32 to index
        %get3A_2413 = tpu.vector_load %arg8[%get3A_2412] {strides = array<i32>} : memref<16384xf32, #tpu.memory_space<vmem>>, vector<16xf32>,
        %add3A_2414 = arith.addf %scan3A_2404, %get3A_2413 : vector<16xf32>
        scf.yield %add3A_2411, %add3A_2414 : vector<16xi32>, vector<16xf32>
      }
      %scan3A_109 = arith.constant 64 : i32
      %scan3A_110 = arith.constant 0 : i32
      %scan3A_111 = arith.constant 64 : i32
      %scan3A_112 = arith.addi %scan3A_110, %scan3A_111 : i32
      %scan3A_113 = arith.constant 1 : i32
      %scan3A_114:2 = scf.for %scan3A_2402 = %scan3A_110 to %scan3A_112 step %scan3A_113 iter_args(%scan3A_2403 = %broadcast_in_dim3A_5, %scan3A_2404 = %broadcast_in_dim3A_7) -> (vector<16xi32>, vector<16xf32>)  : i32 {
        %mul3A_2405 = arith.constant 256 : i32
        %mul3A_2406 = arith.muli %scan3A_2402, %mul3A_2405 : i32
        %add3A_2407 = arith.constant 224 : i32
        %add3A_2408 = arith.addi %mul3A_2406, %add3A_2407 : i32
        %get3A_2409 = arith.index_cast %add3A_2408 : i32 to index
        %get3A_2410 = tpu.vector_load %arg7[%get3A_2409] {strides = array<i32>} : memref<16384xi32, #tpu.memory_space<vmem>>, vector<16xi32>,
        %add3A_2411 = arith.addi %scan3A_2403, %get3A_2410 : vector<16xi32>
        %get3A_2412 = arith.index_cast %add3A_2408 : i32 to index
        %get3A_2413 = tpu.vector_load %arg8[%get3A_2412] {strides = array<i32>} : memref<16384xf32, #tpu.memory_space<vmem>>, vector<16xf32>,
        %add3A_2414 = arith.addf %scan3A_2404, %get3A_2413 : vector<16xf32>
        scf.yield %add3A_2411, %add3A_2414 : vector<16xi32>, vector<16xf32>
      }
      %scan3A_115 = arith.constant 64 : i32
      %scan3A_116 = arith.constant 0 : i32
      %scan3A_117 = arith.constant 64 : i32
      %scan3A_118 = arith.addi %scan3A_116, %scan3A_117 : i32
      %scan3A_119 = arith.constant 1 : i32
      %scan3A_120:2 = scf.for %scan3A_2402 = %scan3A_116 to %scan3A_118 step %scan3A_119 iter_args(%scan3A_2403 = %broadcast_in_dim3A_5, %scan3A_2404 = %broadcast_in_dim3A_7) -> (vector<16xi32>, vector<16xf32>)  : i32 {
        %mul3A_2405 = arith.constant 256 : i32
        %mul3A_2406 = arith.muli %scan3A_2402, %mul3A_2405 : i32
        %add3A_2407 = arith.constant 240 : i32
        %add3A_2408 = arith.addi %mul3A_2406, %add3A_2407 : i32
        %get3A_2409 = arith.index_cast %add3A_2408 : i32 to index
        %get3A_2410 = tpu.vector_load %arg7[%get3A_2409] {strides = array<i32>} : memref<16384xi32, #tpu.memory_space<vmem>>, vector<16xi32>,
        %add3A_2411 = arith.addi %scan3A_2403, %get3A_2410 : vector<16xi32>
        %get3A_2412 = arith.index_cast %add3A_2408 : i32 to index
        %get3A_2413 = tpu.vector_load %arg8[%get3A_2412] {strides = array<i32>} : memref<16384xf32, #tpu.memory_space<vmem>>, vector<16xf32>,
        %add3A_2414 = arith.addf %scan3A_2404, %get3A_2413 : vector<16xf32>
        scf.yield %add3A_2411, %add3A_2414 : vector<16xi32>, vector<16xf32>
      }
      %scan3A_121 = arith.constant 64 : i32
      %rev3A = arith.constant 15 : i32
      %rev3A_122 = vector.broadcast %rev3A : i32 to vector<16xi32>
      %rev3A_123 = tpu.iota {dimensions = array<i32: 0>} : vector<16xi32>
      %rev3A_124 = arith.subi %rev3A_122, %rev3A_123 : vector<16xi32>
      %rev3A_125 = tpu.dynamic_gather %scan3A_120#0[%rev3A_124] in [0] : vector<16xi32>, vector<16xi32> -> vector<16xi32>
      %cumsum3A = arith.constant true
      %cumsum3A_126 = vector.broadcast %cumsum3A : i1 to vector<16xi1>
      %cumsum3A_127 = tpu.scan <sum>, %rev3A_125 masked %cumsum3A_126 : vector<16xi32>, vector<16xi1> -> vector<16xi32>
      %rev3A_128 = arith.constant 15 : i32
      %rev3A_129 = vector.broadcast %rev3A_128 : i32 to vector<16xi32>
      %rev3A_130 = tpu.iota {dimensions = array<i32: 0>} : vector<16xi32>
      %rev3A_131 = arith.subi %rev3A_129, %rev3A_130 : vector<16xi32>
      %rev3A_132 = tpu.dynamic_gather %cumsum3A_127[%rev3A_131] in [0] : vector<16xi32>, vector<16xi32> -> vector<16xi32>
      %add3A_133 = arith.constant 0 : i32
      %add3A_134 = vector.broadcast %add3A_133 : i32 to vector<16xi32>
      %add3A_135 = arith.addi %rev3A_132, %add3A_134 : vector<16xi32>
      %reduce_sum3A_136 = arith.constant true
      %reduce_sum3A_137 = vector.broadcast %reduce_sum3A_136 : i1 to vector<16xi1>
      %reduce_sum3A_138 = tpu.scan <sum>, %scan3A_120#0 masked %reduce_sum3A_137 : vector<16xi32>, vector<16xi1> -> vector<16xi32>
      %reduce_sum3A_139 = vector.extract %reduce_sum3A_138[15] : i32 from vector<16xi32>
      %add3A_140 = arith.constant 0 : i32
      %add3A_141 = arith.addi %add3A_140, %reduce_sum3A_139 : i32
      %rev3A_142 = arith.constant 15 : i32
      %rev3A_143 = vector.broadcast %rev3A_142 : i32 to vector<16xi32>
      %rev3A_144 = tpu.iota {dimensions = array<i32: 0>} : vector<16xi32>
      %rev3A_145 = arith.subi %rev3A_143, %rev3A_144 : vector<16xi32>
      %rev3A_146 = tpu.dynamic_gather %scan3A_114#0[%rev3A_145] in [0] : vector<16xi32>, vector<16xi32> -> vector<16xi32>
      %cumsum3A_147 = arith.constant true
      %cumsum3A_148 = vector.broadcast %cumsum3A_147 : i1 to vector<16xi1>
      %cumsum3A_149 = tpu.scan <sum>, %rev3A_146 masked %cumsum3A_148 : vector<16xi32>, vector<16xi1> -> vector<16xi32>
      %rev3A_150 = arith.constant 15 : i32
      %rev3A_151 = vector.broadcast %rev3A_150 : i32 to vector<16xi32>
      %rev3A_152 = tpu.iota {dimensions = array<i32: 0>} : vector<16xi32>
      %rev3A_153 = arith.subi %rev3A_151, %rev3A_152 : vector<16xi32>
      %rev3A_154 = tpu.dynamic_gather %cumsum3A_149[%rev3A_153] in [0] : vector<16xi32>, vector<16xi32> -> vector<16xi32>
      %add3A_155 = vector.broadcast %add3A_141 : i32 to vector<16xi32>
      %add3A_156 = arith.addi %rev3A_154, %add3A_155 : vector<16xi32>
      %reduce_sum3A_157 = arith.constant true
      %reduce_sum3A_158 = vector.broadcast %reduce_sum3A_157 : i1 to vector<16xi1>
      %reduce_sum3A_159 = tpu.scan <sum>, %scan3A_114#0 masked %reduce_sum3A_158 : vector<16xi32>, vector<16xi1> -> vector<16xi32>
      %reduce_sum3A_160 = vector.extract %reduce_sum3A_159[15] : i32 from vector<16xi32>
      %add3A_161 = arith.addi %add3A_141, %reduce_sum3A_160 : i32
      %rev3A_162 = arith.constant 15 : i32
      %rev3A_163 = vector.broadcast %rev3A_162 : i32 to vector<16xi32>
      %rev3A_164 = tpu.iota {dimensions = array<i32: 0>} : vector<16xi32>
      %rev3A_165 = arith.subi %rev3A_163, %rev3A_164 : vector<16xi32>
      %rev3A_166 = tpu.dynamic_gather %scan3A_108#0[%rev3A_165] in [0] : vector<16xi32>, vector<16xi32> -> vector<16xi32>
      %cumsum3A_167 = arith.constant true
      %cumsum3A_168 = vector.broadcast %cumsum3A_167 : i1 to vector<16xi1>
      %cumsum3A_169 = tpu.scan <sum>, %rev3A_166 masked %cumsum3A_168 : vector<16xi32>, vector<16xi1> -> vector<16xi32>
      %rev3A_170 = arith.constant 15 : i32
      %rev3A_171 = vector.broadcast %rev3A_170 : i32 to vector<16xi32>
      %rev3A_172 = tpu.iota {dimensions = array<i32: 0>} : vector<16xi32>
      %rev3A_173 = arith.subi %rev3A_171, %rev3A_172 : vector<16xi32>
      %rev3A_174 = tpu.dynamic_gather %cumsum3A_169[%rev3A_173] in [0] : vector<16xi32>, vector<16xi32> -> vector<16xi32>
      %add3A_175 = vector.broadcast %add3A_161 : i32 to vector<16xi32>
      %add3A_176 = arith.addi %rev3A_174, %add3A_175 : vector<16xi32>
      %reduce_sum3A_177 = arith.constant true
      %reduce_sum3A_178 = vector.broadcast %reduce_sum3A_177 : i1 to vector<16xi1>
      %reduce_sum3A_179 = tpu.scan <sum>, %scan3A_108#0 masked %reduce_sum3A_178 : vector<16xi32>, vector<16xi1> -> vector<16xi32>
      %reduce_sum3A_180 = vector.extract %reduce_sum3A_179[15] : i32 from vector<16xi32>
      %add3A_181 = arith.addi %add3A_161, %reduce_sum3A_180 : i32
      %rev3A_182 = arith.constant 15 : i32
      %rev3A_183 = vector.broadcast %rev3A_182 : i32 to vector<16xi32>
      %rev3A_184 = tpu.iota {dimensions = array<i32: 0>} : vector<16xi32>
      %rev3A_185 = arith.subi %rev3A_183, %rev3A_184 : vector<16xi32>
      %rev3A_186 = tpu.dynamic_gather %scan3A_102#0[%rev3A_185] in [0] : vector<16xi32>, vector<16xi32> -> vector<16xi32>
      %cumsum3A_187 = arith.constant true
      %cumsum3A_188 = vector.broadcast %cumsum3A_187 : i1 to vector<16xi1>
      %cumsum3A_189 = tpu.scan <sum>, %rev3A_186 masked %cumsum3A_188 : vector<16xi32>, vector<16xi1> -> vector<16xi32>
      %rev3A_190 = arith.constant 15 : i32
      %rev3A_191 = vector.broadcast %rev3A_190 : i32 to vector<16xi32>
      %rev3A_192 = tpu.iota {dimensions = array<i32: 0>} : vector<16xi32>
      %rev3A_193 = arith.subi %rev3A_191, %rev3A_192 : vector<16xi32>
      %rev3A_194 = tpu.dynamic_gather %cumsum3A_189[%rev3A_193] in [0] : vector<16xi32>, vector<16xi32> -> vector<16xi32>
      %add3A_195 = vector.broadcast %add3A_181 : i32 to vector<16xi32>
      %add3A_196 = arith.addi %rev3A_194, %add3A_195 : vector<16xi32>
      %reduce_sum3A_197 = arith.constant true
      %reduce_sum3A_198 = vector.broadcast %reduce_sum3A_197 : i1 to vector<16xi1>
      %reduce_sum3A_199 = tpu.scan <sum>, %scan3A_102#0 masked %reduce_sum3A_198 : vector<16xi32>, vector<16xi1> -> vector<16xi32>
      %reduce_sum3A_200 = vector.extract %reduce_sum3A_199[15] : i32 from vector<16xi32>
      %add3A_201 = arith.addi %add3A_181, %reduce_sum3A_200 : i32
      %rev3A_202 = arith.constant 15 : i32
      %rev3A_203 = vector.broadcast %rev3A_202 : i32 to vector<16xi32>
      %rev3A_204 = tpu.iota {dimensions = array<i32: 0>} : vector<16xi32>
      %rev3A_205 = arith.subi %rev3A_203, %rev3A_204 : vector<16xi32>
      %rev3A_206 = tpu.dynamic_gather %scan3A_96#0[%rev3A_205] in [0] : vector<16xi32>, vector<16xi32> -> vector<16xi32>
      %cumsum3A_207 = arith.constant true
      %cumsum3A_208 = vector.broadcast %cumsum3A_207 : i1 to vector<16xi1>
      %cumsum3A_209 = tpu.scan <sum>, %rev3A_206 masked %cumsum3A_208 : vector<16xi32>, vector<16xi1> -> vector<16xi32>
      %rev3A_210 = arith.constant 15 : i32
      %rev3A_211 = vector.broadcast %rev3A_210 : i32 to vector<16xi32>
      %rev3A_212 = tpu.iota {dimensions = array<i32: 0>} : vector<16xi32>
      %rev3A_213 = arith.subi %rev3A_211, %rev3A_212 : vector<16xi32>
      %rev3A_214 = tpu.dynamic_gather %cumsum3A_209[%rev3A_213] in [0] : vector<16xi32>, vector<16xi32> -> vector<16xi32>
      %add3A_215 = vector.broadcast %add3A_201 : i32 to vector<16xi32>
      %add3A_216 = arith.addi %rev3A_214, %add3A_215 : vector<16xi32>
      %reduce_sum3A_217 = arith.constant true
      %reduce_sum3A_218 = vector.broadcast %reduce_sum3A_217 : i1 to vector<16xi1>
      %reduce_sum3A_219 = tpu.scan <sum>, %scan3A_96#0 masked %reduce_sum3A_218 : vector<16xi32>, vector<16xi1> -> vector<16xi32>
      %reduce_sum3A_220 = vector.extract %reduce_sum3A_219[15] : i32 from vector<16xi32>
      %add3A_221 = arith.addi %add3A_201, %reduce_sum3A_220 : i32
      %rev3A_222 = arith.constant 15 : i32
      %rev3A_223 = vector.broadcast %rev3A_222 : i32 to vector<16xi32>
      %rev3A_224 = tpu.iota {dimensions = array<i32: 0>} : vector<16xi32>
      %rev3A_225 = arith.subi %rev3A_223, %rev3A_224 : vector<16xi32>
      %rev3A_226 = tpu.dynamic_gather %scan3A_90#0[%rev3A_225] in [0] : vector<16xi32>, vector<16xi32> -> vector<16xi32>
      %cumsum3A_227 = arith.constant true
      %cumsum3A_228 = vector.broadcast %cumsum3A_227 : i1 to vector<16xi1>
      %cumsum3A_229 = tpu.scan <sum>, %rev3A_226 masked %cumsum3A_228 : vector<16xi32>, vector<16xi1> -> vector<16xi32>
      %rev3A_230 = arith.constant 15 : i32
      %rev3A_231 = vector.broadcast %rev3A_230 : i32 to vector<16xi32>
      %rev3A_232 = tpu.iota {dimensions = array<i32: 0>} : vector<16xi32>
      %rev3A_233 = arith.subi %rev3A_231, %rev3A_232 : vector<16xi32>
      %rev3A_234 = tpu.dynamic_gather %cumsum3A_229[%rev3A_233] in [0] : vector<16xi32>, vector<16xi32> -> vector<16xi32>
      %add3A_235 = vector.broadcast %add3A_221 : i32 to vector<16xi32>
      %add3A_236 = arith.addi %rev3A_234, %add3A_235 : vector<16xi32>
      %reduce_sum3A_237 = arith.constant true
      %reduce_sum3A_238 = vector.broadcast %reduce_sum3A_237 : i1 to vector<16xi1>
      %reduce_sum3A_239 = tpu.scan <sum>, %scan3A_90#0 masked %reduce_sum3A_238 : vector<16xi32>, vector<16xi1> -> vector<16xi32>
      %reduce_sum3A_240 = vector.extract %reduce_sum3A_239[15] : i32 from vector<16xi32>
      %add3A_241 = arith.addi %add3A_221, %reduce_sum3A_240 : i32
      %rev3A_242 = arith.constant 15 : i32
      %rev3A_243 = vector.broadcast %rev3A_242 : i32 to vector<16xi32>
      %rev3A_244 = tpu.iota {dimensions = array<i32: 0>} : vector<16xi32>
      %rev3A_245 = arith.subi %rev3A_243, %rev3A_244 : vector<16xi32>
      %rev3A_246 = tpu.dynamic_gather %scan3A_84#0[%rev3A_245] in [0] : vector<16xi32>, vector<16xi32> -> vector<16xi32>
      %cumsum3A_247 = arith.constant true
      %cumsum3A_248 = vector.broadcast %cumsum3A_247 : i1 to vector<16xi1>
      %cumsum3A_249 = tpu.scan <sum>, %rev3A_246 masked %cumsum3A_248 : vector<16xi32>, vector<16xi1> -> vector<16xi32>
      %rev3A_250 = arith.constant 15 : i32
      %rev3A_251 = vector.broadcast %rev3A_250 : i32 to vector<16xi32>
      %rev3A_252 = tpu.iota {dimensions = array<i32: 0>} : vector<16xi32>
      %rev3A_253 = arith.subi %rev3A_251, %rev3A_252 : vector<16xi32>
      %rev3A_254 = tpu.dynamic_gather %cumsum3A_249[%rev3A_253] in [0] : vector<16xi32>, vector<16xi32> -> vector<16xi32>
      %add3A_255 = vector.broadcast %add3A_241 : i32 to vector<16xi32>
      %add3A_256 = arith.addi %rev3A_254, %add3A_255 : vector<16xi32>
      %reduce_sum3A_257 = arith.constant true
      %reduce_sum3A_258 = vector.broadcast %reduce_sum3A_257 : i1 to vector<16xi1>
      %reduce_sum3A_259 = tpu.scan <sum>, %scan3A_84#0 masked %reduce_sum3A_258 : vector<16xi32>, vector<16xi1> -> vector<16xi32>
      %reduce_sum3A_260 = vector.extract %reduce_sum3A_259[15] : i32 from vector<16xi32>
      %add3A_261 = arith.addi %add3A_241, %reduce_sum3A_260 : i32
      %rev3A_262 = arith.constant 15 : i32
      %rev3A_263 = vector.broadcast %rev3A_262 : i32 to vector<16xi32>
      %rev3A_264 = tpu.iota {dimensions = array<i32: 0>} : vector<16xi32>
      %rev3A_265 = arith.subi %rev3A_263, %rev3A_264 : vector<16xi32>
      %rev3A_266 = tpu.dynamic_gather %scan3A_78#0[%rev3A_265] in [0] : vector<16xi32>, vector<16xi32> -> vector<16xi32>
      %cumsum3A_267 = arith.constant true
      %cumsum3A_268 = vector.broadcast %cumsum3A_267 : i1 to vector<16xi1>
      %cumsum3A_269 = tpu.scan <sum>, %rev3A_266 masked %cumsum3A_268 : vector<16xi32>, vector<16xi1> -> vector<16xi32>
      %rev3A_270 = arith.constant 15 : i32
      %rev3A_271 = vector.broadcast %rev3A_270 : i32 to vector<16xi32>
      %rev3A_272 = tpu.iota {dimensions = array<i32: 0>} : vector<16xi32>
      %rev3A_273 = arith.subi %rev3A_271, %rev3A_272 : vector<16xi32>
      %rev3A_274 = tpu.dynamic_gather %cumsum3A_269[%rev3A_273] in [0] : vector<16xi32>, vector<16xi32> -> vector<16xi32>
      %add3A_275 = vector.broadcast %add3A_261 : i32 to vector<16xi32>
      %add3A_276 = arith.addi %rev3A_274, %add3A_275 : vector<16xi32>
      %reduce_sum3A_277 = arith.constant true
      %reduce_sum3A_278 = vector.broadcast %reduce_sum3A_277 : i1 to vector<16xi1>
      %reduce_sum3A_279 = tpu.scan <sum>, %scan3A_78#0 masked %reduce_sum3A_278 : vector<16xi32>, vector<16xi1> -> vector<16xi32>
      %reduce_sum3A_280 = vector.extract %reduce_sum3A_279[15] : i32 from vector<16xi32>
      %add3A_281 = arith.addi %add3A_261, %reduce_sum3A_280 : i32
      %rev3A_282 = arith.constant 15 : i32
      %rev3A_283 = vector.broadcast %rev3A_282 : i32 to vector<16xi32>
      %rev3A_284 = tpu.iota {dimensions = array<i32: 0>} : vector<16xi32>
      %rev3A_285 = arith.subi %rev3A_283, %rev3A_284 : vector<16xi32>
      %rev3A_286 = tpu.dynamic_gather %scan3A_72#0[%rev3A_285] in [0] : vector<16xi32>, vector<16xi32> -> vector<16xi32>
      %cumsum3A_287 = arith.constant true
      %cumsum3A_288 = vector.broadcast %cumsum3A_287 : i1 to vector<16xi1>
      %cumsum3A_289 = tpu.scan <sum>, %rev3A_286 masked %cumsum3A_288 : vector<16xi32>, vector<16xi1> -> vector<16xi32>
      %rev3A_290 = arith.constant 15 : i32
      %rev3A_291 = vector.broadcast %rev3A_290 : i32 to vector<16xi32>
      %rev3A_292 = tpu.iota {dimensions = array<i32: 0>} : vector<16xi32>
      %rev3A_293 = arith.subi %rev3A_291, %rev3A_292 : vector<16xi32>
      %rev3A_294 = tpu.dynamic_gather %cumsum3A_289[%rev3A_293] in [0] : vector<16xi32>, vector<16xi32> -> vector<16xi32>
      %add3A_295 = vector.broadcast %add3A_281 : i32 to vector<16xi32>
      %add3A_296 = arith.addi %rev3A_294, %add3A_295 : vector<16xi32>
      %reduce_sum3A_297 = arith.constant true
      %reduce_sum3A_298 = vector.broadcast %reduce_sum3A_297 : i1 to vector<16xi1>
      %reduce_sum3A_299 = tpu.scan <sum>, %scan3A_72#0 masked %reduce_sum3A_298 : vector<16xi32>, vector<16xi1> -> vector<16xi32>
      %reduce_sum3A_300 = vector.extract %reduce_sum3A_299[15] : i32 from vector<16xi32>
      %add3A_301 = arith.addi %add3A_281, %reduce_sum3A_300 : i32
      %rev3A_302 = arith.constant 15 : i32
      %rev3A_303 = vector.broadcast %rev3A_302 : i32 to vector<16xi32>
      %rev3A_304 = tpu.iota {dimensions = array<i32: 0>} : vector<16xi32>
      %rev3A_305 = arith.subi %rev3A_303, %rev3A_304 : vector<16xi32>
      %rev3A_306 = tpu.dynamic_gather %scan3A_66#0[%rev3A_305] in [0] : vector<16xi32>, vector<16xi32> -> vector<16xi32>
      %cumsum3A_307 = arith.constant true
      %cumsum3A_308 = vector.broadcast %cumsum3A_307 : i1 to vector<16xi1>
      %cumsum3A_309 = tpu.scan <sum>, %rev3A_306 masked %cumsum3A_308 : vector<16xi32>, vector<16xi1> -> vector<16xi32>
      %rev3A_310 = arith.constant 15 : i32
      %rev3A_311 = vector.broadcast %rev3A_310 : i32 to vector<16xi32>
      %rev3A_312 = tpu.iota {dimensions = array<i32: 0>} : vector<16xi32>
      %rev3A_313 = arith.subi %rev3A_311, %rev3A_312 : vector<16xi32>
      %rev3A_314 = tpu.dynamic_gather %cumsum3A_309[%rev3A_313] in [0] : vector<16xi32>, vector<16xi32> -> vector<16xi32>
      %add3A_315 = vector.broadcast %add3A_301 : i32 to vector<16xi32>
      %add3A_316 = arith.addi %rev3A_314, %add3A_315 : vector<16xi32>
      %reduce_sum3A_317 = arith.constant true
      %reduce_sum3A_318 = vector.broadcast %reduce_sum3A_317 : i1 to vector<16xi1>
      %reduce_sum3A_319 = tpu.scan <sum>, %scan3A_66#0 masked %reduce_sum3A_318 : vector<16xi32>, vector<16xi1> -> vector<16xi32>
      %reduce_sum3A_320 = vector.extract %reduce_sum3A_319[15] : i32 from vector<16xi32>
      %add3A_321 = arith.addi %add3A_301, %reduce_sum3A_320 : i32
      %rev3A_322 = arith.constant 15 : i32
      %rev3A_323 = vector.broadcast %rev3A_322 : i32 to vector<16xi32>
      %rev3A_324 = tpu.iota {dimensions = array<i32: 0>} : vector<16xi32>
      %rev3A_325 = arith.subi %rev3A_323, %rev3A_324 : vector<16xi32>
      %rev3A_326 = tpu.dynamic_gather %scan3A_60#0[%rev3A_325] in [0] : vector<16xi32>, vector<16xi32> -> vector<16xi32>
      %cumsum3A_327 = arith.constant true
      %cumsum3A_328 = vector.broadcast %cumsum3A_327 : i1 to vector<16xi1>
      %cumsum3A_329 = tpu.scan <sum>, %rev3A_326 masked %cumsum3A_328 : vector<16xi32>, vector<16xi1> -> vector<16xi32>
      %rev3A_330 = arith.constant 15 : i32
      %rev3A_331 = vector.broadcast %rev3A_330 : i32 to vector<16xi32>
      %rev3A_332 = tpu.iota {dimensions = array<i32: 0>} : vector<16xi32>
      %rev3A_333 = arith.subi %rev3A_331, %rev3A_332 : vector<16xi32>
      %rev3A_334 = tpu.dynamic_gather %cumsum3A_329[%rev3A_333] in [0] : vector<16xi32>, vector<16xi32> -> vector<16xi32>
      %add3A_335 = vector.broadcast %add3A_321 : i32 to vector<16xi32>
      %add3A_336 = arith.addi %rev3A_334, %add3A_335 : vector<16xi32>
      %reduce_sum3A_337 = arith.constant true
      %reduce_sum3A_338 = vector.broadcast %reduce_sum3A_337 : i1 to vector<16xi1>
      %reduce_sum3A_339 = tpu.scan <sum>, %scan3A_60#0 masked %reduce_sum3A_338 : vector<16xi32>, vector<16xi1> -> vector<16xi32>
      %reduce_sum3A_340 = vector.extract %reduce_sum3A_339[15] : i32 from vector<16xi32>
      %add3A_341 = arith.addi %add3A_321, %reduce_sum3A_340 : i32
      %rev3A_342 = arith.constant 15 : i32
      %rev3A_343 = vector.broadcast %rev3A_342 : i32 to vector<16xi32>
      %rev3A_344 = tpu.iota {dimensions = array<i32: 0>} : vector<16xi32>
      %rev3A_345 = arith.subi %rev3A_343, %rev3A_344 : vector<16xi32>
      %rev3A_346 = tpu.dynamic_gather %scan3A_54#0[%rev3A_345] in [0] : vector<16xi32>, vector<16xi32> -> vector<16xi32>
      %cumsum3A_347 = arith.constant true
      %cumsum3A_348 = vector.broadcast %cumsum3A_347 : i1 to vector<16xi1>
      %cumsum3A_349 = tpu.scan <sum>, %rev3A_346 masked %cumsum3A_348 : vector<16xi32>, vector<16xi1> -> vector<16xi32>
      %rev3A_350 = arith.constant 15 : i32
      %rev3A_351 = vector.broadcast %rev3A_350 : i32 to vector<16xi32>
      %rev3A_352 = tpu.iota {dimensions = array<i32: 0>} : vector<16xi32>
      %rev3A_353 = arith.subi %rev3A_351, %rev3A_352 : vector<16xi32>
      %rev3A_354 = tpu.dynamic_gather %cumsum3A_349[%rev3A_353] in [0] : vector<16xi32>, vector<16xi32> -> vector<16xi32>
      %add3A_355 = vector.broadcast %add3A_341 : i32 to vector<16xi32>
      %add3A_356 = arith.addi %rev3A_354, %add3A_355 : vector<16xi32>
      %reduce_sum3A_357 = arith.constant true
      %reduce_sum3A_358 = vector.broadcast %reduce_sum3A_357 : i1 to vector<16xi1>
      %reduce_sum3A_359 = tpu.scan <sum>, %scan3A_54#0 masked %reduce_sum3A_358 : vector<16xi32>, vector<16xi1> -> vector<16xi32>
      %reduce_sum3A_360 = vector.extract %reduce_sum3A_359[15] : i32 from vector<16xi32>
      %add3A_361 = arith.addi %add3A_341, %reduce_sum3A_360 : i32
      %rev3A_362 = arith.constant 15 : i32
      %rev3A_363 = vector.broadcast %rev3A_362 : i32 to vector<16xi32>
      %rev3A_364 = tpu.iota {dimensions = array<i32: 0>} : vector<16xi32>
      %rev3A_365 = arith.subi %rev3A_363, %rev3A_364 : vector<16xi32>
      %rev3A_366 = tpu.dynamic_gather %scan3A_48#0[%rev3A_365] in [0] : vector<16xi32>, vector<16xi32> -> vector<16xi32>
      %cumsum3A_367 = arith.constant true
      %cumsum3A_368 = vector.broadcast %cumsum3A_367 : i1 to vector<16xi1>
      %cumsum3A_369 = tpu.scan <sum>, %rev3A_366 masked %cumsum3A_368 : vector<16xi32>, vector<16xi1> -> vector<16xi32>
      %rev3A_370 = arith.constant 15 : i32
      %rev3A_371 = vector.broadcast %rev3A_370 : i32 to vector<16xi32>
      %rev3A_372 = tpu.iota {dimensions = array<i32: 0>} : vector<16xi32>
      %rev3A_373 = arith.subi %rev3A_371, %rev3A_372 : vector<16xi32>
      %rev3A_374 = tpu.dynamic_gather %cumsum3A_369[%rev3A_373] in [0] : vector<16xi32>, vector<16xi32> -> vector<16xi32>
      %add3A_375 = vector.broadcast %add3A_361 : i32 to vector<16xi32>
      %add3A_376 = arith.addi %rev3A_374, %add3A_375 : vector<16xi32>
      %reduce_sum3A_377 = arith.constant true
      %reduce_sum3A_378 = vector.broadcast %reduce_sum3A_377 : i1 to vector<16xi1>
      %reduce_sum3A_379 = tpu.scan <sum>, %scan3A_48#0 masked %reduce_sum3A_378 : vector<16xi32>, vector<16xi1> -> vector<16xi32>
      %reduce_sum3A_380 = vector.extract %reduce_sum3A_379[15] : i32 from vector<16xi32>
      %add3A_381 = arith.addi %add3A_361, %reduce_sum3A_380 : i32
      %rev3A_382 = arith.constant 15 : i32
      %rev3A_383 = vector.broadcast %rev3A_382 : i32 to vector<16xi32>
      %rev3A_384 = tpu.iota {dimensions = array<i32: 0>} : vector<16xi32>
      %rev3A_385 = arith.subi %rev3A_383, %rev3A_384 : vector<16xi32>
      %rev3A_386 = tpu.dynamic_gather %scan3A_42#0[%rev3A_385] in [0] : vector<16xi32>, vector<16xi32> -> vector<16xi32>
      %cumsum3A_387 = arith.constant true
      %cumsum3A_388 = vector.broadcast %cumsum3A_387 : i1 to vector<16xi1>
      %cumsum3A_389 = tpu.scan <sum>, %rev3A_386 masked %cumsum3A_388 : vector<16xi32>, vector<16xi1> -> vector<16xi32>
      %rev3A_390 = arith.constant 15 : i32
      %rev3A_391 = vector.broadcast %rev3A_390 : i32 to vector<16xi32>
      %rev3A_392 = tpu.iota {dimensions = array<i32: 0>} : vector<16xi32>
      %rev3A_393 = arith.subi %rev3A_391, %rev3A_392 : vector<16xi32>
      %rev3A_394 = tpu.dynamic_gather %cumsum3A_389[%rev3A_393] in [0] : vector<16xi32>, vector<16xi32> -> vector<16xi32>
      %add3A_395 = vector.broadcast %add3A_381 : i32 to vector<16xi32>
      %add3A_396 = arith.addi %rev3A_394, %add3A_395 : vector<16xi32>
      %reduce_sum3A_397 = arith.constant true
      %reduce_sum3A_398 = vector.broadcast %reduce_sum3A_397 : i1 to vector<16xi1>
      %reduce_sum3A_399 = tpu.scan <sum>, %scan3A_42#0 masked %reduce_sum3A_398 : vector<16xi32>, vector<16xi1> -> vector<16xi32>
      %reduce_sum3A_400 = vector.extract %reduce_sum3A_399[15] : i32 from vector<16xi32>
      %add3A_401 = arith.addi %add3A_381, %reduce_sum3A_400 : i32
      %rev3A_402 = arith.constant 15 : i32
      %rev3A_403 = vector.broadcast %rev3A_402 : i32 to vector<16xi32>
      %rev3A_404 = tpu.iota {dimensions = array<i32: 0>} : vector<16xi32>
      %rev3A_405 = arith.subi %rev3A_403, %rev3A_404 : vector<16xi32>
      %rev3A_406 = tpu.dynamic_gather %scan3A_36#0[%rev3A_405] in [0] : vector<16xi32>, vector<16xi32> -> vector<16xi32>
      %cumsum3A_407 = arith.constant true
      %cumsum3A_408 = vector.broadcast %cumsum3A_407 : i1 to vector<16xi1>
      %cumsum3A_409 = tpu.scan <sum>, %rev3A_406 masked %cumsum3A_408 : vector<16xi32>, vector<16xi1> -> vector<16xi32>
      %rev3A_410 = arith.constant 15 : i32
      %rev3A_411 = vector.broadcast %rev3A_410 : i32 to vector<16xi32>
      %rev3A_412 = tpu.iota {dimensions = array<i32: 0>} : vector<16xi32>
      %rev3A_413 = arith.subi %rev3A_411, %rev3A_412 : vector<16xi32>
      %rev3A_414 = tpu.dynamic_gather %cumsum3A_409[%rev3A_413] in [0] : vector<16xi32>, vector<16xi32> -> vector<16xi32>
      %add3A_415 = vector.broadcast %add3A_401 : i32 to vector<16xi32>
      %add3A_416 = arith.addi %rev3A_414, %add3A_415 : vector<16xi32>
      %reduce_sum3A_417 = arith.constant true
      %reduce_sum3A_418 = vector.broadcast %reduce_sum3A_417 : i1 to vector<16xi1>
      %reduce_sum3A_419 = tpu.scan <sum>, %scan3A_36#0 masked %reduce_sum3A_418 : vector<16xi32>, vector<16xi1> -> vector<16xi32>
      %reduce_sum3A_420 = vector.extract %reduce_sum3A_419[15] : i32 from vector<16xi32>
      %add3A_421 = arith.addi %add3A_401, %reduce_sum3A_420 : i32
      %rev3A_422 = arith.constant 15 : i32
      %rev3A_423 = vector.broadcast %rev3A_422 : i32 to vector<16xi32>
      %rev3A_424 = tpu.iota {dimensions = array<i32: 0>} : vector<16xi32>
      %rev3A_425 = arith.subi %rev3A_423, %rev3A_424 : vector<16xi32>
      %rev3A_426 = tpu.dynamic_gather %scan3A_30#0[%rev3A_425] in [0] : vector<16xi32>, vector<16xi32> -> vector<16xi32>
      %cumsum3A_427 = arith.constant true
      %cumsum3A_428 = vector.broadcast %cumsum3A_427 : i1 to vector<16xi1>
      %cumsum3A_429 = tpu.scan <sum>, %rev3A_426 masked %cumsum3A_428 : vector<16xi32>, vector<16xi1> -> vector<16xi32>
      %rev3A_430 = arith.constant 15 : i32
      %rev3A_431 = vector.broadcast %rev3A_430 : i32 to vector<16xi32>
      %rev3A_432 = tpu.iota {dimensions = array<i32: 0>} : vector<16xi32>
      %rev3A_433 = arith.subi %rev3A_431, %rev3A_432 : vector<16xi32>
      %rev3A_434 = tpu.dynamic_gather %cumsum3A_429[%rev3A_433] in [0] : vector<16xi32>, vector<16xi32> -> vector<16xi32>
      %add3A_435 = vector.broadcast %add3A_421 : i32 to vector<16xi32>
      %add3A_436 = arith.addi %rev3A_434, %add3A_435 : vector<16xi32>
      %reduce_sum3A_437 = arith.constant true
      %reduce_sum3A_438 = vector.broadcast %reduce_sum3A_437 : i1 to vector<16xi1>
      %reduce_sum3A_439 = tpu.scan <sum>, %scan3A_30#0 masked %reduce_sum3A_438 : vector<16xi32>, vector<16xi1> -> vector<16xi32>
      %reduce_sum3A_440 = vector.extract %reduce_sum3A_439[15] : i32 from vector<16xi32>
      %add3A_441 = arith.addi %add3A_421, %reduce_sum3A_440 : i32
      %ge3A = vector.broadcast %min3A_21 : i32 to vector<16xi32>
      %ge3A_442 = arith.cmpi sge, %add3A_436, %ge3A : vector<16xi32>
      %convert_element_type3A_443 = arith.extui %ge3A_442 : vector<16xi1> to vector<16xi32>
      %reduce_sum3A_444 = arith.constant true
      %reduce_sum3A_445 = vector.broadcast %reduce_sum3A_444 : i1 to vector<16xi1>
      %reduce_sum3A_446 = tpu.scan <sum>, %convert_element_type3A_443 masked %reduce_sum3A_445 : vector<16xi32>, vector<16xi1> -> vector<16xi32>
      %reduce_sum3A_447 = vector.extract %reduce_sum3A_446[15] : i32 from vector<16xi32>
      %add3A_448 = arith.constant 0 : i32
      %add3A_449 = arith.addi %add3A_448, %reduce_sum3A_447 : i32
      %ge3A_450 = vector.broadcast %min3A_21 : i32 to vector<16xi32>
      %ge3A_451 = arith.cmpi sge, %add3A_416, %ge3A_450 : vector<16xi32>
      %convert_element_type3A_452 = arith.extui %ge3A_451 : vector<16xi1> to vector<16xi32>
      %reduce_sum3A_453 = arith.constant true
      %reduce_sum3A_454 = vector.broadcast %reduce_sum3A_453 : i1 to vector<16xi1>
      %reduce_sum3A_455 = tpu.scan <sum>, %convert_element_type3A_452 masked %reduce_sum3A_454 : vector<16xi32>, vector<16xi1> -> vector<16xi32>
      %reduce_sum3A_456 = vector.extract %reduce_sum3A_455[15] : i32 from vector<16xi32>
      %add3A_457 = arith.addi %add3A_449, %reduce_sum3A_456 : i32
      %ge3A_458 = vector.broadcast %min3A_21 : i32 to vector<16xi32>
      %ge3A_459 = arith.cmpi sge, %add3A_396, %ge3A_458 : vector<16xi32>
      %convert_element_type3A_460 = arith.extui %ge3A_459 : vector<16xi1> to vector<16xi32>
      %reduce_sum3A_461 = arith.constant true
      %reduce_sum3A_462 = vector.broadcast %reduce_sum3A_461 : i1 to vector<16xi1>
      %reduce_sum3A_463 = tpu.scan <sum>, %convert_element_type3A_460 masked %reduce_sum3A_462 : vector<16xi32>, vector<16xi1> -> vector<16xi32>
      %reduce_sum3A_464 = vector.extract %reduce_sum3A_463[15] : i32 from vector<16xi32>
      %add3A_465 = arith.addi %add3A_457, %reduce_sum3A_464 : i32
      %ge3A_466 = vector.broadcast %min3A_21 : i32 to vector<16xi32>
      %ge3A_467 = arith.cmpi sge, %add3A_376, %ge3A_466 : vector<16xi32>
      %convert_element_type3A_468 = arith.extui %ge3A_467 : vector<16xi1> to vector<16xi32>
      %reduce_sum3A_469 = arith.constant true
      %reduce_sum3A_470 = vector.broadcast %reduce_sum3A_469 : i1 to vector<16xi1>
      %reduce_sum3A_471 = tpu.scan <sum>, %convert_element_type3A_468 masked %reduce_sum3A_470 : vector<16xi32>, vector<16xi1> -> vector<16xi32>
      %reduce_sum3A_472 = vector.extract %reduce_sum3A_471[15] : i32 from vector<16xi32>
      %add3A_473 = arith.addi %add3A_465, %reduce_sum3A_472 : i32
      %ge3A_474 = vector.broadcast %min3A_21 : i32 to vector<16xi32>
      %ge3A_475 = arith.cmpi sge, %add3A_356, %ge3A_474 : vector<16xi32>
      %convert_element_type3A_476 = arith.extui %ge3A_475 : vector<16xi1> to vector<16xi32>
      %reduce_sum3A_477 = arith.constant true
      %reduce_sum3A_478 = vector.broadcast %reduce_sum3A_477 : i1 to vector<16xi1>
      %reduce_sum3A_479 = tpu.scan <sum>, %convert_element_type3A_476 masked %reduce_sum3A_478 : vector<16xi32>, vector<16xi1> -> vector<16xi32>
      %reduce_sum3A_480 = vector.extract %reduce_sum3A_479[15] : i32 from vector<16xi32>
      %add3A_481 = arith.addi %add3A_473, %reduce_sum3A_480 : i32
      %ge3A_482 = vector.broadcast %min3A_21 : i32 to vector<16xi32>
      %ge3A_483 = arith.cmpi sge, %add3A_336, %ge3A_482 : vector<16xi32>
      %convert_element_type3A_484 = arith.extui %ge3A_483 : vector<16xi1> to vector<16xi32>
      %reduce_sum3A_485 = arith.constant true
      %reduce_sum3A_486 = vector.broadcast %reduce_sum3A_485 : i1 to vector<16xi1>
      %reduce_sum3A_487 = tpu.scan <sum>, %convert_element_type3A_484 masked %reduce_sum3A_486 : vector<16xi32>, vector<16xi1> -> vector<16xi32>
      %reduce_sum3A_488 = vector.extract %reduce_sum3A_487[15] : i32 from vector<16xi32>
      %add3A_489 = arith.addi %add3A_481, %reduce_sum3A_488 : i32
      %ge3A_490 = vector.broadcast %min3A_21 : i32 to vector<16xi32>
      %ge3A_491 = arith.cmpi sge, %add3A_316, %ge3A_490 : vector<16xi32>
      %convert_element_type3A_492 = arith.extui %ge3A_491 : vector<16xi1> to vector<16xi32>
      %reduce_sum3A_493 = arith.constant true
      %reduce_sum3A_494 = vector.broadcast %reduce_sum3A_493 : i1 to vector<16xi1>
      %reduce_sum3A_495 = tpu.scan <sum>, %convert_element_type3A_492 masked %reduce_sum3A_494 : vector<16xi32>, vector<16xi1> -> vector<16xi32>
      %reduce_sum3A_496 = vector.extract %reduce_sum3A_495[15] : i32 from vector<16xi32>
      %add3A_497 = arith.addi %add3A_489, %reduce_sum3A_496 : i32
      %ge3A_498 = vector.broadcast %min3A_21 : i32 to vector<16xi32>
      %ge3A_499 = arith.cmpi sge, %add3A_296, %ge3A_498 : vector<16xi32>
      %convert_element_type3A_500 = arith.extui %ge3A_499 : vector<16xi1> to vector<16xi32>
      %reduce_sum3A_501 = arith.constant true
      %reduce_sum3A_502 = vector.broadcast %reduce_sum3A_501 : i1 to vector<16xi1>
      %reduce_sum3A_503 = tpu.scan <sum>, %convert_element_type3A_500 masked %reduce_sum3A_502 : vector<16xi32>, vector<16xi1> -> vector<16xi32>
      %reduce_sum3A_504 = vector.extract %reduce_sum3A_503[15] : i32 from vector<16xi32>
      %add3A_505 = arith.addi %add3A_497, %reduce_sum3A_504 : i32
      %ge3A_506 = vector.broadcast %min3A_21 : i32 to vector<16xi32>
      %ge3A_507 = arith.cmpi sge, %add3A_276, %ge3A_506 : vector<16xi32>
      %convert_element_type3A_508 = arith.extui %ge3A_507 : vector<16xi1> to vector<16xi32>
      %reduce_sum3A_509 = arith.constant true
      %reduce_sum3A_510 = vector.broadcast %reduce_sum3A_509 : i1 to vector<16xi1>
      %reduce_sum3A_511 = tpu.scan <sum>, %convert_element_type3A_508 masked %reduce_sum3A_510 : vector<16xi32>, vector<16xi1> -> vector<16xi32>
      %reduce_sum3A_512 = vector.extract %reduce_sum3A_511[15] : i32 from vector<16xi32>
      %add3A_513 = arith.addi %add3A_505, %reduce_sum3A_512 : i32
      %ge3A_514 = vector.broadcast %min3A_21 : i32 to vector<16xi32>
      %ge3A_515 = arith.cmpi sge, %add3A_256, %ge3A_514 : vector<16xi32>
      %convert_element_type3A_516 = arith.extui %ge3A_515 : vector<16xi1> to vector<16xi32>
      %reduce_sum3A_517 = arith.constant true
      %reduce_sum3A_518 = vector.broadcast %reduce_sum3A_517 : i1 to vector<16xi1>
      %reduce_sum3A_519 = tpu.scan <sum>, %convert_element_type3A_516 masked %reduce_sum3A_518 : vector<16xi32>, vector<16xi1> -> vector<16xi32>
      %reduce_sum3A_520 = vector.extract %reduce_sum3A_519[15] : i32 from vector<16xi32>
      %add3A_521 = arith.addi %add3A_513, %reduce_sum3A_520 : i32
      %ge3A_522 = vector.broadcast %min3A_21 : i32 to vector<16xi32>
      %ge3A_523 = arith.cmpi sge, %add3A_236, %ge3A_522 : vector<16xi32>
      %convert_element_type3A_524 = arith.extui %ge3A_523 : vector<16xi1> to vector<16xi32>
      %reduce_sum3A_525 = arith.constant true
      %reduce_sum3A_526 = vector.broadcast %reduce_sum3A_525 : i1 to vector<16xi1>
      %reduce_sum3A_527 = tpu.scan <sum>, %convert_element_type3A_524 masked %reduce_sum3A_526 : vector<16xi32>, vector<16xi1> -> vector<16xi32>
      %reduce_sum3A_528 = vector.extract %reduce_sum3A_527[15] : i32 from vector<16xi32>
      %add3A_529 = arith.addi %add3A_521, %reduce_sum3A_528 : i32
      %ge3A_530 = vector.broadcast %min3A_21 : i32 to vector<16xi32>
      %ge3A_531 = arith.cmpi sge, %add3A_216, %ge3A_530 : vector<16xi32>
      %convert_element_type3A_532 = arith.extui %ge3A_531 : vector<16xi1> to vector<16xi32>
      %reduce_sum3A_533 = arith.constant true
      %reduce_sum3A_534 = vector.broadcast %reduce_sum3A_533 : i1 to vector<16xi1>
      %reduce_sum3A_535 = tpu.scan <sum>, %convert_element_type3A_532 masked %reduce_sum3A_534 : vector<16xi32>, vector<16xi1> -> vector<16xi32>
      %reduce_sum3A_536 = vector.extract %reduce_sum3A_535[15] : i32 from vector<16xi32>
      %add3A_537 = arith.addi %add3A_529, %reduce_sum3A_536 : i32
      %ge3A_538 = vector.broadcast %min3A_21 : i32 to vector<16xi32>
      %ge3A_539 = arith.cmpi sge, %add3A_196, %ge3A_538 : vector<16xi32>
      %convert_element_type3A_540 = arith.extui %ge3A_539 : vector<16xi1> to vector<16xi32>
      %reduce_sum3A_541 = arith.constant true
      %reduce_sum3A_542 = vector.broadcast %reduce_sum3A_541 : i1 to vector<16xi1>
      %reduce_sum3A_543 = tpu.scan <sum>, %convert_element_type3A_540 masked %reduce_sum3A_542 : vector<16xi32>, vector<16xi1> -> vector<16xi32>
      %reduce_sum3A_544 = vector.extract %reduce_sum3A_543[15] : i32 from vector<16xi32>
      %add3A_545 = arith.addi %add3A_537, %reduce_sum3A_544 : i32
      %ge3A_546 = vector.broadcast %min3A_21 : i32 to vector<16xi32>
      %ge3A_547 = arith.cmpi sge, %add3A_176, %ge3A_546 : vector<16xi32>
      %convert_element_type3A_548 = arith.extui %ge3A_547 : vector<16xi1> to vector<16xi32>
      %reduce_sum3A_549 = arith.constant true
      %reduce_sum3A_550 = vector.broadcast %reduce_sum3A_549 : i1 to vector<16xi1>
      %reduce_sum3A_551 = tpu.scan <sum>, %convert_element_type3A_548 masked %reduce_sum3A_550 : vector<16xi32>, vector<16xi1> -> vector<16xi32>
      %reduce_sum3A_552 = vector.extract %reduce_sum3A_551[15] : i32 from vector<16xi32>
      %add3A_553 = arith.addi %add3A_545, %reduce_sum3A_552 : i32
      %ge3A_554 = vector.broadcast %min3A_21 : i32 to vector<16xi32>
      %ge3A_555 = arith.cmpi sge, %add3A_156, %ge3A_554 : vector<16xi32>
      %convert_element_type3A_556 = arith.extui %ge3A_555 : vector<16xi1> to vector<16xi32>
      %reduce_sum3A_557 = arith.constant true
      %reduce_sum3A_558 = vector.broadcast %reduce_sum3A_557 : i1 to vector<16xi1>
      %reduce_sum3A_559 = tpu.scan <sum>, %convert_element_type3A_556 masked %reduce_sum3A_558 : vector<16xi32>, vector<16xi1> -> vector<16xi32>
      %reduce_sum3A_560 = vector.extract %reduce_sum3A_559[15] : i32 from vector<16xi32>
      %add3A_561 = arith.addi %add3A_553, %reduce_sum3A_560 : i32
      %ge3A_562 = vector.broadcast %min3A_21 : i32 to vector<16xi32>
      %ge3A_563 = arith.cmpi sge, %add3A_135, %ge3A_562 : vector<16xi32>
      %convert_element_type3A_564 = arith.extui %ge3A_563 : vector<16xi1> to vector<16xi32>
      %reduce_sum3A_565 = arith.constant true
      %reduce_sum3A_566 = vector.broadcast %reduce_sum3A_565 : i1 to vector<16xi1>
      %reduce_sum3A_567 = tpu.scan <sum>, %convert_element_type3A_564 masked %reduce_sum3A_566 : vector<16xi32>, vector<16xi1> -> vector<16xi32>
      %reduce_sum3A_568 = vector.extract %reduce_sum3A_567[15] : i32 from vector<16xi32>
      %add3A_569 = arith.addi %add3A_561, %reduce_sum3A_568 : i32
      %sub3A = arith.constant 1 : i32
      %sub3A_570 = arith.subi %add3A_569, %sub3A : i32
      %add3A_571 = arith.constant 0 : i32
      %add3A_572 = vector.broadcast %add3A_571 : i32 to vector<16xi32>
      %add3A_573 = arith.addi %iota3A, %add3A_572 : vector<16xi32>
      %gt3A = vector.broadcast %sub3A_570 : i32 to vector<16xi32>
      %gt3A_574 = arith.cmpi sgt, %add3A_573, %gt3A : vector<16xi32>
      %eq3A_575 = vector.broadcast %sub3A_570 : i32 to vector<16xi32>
      %eq3A_576 = arith.cmpi eq, %add3A_573, %eq3A_575 : vector<16xi32>
      %jit3A_577 = arith.constant 0 : i32
      %broadcast_in_dim3A_578 = vector.broadcast %jit3A_577 : i32 to vector<16xi32>
      %select_n3A_579 = arith.select %gt3A_574, %scan3A_30#0, %broadcast_in_dim3A_578 : vector<16xi1>, vector<16xi32>
      %reduce_sum3A_580 = arith.constant true
      %reduce_sum3A_581 = vector.broadcast %reduce_sum3A_580 : i1 to vector<16xi1>
      %reduce_sum3A_582 = tpu.scan <sum>, %select_n3A_579 masked %reduce_sum3A_581 : vector<16xi32>, vector<16xi1> -> vector<16xi32>
      %reduce_sum3A_583 = vector.extract %reduce_sum3A_582[15] : i32 from vector<16xi32>
      %add3A_584 = arith.constant 0 : i32
      %add3A_585 = arith.addi %add3A_584, %reduce_sum3A_583 : i32
      %jit3A_586 = arith.constant 0.000000e+00 : f32
      %broadcast_in_dim3A_587 = vector.broadcast %jit3A_586 : f32 to vector<16xf32>
      %select_n3A_588 = arith.select %gt3A_574, %scan3A_30#1, %broadcast_in_dim3A_587 : vector<16xi1>, vector<16xf32>
      %reduce_sum3A_589 = arith.constant true
      %reduce_sum3A_590 = vector.broadcast %reduce_sum3A_589 : i1 to vector<16xi1>
      %reduce_sum3A_591 = tpu.scan <sum>, %select_n3A_588 masked %reduce_sum3A_590 : vector<16xf32>, vector<16xi1> -> vector<16xf32>
      %reduce_sum3A_592 = vector.extract %reduce_sum3A_591[15] : f32 from vector<16xf32>
      %add3A_593 = arith.constant 0.000000e+00 : f32
      %add3A_594 = arith.addf %add3A_593, %reduce_sum3A_592 : f32
      %jit3A_595 = arith.constant 0 : i32
      %broadcast_in_dim3A_596 = vector.broadcast %jit3A_595 : i32 to vector<16xi32>
      %select_n3A_597 = arith.select %eq3A_576, %scan3A_30#0, %broadcast_in_dim3A_596 : vector<16xi1>, vector<16xi32>
      %reduce_sum3A_598 = arith.constant true
      %reduce_sum3A_599 = vector.broadcast %reduce_sum3A_598 : i1 to vector<16xi1>
      %reduce_sum3A_600 = tpu.scan <sum>, %select_n3A_597 masked %reduce_sum3A_599 : vector<16xi32>, vector<16xi1> -> vector<16xi32>
      %reduce_sum3A_601 = vector.extract %reduce_sum3A_600[15] : i32 from vector<16xi32>
      %add3A_602 = arith.constant 0 : i32
      %add3A_603 = arith.addi %add3A_602, %reduce_sum3A_601 : i32
      %jit3A_604 = arith.constant 0.000000e+00 : f32
      %broadcast_in_dim3A_605 = vector.broadcast %jit3A_604 : f32 to vector<16xf32>
      %select_n3A_606 = arith.select %eq3A_576, %scan3A_30#1, %broadcast_in_dim3A_605 : vector<16xi1>, vector<16xf32>
      %reduce_sum3A_607 = arith.constant true
      %reduce_sum3A_608 = vector.broadcast %reduce_sum3A_607 : i1 to vector<16xi1>
      %reduce_sum3A_609 = tpu.scan <sum>, %select_n3A_606 masked %reduce_sum3A_608 : vector<16xf32>, vector<16xi1> -> vector<16xf32>
      %reduce_sum3A_610 = vector.extract %reduce_sum3A_609[15] : f32 from vector<16xf32>
      %add3A_611 = arith.constant 0.000000e+00 : f32
      %add3A_612 = arith.addf %add3A_611, %reduce_sum3A_610 : f32
      %add3A_613 = arith.constant 16 : i32
      %add3A_614 = vector.broadcast %add3A_613 : i32 to vector<16xi32>
      %add3A_615 = arith.addi %iota3A, %add3A_614 : vector<16xi32>
      %gt3A_616 = vector.broadcast %sub3A_570 : i32 to vector<16xi32>
      %gt3A_617 = arith.cmpi sgt, %add3A_615, %gt3A_616 : vector<16xi32>
      %eq3A_618 = vector.broadcast %sub3A_570 : i32 to vector<16xi32>
      %eq3A_619 = arith.cmpi eq, %add3A_615, %eq3A_618 : vector<16xi32>
      %jit3A_620 = arith.constant 0 : i32
      %broadcast_in_dim3A_621 = vector.broadcast %jit3A_620 : i32 to vector<16xi32>
      %select_n3A_622 = arith.select %gt3A_617, %scan3A_36#0, %broadcast_in_dim3A_621 : vector<16xi1>, vector<16xi32>
      %reduce_sum3A_623 = arith.constant true
      %reduce_sum3A_624 = vector.broadcast %reduce_sum3A_623 : i1 to vector<16xi1>
      %reduce_sum3A_625 = tpu.scan <sum>, %select_n3A_622 masked %reduce_sum3A_624 : vector<16xi32>, vector<16xi1> -> vector<16xi32>
      %reduce_sum3A_626 = vector.extract %reduce_sum3A_625[15] : i32 from vector<16xi32>
      %add3A_627 = arith.addi %add3A_585, %reduce_sum3A_626 : i32
      %jit3A_628 = arith.constant 0.000000e+00 : f32
      %broadcast_in_dim3A_629 = vector.broadcast %jit3A_628 : f32 to vector<16xf32>
      %select_n3A_630 = arith.select %gt3A_617, %scan3A_36#1, %broadcast_in_dim3A_629 : vector<16xi1>, vector<16xf32>
      %reduce_sum3A_631 = arith.constant true
      %reduce_sum3A_632 = vector.broadcast %reduce_sum3A_631 : i1 to vector<16xi1>
      %reduce_sum3A_633 = tpu.scan <sum>, %select_n3A_630 masked %reduce_sum3A_632 : vector<16xf32>, vector<16xi1> -> vector<16xf32>
      %reduce_sum3A_634 = vector.extract %reduce_sum3A_633[15] : f32 from vector<16xf32>
      %add3A_635 = arith.addf %add3A_594, %reduce_sum3A_634 : f32
      %jit3A_636 = arith.constant 0 : i32
      %broadcast_in_dim3A_637 = vector.broadcast %jit3A_636 : i32 to vector<16xi32>
      %select_n3A_638 = arith.select %eq3A_619, %scan3A_36#0, %broadcast_in_dim3A_637 : vector<16xi1>, vector<16xi32>
      %reduce_sum3A_639 = arith.constant true
      %reduce_sum3A_640 = vector.broadcast %reduce_sum3A_639 : i1 to vector<16xi1>
      %reduce_sum3A_641 = tpu.scan <sum>, %select_n3A_638 masked %reduce_sum3A_640 : vector<16xi32>, vector<16xi1> -> vector<16xi32>
      %reduce_sum3A_642 = vector.extract %reduce_sum3A_641[15] : i32 from vector<16xi32>
      %add3A_643 = arith.addi %add3A_603, %reduce_sum3A_642 : i32
      %jit3A_644 = arith.constant 0.000000e+00 : f32
      %broadcast_in_dim3A_645 = vector.broadcast %jit3A_644 : f32 to vector<16xf32>
      %select_n3A_646 = arith.select %eq3A_619, %scan3A_36#1, %broadcast_in_dim3A_645 : vector<16xi1>, vector<16xf32>
      %reduce_sum3A_647 = arith.constant true
      %reduce_sum3A_648 = vector.broadcast %reduce_sum3A_647 : i1 to vector<16xi1>
      %reduce_sum3A_649 = tpu.scan <sum>, %select_n3A_646 masked %reduce_sum3A_648 : vector<16xf32>, vector<16xi1> -> vector<16xf32>
      %reduce_sum3A_650 = vector.extract %reduce_sum3A_649[15] : f32 from vector<16xf32>
      %add3A_651 = arith.addf %add3A_612, %reduce_sum3A_650 : f32
      %add3A_652 = arith.constant 32 : i32
      %add3A_653 = vector.broadcast %add3A_652 : i32 to vector<16xi32>
      %add3A_654 = arith.addi %iota3A, %add3A_653 : vector<16xi32>
      %gt3A_655 = vector.broadcast %sub3A_570 : i32 to vector<16xi32>
      %gt3A_656 = arith.cmpi sgt, %add3A_654, %gt3A_655 : vector<16xi32>
      %eq3A_657 = vector.broadcast %sub3A_570 : i32 to vector<16xi32>
      %eq3A_658 = arith.cmpi eq, %add3A_654, %eq3A_657 : vector<16xi32>
      %jit3A_659 = arith.constant 0 : i32
      %broadcast_in_dim3A_660 = vector.broadcast %jit3A_659 : i32 to vector<16xi32>
      %select_n3A_661 = arith.select %gt3A_656, %scan3A_42#0, %broadcast_in_dim3A_660 : vector<16xi1>, vector<16xi32>
      %reduce_sum3A_662 = arith.constant true
      %reduce_sum3A_663 = vector.broadcast %reduce_sum3A_662 : i1 to vector<16xi1>
      %reduce_sum3A_664 = tpu.scan <sum>, %select_n3A_661 masked %reduce_sum3A_663 : vector<16xi32>, vector<16xi1> -> vector<16xi32>
      %reduce_sum3A_665 = vector.extract %reduce_sum3A_664[15] : i32 from vector<16xi32>
      %add3A_666 = arith.addi %add3A_627, %reduce_sum3A_665 : i32
      %jit3A_667 = arith.constant 0.000000e+00 : f32
      %broadcast_in_dim3A_668 = vector.broadcast %jit3A_667 : f32 to vector<16xf32>
      %select_n3A_669 = arith.select %gt3A_656, %scan3A_42#1, %broadcast_in_dim3A_668 : vector<16xi1>, vector<16xf32>
      %reduce_sum3A_670 = arith.constant true
      %reduce_sum3A_671 = vector.broadcast %reduce_sum3A_670 : i1 to vector<16xi1>
      %reduce_sum3A_672 = tpu.scan <sum>, %select_n3A_669 masked %reduce_sum3A_671 : vector<16xf32>, vector<16xi1> -> vector<16xf32>
      %reduce_sum3A_673 = vector.extract %reduce_sum3A_672[15] : f32 from vector<16xf32>
      %add3A_674 = arith.addf %add3A_635, %reduce_sum3A_673 : f32
      %jit3A_675 = arith.constant 0 : i32
      %broadcast_in_dim3A_676 = vector.broadcast %jit3A_675 : i32 to vector<16xi32>
      %select_n3A_677 = arith.select %eq3A_658, %scan3A_42#0, %broadcast_in_dim3A_676 : vector<16xi1>, vector<16xi32>
      %reduce_sum3A_678 = arith.constant true
      %reduce_sum3A_679 = vector.broadcast %reduce_sum3A_678 : i1 to vector<16xi1>
      %reduce_sum3A_680 = tpu.scan <sum>, %select_n3A_677 masked %reduce_sum3A_679 : vector<16xi32>, vector<16xi1> -> vector<16xi32>
      %reduce_sum3A_681 = vector.extract %reduce_sum3A_680[15] : i32 from vector<16xi32>
      %add3A_682 = arith.addi %add3A_643, %reduce_sum3A_681 : i32
      %jit3A_683 = arith.constant 0.000000e+00 : f32
      %broadcast_in_dim3A_684 = vector.broadcast %jit3A_683 : f32 to vector<16xf32>
      %select_n3A_685 = arith.select %eq3A_658, %scan3A_42#1, %broadcast_in_dim3A_684 : vector<16xi1>, vector<16xf32>
      %reduce_sum3A_686 = arith.constant true
      %reduce_sum3A_687 = vector.broadcast %reduce_sum3A_686 : i1 to vector<16xi1>
      %reduce_sum3A_688 = tpu.scan <sum>, %select_n3A_685 masked %reduce_sum3A_687 : vector<16xf32>, vector<16xi1> -> vector<16xf32>
      %reduce_sum3A_689 = vector.extract %reduce_sum3A_688[15] : f32 from vector<16xf32>
      %add3A_690 = arith.addf %add3A_651, %reduce_sum3A_689 : f32
      %add3A_691 = arith.constant 48 : i32
      %add3A_692 = vector.broadcast %add3A_691 : i32 to vector<16xi32>
      %add3A_693 = arith.addi %iota3A, %add3A_692 : vector<16xi32>
      %gt3A_694 = vector.broadcast %sub3A_570 : i32 to vector<16xi32>
      %gt3A_695 = arith.cmpi sgt, %add3A_693, %gt3A_694 : vector<16xi32>
      %eq3A_696 = vector.broadcast %sub3A_570 : i32 to vector<16xi32>
      %eq3A_697 = arith.cmpi eq, %add3A_693, %eq3A_696 : vector<16xi32>
      %jit3A_698 = arith.constant 0 : i32
      %broadcast_in_dim3A_699 = vector.broadcast %jit3A_698 : i32 to vector<16xi32>
      %select_n3A_700 = arith.select %gt3A_695, %scan3A_48#0, %broadcast_in_dim3A_699 : vector<16xi1>, vector<16xi32>
      %reduce_sum3A_701 = arith.constant true
      %reduce_sum3A_702 = vector.broadcast %reduce_sum3A_701 : i1 to vector<16xi1>
      %reduce_sum3A_703 = tpu.scan <sum>, %select_n3A_700 masked %reduce_sum3A_702 : vector<16xi32>, vector<16xi1> -> vector<16xi32>
      %reduce_sum3A_704 = vector.extract %reduce_sum3A_703[15] : i32 from vector<16xi32>
      %add3A_705 = arith.addi %add3A_666, %reduce_sum3A_704 : i32
      %jit3A_706 = arith.constant 0.000000e+00 : f32
      %broadcast_in_dim3A_707 = vector.broadcast %jit3A_706 : f32 to vector<16xf32>
      %select_n3A_708 = arith.select %gt3A_695, %scan3A_48#1, %broadcast_in_dim3A_707 : vector<16xi1>, vector<16xf32>
      %reduce_sum3A_709 = arith.constant true
      %reduce_sum3A_710 = vector.broadcast %reduce_sum3A_709 : i1 to vector<16xi1>
      %reduce_sum3A_711 = tpu.scan <sum>, %select_n3A_708 masked %reduce_sum3A_710 : vector<16xf32>, vector<16xi1> -> vector<16xf32>
      %reduce_sum3A_712 = vector.extract %reduce_sum3A_711[15] : f32 from vector<16xf32>
      %add3A_713 = arith.addf %add3A_674, %reduce_sum3A_712 : f32
      %jit3A_714 = arith.constant 0 : i32
      %broadcast_in_dim3A_715 = vector.broadcast %jit3A_714 : i32 to vector<16xi32>
      %select_n3A_716 = arith.select %eq3A_697, %scan3A_48#0, %broadcast_in_dim3A_715 : vector<16xi1>, vector<16xi32>
      %reduce_sum3A_717 = arith.constant true
      %reduce_sum3A_718 = vector.broadcast %reduce_sum3A_717 : i1 to vector<16xi1>
      %reduce_sum3A_719 = tpu.scan <sum>, %select_n3A_716 masked %reduce_sum3A_718 : vector<16xi32>, vector<16xi1> -> vector<16xi32>
      %reduce_sum3A_720 = vector.extract %reduce_sum3A_719[15] : i32 from vector<16xi32>
      %add3A_721 = arith.addi %add3A_682, %reduce_sum3A_720 : i32
      %jit3A_722 = arith.constant 0.000000e+00 : f32
      %broadcast_in_dim3A_723 = vector.broadcast %jit3A_722 : f32 to vector<16xf32>
      %select_n3A_724 = arith.select %eq3A_697, %scan3A_48#1, %broadcast_in_dim3A_723 : vector<16xi1>, vector<16xf32>
      %reduce_sum3A_725 = arith.constant true
      %reduce_sum3A_726 = vector.broadcast %reduce_sum3A_725 : i1 to vector<16xi1>
      %reduce_sum3A_727 = tpu.scan <sum>, %select_n3A_724 masked %reduce_sum3A_726 : vector<16xf32>, vector<16xi1> -> vector<16xf32>
      %reduce_sum3A_728 = vector.extract %reduce_sum3A_727[15] : f32 from vector<16xf32>
      %add3A_729 = arith.addf %add3A_690, %reduce_sum3A_728 : f32
      %add3A_730 = arith.constant 64 : i32
      %add3A_731 = vector.broadcast %add3A_730 : i32 to vector<16xi32>
      %add3A_732 = arith.addi %iota3A, %add3A_731 : vector<16xi32>
      %gt3A_733 = vector.broadcast %sub3A_570 : i32 to vector<16xi32>
      %gt3A_734 = arith.cmpi sgt, %add3A_732, %gt3A_733 : vector<16xi32>
      %eq3A_735 = vector.broadcast %sub3A_570 : i32 to vector<16xi32>
      %eq3A_736 = arith.cmpi eq, %add3A_732, %eq3A_735 : vector<16xi32>
      %jit3A_737 = arith.constant 0 : i32
      %broadcast_in_dim3A_738 = vector.broadcast %jit3A_737 : i32 to vector<16xi32>
      %select_n3A_739 = arith.select %gt3A_734, %scan3A_54#0, %broadcast_in_dim3A_738 : vector<16xi1>, vector<16xi32>
      %reduce_sum3A_740 = arith.constant true
      %reduce_sum3A_741 = vector.broadcast %reduce_sum3A_740 : i1 to vector<16xi1>
      %reduce_sum3A_742 = tpu.scan <sum>, %select_n3A_739 masked %reduce_sum3A_741 : vector<16xi32>, vector<16xi1> -> vector<16xi32>
      %reduce_sum3A_743 = vector.extract %reduce_sum3A_742[15] : i32 from vector<16xi32>
      %add3A_744 = arith.addi %add3A_705, %reduce_sum3A_743 : i32
      %jit3A_745 = arith.constant 0.000000e+00 : f32
      %broadcast_in_dim3A_746 = vector.broadcast %jit3A_745 : f32 to vector<16xf32>
      %select_n3A_747 = arith.select %gt3A_734, %scan3A_54#1, %broadcast_in_dim3A_746 : vector<16xi1>, vector<16xf32>
      %reduce_sum3A_748 = arith.constant true
      %reduce_sum3A_749 = vector.broadcast %reduce_sum3A_748 : i1 to vector<16xi1>
      %reduce_sum3A_750 = tpu.scan <sum>, %select_n3A_747 masked %reduce_sum3A_749 : vector<16xf32>, vector<16xi1> -> vector<16xf32>
      %reduce_sum3A_751 = vector.extract %reduce_sum3A_750[15] : f32 from vector<16xf32>
      %add3A_752 = arith.addf %add3A_713, %reduce_sum3A_751 : f32
      %jit3A_753 = arith.constant 0 : i32
      %broadcast_in_dim3A_754 = vector.broadcast %jit3A_753 : i32 to vector<16xi32>
      %select_n3A_755 = arith.select %eq3A_736, %scan3A_54#0, %broadcast_in_dim3A_754 : vector<16xi1>, vector<16xi32>
      %reduce_sum3A_756 = arith.constant true
      %reduce_sum3A_757 = vector.broadcast %reduce_sum3A_756 : i1 to vector<16xi1>
      %reduce_sum3A_758 = tpu.scan <sum>, %select_n3A_755 masked %reduce_sum3A_757 : vector<16xi32>, vector<16xi1> -> vector<16xi32>
      %reduce_sum3A_759 = vector.extract %reduce_sum3A_758[15] : i32 from vector<16xi32>
      %add3A_760 = arith.addi %add3A_721, %reduce_sum3A_759 : i32
      %jit3A_761 = arith.constant 0.000000e+00 : f32
      %broadcast_in_dim3A_762 = vector.broadcast %jit3A_761 : f32 to vector<16xf32>
      %select_n3A_763 = arith.select %eq3A_736, %scan3A_54#1, %broadcast_in_dim3A_762 : vector<16xi1>, vector<16xf32>
      %reduce_sum3A_764 = arith.constant true
      %reduce_sum3A_765 = vector.broadcast %reduce_sum3A_764 : i1 to vector<16xi1>
      %reduce_sum3A_766 = tpu.scan <sum>, %select_n3A_763 masked %reduce_sum3A_765 : vector<16xf32>, vector<16xi1> -> vector<16xf32>
      %reduce_sum3A_767 = vector.extract %reduce_sum3A_766[15] : f32 from vector<16xf32>
      %add3A_768 = arith.addf %add3A_729, %reduce_sum3A_767 : f32
      %add3A_769 = arith.constant 80 : i32
      %add3A_770 = vector.broadcast %add3A_769 : i32 to vector<16xi32>
      %add3A_771 = arith.addi %iota3A, %add3A_770 : vector<16xi32>
      %gt3A_772 = vector.broadcast %sub3A_570 : i32 to vector<16xi32>
      %gt3A_773 = arith.cmpi sgt, %add3A_771, %gt3A_772 : vector<16xi32>
      %eq3A_774 = vector.broadcast %sub3A_570 : i32 to vector<16xi32>
      %eq3A_775 = arith.cmpi eq, %add3A_771, %eq3A_774 : vector<16xi32>
      %jit3A_776 = arith.constant 0 : i32
      %broadcast_in_dim3A_777 = vector.broadcast %jit3A_776 : i32 to vector<16xi32>
      %select_n3A_778 = arith.select %gt3A_773, %scan3A_60#0, %broadcast_in_dim3A_777 : vector<16xi1>, vector<16xi32>
      %reduce_sum3A_779 = arith.constant true
      %reduce_sum3A_780 = vector.broadcast %reduce_sum3A_779 : i1 to vector<16xi1>
      %reduce_sum3A_781 = tpu.scan <sum>, %select_n3A_778 masked %reduce_sum3A_780 : vector<16xi32>, vector<16xi1> -> vector<16xi32>
      %reduce_sum3A_782 = vector.extract %reduce_sum3A_781[15] : i32 from vector<16xi32>
      %add3A_783 = arith.addi %add3A_744, %reduce_sum3A_782 : i32
      %jit3A_784 = arith.constant 0.000000e+00 : f32
      %broadcast_in_dim3A_785 = vector.broadcast %jit3A_784 : f32 to vector<16xf32>
      %select_n3A_786 = arith.select %gt3A_773, %scan3A_60#1, %broadcast_in_dim3A_785 : vector<16xi1>, vector<16xf32>
      %reduce_sum3A_787 = arith.constant true
      %reduce_sum3A_788 = vector.broadcast %reduce_sum3A_787 : i1 to vector<16xi1>
      %reduce_sum3A_789 = tpu.scan <sum>, %select_n3A_786 masked %reduce_sum3A_788 : vector<16xf32>, vector<16xi1> -> vector<16xf32>
      %reduce_sum3A_790 = vector.extract %reduce_sum3A_789[15] : f32 from vector<16xf32>
      %add3A_791 = arith.addf %add3A_752, %reduce_sum3A_790 : f32
      %jit3A_792 = arith.constant 0 : i32
      %broadcast_in_dim3A_793 = vector.broadcast %jit3A_792 : i32 to vector<16xi32>
      %select_n3A_794 = arith.select %eq3A_775, %scan3A_60#0, %broadcast_in_dim3A_793 : vector<16xi1>, vector<16xi32>
      %reduce_sum3A_795 = arith.constant true
      %reduce_sum3A_796 = vector.broadcast %reduce_sum3A_795 : i1 to vector<16xi1>
      %reduce_sum3A_797 = tpu.scan <sum>, %select_n3A_794 masked %reduce_sum3A_796 : vector<16xi32>, vector<16xi1> -> vector<16xi32>
      %reduce_sum3A_798 = vector.extract %reduce_sum3A_797[15] : i32 from vector<16xi32>
      %add3A_799 = arith.addi %add3A_760, %reduce_sum3A_798 : i32
      %jit3A_800 = arith.constant 0.000000e+00 : f32
      %broadcast_in_dim3A_801 = vector.broadcast %jit3A_800 : f32 to vector<16xf32>
      %select_n3A_802 = arith.select %eq3A_775, %scan3A_60#1, %broadcast_in_dim3A_801 : vector<16xi1>, vector<16xf32>
      %reduce_sum3A_803 = arith.constant true
      %reduce_sum3A_804 = vector.broadcast %reduce_sum3A_803 : i1 to vector<16xi1>
      %reduce_sum3A_805 = tpu.scan <sum>, %select_n3A_802 masked %reduce_sum3A_804 : vector<16xf32>, vector<16xi1> -> vector<16xf32>
      %reduce_sum3A_806 = vector.extract %reduce_sum3A_805[15] : f32 from vector<16xf32>
      %add3A_807 = arith.addf %add3A_768, %reduce_sum3A_806 : f32
      %add3A_808 = arith.constant 96 : i32
      %add3A_809 = vector.broadcast %add3A_808 : i32 to vector<16xi32>
      %add3A_810 = arith.addi %iota3A, %add3A_809 : vector<16xi32>
      %gt3A_811 = vector.broadcast %sub3A_570 : i32 to vector<16xi32>
      %gt3A_812 = arith.cmpi sgt, %add3A_810, %gt3A_811 : vector<16xi32>
      %eq3A_813 = vector.broadcast %sub3A_570 : i32 to vector<16xi32>
      %eq3A_814 = arith.cmpi eq, %add3A_810, %eq3A_813 : vector<16xi32>
      %jit3A_815 = arith.constant 0 : i32
      %broadcast_in_dim3A_816 = vector.broadcast %jit3A_815 : i32 to vector<16xi32>
      %select_n3A_817 = arith.select %gt3A_812, %scan3A_66#0, %broadcast_in_dim3A_816 : vector<16xi1>, vector<16xi32>
      %reduce_sum3A_818 = arith.constant true
      %reduce_sum3A_819 = vector.broadcast %reduce_sum3A_818 : i1 to vector<16xi1>
      %reduce_sum3A_820 = tpu.scan <sum>, %select_n3A_817 masked %reduce_sum3A_819 : vector<16xi32>, vector<16xi1> -> vector<16xi32>
      %reduce_sum3A_821 = vector.extract %reduce_sum3A_820[15] : i32 from vector<16xi32>
      %add3A_822 = arith.addi %add3A_783, %reduce_sum3A_821 : i32
      %jit3A_823 = arith.constant 0.000000e+00 : f32
      %broadcast_in_dim3A_824 = vector.broadcast %jit3A_823 : f32 to vector<16xf32>
      %select_n3A_825 = arith.select %gt3A_812, %scan3A_66#1, %broadcast_in_dim3A_824 : vector<16xi1>, vector<16xf32>
      %reduce_sum3A_826 = arith.constant true
      %reduce_sum3A_827 = vector.broadcast %reduce_sum3A_826 : i1 to vector<16xi1>
      %reduce_sum3A_828 = tpu.scan <sum>, %select_n3A_825 masked %reduce_sum3A_827 : vector<16xf32>, vector<16xi1> -> vector<16xf32>
      %reduce_sum3A_829 = vector.extract %reduce_sum3A_828[15] : f32 from vector<16xf32>
      %add3A_830 = arith.addf %add3A_791, %reduce_sum3A_829 : f32
      %jit3A_831 = arith.constant 0 : i32
      %broadcast_in_dim3A_832 = vector.broadcast %jit3A_831 : i32 to vector<16xi32>
      %select_n3A_833 = arith.select %eq3A_814, %scan3A_66#0, %broadcast_in_dim3A_832 : vector<16xi1>, vector<16xi32>
      %reduce_sum3A_834 = arith.constant true
      %reduce_sum3A_835 = vector.broadcast %reduce_sum3A_834 : i1 to vector<16xi1>
      %reduce_sum3A_836 = tpu.scan <sum>, %select_n3A_833 masked %reduce_sum3A_835 : vector<16xi32>, vector<16xi1> -> vector<16xi32>
      %reduce_sum3A_837 = vector.extract %reduce_sum3A_836[15] : i32 from vector<16xi32>
      %add3A_838 = arith.addi %add3A_799, %reduce_sum3A_837 : i32
      %jit3A_839 = arith.constant 0.000000e+00 : f32
      %broadcast_in_dim3A_840 = vector.broadcast %jit3A_839 : f32 to vector<16xf32>
      %select_n3A_841 = arith.select %eq3A_814, %scan3A_66#1, %broadcast_in_dim3A_840 : vector<16xi1>, vector<16xf32>
      %reduce_sum3A_842 = arith.constant true
      %reduce_sum3A_843 = vector.broadcast %reduce_sum3A_842 : i1 to vector<16xi1>
      %reduce_sum3A_844 = tpu.scan <sum>, %select_n3A_841 masked %reduce_sum3A_843 : vector<16xf32>, vector<16xi1> -> vector<16xf32>
      %reduce_sum3A_845 = vector.extract %reduce_sum3A_844[15] : f32 from vector<16xf32>
      %add3A_846 = arith.addf %add3A_807, %reduce_sum3A_845 : f32
      %add3A_847 = arith.constant 112 : i32
      %add3A_848 = vector.broadcast %add3A_847 : i32 to vector<16xi32>
      %add3A_849 = arith.addi %iota3A, %add3A_848 : vector<16xi32>
      %gt3A_850 = vector.broadcast %sub3A_570 : i32 to vector<16xi32>
      %gt3A_851 = arith.cmpi sgt, %add3A_849, %gt3A_850 : vector<16xi32>
      %eq3A_852 = vector.broadcast %sub3A_570 : i32 to vector<16xi32>
      %eq3A_853 = arith.cmpi eq, %add3A_849, %eq3A_852 : vector<16xi32>
      %jit3A_854 = arith.constant 0 : i32
      %broadcast_in_dim3A_855 = vector.broadcast %jit3A_854 : i32 to vector<16xi32>
      %select_n3A_856 = arith.select %gt3A_851, %scan3A_72#0, %broadcast_in_dim3A_855 : vector<16xi1>, vector<16xi32>
      %reduce_sum3A_857 = arith.constant true
      %reduce_sum3A_858 = vector.broadcast %reduce_sum3A_857 : i1 to vector<16xi1>
      %reduce_sum3A_859 = tpu.scan <sum>, %select_n3A_856 masked %reduce_sum3A_858 : vector<16xi32>, vector<16xi1> -> vector<16xi32>
      %reduce_sum3A_860 = vector.extract %reduce_sum3A_859[15] : i32 from vector<16xi32>
      %add3A_861 = arith.addi %add3A_822, %reduce_sum3A_860 : i32
      %jit3A_862 = arith.constant 0.000000e+00 : f32
      %broadcast_in_dim3A_863 = vector.broadcast %jit3A_862 : f32 to vector<16xf32>
      %select_n3A_864 = arith.select %gt3A_851, %scan3A_72#1, %broadcast_in_dim3A_863 : vector<16xi1>, vector<16xf32>
      %reduce_sum3A_865 = arith.constant true
      %reduce_sum3A_866 = vector.broadcast %reduce_sum3A_865 : i1 to vector<16xi1>
      %reduce_sum3A_867 = tpu.scan <sum>, %select_n3A_864 masked %reduce_sum3A_866 : vector<16xf32>, vector<16xi1> -> vector<16xf32>
      %reduce_sum3A_868 = vector.extract %reduce_sum3A_867[15] : f32 from vector<16xf32>
      %add3A_869 = arith.addf %add3A_830, %reduce_sum3A_868 : f32
      %jit3A_870 = arith.constant 0 : i32
      %broadcast_in_dim3A_871 = vector.broadcast %jit3A_870 : i32 to vector<16xi32>
      %select_n3A_872 = arith.select %eq3A_853, %scan3A_72#0, %broadcast_in_dim3A_871 : vector<16xi1>, vector<16xi32>
      %reduce_sum3A_873 = arith.constant true
      %reduce_sum3A_874 = vector.broadcast %reduce_sum3A_873 : i1 to vector<16xi1>
      %reduce_sum3A_875 = tpu.scan <sum>, %select_n3A_872 masked %reduce_sum3A_874 : vector<16xi32>, vector<16xi1> -> vector<16xi32>
      %reduce_sum3A_876 = vector.extract %reduce_sum3A_875[15] : i32 from vector<16xi32>
      %add3A_877 = arith.addi %add3A_838, %reduce_sum3A_876 : i32
      %jit3A_878 = arith.constant 0.000000e+00 : f32
      %broadcast_in_dim3A_879 = vector.broadcast %jit3A_878 : f32 to vector<16xf32>
      %select_n3A_880 = arith.select %eq3A_853, %scan3A_72#1, %broadcast_in_dim3A_879 : vector<16xi1>, vector<16xf32>
      %reduce_sum3A_881 = arith.constant true
      %reduce_sum3A_882 = vector.broadcast %reduce_sum3A_881 : i1 to vector<16xi1>
      %reduce_sum3A_883 = tpu.scan <sum>, %select_n3A_880 masked %reduce_sum3A_882 : vector<16xf32>, vector<16xi1> -> vector<16xf32>
      %reduce_sum3A_884 = vector.extract %reduce_sum3A_883[15] : f32 from vector<16xf32>
      %add3A_885 = arith.addf %add3A_846, %reduce_sum3A_884 : f32
      %add3A_886 = arith.constant 128 : i32
      %add3A_887 = vector.broadcast %add3A_886 : i32 to vector<16xi32>
      %add3A_888 = arith.addi %iota3A, %add3A_887 : vector<16xi32>
      %gt3A_889 = vector.broadcast %sub3A_570 : i32 to vector<16xi32>
      %gt3A_890 = arith.cmpi sgt, %add3A_888, %gt3A_889 : vector<16xi32>
      %eq3A_891 = vector.broadcast %sub3A_570 : i32 to vector<16xi32>
      %eq3A_892 = arith.cmpi eq, %add3A_888, %eq3A_891 : vector<16xi32>
      %jit3A_893 = arith.constant 0 : i32
      %broadcast_in_dim3A_894 = vector.broadcast %jit3A_893 : i32 to vector<16xi32>
      %select_n3A_895 = arith.select %gt3A_890, %scan3A_78#0, %broadcast_in_dim3A_894 : vector<16xi1>, vector<16xi32>
      %reduce_sum3A_896 = arith.constant true
      %reduce_sum3A_897 = vector.broadcast %reduce_sum3A_896 : i1 to vector<16xi1>
      %reduce_sum3A_898 = tpu.scan <sum>, %select_n3A_895 masked %reduce_sum3A_897 : vector<16xi32>, vector<16xi1> -> vector<16xi32>
      %reduce_sum3A_899 = vector.extract %reduce_sum3A_898[15] : i32 from vector<16xi32>
      %add3A_900 = arith.addi %add3A_861, %reduce_sum3A_899 : i32
      %jit3A_901 = arith.constant 0.000000e+00 : f32
      %broadcast_in_dim3A_902 = vector.broadcast %jit3A_901 : f32 to vector<16xf32>
      %select_n3A_903 = arith.select %gt3A_890, %scan3A_78#1, %broadcast_in_dim3A_902 : vector<16xi1>, vector<16xf32>
      %reduce_sum3A_904 = arith.constant true
      %reduce_sum3A_905 = vector.broadcast %reduce_sum3A_904 : i1 to vector<16xi1>
      %reduce_sum3A_906 = tpu.scan <sum>, %select_n3A_903 masked %reduce_sum3A_905 : vector<16xf32>, vector<16xi1> -> vector<16xf32>
      %reduce_sum3A_907 = vector.extract %reduce_sum3A_906[15] : f32 from vector<16xf32>
      %add3A_908 = arith.addf %add3A_869, %reduce_sum3A_907 : f32
      %jit3A_909 = arith.constant 0 : i32
      %broadcast_in_dim3A_910 = vector.broadcast %jit3A_909 : i32 to vector<16xi32>
      %select_n3A_911 = arith.select %eq3A_892, %scan3A_78#0, %broadcast_in_dim3A_910 : vector<16xi1>, vector<16xi32>
      %reduce_sum3A_912 = arith.constant true
      %reduce_sum3A_913 = vector.broadcast %reduce_sum3A_912 : i1 to vector<16xi1>
      %reduce_sum3A_914 = tpu.scan <sum>, %select_n3A_911 masked %reduce_sum3A_913 : vector<16xi32>, vector<16xi1> -> vector<16xi32>
      %reduce_sum3A_915 = vector.extract %reduce_sum3A_914[15] : i32 from vector<16xi32>
      %add3A_916 = arith.addi %add3A_877, %reduce_sum3A_915 : i32
      %jit3A_917 = arith.constant 0.000000e+00 : f32
      %broadcast_in_dim3A_918 = vector.broadcast %jit3A_917 : f32 to vector<16xf32>
      %select_n3A_919 = arith.select %eq3A_892, %scan3A_78#1, %broadcast_in_dim3A_918 : vector<16xi1>, vector<16xf32>
      %reduce_sum3A_920 = arith.constant true
      %reduce_sum3A_921 = vector.broadcast %reduce_sum3A_920 : i1 to vector<16xi1>
      %reduce_sum3A_922 = tpu.scan <sum>, %select_n3A_919 masked %reduce_sum3A_921 : vector<16xf32>, vector<16xi1> -> vector<16xf32>
      %reduce_sum3A_923 = vector.extract %reduce_sum3A_922[15] : f32 from vector<16xf32>
      %add3A_924 = arith.addf %add3A_885, %reduce_sum3A_923 : f32
      %add3A_925 = arith.constant 144 : i32
      %add3A_926 = vector.broadcast %add3A_925 : i32 to vector<16xi32>
      %add3A_927 = arith.addi %iota3A, %add3A_926 : vector<16xi32>
      %gt3A_928 = vector.broadcast %sub3A_570 : i32 to vector<16xi32>
      %gt3A_929 = arith.cmpi sgt, %add3A_927, %gt3A_928 : vector<16xi32>
      %eq3A_930 = vector.broadcast %sub3A_570 : i32 to vector<16xi32>
      %eq3A_931 = arith.cmpi eq, %add3A_927, %eq3A_930 : vector<16xi32>
      %jit3A_932 = arith.constant 0 : i32
      %broadcast_in_dim3A_933 = vector.broadcast %jit3A_932 : i32 to vector<16xi32>
      %select_n3A_934 = arith.select %gt3A_929, %scan3A_84#0, %broadcast_in_dim3A_933 : vector<16xi1>, vector<16xi32>
      %reduce_sum3A_935 = arith.constant true
      %reduce_sum3A_936 = vector.broadcast %reduce_sum3A_935 : i1 to vector<16xi1>
      %reduce_sum3A_937 = tpu.scan <sum>, %select_n3A_934 masked %reduce_sum3A_936 : vector<16xi32>, vector<16xi1> -> vector<16xi32>
      %reduce_sum3A_938 = vector.extract %reduce_sum3A_937[15] : i32 from vector<16xi32>
      %add3A_939 = arith.addi %add3A_900, %reduce_sum3A_938 : i32
      %jit3A_940 = arith.constant 0.000000e+00 : f32
      %broadcast_in_dim3A_941 = vector.broadcast %jit3A_940 : f32 to vector<16xf32>
      %select_n3A_942 = arith.select %gt3A_929, %scan3A_84#1, %broadcast_in_dim3A_941 : vector<16xi1>, vector<16xf32>
      %reduce_sum3A_943 = arith.constant true
      %reduce_sum3A_944 = vector.broadcast %reduce_sum3A_943 : i1 to vector<16xi1>
      %reduce_sum3A_945 = tpu.scan <sum>, %select_n3A_942 masked %reduce_sum3A_944 : vector<16xf32>, vector<16xi1> -> vector<16xf32>
      %reduce_sum3A_946 = vector.extract %reduce_sum3A_945[15] : f32 from vector<16xf32>
      %add3A_947 = arith.addf %add3A_908, %reduce_sum3A_946 : f32
      %jit3A_948 = arith.constant 0 : i32
      %broadcast_in_dim3A_949 = vector.broadcast %jit3A_948 : i32 to vector<16xi32>
      %select_n3A_950 = arith.select %eq3A_931, %scan3A_84#0, %broadcast_in_dim3A_949 : vector<16xi1>, vector<16xi32>
      %reduce_sum3A_951 = arith.constant true
      %reduce_sum3A_952 = vector.broadcast %reduce_sum3A_951 : i1 to vector<16xi1>
      %reduce_sum3A_953 = tpu.scan <sum>, %select_n3A_950 masked %reduce_sum3A_952 : vector<16xi32>, vector<16xi1> -> vector<16xi32>
      %reduce_sum3A_954 = vector.extract %reduce_sum3A_953[15] : i32 from vector<16xi32>
      %add3A_955 = arith.addi %add3A_916, %reduce_sum3A_954 : i32
      %jit3A_956 = arith.constant 0.000000e+00 : f32
      %broadcast_in_dim3A_957 = vector.broadcast %jit3A_956 : f32 to vector<16xf32>
      %select_n3A_958 = arith.select %eq3A_931, %scan3A_84#1, %broadcast_in_dim3A_957 : vector<16xi1>, vector<16xf32>
      %reduce_sum3A_959 = arith.constant true
      %reduce_sum3A_960 = vector.broadcast %reduce_sum3A_959 : i1 to vector<16xi1>
      %reduce_sum3A_961 = tpu.scan <sum>, %select_n3A_958 masked %reduce_sum3A_960 : vector<16xf32>, vector<16xi1> -> vector<16xf32>
      %reduce_sum3A_962 = vector.extract %reduce_sum3A_961[15] : f32 from vector<16xf32>
      %add3A_963 = arith.addf %add3A_924, %reduce_sum3A_962 : f32
      %add3A_964 = arith.constant 160 : i32
      %add3A_965 = vector.broadcast %add3A_964 : i32 to vector<16xi32>
      %add3A_966 = arith.addi %iota3A, %add3A_965 : vector<16xi32>
      %gt3A_967 = vector.broadcast %sub3A_570 : i32 to vector<16xi32>
      %gt3A_968 = arith.cmpi sgt, %add3A_966, %gt3A_967 : vector<16xi32>
      %eq3A_969 = vector.broadcast %sub3A_570 : i32 to vector<16xi32>
      %eq3A_970 = arith.cmpi eq, %add3A_966, %eq3A_969 : vector<16xi32>
      %jit3A_971 = arith.constant 0 : i32
      %broadcast_in_dim3A_972 = vector.broadcast %jit3A_971 : i32 to vector<16xi32>
      %select_n3A_973 = arith.select %gt3A_968, %scan3A_90#0, %broadcast_in_dim3A_972 : vector<16xi1>, vector<16xi32>
      %reduce_sum3A_974 = arith.constant true
      %reduce_sum3A_975 = vector.broadcast %reduce_sum3A_974 : i1 to vector<16xi1>
      %reduce_sum3A_976 = tpu.scan <sum>, %select_n3A_973 masked %reduce_sum3A_975 : vector<16xi32>, vector<16xi1> -> vector<16xi32>
      %reduce_sum3A_977 = vector.extract %reduce_sum3A_976[15] : i32 from vector<16xi32>
      %add3A_978 = arith.addi %add3A_939, %reduce_sum3A_977 : i32
      %jit3A_979 = arith.constant 0.000000e+00 : f32
      %broadcast_in_dim3A_980 = vector.broadcast %jit3A_979 : f32 to vector<16xf32>
      %select_n3A_981 = arith.select %gt3A_968, %scan3A_90#1, %broadcast_in_dim3A_980 : vector<16xi1>, vector<16xf32>
      %reduce_sum3A_982 = arith.constant true
      %reduce_sum3A_983 = vector.broadcast %reduce_sum3A_982 : i1 to vector<16xi1>
      %reduce_sum3A_984 = tpu.scan <sum>, %select_n3A_981 masked %reduce_sum3A_983 : vector<16xf32>, vector<16xi1> -> vector<16xf32>
      %reduce_sum3A_985 = vector.extract %reduce_sum3A_984[15] : f32 from vector<16xf32>
      %add3A_986 = arith.addf %add3A_947, %reduce_sum3A_985 : f32
      %jit3A_987 = arith.constant 0 : i32
      %broadcast_in_dim3A_988 = vector.broadcast %jit3A_987 : i32 to vector<16xi32>
      %select_n3A_989 = arith.select %eq3A_970, %scan3A_90#0, %broadcast_in_dim3A_988 : vector<16xi1>, vector<16xi32>
      %reduce_sum3A_990 = arith.constant true
      %reduce_sum3A_991 = vector.broadcast %reduce_sum3A_990 : i1 to vector<16xi1>
      %reduce_sum3A_992 = tpu.scan <sum>, %select_n3A_989 masked %reduce_sum3A_991 : vector<16xi32>, vector<16xi1> -> vector<16xi32>
      %reduce_sum3A_993 = vector.extract %reduce_sum3A_992[15] : i32 from vector<16xi32>
      %add3A_994 = arith.addi %add3A_955, %reduce_sum3A_993 : i32
      %jit3A_995 = arith.constant 0.000000e+00 : f32
      %broadcast_in_dim3A_996 = vector.broadcast %jit3A_995 : f32 to vector<16xf32>
      %select_n3A_997 = arith.select %eq3A_970, %scan3A_90#1, %broadcast_in_dim3A_996 : vector<16xi1>, vector<16xf32>
      %reduce_sum3A_998 = arith.constant true
      %reduce_sum3A_999 = vector.broadcast %reduce_sum3A_998 : i1 to vector<16xi1>
      %reduce_sum3A_1000 = tpu.scan <sum>, %select_n3A_997 masked %reduce_sum3A_999 : vector<16xf32>, vector<16xi1> -> vector<16xf32>
      %reduce_sum3A_1001 = vector.extract %reduce_sum3A_1000[15] : f32 from vector<16xf32>
      %add3A_1002 = arith.addf %add3A_963, %reduce_sum3A_1001 : f32
      %add3A_1003 = arith.constant 176 : i32
      %add3A_1004 = vector.broadcast %add3A_1003 : i32 to vector<16xi32>
      %add3A_1005 = arith.addi %iota3A, %add3A_1004 : vector<16xi32>
      %gt3A_1006 = vector.broadcast %sub3A_570 : i32 to vector<16xi32>
      %gt3A_1007 = arith.cmpi sgt, %add3A_1005, %gt3A_1006 : vector<16xi32>
      %eq3A_1008 = vector.broadcast %sub3A_570 : i32 to vector<16xi32>
      %eq3A_1009 = arith.cmpi eq, %add3A_1005, %eq3A_1008 : vector<16xi32>
      %jit3A_1010 = arith.constant 0 : i32
      %broadcast_in_dim3A_1011 = vector.broadcast %jit3A_1010 : i32 to vector<16xi32>
      %select_n3A_1012 = arith.select %gt3A_1007, %scan3A_96#0, %broadcast_in_dim3A_1011 : vector<16xi1>, vector<16xi32>
      %reduce_sum3A_1013 = arith.constant true
      %reduce_sum3A_1014 = vector.broadcast %reduce_sum3A_1013 : i1 to vector<16xi1>
      %reduce_sum3A_1015 = tpu.scan <sum>, %select_n3A_1012 masked %reduce_sum3A_1014 : vector<16xi32>, vector<16xi1> -> vector<16xi32>
      %reduce_sum3A_1016 = vector.extract %reduce_sum3A_1015[15] : i32 from vector<16xi32>
      %add3A_1017 = arith.addi %add3A_978, %reduce_sum3A_1016 : i32
      %jit3A_1018 = arith.constant 0.000000e+00 : f32
      %broadcast_in_dim3A_1019 = vector.broadcast %jit3A_1018 : f32 to vector<16xf32>
      %select_n3A_1020 = arith.select %gt3A_1007, %scan3A_96#1, %broadcast_in_dim3A_1019 : vector<16xi1>, vector<16xf32>
      %reduce_sum3A_1021 = arith.constant true
      %reduce_sum3A_1022 = vector.broadcast %reduce_sum3A_1021 : i1 to vector<16xi1>
      %reduce_sum3A_1023 = tpu.scan <sum>, %select_n3A_1020 masked %reduce_sum3A_1022 : vector<16xf32>, vector<16xi1> -> vector<16xf32>
      %reduce_sum3A_1024 = vector.extract %reduce_sum3A_1023[15] : f32 from vector<16xf32>
      %add3A_1025 = arith.addf %add3A_986, %reduce_sum3A_1024 : f32
      %jit3A_1026 = arith.constant 0 : i32
      %broadcast_in_dim3A_1027 = vector.broadcast %jit3A_1026 : i32 to vector<16xi32>
      %select_n3A_1028 = arith.select %eq3A_1009, %scan3A_96#0, %broadcast_in_dim3A_1027 : vector<16xi1>, vector<16xi32>
      %reduce_sum3A_1029 = arith.constant true
      %reduce_sum3A_1030 = vector.broadcast %reduce_sum3A_1029 : i1 to vector<16xi1>
      %reduce_sum3A_1031 = tpu.scan <sum>, %select_n3A_1028 masked %reduce_sum3A_1030 : vector<16xi32>, vector<16xi1> -> vector<16xi32>
      %reduce_sum3A_1032 = vector.extract %reduce_sum3A_1031[15] : i32 from vector<16xi32>
      %add3A_1033 = arith.addi %add3A_994, %reduce_sum3A_1032 : i32
      %jit3A_1034 = arith.constant 0.000000e+00 : f32
      %broadcast_in_dim3A_1035 = vector.broadcast %jit3A_1034 : f32 to vector<16xf32>
      %select_n3A_1036 = arith.select %eq3A_1009, %scan3A_96#1, %broadcast_in_dim3A_1035 : vector<16xi1>, vector<16xf32>
      %reduce_sum3A_1037 = arith.constant true
      %reduce_sum3A_1038 = vector.broadcast %reduce_sum3A_1037 : i1 to vector<16xi1>
      %reduce_sum3A_1039 = tpu.scan <sum>, %select_n3A_1036 masked %reduce_sum3A_1038 : vector<16xf32>, vector<16xi1> -> vector<16xf32>
      %reduce_sum3A_1040 = vector.extract %reduce_sum3A_1039[15] : f32 from vector<16xf32>
      %add3A_1041 = arith.addf %add3A_1002, %reduce_sum3A_1040 : f32
      %add3A_1042 = arith.constant 192 : i32
      %add3A_1043 = vector.broadcast %add3A_1042 : i32 to vector<16xi32>
      %add3A_1044 = arith.addi %iota3A, %add3A_1043 : vector<16xi32>
      %gt3A_1045 = vector.broadcast %sub3A_570 : i32 to vector<16xi32>
      %gt3A_1046 = arith.cmpi sgt, %add3A_1044, %gt3A_1045 : vector<16xi32>
      %eq3A_1047 = vector.broadcast %sub3A_570 : i32 to vector<16xi32>
      %eq3A_1048 = arith.cmpi eq, %add3A_1044, %eq3A_1047 : vector<16xi32>
      %jit3A_1049 = arith.constant 0 : i32
      %broadcast_in_dim3A_1050 = vector.broadcast %jit3A_1049 : i32 to vector<16xi32>
      %select_n3A_1051 = arith.select %gt3A_1046, %scan3A_102#0, %broadcast_in_dim3A_1050 : vector<16xi1>, vector<16xi32>
      %reduce_sum3A_1052 = arith.constant true
      %reduce_sum3A_1053 = vector.broadcast %reduce_sum3A_1052 : i1 to vector<16xi1>
      %reduce_sum3A_1054 = tpu.scan <sum>, %select_n3A_1051 masked %reduce_sum3A_1053 : vector<16xi32>, vector<16xi1> -> vector<16xi32>
      %reduce_sum3A_1055 = vector.extract %reduce_sum3A_1054[15] : i32 from vector<16xi32>
      %add3A_1056 = arith.addi %add3A_1017, %reduce_sum3A_1055 : i32
      %jit3A_1057 = arith.constant 0.000000e+00 : f32
      %broadcast_in_dim3A_1058 = vector.broadcast %jit3A_1057 : f32 to vector<16xf32>
      %select_n3A_1059 = arith.select %gt3A_1046, %scan3A_102#1, %broadcast_in_dim3A_1058 : vector<16xi1>, vector<16xf32>
      %reduce_sum3A_1060 = arith.constant true
      %reduce_sum3A_1061 = vector.broadcast %reduce_sum3A_1060 : i1 to vector<16xi1>
      %reduce_sum3A_1062 = tpu.scan <sum>, %select_n3A_1059 masked %reduce_sum3A_1061 : vector<16xf32>, vector<16xi1> -> vector<16xf32>
      %reduce_sum3A_1063 = vector.extract %reduce_sum3A_1062[15] : f32 from vector<16xf32>
      %add3A_1064 = arith.addf %add3A_1025, %reduce_sum3A_1063 : f32
      %jit3A_1065 = arith.constant 0 : i32
      %broadcast_in_dim3A_1066 = vector.broadcast %jit3A_1065 : i32 to vector<16xi32>
      %select_n3A_1067 = arith.select %eq3A_1048, %scan3A_102#0, %broadcast_in_dim3A_1066 : vector<16xi1>, vector<16xi32>
      %reduce_sum3A_1068 = arith.constant true
      %reduce_sum3A_1069 = vector.broadcast %reduce_sum3A_1068 : i1 to vector<16xi1>
      %reduce_sum3A_1070 = tpu.scan <sum>, %select_n3A_1067 masked %reduce_sum3A_1069 : vector<16xi32>, vector<16xi1> -> vector<16xi32>
      %reduce_sum3A_1071 = vector.extract %reduce_sum3A_1070[15] : i32 from vector<16xi32>
      %add3A_1072 = arith.addi %add3A_1033, %reduce_sum3A_1071 : i32
      %jit3A_1073 = arith.constant 0.000000e+00 : f32
      %broadcast_in_dim3A_1074 = vector.broadcast %jit3A_1073 : f32 to vector<16xf32>
      %select_n3A_1075 = arith.select %eq3A_1048, %scan3A_102#1, %broadcast_in_dim3A_1074 : vector<16xi1>, vector<16xf32>
      %reduce_sum3A_1076 = arith.constant true
      %reduce_sum3A_1077 = vector.broadcast %reduce_sum3A_1076 : i1 to vector<16xi1>
      %reduce_sum3A_1078 = tpu.scan <sum>, %select_n3A_1075 masked %reduce_sum3A_1077 : vector<16xf32>, vector<16xi1> -> vector<16xf32>
      %reduce_sum3A_1079 = vector.extract %reduce_sum3A_1078[15] : f32 from vector<16xf32>
      %add3A_1080 = arith.addf %add3A_1041, %reduce_sum3A_1079 : f32
      %add3A_1081 = arith.constant 208 : i32
      %add3A_1082 = vector.broadcast %add3A_1081 : i32 to vector<16xi32>
      %add3A_1083 = arith.addi %iota3A, %add3A_1082 : vector<16xi32>
      %gt3A_1084 = vector.broadcast %sub3A_570 : i32 to vector<16xi32>
      %gt3A_1085 = arith.cmpi sgt, %add3A_1083, %gt3A_1084 : vector<16xi32>
      %eq3A_1086 = vector.broadcast %sub3A_570 : i32 to vector<16xi32>
      %eq3A_1087 = arith.cmpi eq, %add3A_1083, %eq3A_1086 : vector<16xi32>
      %jit3A_1088 = arith.constant 0 : i32
      %broadcast_in_dim3A_1089 = vector.broadcast %jit3A_1088 : i32 to vector<16xi32>
      %select_n3A_1090 = arith.select %gt3A_1085, %scan3A_108#0, %broadcast_in_dim3A_1089 : vector<16xi1>, vector<16xi32>
      %reduce_sum3A_1091 = arith.constant true
      %reduce_sum3A_1092 = vector.broadcast %reduce_sum3A_1091 : i1 to vector<16xi1>
      %reduce_sum3A_1093 = tpu.scan <sum>, %select_n3A_1090 masked %reduce_sum3A_1092 : vector<16xi32>, vector<16xi1> -> vector<16xi32>
      %reduce_sum3A_1094 = vector.extract %reduce_sum3A_1093[15] : i32 from vector<16xi32>
      %add3A_1095 = arith.addi %add3A_1056, %reduce_sum3A_1094 : i32
      %jit3A_1096 = arith.constant 0.000000e+00 : f32
      %broadcast_in_dim3A_1097 = vector.broadcast %jit3A_1096 : f32 to vector<16xf32>
      %select_n3A_1098 = arith.select %gt3A_1085, %scan3A_108#1, %broadcast_in_dim3A_1097 : vector<16xi1>, vector<16xf32>
      %reduce_sum3A_1099 = arith.constant true
      %reduce_sum3A_1100 = vector.broadcast %reduce_sum3A_1099 : i1 to vector<16xi1>
      %reduce_sum3A_1101 = tpu.scan <sum>, %select_n3A_1098 masked %reduce_sum3A_1100 : vector<16xf32>, vector<16xi1> -> vector<16xf32>
      %reduce_sum3A_1102 = vector.extract %reduce_sum3A_1101[15] : f32 from vector<16xf32>
      %add3A_1103 = arith.addf %add3A_1064, %reduce_sum3A_1102 : f32
      %jit3A_1104 = arith.constant 0 : i32
      %broadcast_in_dim3A_1105 = vector.broadcast %jit3A_1104 : i32 to vector<16xi32>
      %select_n3A_1106 = arith.select %eq3A_1087, %scan3A_108#0, %broadcast_in_dim3A_1105 : vector<16xi1>, vector<16xi32>
      %reduce_sum3A_1107 = arith.constant true
      %reduce_sum3A_1108 = vector.broadcast %reduce_sum3A_1107 : i1 to vector<16xi1>
      %reduce_sum3A_1109 = tpu.scan <sum>, %select_n3A_1106 masked %reduce_sum3A_1108 : vector<16xi32>, vector<16xi1> -> vector<16xi32>
      %reduce_sum3A_1110 = vector.extract %reduce_sum3A_1109[15] : i32 from vector<16xi32>
      %add3A_1111 = arith.addi %add3A_1072, %reduce_sum3A_1110 : i32
      %jit3A_1112 = arith.constant 0.000000e+00 : f32
      %broadcast_in_dim3A_1113 = vector.broadcast %jit3A_1112 : f32 to vector<16xf32>
      %select_n3A_1114 = arith.select %eq3A_1087, %scan3A_108#1, %broadcast_in_dim3A_1113 : vector<16xi1>, vector<16xf32>
      %reduce_sum3A_1115 = arith.constant true
      %reduce_sum3A_1116 = vector.broadcast %reduce_sum3A_1115 : i1 to vector<16xi1>
      %reduce_sum3A_1117 = tpu.scan <sum>, %select_n3A_1114 masked %reduce_sum3A_1116 : vector<16xf32>, vector<16xi1> -> vector<16xf32>
      %reduce_sum3A_1118 = vector.extract %reduce_sum3A_1117[15] : f32 from vector<16xf32>
      %add3A_1119 = arith.addf %add3A_1080, %reduce_sum3A_1118 : f32
      %add3A_1120 = arith.constant 224 : i32
      %add3A_1121 = vector.broadcast %add3A_1120 : i32 to vector<16xi32>
      %add3A_1122 = arith.addi %iota3A, %add3A_1121 : vector<16xi32>
      %gt3A_1123 = vector.broadcast %sub3A_570 : i32 to vector<16xi32>
      %gt3A_1124 = arith.cmpi sgt, %add3A_1122, %gt3A_1123 : vector<16xi32>
      %eq3A_1125 = vector.broadcast %sub3A_570 : i32 to vector<16xi32>
      %eq3A_1126 = arith.cmpi eq, %add3A_1122, %eq3A_1125 : vector<16xi32>
      %jit3A_1127 = arith.constant 0 : i32
      %broadcast_in_dim3A_1128 = vector.broadcast %jit3A_1127 : i32 to vector<16xi32>
      %select_n3A_1129 = arith.select %gt3A_1124, %scan3A_114#0, %broadcast_in_dim3A_1128 : vector<16xi1>, vector<16xi32>
      %reduce_sum3A_1130 = arith.constant true
      %reduce_sum3A_1131 = vector.broadcast %reduce_sum3A_1130 : i1 to vector<16xi1>
      %reduce_sum3A_1132 = tpu.scan <sum>, %select_n3A_1129 masked %reduce_sum3A_1131 : vector<16xi32>, vector<16xi1> -> vector<16xi32>
      %reduce_sum3A_1133 = vector.extract %reduce_sum3A_1132[15] : i32 from vector<16xi32>
      %add3A_1134 = arith.addi %add3A_1095, %reduce_sum3A_1133 : i32
      %jit3A_1135 = arith.constant 0.000000e+00 : f32
      %broadcast_in_dim3A_1136 = vector.broadcast %jit3A_1135 : f32 to vector<16xf32>
      %select_n3A_1137 = arith.select %gt3A_1124, %scan3A_114#1, %broadcast_in_dim3A_1136 : vector<16xi1>, vector<16xf32>
      %reduce_sum3A_1138 = arith.constant true
      %reduce_sum3A_1139 = vector.broadcast %reduce_sum3A_1138 : i1 to vector<16xi1>
      %reduce_sum3A_1140 = tpu.scan <sum>, %select_n3A_1137 masked %reduce_sum3A_1139 : vector<16xf32>, vector<16xi1> -> vector<16xf32>
      %reduce_sum3A_1141 = vector.extract %reduce_sum3A_1140[15] : f32 from vector<16xf32>
      %add3A_1142 = arith.addf %add3A_1103, %reduce_sum3A_1141 : f32
      %jit3A_1143 = arith.constant 0 : i32
      %broadcast_in_dim3A_1144 = vector.broadcast %jit3A_1143 : i32 to vector<16xi32>
      %select_n3A_1145 = arith.select %eq3A_1126, %scan3A_114#0, %broadcast_in_dim3A_1144 : vector<16xi1>, vector<16xi32>
      %reduce_sum3A_1146 = arith.constant true
      %reduce_sum3A_1147 = vector.broadcast %reduce_sum3A_1146 : i1 to vector<16xi1>
      %reduce_sum3A_1148 = tpu.scan <sum>, %select_n3A_1145 masked %reduce_sum3A_1147 : vector<16xi32>, vector<16xi1> -> vector<16xi32>
      %reduce_sum3A_1149 = vector.extract %reduce_sum3A_1148[15] : i32 from vector<16xi32>
      %add3A_1150 = arith.addi %add3A_1111, %reduce_sum3A_1149 : i32
      %jit3A_1151 = arith.constant 0.000000e+00 : f32
      %broadcast_in_dim3A_1152 = vector.broadcast %jit3A_1151 : f32 to vector<16xf32>
      %select_n3A_1153 = arith.select %eq3A_1126, %scan3A_114#1, %broadcast_in_dim3A_1152 : vector<16xi1>, vector<16xf32>
      %reduce_sum3A_1154 = arith.constant true
      %reduce_sum3A_1155 = vector.broadcast %reduce_sum3A_1154 : i1 to vector<16xi1>
      %reduce_sum3A_1156 = tpu.scan <sum>, %select_n3A_1153 masked %reduce_sum3A_1155 : vector<16xf32>, vector<16xi1> -> vector<16xf32>
      %reduce_sum3A_1157 = vector.extract %reduce_sum3A_1156[15] : f32 from vector<16xf32>
      %add3A_1158 = arith.addf %add3A_1119, %reduce_sum3A_1157 : f32
      %add3A_1159 = arith.constant 240 : i32
      %add3A_1160 = vector.broadcast %add3A_1159 : i32 to vector<16xi32>
      %add3A_1161 = arith.addi %iota3A, %add3A_1160 : vector<16xi32>
      %gt3A_1162 = vector.broadcast %sub3A_570 : i32 to vector<16xi32>
      %gt3A_1163 = arith.cmpi sgt, %add3A_1161, %gt3A_1162 : vector<16xi32>
      %eq3A_1164 = vector.broadcast %sub3A_570 : i32 to vector<16xi32>
      %eq3A_1165 = arith.cmpi eq, %add3A_1161, %eq3A_1164 : vector<16xi32>
      %jit3A_1166 = arith.constant 0 : i32
      %broadcast_in_dim3A_1167 = vector.broadcast %jit3A_1166 : i32 to vector<16xi32>
      %select_n3A_1168 = arith.select %gt3A_1163, %scan3A_120#0, %broadcast_in_dim3A_1167 : vector<16xi1>, vector<16xi32>
      %reduce_sum3A_1169 = arith.constant true
      %reduce_sum3A_1170 = vector.broadcast %reduce_sum3A_1169 : i1 to vector<16xi1>
      %reduce_sum3A_1171 = tpu.scan <sum>, %select_n3A_1168 masked %reduce_sum3A_1170 : vector<16xi32>, vector<16xi1> -> vector<16xi32>
      %reduce_sum3A_1172 = vector.extract %reduce_sum3A_1171[15] : i32 from vector<16xi32>
      %add3A_1173 = arith.addi %add3A_1134, %reduce_sum3A_1172 : i32
      %jit3A_1174 = arith.constant 0.000000e+00 : f32
      %broadcast_in_dim3A_1175 = vector.broadcast %jit3A_1174 : f32 to vector<16xf32>
      %select_n3A_1176 = arith.select %gt3A_1163, %scan3A_120#1, %broadcast_in_dim3A_1175 : vector<16xi1>, vector<16xf32>
      %reduce_sum3A_1177 = arith.constant true
      %reduce_sum3A_1178 = vector.broadcast %reduce_sum3A_1177 : i1 to vector<16xi1>
      %reduce_sum3A_1179 = tpu.scan <sum>, %select_n3A_1176 masked %reduce_sum3A_1178 : vector<16xf32>, vector<16xi1> -> vector<16xf32>
      %reduce_sum3A_1180 = vector.extract %reduce_sum3A_1179[15] : f32 from vector<16xf32>
      %add3A_1181 = arith.addf %add3A_1142, %reduce_sum3A_1180 : f32
      %jit3A_1182 = arith.constant 0 : i32
      %broadcast_in_dim3A_1183 = vector.broadcast %jit3A_1182 : i32 to vector<16xi32>
      %select_n3A_1184 = arith.select %eq3A_1165, %scan3A_120#0, %broadcast_in_dim3A_1183 : vector<16xi1>, vector<16xi32>
      %reduce_sum3A_1185 = arith.constant true
      %reduce_sum3A_1186 = vector.broadcast %reduce_sum3A_1185 : i1 to vector<16xi1>
      %reduce_sum3A_1187 = tpu.scan <sum>, %select_n3A_1184 masked %reduce_sum3A_1186 : vector<16xi32>, vector<16xi1> -> vector<16xi32>
      %reduce_sum3A_1188 = vector.extract %reduce_sum3A_1187[15] : i32 from vector<16xi32>
      %add3A_1189 = arith.addi %add3A_1150, %reduce_sum3A_1188 : i32
      %jit3A_1190 = arith.constant 0.000000e+00 : f32
      %broadcast_in_dim3A_1191 = vector.broadcast %jit3A_1190 : f32 to vector<16xf32>
      %select_n3A_1192 = arith.select %eq3A_1165, %scan3A_120#1, %broadcast_in_dim3A_1191 : vector<16xi1>, vector<16xf32>
      %reduce_sum3A_1193 = arith.constant true
      %reduce_sum3A_1194 = vector.broadcast %reduce_sum3A_1193 : i1 to vector<16xi1>
      %reduce_sum3A_1195 = tpu.scan <sum>, %select_n3A_1192 masked %reduce_sum3A_1194 : vector<16xf32>, vector<16xi1> -> vector<16xf32>
      %reduce_sum3A_1196 = vector.extract %reduce_sum3A_1195[15] : f32 from vector<16xf32>
      %add3A_1197 = arith.addf %add3A_1158, %reduce_sum3A_1196 : f32
      %parallel_loop3A_1198 = arith.constant 0 : i32
      %parallel_loop3A_1199 = arith.constant 1024 : i32
      %parallel_loop3A_1200 = arith.constant 1 : i32
      scf.for %parallel_loop3A_2402 = %parallel_loop3A_1198 to %parallel_loop3A_1199 step %parallel_loop3A_1200  : i32 {
        %parallel_loop3A_2403 = arith.constant 16 : i32
        %parallel_loop3A_2404 = arith.muli %parallel_loop3A_2402, %parallel_loop3A_2403 : i32
        %parallel_loop3A_2405 = arith.index_cast %parallel_loop3A_2404 : i32 to index
        %parallel_loop3A_2406 = tpu.vector_load %arg7[%parallel_loop3A_2405] {strides = array<i32>} : memref<16384xi32, #tpu.memory_space<vmem>>, vector<16xi32>,
        tpu.vector_store %arg7[%parallel_loop3A_2405], %broadcast_in_dim3A_5 {strides = array<i32>} : memref<16384xi32, #tpu.memory_space<vmem>>, vector<16xi32>,
        %parallel_loop3A_2407 = arith.constant 16 : i32
        %parallel_loop3A_2408 = arith.muli %parallel_loop3A_2402, %parallel_loop3A_2407 : i32
        %parallel_loop3A_2409 = arith.index_cast %parallel_loop3A_2408 : i32 to index
        %parallel_loop3A_2410 = tpu.vector_load %arg8[%parallel_loop3A_2409] {strides = array<i32>} : memref<16384xf32, #tpu.memory_space<vmem>>, vector<16xf32>,
        tpu.vector_store %arg8[%parallel_loop3A_2409], %broadcast_in_dim3A_7 {strides = array<i32>} : memref<16384xf32, #tpu.memory_space<vmem>>, vector<16xf32>,
      } {sc.loop_unroll_factor = 8 : i64, sc.parallel_access}
      %sub3A_1201 = arith.subi %min3A_21, %add3A_1173 : i32
      %parallel_loop3A_1202 = arith.constant 0 : i32
      %parallel_loop3A_1203 = arith.constant 1344 : i32
      %parallel_loop3A_1204 = arith.constant 1 : i32
      scf.for %parallel_loop3A_2402 = %parallel_loop3A_1202 to %parallel_loop3A_1203 step %parallel_loop3A_1204  : i32 {
        %parallel_loop3A_2403 = arith.constant 16 : i32
        %parallel_loop3A_2404 = arith.muli %parallel_loop3A_2402, %parallel_loop3A_2403 : i32
        %parallel_loop3A_2405 = arith.index_cast %parallel_loop3A_2404 : i32 to index
        %parallel_loop3A_2406 = tpu.vector_load %arg5[%parallel_loop3A_2405] {strides = array<i32>} : memref<21504xf32, #tpu.memory_space<vmem>>, vector<16xf32>,
        %parallel_loop3A_2407 = vector.bitcast %parallel_loop3A_2406 : vector<16xf32> to vector<16xi32>
        %parallel_loop3A_2408 = arith.constant 23 : i32
        %parallel_loop3A_2409 = vector.broadcast %parallel_loop3A_2408 : i32 to vector<16xi32>
        %parallel_loop3A_2410 = arith.shrui %parallel_loop3A_2407, %parallel_loop3A_2409 : vector<16xi32>
        %parallel_loop3A_2411 = arith.constant 15 : i32
        %parallel_loop3A_2412 = vector.broadcast %parallel_loop3A_2411 : i32 to vector<16xi32>
        %parallel_loop3A_2413 = arith.shrui %parallel_loop3A_2407, %parallel_loop3A_2412 : vector<16xi32>
        %parallel_loop3A_2414 = arith.constant 255 : i32
        %parallel_loop3A_2415 = vector.broadcast %parallel_loop3A_2414 : i32 to vector<16xi32>
        %parallel_loop3A_2416 = arith.andi %parallel_loop3A_2413, %parallel_loop3A_2415 : vector<16xi32>
        %parallel_loop3A_2417 = vector.broadcast %sub3A_570 : i32 to vector<16xi32>
        %parallel_loop3A_2418 = arith.cmpi eq, %parallel_loop3A_2410, %parallel_loop3A_2417 : vector<16xi32>
        %parallel_loop3A_2419 = arith.constant 3 : i32
        %parallel_loop3A_2420 = arith.andi %parallel_loop3A_2402, %parallel_loop3A_2419 : i32
        %parallel_loop3A_2421 = arith.constant 4096 : i32
        %parallel_loop3A_2422 = arith.muli %parallel_loop3A_2420, %parallel_loop3A_2421 : i32
        %parallel_loop3A_2423 = arith.addi %parallel_loop3A_2416, %mul3A_10 : vector<16xi32>
        %parallel_loop3A_2424 = vector.broadcast %parallel_loop3A_2422 : i32 to vector<16xi32>
        %parallel_loop3A_2425 = arith.addi %parallel_loop3A_2423, %parallel_loop3A_2424 : vector<16xi32>
        tpu.vector_store_idx %arg7[%parallel_loop3A_2425], %broadcast_in_dim3A_3 masked %parallel_loop3A_2418 {add = true} : memref<16384xi32, #tpu.memory_space<vmem>>[vector<16xi32>], vector<16xi32>, vector<16xi1>
        tpu.vector_store_idx %arg8[%parallel_loop3A_2425], %parallel_loop3A_2406 masked %parallel_loop3A_2418 {add = true} : memref<16384xf32, #tpu.memory_space<vmem>>[vector<16xi32>], vector<16xf32>, vector<16xi1>
      } {sc.loop_unroll_factor = 4 : i64, sc.parallel_access}
      %scan3A_1205 = arith.constant 0 : i32
      %scan3A_1206 = arith.constant 64 : i32
      %scan3A_1207 = arith.addi %scan3A_1205, %scan3A_1206 : i32
      %scan3A_1208 = arith.constant 1 : i32
      %scan3A_1209:2 = scf.for %scan3A_2402 = %scan3A_1205 to %scan3A_1207 step %scan3A_1208 iter_args(%scan3A_2403 = %broadcast_in_dim3A_5, %scan3A_2404 = %broadcast_in_dim3A_7) -> (vector<16xi32>, vector<16xf32>)  : i32 {
        %mul3A_2405 = arith.constant 256 : i32
        %mul3A_2406 = arith.muli %scan3A_2402, %mul3A_2405 : i32
        %add3A_2407 = arith.constant 0 : i32
        %add3A_2408 = arith.addi %mul3A_2406, %add3A_2407 : i32
        %get3A_2409 = arith.index_cast %add3A_2408 : i32 to index
        %get3A_2410 = tpu.vector_load %arg7[%get3A_2409] {strides = array<i32>} : memref<16384xi32, #tpu.memory_space<vmem>>, vector<16xi32>,
        %add3A_2411 = arith.addi %scan3A_2403, %get3A_2410 : vector<16xi32>
        %get3A_2412 = arith.index_cast %add3A_2408 : i32 to index
        %get3A_2413 = tpu.vector_load %arg8[%get3A_2412] {strides = array<i32>} : memref<16384xf32, #tpu.memory_space<vmem>>, vector<16xf32>,
        %add3A_2414 = arith.addf %scan3A_2404, %get3A_2413 : vector<16xf32>
        scf.yield %add3A_2411, %add3A_2414 : vector<16xi32>, vector<16xf32>
      }
      %scan3A_1210 = arith.constant 64 : i32
      %scan3A_1211 = arith.constant 0 : i32
      %scan3A_1212 = arith.constant 64 : i32
      %scan3A_1213 = arith.addi %scan3A_1211, %scan3A_1212 : i32
      %scan3A_1214 = arith.constant 1 : i32
      %scan3A_1215:2 = scf.for %scan3A_2402 = %scan3A_1211 to %scan3A_1213 step %scan3A_1214 iter_args(%scan3A_2403 = %broadcast_in_dim3A_5, %scan3A_2404 = %broadcast_in_dim3A_7) -> (vector<16xi32>, vector<16xf32>)  : i32 {
        %mul3A_2405 = arith.constant 256 : i32
        %mul3A_2406 = arith.muli %scan3A_2402, %mul3A_2405 : i32
        %add3A_2407 = arith.constant 16 : i32
        %add3A_2408 = arith.addi %mul3A_2406, %add3A_2407 : i32
        %get3A_2409 = arith.index_cast %add3A_2408 : i32 to index
        %get3A_2410 = tpu.vector_load %arg7[%get3A_2409] {strides = array<i32>} : memref<16384xi32, #tpu.memory_space<vmem>>, vector<16xi32>,
        %add3A_2411 = arith.addi %scan3A_2403, %get3A_2410 : vector<16xi32>
        %get3A_2412 = arith.index_cast %add3A_2408 : i32 to index
        %get3A_2413 = tpu.vector_load %arg8[%get3A_2412] {strides = array<i32>} : memref<16384xf32, #tpu.memory_space<vmem>>, vector<16xf32>,
        %add3A_2414 = arith.addf %scan3A_2404, %get3A_2413 : vector<16xf32>
        scf.yield %add3A_2411, %add3A_2414 : vector<16xi32>, vector<16xf32>
      }
      %scan3A_1216 = arith.constant 64 : i32
      %scan3A_1217 = arith.constant 0 : i32
      %scan3A_1218 = arith.constant 64 : i32
      %scan3A_1219 = arith.addi %scan3A_1217, %scan3A_1218 : i32
      %scan3A_1220 = arith.constant 1 : i32
      %scan3A_1221:2 = scf.for %scan3A_2402 = %scan3A_1217 to %scan3A_1219 step %scan3A_1220 iter_args(%scan3A_2403 = %broadcast_in_dim3A_5, %scan3A_2404 = %broadcast_in_dim3A_7) -> (vector<16xi32>, vector<16xf32>)  : i32 {
        %mul3A_2405 = arith.constant 256 : i32
        %mul3A_2406 = arith.muli %scan3A_2402, %mul3A_2405 : i32
        %add3A_2407 = arith.constant 32 : i32
        %add3A_2408 = arith.addi %mul3A_2406, %add3A_2407 : i32
        %get3A_2409 = arith.index_cast %add3A_2408 : i32 to index
        %get3A_2410 = tpu.vector_load %arg7[%get3A_2409] {strides = array<i32>} : memref<16384xi32, #tpu.memory_space<vmem>>, vector<16xi32>,
        %add3A_2411 = arith.addi %scan3A_2403, %get3A_2410 : vector<16xi32>
        %get3A_2412 = arith.index_cast %add3A_2408 : i32 to index
        %get3A_2413 = tpu.vector_load %arg8[%get3A_2412] {strides = array<i32>} : memref<16384xf32, #tpu.memory_space<vmem>>, vector<16xf32>,
        %add3A_2414 = arith.addf %scan3A_2404, %get3A_2413 : vector<16xf32>
        scf.yield %add3A_2411, %add3A_2414 : vector<16xi32>, vector<16xf32>
      }
      %scan3A_1222 = arith.constant 64 : i32
      %scan3A_1223 = arith.constant 0 : i32
      %scan3A_1224 = arith.constant 64 : i32
      %scan3A_1225 = arith.addi %scan3A_1223, %scan3A_1224 : i32
      %scan3A_1226 = arith.constant 1 : i32
      %scan3A_1227:2 = scf.for %scan3A_2402 = %scan3A_1223 to %scan3A_1225 step %scan3A_1226 iter_args(%scan3A_2403 = %broadcast_in_dim3A_5, %scan3A_2404 = %broadcast_in_dim3A_7) -> (vector<16xi32>, vector<16xf32>)  : i32 {
        %mul3A_2405 = arith.constant 256 : i32
        %mul3A_2406 = arith.muli %scan3A_2402, %mul3A_2405 : i32
        %add3A_2407 = arith.constant 48 : i32
        %add3A_2408 = arith.addi %mul3A_2406, %add3A_2407 : i32
        %get3A_2409 = arith.index_cast %add3A_2408 : i32 to index
        %get3A_2410 = tpu.vector_load %arg7[%get3A_2409] {strides = array<i32>} : memref<16384xi32, #tpu.memory_space<vmem>>, vector<16xi32>,
        %add3A_2411 = arith.addi %scan3A_2403, %get3A_2410 : vector<16xi32>
        %get3A_2412 = arith.index_cast %add3A_2408 : i32 to index
        %get3A_2413 = tpu.vector_load %arg8[%get3A_2412] {strides = array<i32>} : memref<16384xf32, #tpu.memory_space<vmem>>, vector<16xf32>,
        %add3A_2414 = arith.addf %scan3A_2404, %get3A_2413 : vector<16xf32>
        scf.yield %add3A_2411, %add3A_2414 : vector<16xi32>, vector<16xf32>
      }
      %scan3A_1228 = arith.constant 64 : i32
      %scan3A_1229 = arith.constant 0 : i32
      %scan3A_1230 = arith.constant 64 : i32
      %scan3A_1231 = arith.addi %scan3A_1229, %scan3A_1230 : i32
      %scan3A_1232 = arith.constant 1 : i32
      %scan3A_1233:2 = scf.for %scan3A_2402 = %scan3A_1229 to %scan3A_1231 step %scan3A_1232 iter_args(%scan3A_2403 = %broadcast_in_dim3A_5, %scan3A_2404 = %broadcast_in_dim3A_7) -> (vector<16xi32>, vector<16xf32>)  : i32 {
        %mul3A_2405 = arith.constant 256 : i32
        %mul3A_2406 = arith.muli %scan3A_2402, %mul3A_2405 : i32
        %add3A_2407 = arith.constant 64 : i32
        %add3A_2408 = arith.addi %mul3A_2406, %add3A_2407 : i32
        %get3A_2409 = arith.index_cast %add3A_2408 : i32 to index
        %get3A_2410 = tpu.vector_load %arg7[%get3A_2409] {strides = array<i32>} : memref<16384xi32, #tpu.memory_space<vmem>>, vector<16xi32>,
        %add3A_2411 = arith.addi %scan3A_2403, %get3A_2410 : vector<16xi32>
        %get3A_2412 = arith.index_cast %add3A_2408 : i32 to index
        %get3A_2413 = tpu.vector_load %arg8[%get3A_2412] {strides = array<i32>} : memref<16384xf32, #tpu.memory_space<vmem>>, vector<16xf32>,
        %add3A_2414 = arith.addf %scan3A_2404, %get3A_2413 : vector<16xf32>
        scf.yield %add3A_2411, %add3A_2414 : vector<16xi32>, vector<16xf32>
      }
      %scan3A_1234 = arith.constant 64 : i32
      %scan3A_1235 = arith.constant 0 : i32
      %scan3A_1236 = arith.constant 64 : i32
      %scan3A_1237 = arith.addi %scan3A_1235, %scan3A_1236 : i32
      %scan3A_1238 = arith.constant 1 : i32
      %scan3A_1239:2 = scf.for %scan3A_2402 = %scan3A_1235 to %scan3A_1237 step %scan3A_1238 iter_args(%scan3A_2403 = %broadcast_in_dim3A_5, %scan3A_2404 = %broadcast_in_dim3A_7) -> (vector<16xi32>, vector<16xf32>)  : i32 {
        %mul3A_2405 = arith.constant 256 : i32
        %mul3A_2406 = arith.muli %scan3A_2402, %mul3A_2405 : i32
        %add3A_2407 = arith.constant 80 : i32
        %add3A_2408 = arith.addi %mul3A_2406, %add3A_2407 : i32
        %get3A_2409 = arith.index_cast %add3A_2408 : i32 to index
        %get3A_2410 = tpu.vector_load %arg7[%get3A_2409] {strides = array<i32>} : memref<16384xi32, #tpu.memory_space<vmem>>, vector<16xi32>,
        %add3A_2411 = arith.addi %scan3A_2403, %get3A_2410 : vector<16xi32>
        %get3A_2412 = arith.index_cast %add3A_2408 : i32 to index
        %get3A_2413 = tpu.vector_load %arg8[%get3A_2412] {strides = array<i32>} : memref<16384xf32, #tpu.memory_space<vmem>>, vector<16xf32>,
        %add3A_2414 = arith.addf %scan3A_2404, %get3A_2413 : vector<16xf32>
        scf.yield %add3A_2411, %add3A_2414 : vector<16xi32>, vector<16xf32>
      }
      %scan3A_1240 = arith.constant 64 : i32
      %scan3A_1241 = arith.constant 0 : i32
      %scan3A_1242 = arith.constant 64 : i32
      %scan3A_1243 = arith.addi %scan3A_1241, %scan3A_1242 : i32
      %scan3A_1244 = arith.constant 1 : i32
      %scan3A_1245:2 = scf.for %scan3A_2402 = %scan3A_1241 to %scan3A_1243 step %scan3A_1244 iter_args(%scan3A_2403 = %broadcast_in_dim3A_5, %scan3A_2404 = %broadcast_in_dim3A_7) -> (vector<16xi32>, vector<16xf32>)  : i32 {
        %mul3A_2405 = arith.constant 256 : i32
        %mul3A_2406 = arith.muli %scan3A_2402, %mul3A_2405 : i32
        %add3A_2407 = arith.constant 96 : i32
        %add3A_2408 = arith.addi %mul3A_2406, %add3A_2407 : i32
        %get3A_2409 = arith.index_cast %add3A_2408 : i32 to index
        %get3A_2410 = tpu.vector_load %arg7[%get3A_2409] {strides = array<i32>} : memref<16384xi32, #tpu.memory_space<vmem>>, vector<16xi32>,
        %add3A_2411 = arith.addi %scan3A_2403, %get3A_2410 : vector<16xi32>
        %get3A_2412 = arith.index_cast %add3A_2408 : i32 to index
        %get3A_2413 = tpu.vector_load %arg8[%get3A_2412] {strides = array<i32>} : memref<16384xf32, #tpu.memory_space<vmem>>, vector<16xf32>,
        %add3A_2414 = arith.addf %scan3A_2404, %get3A_2413 : vector<16xf32>
        scf.yield %add3A_2411, %add3A_2414 : vector<16xi32>, vector<16xf32>
      }
      %scan3A_1246 = arith.constant 64 : i32
      %scan3A_1247 = arith.constant 0 : i32
      %scan3A_1248 = arith.constant 64 : i32
      %scan3A_1249 = arith.addi %scan3A_1247, %scan3A_1248 : i32
      %scan3A_1250 = arith.constant 1 : i32
      %scan3A_1251:2 = scf.for %scan3A_2402 = %scan3A_1247 to %scan3A_1249 step %scan3A_1250 iter_args(%scan3A_2403 = %broadcast_in_dim3A_5, %scan3A_2404 = %broadcast_in_dim3A_7) -> (vector<16xi32>, vector<16xf32>)  : i32 {
        %mul3A_2405 = arith.constant 256 : i32
        %mul3A_2406 = arith.muli %scan3A_2402, %mul3A_2405 : i32
        %add3A_2407 = arith.constant 112 : i32
        %add3A_2408 = arith.addi %mul3A_2406, %add3A_2407 : i32
        %get3A_2409 = arith.index_cast %add3A_2408 : i32 to index
        %get3A_2410 = tpu.vector_load %arg7[%get3A_2409] {strides = array<i32>} : memref<16384xi32, #tpu.memory_space<vmem>>, vector<16xi32>,
        %add3A_2411 = arith.addi %scan3A_2403, %get3A_2410 : vector<16xi32>
        %get3A_2412 = arith.index_cast %add3A_2408 : i32 to index
        %get3A_2413 = tpu.vector_load %arg8[%get3A_2412] {strides = array<i32>} : memref<16384xf32, #tpu.memory_space<vmem>>, vector<16xf32>,
        %add3A_2414 = arith.addf %scan3A_2404, %get3A_2413 : vector<16xf32>
        scf.yield %add3A_2411, %add3A_2414 : vector<16xi32>, vector<16xf32>
      }
      %scan3A_1252 = arith.constant 64 : i32
      %scan3A_1253 = arith.constant 0 : i32
      %scan3A_1254 = arith.constant 64 : i32
      %scan3A_1255 = arith.addi %scan3A_1253, %scan3A_1254 : i32
      %scan3A_1256 = arith.constant 1 : i32
      %scan3A_1257:2 = scf.for %scan3A_2402 = %scan3A_1253 to %scan3A_1255 step %scan3A_1256 iter_args(%scan3A_2403 = %broadcast_in_dim3A_5, %scan3A_2404 = %broadcast_in_dim3A_7) -> (vector<16xi32>, vector<16xf32>)  : i32 {
        %mul3A_2405 = arith.constant 256 : i32
        %mul3A_2406 = arith.muli %scan3A_2402, %mul3A_2405 : i32
        %add3A_2407 = arith.constant 128 : i32
        %add3A_2408 = arith.addi %mul3A_2406, %add3A_2407 : i32
        %get3A_2409 = arith.index_cast %add3A_2408 : i32 to index
        %get3A_2410 = tpu.vector_load %arg7[%get3A_2409] {strides = array<i32>} : memref<16384xi32, #tpu.memory_space<vmem>>, vector<16xi32>,
        %add3A_2411 = arith.addi %scan3A_2403, %get3A_2410 : vector<16xi32>
        %get3A_2412 = arith.index_cast %add3A_2408 : i32 to index
        %get3A_2413 = tpu.vector_load %arg8[%get3A_2412] {strides = array<i32>} : memref<16384xf32, #tpu.memory_space<vmem>>, vector<16xf32>,
        %add3A_2414 = arith.addf %scan3A_2404, %get3A_2413 : vector<16xf32>
        scf.yield %add3A_2411, %add3A_2414 : vector<16xi32>, vector<16xf32>
      }
      %scan3A_1258 = arith.constant 64 : i32
      %scan3A_1259 = arith.constant 0 : i32
      %scan3A_1260 = arith.constant 64 : i32
      %scan3A_1261 = arith.addi %scan3A_1259, %scan3A_1260 : i32
      %scan3A_1262 = arith.constant 1 : i32
      %scan3A_1263:2 = scf.for %scan3A_2402 = %scan3A_1259 to %scan3A_1261 step %scan3A_1262 iter_args(%scan3A_2403 = %broadcast_in_dim3A_5, %scan3A_2404 = %broadcast_in_dim3A_7) -> (vector<16xi32>, vector<16xf32>)  : i32 {
        %mul3A_2405 = arith.constant 256 : i32
        %mul3A_2406 = arith.muli %scan3A_2402, %mul3A_2405 : i32
        %add3A_2407 = arith.constant 144 : i32
        %add3A_2408 = arith.addi %mul3A_2406, %add3A_2407 : i32
        %get3A_2409 = arith.index_cast %add3A_2408 : i32 to index
        %get3A_2410 = tpu.vector_load %arg7[%get3A_2409] {strides = array<i32>} : memref<16384xi32, #tpu.memory_space<vmem>>, vector<16xi32>,
        %add3A_2411 = arith.addi %scan3A_2403, %get3A_2410 : vector<16xi32>
        %get3A_2412 = arith.index_cast %add3A_2408 : i32 to index
        %get3A_2413 = tpu.vector_load %arg8[%get3A_2412] {strides = array<i32>} : memref<16384xf32, #tpu.memory_space<vmem>>, vector<16xf32>,
        %add3A_2414 = arith.addf %scan3A_2404, %get3A_2413 : vector<16xf32>
        scf.yield %add3A_2411, %add3A_2414 : vector<16xi32>, vector<16xf32>
      }
      %scan3A_1264 = arith.constant 64 : i32
      %scan3A_1265 = arith.constant 0 : i32
      %scan3A_1266 = arith.constant 64 : i32
      %scan3A_1267 = arith.addi %scan3A_1265, %scan3A_1266 : i32
      %scan3A_1268 = arith.constant 1 : i32
      %scan3A_1269:2 = scf.for %scan3A_2402 = %scan3A_1265 to %scan3A_1267 step %scan3A_1268 iter_args(%scan3A_2403 = %broadcast_in_dim3A_5, %scan3A_2404 = %broadcast_in_dim3A_7) -> (vector<16xi32>, vector<16xf32>)  : i32 {
        %mul3A_2405 = arith.constant 256 : i32
        %mul3A_2406 = arith.muli %scan3A_2402, %mul3A_2405 : i32
        %add3A_2407 = arith.constant 160 : i32
        %add3A_2408 = arith.addi %mul3A_2406, %add3A_2407 : i32
        %get3A_2409 = arith.index_cast %add3A_2408 : i32 to index
        %get3A_2410 = tpu.vector_load %arg7[%get3A_2409] {strides = array<i32>} : memref<16384xi32, #tpu.memory_space<vmem>>, vector<16xi32>,
        %add3A_2411 = arith.addi %scan3A_2403, %get3A_2410 : vector<16xi32>
        %get3A_2412 = arith.index_cast %add3A_2408 : i32 to index
        %get3A_2413 = tpu.vector_load %arg8[%get3A_2412] {strides = array<i32>} : memref<16384xf32, #tpu.memory_space<vmem>>, vector<16xf32>,
        %add3A_2414 = arith.addf %scan3A_2404, %get3A_2413 : vector<16xf32>
        scf.yield %add3A_2411, %add3A_2414 : vector<16xi32>, vector<16xf32>
      }
      %scan3A_1270 = arith.constant 64 : i32
      %scan3A_1271 = arith.constant 0 : i32
      %scan3A_1272 = arith.constant 64 : i32
      %scan3A_1273 = arith.addi %scan3A_1271, %scan3A_1272 : i32
      %scan3A_1274 = arith.constant 1 : i32
      %scan3A_1275:2 = scf.for %scan3A_2402 = %scan3A_1271 to %scan3A_1273 step %scan3A_1274 iter_args(%scan3A_2403 = %broadcast_in_dim3A_5, %scan3A_2404 = %broadcast_in_dim3A_7) -> (vector<16xi32>, vector<16xf32>)  : i32 {
        %mul3A_2405 = arith.constant 256 : i32
        %mul3A_2406 = arith.muli %scan3A_2402, %mul3A_2405 : i32
        %add3A_2407 = arith.constant 176 : i32
        %add3A_2408 = arith.addi %mul3A_2406, %add3A_2407 : i32
        %get3A_2409 = arith.index_cast %add3A_2408 : i32 to index
        %get3A_2410 = tpu.vector_load %arg7[%get3A_2409] {strides = array<i32>} : memref<16384xi32, #tpu.memory_space<vmem>>, vector<16xi32>,
        %add3A_2411 = arith.addi %scan3A_2403, %get3A_2410 : vector<16xi32>
        %get3A_2412 = arith.index_cast %add3A_2408 : i32 to index
        %get3A_2413 = tpu.vector_load %arg8[%get3A_2412] {strides = array<i32>} : memref<16384xf32, #tpu.memory_space<vmem>>, vector<16xf32>,
        %add3A_2414 = arith.addf %scan3A_2404, %get3A_2413 : vector<16xf32>
        scf.yield %add3A_2411, %add3A_2414 : vector<16xi32>, vector<16xf32>
      }
      %scan3A_1276 = arith.constant 64 : i32
      %scan3A_1277 = arith.constant 0 : i32
      %scan3A_1278 = arith.constant 64 : i32
      %scan3A_1279 = arith.addi %scan3A_1277, %scan3A_1278 : i32
      %scan3A_1280 = arith.constant 1 : i32
      %scan3A_1281:2 = scf.for %scan3A_2402 = %scan3A_1277 to %scan3A_1279 step %scan3A_1280 iter_args(%scan3A_2403 = %broadcast_in_dim3A_5, %scan3A_2404 = %broadcast_in_dim3A_7) -> (vector<16xi32>, vector<16xf32>)  : i32 {
        %mul3A_2405 = arith.constant 256 : i32
        %mul3A_2406 = arith.muli %scan3A_2402, %mul3A_2405 : i32
        %add3A_2407 = arith.constant 192 : i32
        %add3A_2408 = arith.addi %mul3A_2406, %add3A_2407 : i32
        %get3A_2409 = arith.index_cast %add3A_2408 : i32 to index
        %get3A_2410 = tpu.vector_load %arg7[%get3A_2409] {strides = array<i32>} : memref<16384xi32, #tpu.memory_space<vmem>>, vector<16xi32>,
        %add3A_2411 = arith.addi %scan3A_2403, %get3A_2410 : vector<16xi32>
        %get3A_2412 = arith.index_cast %add3A_2408 : i32 to index
        %get3A_2413 = tpu.vector_load %arg8[%get3A_2412] {strides = array<i32>} : memref<16384xf32, #tpu.memory_space<vmem>>, vector<16xf32>,
        %add3A_2414 = arith.addf %scan3A_2404, %get3A_2413 : vector<16xf32>
        scf.yield %add3A_2411, %add3A_2414 : vector<16xi32>, vector<16xf32>
      }
      %scan3A_1282 = arith.constant 64 : i32
      %scan3A_1283 = arith.constant 0 : i32
      %scan3A_1284 = arith.constant 64 : i32
      %scan3A_1285 = arith.addi %scan3A_1283, %scan3A_1284 : i32
      %scan3A_1286 = arith.constant 1 : i32
      %scan3A_1287:2 = scf.for %scan3A_2402 = %scan3A_1283 to %scan3A_1285 step %scan3A_1286 iter_args(%scan3A_2403 = %broadcast_in_dim3A_5, %scan3A_2404 = %broadcast_in_dim3A_7) -> (vector<16xi32>, vector<16xf32>)  : i32 {
        %mul3A_2405 = arith.constant 256 : i32
        %mul3A_2406 = arith.muli %scan3A_2402, %mul3A_2405 : i32
        %add3A_2407 = arith.constant 208 : i32
        %add3A_2408 = arith.addi %mul3A_2406, %add3A_2407 : i32
        %get3A_2409 = arith.index_cast %add3A_2408 : i32 to index
        %get3A_2410 = tpu.vector_load %arg7[%get3A_2409] {strides = array<i32>} : memref<16384xi32, #tpu.memory_space<vmem>>, vector<16xi32>,
        %add3A_2411 = arith.addi %scan3A_2403, %get3A_2410 : vector<16xi32>
        %get3A_2412 = arith.index_cast %add3A_2408 : i32 to index
        %get3A_2413 = tpu.vector_load %arg8[%get3A_2412] {strides = array<i32>} : memref<16384xf32, #tpu.memory_space<vmem>>, vector<16xf32>,
        %add3A_2414 = arith.addf %scan3A_2404, %get3A_2413 : vector<16xf32>
        scf.yield %add3A_2411, %add3A_2414 : vector<16xi32>, vector<16xf32>
      }
      %scan3A_1288 = arith.constant 64 : i32
      %scan3A_1289 = arith.constant 0 : i32
      %scan3A_1290 = arith.constant 64 : i32
      %scan3A_1291 = arith.addi %scan3A_1289, %scan3A_1290 : i32
      %scan3A_1292 = arith.constant 1 : i32
      %scan3A_1293:2 = scf.for %scan3A_2402 = %scan3A_1289 to %scan3A_1291 step %scan3A_1292 iter_args(%scan3A_2403 = %broadcast_in_dim3A_5, %scan3A_2404 = %broadcast_in_dim3A_7) -> (vector<16xi32>, vector<16xf32>)  : i32 {
        %mul3A_2405 = arith.constant 256 : i32
        %mul3A_2406 = arith.muli %scan3A_2402, %mul3A_2405 : i32
        %add3A_2407 = arith.constant 224 : i32
        %add3A_2408 = arith.addi %mul3A_2406, %add3A_2407 : i32
        %get3A_2409 = arith.index_cast %add3A_2408 : i32 to index
        %get3A_2410 = tpu.vector_load %arg7[%get3A_2409] {strides = array<i32>} : memref<16384xi32, #tpu.memory_space<vmem>>, vector<16xi32>,
        %add3A_2411 = arith.addi %scan3A_2403, %get3A_2410 : vector<16xi32>
        %get3A_2412 = arith.index_cast %add3A_2408 : i32 to index
        %get3A_2413 = tpu.vector_load %arg8[%get3A_2412] {strides = array<i32>} : memref<16384xf32, #tpu.memory_space<vmem>>, vector<16xf32>,
        %add3A_2414 = arith.addf %scan3A_2404, %get3A_2413 : vector<16xf32>
        scf.yield %add3A_2411, %add3A_2414 : vector<16xi32>, vector<16xf32>
      }
      %scan3A_1294 = arith.constant 64 : i32
      %scan3A_1295 = arith.constant 0 : i32
      %scan3A_1296 = arith.constant 64 : i32
      %scan3A_1297 = arith.addi %scan3A_1295, %scan3A_1296 : i32
      %scan3A_1298 = arith.constant 1 : i32
      %scan3A_1299:2 = scf.for %scan3A_2402 = %scan3A_1295 to %scan3A_1297 step %scan3A_1298 iter_args(%scan3A_2403 = %broadcast_in_dim3A_5, %scan3A_2404 = %broadcast_in_dim3A_7) -> (vector<16xi32>, vector<16xf32>)  : i32 {
        %mul3A_2405 = arith.constant 256 : i32
        %mul3A_2406 = arith.muli %scan3A_2402, %mul3A_2405 : i32
        %add3A_2407 = arith.constant 240 : i32
        %add3A_2408 = arith.addi %mul3A_2406, %add3A_2407 : i32
        %get3A_2409 = arith.index_cast %add3A_2408 : i32 to index
        %get3A_2410 = tpu.vector_load %arg7[%get3A_2409] {strides = array<i32>} : memref<16384xi32, #tpu.memory_space<vmem>>, vector<16xi32>,
        %add3A_2411 = arith.addi %scan3A_2403, %get3A_2410 : vector<16xi32>
        %get3A_2412 = arith.index_cast %add3A_2408 : i32 to index
        %get3A_2413 = tpu.vector_load %arg8[%get3A_2412] {strides = array<i32>} : memref<16384xf32, #tpu.memory_space<vmem>>, vector<16xf32>,
        %add3A_2414 = arith.addf %scan3A_2404, %get3A_2413 : vector<16xf32>
        scf.yield %add3A_2411, %add3A_2414 : vector<16xi32>, vector<16xf32>
      }
      %scan3A_1300 = arith.constant 64 : i32
      %rev3A_1301 = arith.constant 15 : i32
      %rev3A_1302 = vector.broadcast %rev3A_1301 : i32 to vector<16xi32>
      %rev3A_1303 = tpu.iota {dimensions = array<i32: 0>} : vector<16xi32>
      %rev3A_1304 = arith.subi %rev3A_1302, %rev3A_1303 : vector<16xi32>
      %rev3A_1305 = tpu.dynamic_gather %scan3A_1299#0[%rev3A_1304] in [0] : vector<16xi32>, vector<16xi32> -> vector<16xi32>
      %cumsum3A_1306 = arith.constant true
      %cumsum3A_1307 = vector.broadcast %cumsum3A_1306 : i1 to vector<16xi1>
      %cumsum3A_1308 = tpu.scan <sum>, %rev3A_1305 masked %cumsum3A_1307 : vector<16xi32>, vector<16xi1> -> vector<16xi32>
      %rev3A_1309 = arith.constant 15 : i32
      %rev3A_1310 = vector.broadcast %rev3A_1309 : i32 to vector<16xi32>
      %rev3A_1311 = tpu.iota {dimensions = array<i32: 0>} : vector<16xi32>
      %rev3A_1312 = arith.subi %rev3A_1310, %rev3A_1311 : vector<16xi32>
      %rev3A_1313 = tpu.dynamic_gather %cumsum3A_1308[%rev3A_1312] in [0] : vector<16xi32>, vector<16xi32> -> vector<16xi32>
      %add3A_1314 = arith.constant 0 : i32
      %add3A_1315 = vector.broadcast %add3A_1314 : i32 to vector<16xi32>
      %add3A_1316 = arith.addi %rev3A_1313, %add3A_1315 : vector<16xi32>
      %reduce_sum3A_1317 = arith.constant true
      %reduce_sum3A_1318 = vector.broadcast %reduce_sum3A_1317 : i1 to vector<16xi1>
      %reduce_sum3A_1319 = tpu.scan <sum>, %scan3A_1299#0 masked %reduce_sum3A_1318 : vector<16xi32>, vector<16xi1> -> vector<16xi32>
      %reduce_sum3A_1320 = vector.extract %reduce_sum3A_1319[15] : i32 from vector<16xi32>
      %add3A_1321 = arith.constant 0 : i32
      %add3A_1322 = arith.addi %add3A_1321, %reduce_sum3A_1320 : i32
      %rev3A_1323 = arith.constant 15 : i32
      %rev3A_1324 = vector.broadcast %rev3A_1323 : i32 to vector<16xi32>
      %rev3A_1325 = tpu.iota {dimensions = array<i32: 0>} : vector<16xi32>
      %rev3A_1326 = arith.subi %rev3A_1324, %rev3A_1325 : vector<16xi32>
      %rev3A_1327 = tpu.dynamic_gather %scan3A_1293#0[%rev3A_1326] in [0] : vector<16xi32>, vector<16xi32> -> vector<16xi32>
      %cumsum3A_1328 = arith.constant true
      %cumsum3A_1329 = vector.broadcast %cumsum3A_1328 : i1 to vector<16xi1>
      %cumsum3A_1330 = tpu.scan <sum>, %rev3A_1327 masked %cumsum3A_1329 : vector<16xi32>, vector<16xi1> -> vector<16xi32>
      %rev3A_1331 = arith.constant 15 : i32
      %rev3A_1332 = vector.broadcast %rev3A_1331 : i32 to vector<16xi32>
      %rev3A_1333 = tpu.iota {dimensions = array<i32: 0>} : vector<16xi32>
      %rev3A_1334 = arith.subi %rev3A_1332, %rev3A_1333 : vector<16xi32>
      %rev3A_1335 = tpu.dynamic_gather %cumsum3A_1330[%rev3A_1334] in [0] : vector<16xi32>, vector<16xi32> -> vector<16xi32>
      %add3A_1336 = vector.broadcast %add3A_1322 : i32 to vector<16xi32>
      %add3A_1337 = arith.addi %rev3A_1335, %add3A_1336 : vector<16xi32>
      %reduce_sum3A_1338 = arith.constant true
      %reduce_sum3A_1339 = vector.broadcast %reduce_sum3A_1338 : i1 to vector<16xi1>
      %reduce_sum3A_1340 = tpu.scan <sum>, %scan3A_1293#0 masked %reduce_sum3A_1339 : vector<16xi32>, vector<16xi1> -> vector<16xi32>
      %reduce_sum3A_1341 = vector.extract %reduce_sum3A_1340[15] : i32 from vector<16xi32>
      %add3A_1342 = arith.addi %add3A_1322, %reduce_sum3A_1341 : i32
      %rev3A_1343 = arith.constant 15 : i32
      %rev3A_1344 = vector.broadcast %rev3A_1343 : i32 to vector<16xi32>
      %rev3A_1345 = tpu.iota {dimensions = array<i32: 0>} : vector<16xi32>
      %rev3A_1346 = arith.subi %rev3A_1344, %rev3A_1345 : vector<16xi32>
      %rev3A_1347 = tpu.dynamic_gather %scan3A_1287#0[%rev3A_1346] in [0] : vector<16xi32>, vector<16xi32> -> vector<16xi32>
      %cumsum3A_1348 = arith.constant true
      %cumsum3A_1349 = vector.broadcast %cumsum3A_1348 : i1 to vector<16xi1>
      %cumsum3A_1350 = tpu.scan <sum>, %rev3A_1347 masked %cumsum3A_1349 : vector<16xi32>, vector<16xi1> -> vector<16xi32>
      %rev3A_1351 = arith.constant 15 : i32
      %rev3A_1352 = vector.broadcast %rev3A_1351 : i32 to vector<16xi32>
      %rev3A_1353 = tpu.iota {dimensions = array<i32: 0>} : vector<16xi32>
      %rev3A_1354 = arith.subi %rev3A_1352, %rev3A_1353 : vector<16xi32>
      %rev3A_1355 = tpu.dynamic_gather %cumsum3A_1350[%rev3A_1354] in [0] : vector<16xi32>, vector<16xi32> -> vector<16xi32>
      %add3A_1356 = vector.broadcast %add3A_1342 : i32 to vector<16xi32>
      %add3A_1357 = arith.addi %rev3A_1355, %add3A_1356 : vector<16xi32>
      %reduce_sum3A_1358 = arith.constant true
      %reduce_sum3A_1359 = vector.broadcast %reduce_sum3A_1358 : i1 to vector<16xi1>
      %reduce_sum3A_1360 = tpu.scan <sum>, %scan3A_1287#0 masked %reduce_sum3A_1359 : vector<16xi32>, vector<16xi1> -> vector<16xi32>
      %reduce_sum3A_1361 = vector.extract %reduce_sum3A_1360[15] : i32 from vector<16xi32>
      %add3A_1362 = arith.addi %add3A_1342, %reduce_sum3A_1361 : i32
      %rev3A_1363 = arith.constant 15 : i32
      %rev3A_1364 = vector.broadcast %rev3A_1363 : i32 to vector<16xi32>
      %rev3A_1365 = tpu.iota {dimensions = array<i32: 0>} : vector<16xi32>
      %rev3A_1366 = arith.subi %rev3A_1364, %rev3A_1365 : vector<16xi32>
      %rev3A_1367 = tpu.dynamic_gather %scan3A_1281#0[%rev3A_1366] in [0] : vector<16xi32>, vector<16xi32> -> vector<16xi32>
      %cumsum3A_1368 = arith.constant true
      %cumsum3A_1369 = vector.broadcast %cumsum3A_1368 : i1 to vector<16xi1>
      %cumsum3A_1370 = tpu.scan <sum>, %rev3A_1367 masked %cumsum3A_1369 : vector<16xi32>, vector<16xi1> -> vector<16xi32>
      %rev3A_1371 = arith.constant 15 : i32
      %rev3A_1372 = vector.broadcast %rev3A_1371 : i32 to vector<16xi32>
      %rev3A_1373 = tpu.iota {dimensions = array<i32: 0>} : vector<16xi32>
      %rev3A_1374 = arith.subi %rev3A_1372, %rev3A_1373 : vector<16xi32>
      %rev3A_1375 = tpu.dynamic_gather %cumsum3A_1370[%rev3A_1374] in [0] : vector<16xi32>, vector<16xi32> -> vector<16xi32>
      %add3A_1376 = vector.broadcast %add3A_1362 : i32 to vector<16xi32>
      %add3A_1377 = arith.addi %rev3A_1375, %add3A_1376 : vector<16xi32>
      %reduce_sum3A_1378 = arith.constant true
      %reduce_sum3A_1379 = vector.broadcast %reduce_sum3A_1378 : i1 to vector<16xi1>
      %reduce_sum3A_1380 = tpu.scan <sum>, %scan3A_1281#0 masked %reduce_sum3A_1379 : vector<16xi32>, vector<16xi1> -> vector<16xi32>
      %reduce_sum3A_1381 = vector.extract %reduce_sum3A_1380[15] : i32 from vector<16xi32>
      %add3A_1382 = arith.addi %add3A_1362, %reduce_sum3A_1381 : i32
      %rev3A_1383 = arith.constant 15 : i32
      %rev3A_1384 = vector.broadcast %rev3A_1383 : i32 to vector<16xi32>
      %rev3A_1385 = tpu.iota {dimensions = array<i32: 0>} : vector<16xi32>
      %rev3A_1386 = arith.subi %rev3A_1384, %rev3A_1385 : vector<16xi32>
      %rev3A_1387 = tpu.dynamic_gather %scan3A_1275#0[%rev3A_1386] in [0] : vector<16xi32>, vector<16xi32> -> vector<16xi32>
      %cumsum3A_1388 = arith.constant true
      %cumsum3A_1389 = vector.broadcast %cumsum3A_1388 : i1 to vector<16xi1>
      %cumsum3A_1390 = tpu.scan <sum>, %rev3A_1387 masked %cumsum3A_1389 : vector<16xi32>, vector<16xi1> -> vector<16xi32>
      %rev3A_1391 = arith.constant 15 : i32
      %rev3A_1392 = vector.broadcast %rev3A_1391 : i32 to vector<16xi32>
      %rev3A_1393 = tpu.iota {dimensions = array<i32: 0>} : vector<16xi32>
      %rev3A_1394 = arith.subi %rev3A_1392, %rev3A_1393 : vector<16xi32>
      %rev3A_1395 = tpu.dynamic_gather %cumsum3A_1390[%rev3A_1394] in [0] : vector<16xi32>, vector<16xi32> -> vector<16xi32>
      %add3A_1396 = vector.broadcast %add3A_1382 : i32 to vector<16xi32>
      %add3A_1397 = arith.addi %rev3A_1395, %add3A_1396 : vector<16xi32>
      %reduce_sum3A_1398 = arith.constant true
      %reduce_sum3A_1399 = vector.broadcast %reduce_sum3A_1398 : i1 to vector<16xi1>
      %reduce_sum3A_1400 = tpu.scan <sum>, %scan3A_1275#0 masked %reduce_sum3A_1399 : vector<16xi32>, vector<16xi1> -> vector<16xi32>
      %reduce_sum3A_1401 = vector.extract %reduce_sum3A_1400[15] : i32 from vector<16xi32>
      %add3A_1402 = arith.addi %add3A_1382, %reduce_sum3A_1401 : i32
      %rev3A_1403 = arith.constant 15 : i32
      %rev3A_1404 = vector.broadcast %rev3A_1403 : i32 to vector<16xi32>
      %rev3A_1405 = tpu.iota {dimensions = array<i32: 0>} : vector<16xi32>
      %rev3A_1406 = arith.subi %rev3A_1404, %rev3A_1405 : vector<16xi32>
      %rev3A_1407 = tpu.dynamic_gather %scan3A_1269#0[%rev3A_1406] in [0] : vector<16xi32>, vector<16xi32> -> vector<16xi32>
      %cumsum3A_1408 = arith.constant true
      %cumsum3A_1409 = vector.broadcast %cumsum3A_1408 : i1 to vector<16xi1>
      %cumsum3A_1410 = tpu.scan <sum>, %rev3A_1407 masked %cumsum3A_1409 : vector<16xi32>, vector<16xi1> -> vector<16xi32>
      %rev3A_1411 = arith.constant 15 : i32
      %rev3A_1412 = vector.broadcast %rev3A_1411 : i32 to vector<16xi32>
      %rev3A_1413 = tpu.iota {dimensions = array<i32: 0>} : vector<16xi32>
      %rev3A_1414 = arith.subi %rev3A_1412, %rev3A_1413 : vector<16xi32>
      %rev3A_1415 = tpu.dynamic_gather %cumsum3A_1410[%rev3A_1414] in [0] : vector<16xi32>, vector<16xi32> -> vector<16xi32>
      %add3A_1416 = vector.broadcast %add3A_1402 : i32 to vector<16xi32>
      %add3A_1417 = arith.addi %rev3A_1415, %add3A_1416 : vector<16xi32>
      %reduce_sum3A_1418 = arith.constant true
      %reduce_sum3A_1419 = vector.broadcast %reduce_sum3A_1418 : i1 to vector<16xi1>
      %reduce_sum3A_1420 = tpu.scan <sum>, %scan3A_1269#0 masked %reduce_sum3A_1419 : vector<16xi32>, vector<16xi1> -> vector<16xi32>
      %reduce_sum3A_1421 = vector.extract %reduce_sum3A_1420[15] : i32 from vector<16xi32>
      %add3A_1422 = arith.addi %add3A_1402, %reduce_sum3A_1421 : i32
      %rev3A_1423 = arith.constant 15 : i32
      %rev3A_1424 = vector.broadcast %rev3A_1423 : i32 to vector<16xi32>
      %rev3A_1425 = tpu.iota {dimensions = array<i32: 0>} : vector<16xi32>
      %rev3A_1426 = arith.subi %rev3A_1424, %rev3A_1425 : vector<16xi32>
      %rev3A_1427 = tpu.dynamic_gather %scan3A_1263#0[%rev3A_1426] in [0] : vector<16xi32>, vector<16xi32> -> vector<16xi32>
      %cumsum3A_1428 = arith.constant true
      %cumsum3A_1429 = vector.broadcast %cumsum3A_1428 : i1 to vector<16xi1>
      %cumsum3A_1430 = tpu.scan <sum>, %rev3A_1427 masked %cumsum3A_1429 : vector<16xi32>, vector<16xi1> -> vector<16xi32>
      %rev3A_1431 = arith.constant 15 : i32
      %rev3A_1432 = vector.broadcast %rev3A_1431 : i32 to vector<16xi32>
      %rev3A_1433 = tpu.iota {dimensions = array<i32: 0>} : vector<16xi32>
      %rev3A_1434 = arith.subi %rev3A_1432, %rev3A_1433 : vector<16xi32>
      %rev3A_1435 = tpu.dynamic_gather %cumsum3A_1430[%rev3A_1434] in [0] : vector<16xi32>, vector<16xi32> -> vector<16xi32>
      %add3A_1436 = vector.broadcast %add3A_1422 : i32 to vector<16xi32>
      %add3A_1437 = arith.addi %rev3A_1435, %add3A_1436 : vector<16xi32>
      %reduce_sum3A_1438 = arith.constant true
      %reduce_sum3A_1439 = vector.broadcast %reduce_sum3A_1438 : i1 to vector<16xi1>
      %reduce_sum3A_1440 = tpu.scan <sum>, %scan3A_1263#0 masked %reduce_sum3A_1439 : vector<16xi32>, vector<16xi1> -> vector<16xi32>
      %reduce_sum3A_1441 = vector.extract %reduce_sum3A_1440[15] : i32 from vector<16xi32>
      %add3A_1442 = arith.addi %add3A_1422, %reduce_sum3A_1441 : i32
      %rev3A_1443 = arith.constant 15 : i32
      %rev3A_1444 = vector.broadcast %rev3A_1443 : i32 to vector<16xi32>
      %rev3A_1445 = tpu.iota {dimensions = array<i32: 0>} : vector<16xi32>
      %rev3A_1446 = arith.subi %rev3A_1444, %rev3A_1445 : vector<16xi32>
      %rev3A_1447 = tpu.dynamic_gather %scan3A_1257#0[%rev3A_1446] in [0] : vector<16xi32>, vector<16xi32> -> vector<16xi32>
      %cumsum3A_1448 = arith.constant true
      %cumsum3A_1449 = vector.broadcast %cumsum3A_1448 : i1 to vector<16xi1>
      %cumsum3A_1450 = tpu.scan <sum>, %rev3A_1447 masked %cumsum3A_1449 : vector<16xi32>, vector<16xi1> -> vector<16xi32>
      %rev3A_1451 = arith.constant 15 : i32
      %rev3A_1452 = vector.broadcast %rev3A_1451 : i32 to vector<16xi32>
      %rev3A_1453 = tpu.iota {dimensions = array<i32: 0>} : vector<16xi32>
      %rev3A_1454 = arith.subi %rev3A_1452, %rev3A_1453 : vector<16xi32>
      %rev3A_1455 = tpu.dynamic_gather %cumsum3A_1450[%rev3A_1454] in [0] : vector<16xi32>, vector<16xi32> -> vector<16xi32>
      %add3A_1456 = vector.broadcast %add3A_1442 : i32 to vector<16xi32>
      %add3A_1457 = arith.addi %rev3A_1455, %add3A_1456 : vector<16xi32>
      %reduce_sum3A_1458 = arith.constant true
      %reduce_sum3A_1459 = vector.broadcast %reduce_sum3A_1458 : i1 to vector<16xi1>
      %reduce_sum3A_1460 = tpu.scan <sum>, %scan3A_1257#0 masked %reduce_sum3A_1459 : vector<16xi32>, vector<16xi1> -> vector<16xi32>
      %reduce_sum3A_1461 = vector.extract %reduce_sum3A_1460[15] : i32 from vector<16xi32>
      %add3A_1462 = arith.addi %add3A_1442, %reduce_sum3A_1461 : i32
      %rev3A_1463 = arith.constant 15 : i32
      %rev3A_1464 = vector.broadcast %rev3A_1463 : i32 to vector<16xi32>
      %rev3A_1465 = tpu.iota {dimensions = array<i32: 0>} : vector<16xi32>
      %rev3A_1466 = arith.subi %rev3A_1464, %rev3A_1465 : vector<16xi32>
      %rev3A_1467 = tpu.dynamic_gather %scan3A_1251#0[%rev3A_1466] in [0] : vector<16xi32>, vector<16xi32> -> vector<16xi32>
      %cumsum3A_1468 = arith.constant true
      %cumsum3A_1469 = vector.broadcast %cumsum3A_1468 : i1 to vector<16xi1>
      %cumsum3A_1470 = tpu.scan <sum>, %rev3A_1467 masked %cumsum3A_1469 : vector<16xi32>, vector<16xi1> -> vector<16xi32>
      %rev3A_1471 = arith.constant 15 : i32
      %rev3A_1472 = vector.broadcast %rev3A_1471 : i32 to vector<16xi32>
      %rev3A_1473 = tpu.iota {dimensions = array<i32: 0>} : vector<16xi32>
      %rev3A_1474 = arith.subi %rev3A_1472, %rev3A_1473 : vector<16xi32>
      %rev3A_1475 = tpu.dynamic_gather %cumsum3A_1470[%rev3A_1474] in [0] : vector<16xi32>, vector<16xi32> -> vector<16xi32>
      %add3A_1476 = vector.broadcast %add3A_1462 : i32 to vector<16xi32>
      %add3A_1477 = arith.addi %rev3A_1475, %add3A_1476 : vector<16xi32>
      %reduce_sum3A_1478 = arith.constant true
      %reduce_sum3A_1479 = vector.broadcast %reduce_sum3A_1478 : i1 to vector<16xi1>
      %reduce_sum3A_1480 = tpu.scan <sum>, %scan3A_1251#0 masked %reduce_sum3A_1479 : vector<16xi32>, vector<16xi1> -> vector<16xi32>
      %reduce_sum3A_1481 = vector.extract %reduce_sum3A_1480[15] : i32 from vector<16xi32>
      %add3A_1482 = arith.addi %add3A_1462, %reduce_sum3A_1481 : i32
      %rev3A_1483 = arith.constant 15 : i32
      %rev3A_1484 = vector.broadcast %rev3A_1483 : i32 to vector<16xi32>
      %rev3A_1485 = tpu.iota {dimensions = array<i32: 0>} : vector<16xi32>
      %rev3A_1486 = arith.subi %rev3A_1484, %rev3A_1485 : vector<16xi32>
      %rev3A_1487 = tpu.dynamic_gather %scan3A_1245#0[%rev3A_1486] in [0] : vector<16xi32>, vector<16xi32> -> vector<16xi32>
      %cumsum3A_1488 = arith.constant true
      %cumsum3A_1489 = vector.broadcast %cumsum3A_1488 : i1 to vector<16xi1>
      %cumsum3A_1490 = tpu.scan <sum>, %rev3A_1487 masked %cumsum3A_1489 : vector<16xi32>, vector<16xi1> -> vector<16xi32>
      %rev3A_1491 = arith.constant 15 : i32
      %rev3A_1492 = vector.broadcast %rev3A_1491 : i32 to vector<16xi32>
      %rev3A_1493 = tpu.iota {dimensions = array<i32: 0>} : vector<16xi32>
      %rev3A_1494 = arith.subi %rev3A_1492, %rev3A_1493 : vector<16xi32>
      %rev3A_1495 = tpu.dynamic_gather %cumsum3A_1490[%rev3A_1494] in [0] : vector<16xi32>, vector<16xi32> -> vector<16xi32>
      %add3A_1496 = vector.broadcast %add3A_1482 : i32 to vector<16xi32>
      %add3A_1497 = arith.addi %rev3A_1495, %add3A_1496 : vector<16xi32>
      %reduce_sum3A_1498 = arith.constant true
      %reduce_sum3A_1499 = vector.broadcast %reduce_sum3A_1498 : i1 to vector<16xi1>
      %reduce_sum3A_1500 = tpu.scan <sum>, %scan3A_1245#0 masked %reduce_sum3A_1499 : vector<16xi32>, vector<16xi1> -> vector<16xi32>
      %reduce_sum3A_1501 = vector.extract %reduce_sum3A_1500[15] : i32 from vector<16xi32>
      %add3A_1502 = arith.addi %add3A_1482, %reduce_sum3A_1501 : i32
      %rev3A_1503 = arith.constant 15 : i32
      %rev3A_1504 = vector.broadcast %rev3A_1503 : i32 to vector<16xi32>
      %rev3A_1505 = tpu.iota {dimensions = array<i32: 0>} : vector<16xi32>
      %rev3A_1506 = arith.subi %rev3A_1504, %rev3A_1505 : vector<16xi32>
      %rev3A_1507 = tpu.dynamic_gather %scan3A_1239#0[%rev3A_1506] in [0] : vector<16xi32>, vector<16xi32> -> vector<16xi32>
      %cumsum3A_1508 = arith.constant true
      %cumsum3A_1509 = vector.broadcast %cumsum3A_1508 : i1 to vector<16xi1>
      %cumsum3A_1510 = tpu.scan <sum>, %rev3A_1507 masked %cumsum3A_1509 : vector<16xi32>, vector<16xi1> -> vector<16xi32>
      %rev3A_1511 = arith.constant 15 : i32
      %rev3A_1512 = vector.broadcast %rev3A_1511 : i32 to vector<16xi32>
      %rev3A_1513 = tpu.iota {dimensions = array<i32: 0>} : vector<16xi32>
      %rev3A_1514 = arith.subi %rev3A_1512, %rev3A_1513 : vector<16xi32>
      %rev3A_1515 = tpu.dynamic_gather %cumsum3A_1510[%rev3A_1514] in [0] : vector<16xi32>, vector<16xi32> -> vector<16xi32>
      %add3A_1516 = vector.broadcast %add3A_1502 : i32 to vector<16xi32>
      %add3A_1517 = arith.addi %rev3A_1515, %add3A_1516 : vector<16xi32>
      %reduce_sum3A_1518 = arith.constant true
      %reduce_sum3A_1519 = vector.broadcast %reduce_sum3A_1518 : i1 to vector<16xi1>
      %reduce_sum3A_1520 = tpu.scan <sum>, %scan3A_1239#0 masked %reduce_sum3A_1519 : vector<16xi32>, vector<16xi1> -> vector<16xi32>
      %reduce_sum3A_1521 = vector.extract %reduce_sum3A_1520[15] : i32 from vector<16xi32>
      %add3A_1522 = arith.addi %add3A_1502, %reduce_sum3A_1521 : i32
      %rev3A_1523 = arith.constant 15 : i32
      %rev3A_1524 = vector.broadcast %rev3A_1523 : i32 to vector<16xi32>
      %rev3A_1525 = tpu.iota {dimensions = array<i32: 0>} : vector<16xi32>
      %rev3A_1526 = arith.subi %rev3A_1524, %rev3A_1525 : vector<16xi32>
      %rev3A_1527 = tpu.dynamic_gather %scan3A_1233#0[%rev3A_1526] in [0] : vector<16xi32>, vector<16xi32> -> vector<16xi32>
      %cumsum3A_1528 = arith.constant true
      %cumsum3A_1529 = vector.broadcast %cumsum3A_1528 : i1 to vector<16xi1>
      %cumsum3A_1530 = tpu.scan <sum>, %rev3A_1527 masked %cumsum3A_1529 : vector<16xi32>, vector<16xi1> -> vector<16xi32>
      %rev3A_1531 = arith.constant 15 : i32
      %rev3A_1532 = vector.broadcast %rev3A_1531 : i32 to vector<16xi32>
      %rev3A_1533 = tpu.iota {dimensions = array<i32: 0>} : vector<16xi32>
      %rev3A_1534 = arith.subi %rev3A_1532, %rev3A_1533 : vector<16xi32>
      %rev3A_1535 = tpu.dynamic_gather %cumsum3A_1530[%rev3A_1534] in [0] : vector<16xi32>, vector<16xi32> -> vector<16xi32>
      %add3A_1536 = vector.broadcast %add3A_1522 : i32 to vector<16xi32>
      %add3A_1537 = arith.addi %rev3A_1535, %add3A_1536 : vector<16xi32>
      %reduce_sum3A_1538 = arith.constant true
      %reduce_sum3A_1539 = vector.broadcast %reduce_sum3A_1538 : i1 to vector<16xi1>
      %reduce_sum3A_1540 = tpu.scan <sum>, %scan3A_1233#0 masked %reduce_sum3A_1539 : vector<16xi32>, vector<16xi1> -> vector<16xi32>
      %reduce_sum3A_1541 = vector.extract %reduce_sum3A_1540[15] : i32 from vector<16xi32>
      %add3A_1542 = arith.addi %add3A_1522, %reduce_sum3A_1541 : i32
      %rev3A_1543 = arith.constant 15 : i32
      %rev3A_1544 = vector.broadcast %rev3A_1543 : i32 to vector<16xi32>
      %rev3A_1545 = tpu.iota {dimensions = array<i32: 0>} : vector<16xi32>
      %rev3A_1546 = arith.subi %rev3A_1544, %rev3A_1545 : vector<16xi32>
      %rev3A_1547 = tpu.dynamic_gather %scan3A_1227#0[%rev3A_1546] in [0] : vector<16xi32>, vector<16xi32> -> vector<16xi32>
      %cumsum3A_1548 = arith.constant true
      %cumsum3A_1549 = vector.broadcast %cumsum3A_1548 : i1 to vector<16xi1>
      %cumsum3A_1550 = tpu.scan <sum>, %rev3A_1547 masked %cumsum3A_1549 : vector<16xi32>, vector<16xi1> -> vector<16xi32>
      %rev3A_1551 = arith.constant 15 : i32
      %rev3A_1552 = vector.broadcast %rev3A_1551 : i32 to vector<16xi32>
      %rev3A_1553 = tpu.iota {dimensions = array<i32: 0>} : vector<16xi32>
      %rev3A_1554 = arith.subi %rev3A_1552, %rev3A_1553 : vector<16xi32>
      %rev3A_1555 = tpu.dynamic_gather %cumsum3A_1550[%rev3A_1554] in [0] : vector<16xi32>, vector<16xi32> -> vector<16xi32>
      %add3A_1556 = vector.broadcast %add3A_1542 : i32 to vector<16xi32>
      %add3A_1557 = arith.addi %rev3A_1555, %add3A_1556 : vector<16xi32>
      %reduce_sum3A_1558 = arith.constant true
      %reduce_sum3A_1559 = vector.broadcast %reduce_sum3A_1558 : i1 to vector<16xi1>
      %reduce_sum3A_1560 = tpu.scan <sum>, %scan3A_1227#0 masked %reduce_sum3A_1559 : vector<16xi32>, vector<16xi1> -> vector<16xi32>
      %reduce_sum3A_1561 = vector.extract %reduce_sum3A_1560[15] : i32 from vector<16xi32>
      %add3A_1562 = arith.addi %add3A_1542, %reduce_sum3A_1561 : i32
      %rev3A_1563 = arith.constant 15 : i32
      %rev3A_1564 = vector.broadcast %rev3A_1563 : i32 to vector<16xi32>
      %rev3A_1565 = tpu.iota {dimensions = array<i32: 0>} : vector<16xi32>
      %rev3A_1566 = arith.subi %rev3A_1564, %rev3A_1565 : vector<16xi32>
      %rev3A_1567 = tpu.dynamic_gather %scan3A_1221#0[%rev3A_1566] in [0] : vector<16xi32>, vector<16xi32> -> vector<16xi32>
      %cumsum3A_1568 = arith.constant true
      %cumsum3A_1569 = vector.broadcast %cumsum3A_1568 : i1 to vector<16xi1>
      %cumsum3A_1570 = tpu.scan <sum>, %rev3A_1567 masked %cumsum3A_1569 : vector<16xi32>, vector<16xi1> -> vector<16xi32>
      %rev3A_1571 = arith.constant 15 : i32
      %rev3A_1572 = vector.broadcast %rev3A_1571 : i32 to vector<16xi32>
      %rev3A_1573 = tpu.iota {dimensions = array<i32: 0>} : vector<16xi32>
      %rev3A_1574 = arith.subi %rev3A_1572, %rev3A_1573 : vector<16xi32>
      %rev3A_1575 = tpu.dynamic_gather %cumsum3A_1570[%rev3A_1574] in [0] : vector<16xi32>, vector<16xi32> -> vector<16xi32>
      %add3A_1576 = vector.broadcast %add3A_1562 : i32 to vector<16xi32>
      %add3A_1577 = arith.addi %rev3A_1575, %add3A_1576 : vector<16xi32>
      %reduce_sum3A_1578 = arith.constant true
      %reduce_sum3A_1579 = vector.broadcast %reduce_sum3A_1578 : i1 to vector<16xi1>
      %reduce_sum3A_1580 = tpu.scan <sum>, %scan3A_1221#0 masked %reduce_sum3A_1579 : vector<16xi32>, vector<16xi1> -> vector<16xi32>
      %reduce_sum3A_1581 = vector.extract %reduce_sum3A_1580[15] : i32 from vector<16xi32>
      %add3A_1582 = arith.addi %add3A_1562, %reduce_sum3A_1581 : i32
      %rev3A_1583 = arith.constant 15 : i32
      %rev3A_1584 = vector.broadcast %rev3A_1583 : i32 to vector<16xi32>
      %rev3A_1585 = tpu.iota {dimensions = array<i32: 0>} : vector<16xi32>
      %rev3A_1586 = arith.subi %rev3A_1584, %rev3A_1585 : vector<16xi32>
      %rev3A_1587 = tpu.dynamic_gather %scan3A_1215#0[%rev3A_1586] in [0] : vector<16xi32>, vector<16xi32> -> vector<16xi32>
      %cumsum3A_1588 = arith.constant true
      %cumsum3A_1589 = vector.broadcast %cumsum3A_1588 : i1 to vector<16xi1>
      %cumsum3A_1590 = tpu.scan <sum>, %rev3A_1587 masked %cumsum3A_1589 : vector<16xi32>, vector<16xi1> -> vector<16xi32>
      %rev3A_1591 = arith.constant 15 : i32
      %rev3A_1592 = vector.broadcast %rev3A_1591 : i32 to vector<16xi32>
      %rev3A_1593 = tpu.iota {dimensions = array<i32: 0>} : vector<16xi32>
      %rev3A_1594 = arith.subi %rev3A_1592, %rev3A_1593 : vector<16xi32>
      %rev3A_1595 = tpu.dynamic_gather %cumsum3A_1590[%rev3A_1594] in [0] : vector<16xi32>, vector<16xi32> -> vector<16xi32>
      %add3A_1596 = vector.broadcast %add3A_1582 : i32 to vector<16xi32>
      %add3A_1597 = arith.addi %rev3A_1595, %add3A_1596 : vector<16xi32>
      %reduce_sum3A_1598 = arith.constant true
      %reduce_sum3A_1599 = vector.broadcast %reduce_sum3A_1598 : i1 to vector<16xi1>
      %reduce_sum3A_1600 = tpu.scan <sum>, %scan3A_1215#0 masked %reduce_sum3A_1599 : vector<16xi32>, vector<16xi1> -> vector<16xi32>
      %reduce_sum3A_1601 = vector.extract %reduce_sum3A_1600[15] : i32 from vector<16xi32>
      %add3A_1602 = arith.addi %add3A_1582, %reduce_sum3A_1601 : i32
      %rev3A_1603 = arith.constant 15 : i32
      %rev3A_1604 = vector.broadcast %rev3A_1603 : i32 to vector<16xi32>
      %rev3A_1605 = tpu.iota {dimensions = array<i32: 0>} : vector<16xi32>
      %rev3A_1606 = arith.subi %rev3A_1604, %rev3A_1605 : vector<16xi32>
      %rev3A_1607 = tpu.dynamic_gather %scan3A_1209#0[%rev3A_1606] in [0] : vector<16xi32>, vector<16xi32> -> vector<16xi32>
      %cumsum3A_1608 = arith.constant true
      %cumsum3A_1609 = vector.broadcast %cumsum3A_1608 : i1 to vector<16xi1>
      %cumsum3A_1610 = tpu.scan <sum>, %rev3A_1607 masked %cumsum3A_1609 : vector<16xi32>, vector<16xi1> -> vector<16xi32>
      %rev3A_1611 = arith.constant 15 : i32
      %rev3A_1612 = vector.broadcast %rev3A_1611 : i32 to vector<16xi32>
      %rev3A_1613 = tpu.iota {dimensions = array<i32: 0>} : vector<16xi32>
      %rev3A_1614 = arith.subi %rev3A_1612, %rev3A_1613 : vector<16xi32>
      %rev3A_1615 = tpu.dynamic_gather %cumsum3A_1610[%rev3A_1614] in [0] : vector<16xi32>, vector<16xi32> -> vector<16xi32>
      %add3A_1616 = vector.broadcast %add3A_1602 : i32 to vector<16xi32>
      %add3A_1617 = arith.addi %rev3A_1615, %add3A_1616 : vector<16xi32>
      %reduce_sum3A_1618 = arith.constant true
      %reduce_sum3A_1619 = vector.broadcast %reduce_sum3A_1618 : i1 to vector<16xi1>
      %reduce_sum3A_1620 = tpu.scan <sum>, %scan3A_1209#0 masked %reduce_sum3A_1619 : vector<16xi32>, vector<16xi1> -> vector<16xi32>
      %reduce_sum3A_1621 = vector.extract %reduce_sum3A_1620[15] : i32 from vector<16xi32>
      %add3A_1622 = arith.addi %add3A_1602, %reduce_sum3A_1621 : i32
      %ge3A_1623 = vector.broadcast %sub3A_1201 : i32 to vector<16xi32>
      %ge3A_1624 = arith.cmpi sge, %add3A_1617, %ge3A_1623 : vector<16xi32>
      %convert_element_type3A_1625 = arith.extui %ge3A_1624 : vector<16xi1> to vector<16xi32>
      %reduce_sum3A_1626 = arith.constant true
      %reduce_sum3A_1627 = vector.broadcast %reduce_sum3A_1626 : i1 to vector<16xi1>
      %reduce_sum3A_1628 = tpu.scan <sum>, %convert_element_type3A_1625 masked %reduce_sum3A_1627 : vector<16xi32>, vector<16xi1> -> vector<16xi32>
      %reduce_sum3A_1629 = vector.extract %reduce_sum3A_1628[15] : i32 from vector<16xi32>
      %add3A_1630 = arith.constant 0 : i32
      %add3A_1631 = arith.addi %add3A_1630, %reduce_sum3A_1629 : i32
      %ge3A_1632 = vector.broadcast %sub3A_1201 : i32 to vector<16xi32>
      %ge3A_1633 = arith.cmpi sge, %add3A_1597, %ge3A_1632 : vector<16xi32>
      %convert_element_type3A_1634 = arith.extui %ge3A_1633 : vector<16xi1> to vector<16xi32>
      %reduce_sum3A_1635 = arith.constant true
      %reduce_sum3A_1636 = vector.broadcast %reduce_sum3A_1635 : i1 to vector<16xi1>
      %reduce_sum3A_1637 = tpu.scan <sum>, %convert_element_type3A_1634 masked %reduce_sum3A_1636 : vector<16xi32>, vector<16xi1> -> vector<16xi32>
      %reduce_sum3A_1638 = vector.extract %reduce_sum3A_1637[15] : i32 from vector<16xi32>
      %add3A_1639 = arith.addi %add3A_1631, %reduce_sum3A_1638 : i32
      %ge3A_1640 = vector.broadcast %sub3A_1201 : i32 to vector<16xi32>
      %ge3A_1641 = arith.cmpi sge, %add3A_1577, %ge3A_1640 : vector<16xi32>
      %convert_element_type3A_1642 = arith.extui %ge3A_1641 : vector<16xi1> to vector<16xi32>
      %reduce_sum3A_1643 = arith.constant true
      %reduce_sum3A_1644 = vector.broadcast %reduce_sum3A_1643 : i1 to vector<16xi1>
      %reduce_sum3A_1645 = tpu.scan <sum>, %convert_element_type3A_1642 masked %reduce_sum3A_1644 : vector<16xi32>, vector<16xi1> -> vector<16xi32>
      %reduce_sum3A_1646 = vector.extract %reduce_sum3A_1645[15] : i32 from vector<16xi32>
      %add3A_1647 = arith.addi %add3A_1639, %reduce_sum3A_1646 : i32
      %ge3A_1648 = vector.broadcast %sub3A_1201 : i32 to vector<16xi32>
      %ge3A_1649 = arith.cmpi sge, %add3A_1557, %ge3A_1648 : vector<16xi32>
      %convert_element_type3A_1650 = arith.extui %ge3A_1649 : vector<16xi1> to vector<16xi32>
      %reduce_sum3A_1651 = arith.constant true
      %reduce_sum3A_1652 = vector.broadcast %reduce_sum3A_1651 : i1 to vector<16xi1>
      %reduce_sum3A_1653 = tpu.scan <sum>, %convert_element_type3A_1650 masked %reduce_sum3A_1652 : vector<16xi32>, vector<16xi1> -> vector<16xi32>
      %reduce_sum3A_1654 = vector.extract %reduce_sum3A_1653[15] : i32 from vector<16xi32>
      %add3A_1655 = arith.addi %add3A_1647, %reduce_sum3A_1654 : i32
      %ge3A_1656 = vector.broadcast %sub3A_1201 : i32 to vector<16xi32>
      %ge3A_1657 = arith.cmpi sge, %add3A_1537, %ge3A_1656 : vector<16xi32>
      %convert_element_type3A_1658 = arith.extui %ge3A_1657 : vector<16xi1> to vector<16xi32>
      %reduce_sum3A_1659 = arith.constant true
      %reduce_sum3A_1660 = vector.broadcast %reduce_sum3A_1659 : i1 to vector<16xi1>
      %reduce_sum3A_1661 = tpu.scan <sum>, %convert_element_type3A_1658 masked %reduce_sum3A_1660 : vector<16xi32>, vector<16xi1> -> vector<16xi32>
      %reduce_sum3A_1662 = vector.extract %reduce_sum3A_1661[15] : i32 from vector<16xi32>
      %add3A_1663 = arith.addi %add3A_1655, %reduce_sum3A_1662 : i32
      %ge3A_1664 = vector.broadcast %sub3A_1201 : i32 to vector<16xi32>
      %ge3A_1665 = arith.cmpi sge, %add3A_1517, %ge3A_1664 : vector<16xi32>
      %convert_element_type3A_1666 = arith.extui %ge3A_1665 : vector<16xi1> to vector<16xi32>
      %reduce_sum3A_1667 = arith.constant true
      %reduce_sum3A_1668 = vector.broadcast %reduce_sum3A_1667 : i1 to vector<16xi1>
      %reduce_sum3A_1669 = tpu.scan <sum>, %convert_element_type3A_1666 masked %reduce_sum3A_1668 : vector<16xi32>, vector<16xi1> -> vector<16xi32>
      %reduce_sum3A_1670 = vector.extract %reduce_sum3A_1669[15] : i32 from vector<16xi32>
      %add3A_1671 = arith.addi %add3A_1663, %reduce_sum3A_1670 : i32
      %ge3A_1672 = vector.broadcast %sub3A_1201 : i32 to vector<16xi32>
      %ge3A_1673 = arith.cmpi sge, %add3A_1497, %ge3A_1672 : vector<16xi32>
      %convert_element_type3A_1674 = arith.extui %ge3A_1673 : vector<16xi1> to vector<16xi32>
      %reduce_sum3A_1675 = arith.constant true
      %reduce_sum3A_1676 = vector.broadcast %reduce_sum3A_1675 : i1 to vector<16xi1>
      %reduce_sum3A_1677 = tpu.scan <sum>, %convert_element_type3A_1674 masked %reduce_sum3A_1676 : vector<16xi32>, vector<16xi1> -> vector<16xi32>
      %reduce_sum3A_1678 = vector.extract %reduce_sum3A_1677[15] : i32 from vector<16xi32>
      %add3A_1679 = arith.addi %add3A_1671, %reduce_sum3A_1678 : i32
      %ge3A_1680 = vector.broadcast %sub3A_1201 : i32 to vector<16xi32>
      %ge3A_1681 = arith.cmpi sge, %add3A_1477, %ge3A_1680 : vector<16xi32>
      %convert_element_type3A_1682 = arith.extui %ge3A_1681 : vector<16xi1> to vector<16xi32>
      %reduce_sum3A_1683 = arith.constant true
      %reduce_sum3A_1684 = vector.broadcast %reduce_sum3A_1683 : i1 to vector<16xi1>
      %reduce_sum3A_1685 = tpu.scan <sum>, %convert_element_type3A_1682 masked %reduce_sum3A_1684 : vector<16xi32>, vector<16xi1> -> vector<16xi32>
      %reduce_sum3A_1686 = vector.extract %reduce_sum3A_1685[15] : i32 from vector<16xi32>
      %add3A_1687 = arith.addi %add3A_1679, %reduce_sum3A_1686 : i32
      %ge3A_1688 = vector.broadcast %sub3A_1201 : i32 to vector<16xi32>
      %ge3A_1689 = arith.cmpi sge, %add3A_1457, %ge3A_1688 : vector<16xi32>
      %convert_element_type3A_1690 = arith.extui %ge3A_1689 : vector<16xi1> to vector<16xi32>
      %reduce_sum3A_1691 = arith.constant true
      %reduce_sum3A_1692 = vector.broadcast %reduce_sum3A_1691 : i1 to vector<16xi1>
      %reduce_sum3A_1693 = tpu.scan <sum>, %convert_element_type3A_1690 masked %reduce_sum3A_1692 : vector<16xi32>, vector<16xi1> -> vector<16xi32>
      %reduce_sum3A_1694 = vector.extract %reduce_sum3A_1693[15] : i32 from vector<16xi32>
      %add3A_1695 = arith.addi %add3A_1687, %reduce_sum3A_1694 : i32
      %ge3A_1696 = vector.broadcast %sub3A_1201 : i32 to vector<16xi32>
      %ge3A_1697 = arith.cmpi sge, %add3A_1437, %ge3A_1696 : vector<16xi32>
      %convert_element_type3A_1698 = arith.extui %ge3A_1697 : vector<16xi1> to vector<16xi32>
      %reduce_sum3A_1699 = arith.constant true
      %reduce_sum3A_1700 = vector.broadcast %reduce_sum3A_1699 : i1 to vector<16xi1>
      %reduce_sum3A_1701 = tpu.scan <sum>, %convert_element_type3A_1698 masked %reduce_sum3A_1700 : vector<16xi32>, vector<16xi1> -> vector<16xi32>
      %reduce_sum3A_1702 = vector.extract %reduce_sum3A_1701[15] : i32 from vector<16xi32>
      %add3A_1703 = arith.addi %add3A_1695, %reduce_sum3A_1702 : i32
      %ge3A_1704 = vector.broadcast %sub3A_1201 : i32 to vector<16xi32>
      %ge3A_1705 = arith.cmpi sge, %add3A_1417, %ge3A_1704 : vector<16xi32>
      %convert_element_type3A_1706 = arith.extui %ge3A_1705 : vector<16xi1> to vector<16xi32>
      %reduce_sum3A_1707 = arith.constant true
      %reduce_sum3A_1708 = vector.broadcast %reduce_sum3A_1707 : i1 to vector<16xi1>
      %reduce_sum3A_1709 = tpu.scan <sum>, %convert_element_type3A_1706 masked %reduce_sum3A_1708 : vector<16xi32>, vector<16xi1> -> vector<16xi32>
      %reduce_sum3A_1710 = vector.extract %reduce_sum3A_1709[15] : i32 from vector<16xi32>
      %add3A_1711 = arith.addi %add3A_1703, %reduce_sum3A_1710 : i32
      %ge3A_1712 = vector.broadcast %sub3A_1201 : i32 to vector<16xi32>
      %ge3A_1713 = arith.cmpi sge, %add3A_1397, %ge3A_1712 : vector<16xi32>
      %convert_element_type3A_1714 = arith.extui %ge3A_1713 : vector<16xi1> to vector<16xi32>
      %reduce_sum3A_1715 = arith.constant true
      %reduce_sum3A_1716 = vector.broadcast %reduce_sum3A_1715 : i1 to vector<16xi1>
      %reduce_sum3A_1717 = tpu.scan <sum>, %convert_element_type3A_1714 masked %reduce_sum3A_1716 : vector<16xi32>, vector<16xi1> -> vector<16xi32>
      %reduce_sum3A_1718 = vector.extract %reduce_sum3A_1717[15] : i32 from vector<16xi32>
      %add3A_1719 = arith.addi %add3A_1711, %reduce_sum3A_1718 : i32
      %ge3A_1720 = vector.broadcast %sub3A_1201 : i32 to vector<16xi32>
      %ge3A_1721 = arith.cmpi sge, %add3A_1377, %ge3A_1720 : vector<16xi32>
      %convert_element_type3A_1722 = arith.extui %ge3A_1721 : vector<16xi1> to vector<16xi32>
      %reduce_sum3A_1723 = arith.constant true
      %reduce_sum3A_1724 = vector.broadcast %reduce_sum3A_1723 : i1 to vector<16xi1>
      %reduce_sum3A_1725 = tpu.scan <sum>, %convert_element_type3A_1722 masked %reduce_sum3A_1724 : vector<16xi32>, vector<16xi1> -> vector<16xi32>
      %reduce_sum3A_1726 = vector.extract %reduce_sum3A_1725[15] : i32 from vector<16xi32>
      %add3A_1727 = arith.addi %add3A_1719, %reduce_sum3A_1726 : i32
      %ge3A_1728 = vector.broadcast %sub3A_1201 : i32 to vector<16xi32>
      %ge3A_1729 = arith.cmpi sge, %add3A_1357, %ge3A_1728 : vector<16xi32>
      %convert_element_type3A_1730 = arith.extui %ge3A_1729 : vector<16xi1> to vector<16xi32>
      %reduce_sum3A_1731 = arith.constant true
      %reduce_sum3A_1732 = vector.broadcast %reduce_sum3A_1731 : i1 to vector<16xi1>
      %reduce_sum3A_1733 = tpu.scan <sum>, %convert_element_type3A_1730 masked %reduce_sum3A_1732 : vector<16xi32>, vector<16xi1> -> vector<16xi32>
      %reduce_sum3A_1734 = vector.extract %reduce_sum3A_1733[15] : i32 from vector<16xi32>
      %add3A_1735 = arith.addi %add3A_1727, %reduce_sum3A_1734 : i32
      %ge3A_1736 = vector.broadcast %sub3A_1201 : i32 to vector<16xi32>
      %ge3A_1737 = arith.cmpi sge, %add3A_1337, %ge3A_1736 : vector<16xi32>
      %convert_element_type3A_1738 = arith.extui %ge3A_1737 : vector<16xi1> to vector<16xi32>
      %reduce_sum3A_1739 = arith.constant true
      %reduce_sum3A_1740 = vector.broadcast %reduce_sum3A_1739 : i1 to vector<16xi1>
      %reduce_sum3A_1741 = tpu.scan <sum>, %convert_element_type3A_1738 masked %reduce_sum3A_1740 : vector<16xi32>, vector<16xi1> -> vector<16xi32>
      %reduce_sum3A_1742 = vector.extract %reduce_sum3A_1741[15] : i32 from vector<16xi32>
      %add3A_1743 = arith.addi %add3A_1735, %reduce_sum3A_1742 : i32
      %ge3A_1744 = vector.broadcast %sub3A_1201 : i32 to vector<16xi32>
      %ge3A_1745 = arith.cmpi sge, %add3A_1316, %ge3A_1744 : vector<16xi32>
      %convert_element_type3A_1746 = arith.extui %ge3A_1745 : vector<16xi1> to vector<16xi32>
      %reduce_sum3A_1747 = arith.constant true
      %reduce_sum3A_1748 = vector.broadcast %reduce_sum3A_1747 : i1 to vector<16xi1>
      %reduce_sum3A_1749 = tpu.scan <sum>, %convert_element_type3A_1746 masked %reduce_sum3A_1748 : vector<16xi32>, vector<16xi1> -> vector<16xi32>
      %reduce_sum3A_1750 = vector.extract %reduce_sum3A_1749[15] : i32 from vector<16xi32>
      %add3A_1751 = arith.addi %add3A_1743, %reduce_sum3A_1750 : i32
      %sub3A_1752 = arith.constant 1 : i32
      %sub3A_1753 = arith.subi %add3A_1751, %sub3A_1752 : i32
      %add3A_1754 = arith.constant 0 : i32
      %add3A_1755 = vector.broadcast %add3A_1754 : i32 to vector<16xi32>
      %add3A_1756 = arith.addi %iota3A, %add3A_1755 : vector<16xi32>
      %gt3A_1757 = vector.broadcast %sub3A_1753 : i32 to vector<16xi32>
      %gt3A_1758 = arith.cmpi sgt, %add3A_1756, %gt3A_1757 : vector<16xi32>
      %eq3A_1759 = vector.broadcast %sub3A_1753 : i32 to vector<16xi32>
      %eq3A_1760 = arith.cmpi eq, %add3A_1756, %eq3A_1759 : vector<16xi32>
      %jit3A_1761 = arith.constant 0 : i32
      %broadcast_in_dim3A_1762 = vector.broadcast %jit3A_1761 : i32 to vector<16xi32>
      %select_n3A_1763 = arith.select %gt3A_1758, %scan3A_1209#0, %broadcast_in_dim3A_1762 : vector<16xi1>, vector<16xi32>
      %reduce_sum3A_1764 = arith.constant true
      %reduce_sum3A_1765 = vector.broadcast %reduce_sum3A_1764 : i1 to vector<16xi1>
      %reduce_sum3A_1766 = tpu.scan <sum>, %select_n3A_1763 masked %reduce_sum3A_1765 : vector<16xi32>, vector<16xi1> -> vector<16xi32>
      %reduce_sum3A_1767 = vector.extract %reduce_sum3A_1766[15] : i32 from vector<16xi32>
      %add3A_1768 = arith.constant 0 : i32
      %add3A_1769 = arith.addi %add3A_1768, %reduce_sum3A_1767 : i32
      %jit3A_1770 = arith.constant 0.000000e+00 : f32
      %broadcast_in_dim3A_1771 = vector.broadcast %jit3A_1770 : f32 to vector<16xf32>
      %select_n3A_1772 = arith.select %gt3A_1758, %scan3A_1209#1, %broadcast_in_dim3A_1771 : vector<16xi1>, vector<16xf32>
      %reduce_sum3A_1773 = arith.constant true
      %reduce_sum3A_1774 = vector.broadcast %reduce_sum3A_1773 : i1 to vector<16xi1>
      %reduce_sum3A_1775 = tpu.scan <sum>, %select_n3A_1772 masked %reduce_sum3A_1774 : vector<16xf32>, vector<16xi1> -> vector<16xf32>
      %reduce_sum3A_1776 = vector.extract %reduce_sum3A_1775[15] : f32 from vector<16xf32>
      %add3A_1777 = arith.constant 0.000000e+00 : f32
      %add3A_1778 = arith.addf %add3A_1777, %reduce_sum3A_1776 : f32
      %jit3A_1779 = arith.constant 0 : i32
      %broadcast_in_dim3A_1780 = vector.broadcast %jit3A_1779 : i32 to vector<16xi32>
      %select_n3A_1781 = arith.select %eq3A_1760, %scan3A_1209#0, %broadcast_in_dim3A_1780 : vector<16xi1>, vector<16xi32>
      %reduce_sum3A_1782 = arith.constant true
      %reduce_sum3A_1783 = vector.broadcast %reduce_sum3A_1782 : i1 to vector<16xi1>
      %reduce_sum3A_1784 = tpu.scan <sum>, %select_n3A_1781 masked %reduce_sum3A_1783 : vector<16xi32>, vector<16xi1> -> vector<16xi32>
      %reduce_sum3A_1785 = vector.extract %reduce_sum3A_1784[15] : i32 from vector<16xi32>
      %add3A_1786 = arith.constant 0 : i32
      %add3A_1787 = arith.addi %add3A_1786, %reduce_sum3A_1785 : i32
      %jit3A_1788 = arith.constant 0.000000e+00 : f32
      %broadcast_in_dim3A_1789 = vector.broadcast %jit3A_1788 : f32 to vector<16xf32>
      %select_n3A_1790 = arith.select %eq3A_1760, %scan3A_1209#1, %broadcast_in_dim3A_1789 : vector<16xi1>, vector<16xf32>
      %reduce_sum3A_1791 = arith.constant true
      %reduce_sum3A_1792 = vector.broadcast %reduce_sum3A_1791 : i1 to vector<16xi1>
      %reduce_sum3A_1793 = tpu.scan <sum>, %select_n3A_1790 masked %reduce_sum3A_1792 : vector<16xf32>, vector<16xi1> -> vector<16xf32>
      %reduce_sum3A_1794 = vector.extract %reduce_sum3A_1793[15] : f32 from vector<16xf32>
      %add3A_1795 = arith.constant 0.000000e+00 : f32
      %add3A_1796 = arith.addf %add3A_1795, %reduce_sum3A_1794 : f32
      %add3A_1797 = arith.constant 16 : i32
      %add3A_1798 = vector.broadcast %add3A_1797 : i32 to vector<16xi32>
      %add3A_1799 = arith.addi %iota3A, %add3A_1798 : vector<16xi32>
      %gt3A_1800 = vector.broadcast %sub3A_1753 : i32 to vector<16xi32>
      %gt3A_1801 = arith.cmpi sgt, %add3A_1799, %gt3A_1800 : vector<16xi32>
      %eq3A_1802 = vector.broadcast %sub3A_1753 : i32 to vector<16xi32>
      %eq3A_1803 = arith.cmpi eq, %add3A_1799, %eq3A_1802 : vector<16xi32>
      %jit3A_1804 = arith.constant 0 : i32
      %broadcast_in_dim3A_1805 = vector.broadcast %jit3A_1804 : i32 to vector<16xi32>
      %select_n3A_1806 = arith.select %gt3A_1801, %scan3A_1215#0, %broadcast_in_dim3A_1805 : vector<16xi1>, vector<16xi32>
      %reduce_sum3A_1807 = arith.constant true
      %reduce_sum3A_1808 = vector.broadcast %reduce_sum3A_1807 : i1 to vector<16xi1>
      %reduce_sum3A_1809 = tpu.scan <sum>, %select_n3A_1806 masked %reduce_sum3A_1808 : vector<16xi32>, vector<16xi1> -> vector<16xi32>
      %reduce_sum3A_1810 = vector.extract %reduce_sum3A_1809[15] : i32 from vector<16xi32>
      %add3A_1811 = arith.addi %add3A_1769, %reduce_sum3A_1810 : i32
      %jit3A_1812 = arith.constant 0.000000e+00 : f32
      %broadcast_in_dim3A_1813 = vector.broadcast %jit3A_1812 : f32 to vector<16xf32>
      %select_n3A_1814 = arith.select %gt3A_1801, %scan3A_1215#1, %broadcast_in_dim3A_1813 : vector<16xi1>, vector<16xf32>
      %reduce_sum3A_1815 = arith.constant true
      %reduce_sum3A_1816 = vector.broadcast %reduce_sum3A_1815 : i1 to vector<16xi1>
      %reduce_sum3A_1817 = tpu.scan <sum>, %select_n3A_1814 masked %reduce_sum3A_1816 : vector<16xf32>, vector<16xi1> -> vector<16xf32>
      %reduce_sum3A_1818 = vector.extract %reduce_sum3A_1817[15] : f32 from vector<16xf32>
      %add3A_1819 = arith.addf %add3A_1778, %reduce_sum3A_1818 : f32
      %jit3A_1820 = arith.constant 0 : i32
      %broadcast_in_dim3A_1821 = vector.broadcast %jit3A_1820 : i32 to vector<16xi32>
      %select_n3A_1822 = arith.select %eq3A_1803, %scan3A_1215#0, %broadcast_in_dim3A_1821 : vector<16xi1>, vector<16xi32>
      %reduce_sum3A_1823 = arith.constant true
      %reduce_sum3A_1824 = vector.broadcast %reduce_sum3A_1823 : i1 to vector<16xi1>
      %reduce_sum3A_1825 = tpu.scan <sum>, %select_n3A_1822 masked %reduce_sum3A_1824 : vector<16xi32>, vector<16xi1> -> vector<16xi32>
      %reduce_sum3A_1826 = vector.extract %reduce_sum3A_1825[15] : i32 from vector<16xi32>
      %add3A_1827 = arith.addi %add3A_1787, %reduce_sum3A_1826 : i32
      %jit3A_1828 = arith.constant 0.000000e+00 : f32
      %broadcast_in_dim3A_1829 = vector.broadcast %jit3A_1828 : f32 to vector<16xf32>
      %select_n3A_1830 = arith.select %eq3A_1803, %scan3A_1215#1, %broadcast_in_dim3A_1829 : vector<16xi1>, vector<16xf32>
      %reduce_sum3A_1831 = arith.constant true
      %reduce_sum3A_1832 = vector.broadcast %reduce_sum3A_1831 : i1 to vector<16xi1>
      %reduce_sum3A_1833 = tpu.scan <sum>, %select_n3A_1830 masked %reduce_sum3A_1832 : vector<16xf32>, vector<16xi1> -> vector<16xf32>
      %reduce_sum3A_1834 = vector.extract %reduce_sum3A_1833[15] : f32 from vector<16xf32>
      %add3A_1835 = arith.addf %add3A_1796, %reduce_sum3A_1834 : f32
      %add3A_1836 = arith.constant 32 : i32
      %add3A_1837 = vector.broadcast %add3A_1836 : i32 to vector<16xi32>
      %add3A_1838 = arith.addi %iota3A, %add3A_1837 : vector<16xi32>
      %gt3A_1839 = vector.broadcast %sub3A_1753 : i32 to vector<16xi32>
      %gt3A_1840 = arith.cmpi sgt, %add3A_1838, %gt3A_1839 : vector<16xi32>
      %eq3A_1841 = vector.broadcast %sub3A_1753 : i32 to vector<16xi32>
      %eq3A_1842 = arith.cmpi eq, %add3A_1838, %eq3A_1841 : vector<16xi32>
      %jit3A_1843 = arith.constant 0 : i32
      %broadcast_in_dim3A_1844 = vector.broadcast %jit3A_1843 : i32 to vector<16xi32>
      %select_n3A_1845 = arith.select %gt3A_1840, %scan3A_1221#0, %broadcast_in_dim3A_1844 : vector<16xi1>, vector<16xi32>
      %reduce_sum3A_1846 = arith.constant true
      %reduce_sum3A_1847 = vector.broadcast %reduce_sum3A_1846 : i1 to vector<16xi1>
      %reduce_sum3A_1848 = tpu.scan <sum>, %select_n3A_1845 masked %reduce_sum3A_1847 : vector<16xi32>, vector<16xi1> -> vector<16xi32>
      %reduce_sum3A_1849 = vector.extract %reduce_sum3A_1848[15] : i32 from vector<16xi32>
      %add3A_1850 = arith.addi %add3A_1811, %reduce_sum3A_1849 : i32
      %jit3A_1851 = arith.constant 0.000000e+00 : f32
      %broadcast_in_dim3A_1852 = vector.broadcast %jit3A_1851 : f32 to vector<16xf32>
      %select_n3A_1853 = arith.select %gt3A_1840, %scan3A_1221#1, %broadcast_in_dim3A_1852 : vector<16xi1>, vector<16xf32>
      %reduce_sum3A_1854 = arith.constant true
      %reduce_sum3A_1855 = vector.broadcast %reduce_sum3A_1854 : i1 to vector<16xi1>
      %reduce_sum3A_1856 = tpu.scan <sum>, %select_n3A_1853 masked %reduce_sum3A_1855 : vector<16xf32>, vector<16xi1> -> vector<16xf32>
      %reduce_sum3A_1857 = vector.extract %reduce_sum3A_1856[15] : f32 from vector<16xf32>
      %add3A_1858 = arith.addf %add3A_1819, %reduce_sum3A_1857 : f32
      %jit3A_1859 = arith.constant 0 : i32
      %broadcast_in_dim3A_1860 = vector.broadcast %jit3A_1859 : i32 to vector<16xi32>
      %select_n3A_1861 = arith.select %eq3A_1842, %scan3A_1221#0, %broadcast_in_dim3A_1860 : vector<16xi1>, vector<16xi32>
      %reduce_sum3A_1862 = arith.constant true
      %reduce_sum3A_1863 = vector.broadcast %reduce_sum3A_1862 : i1 to vector<16xi1>
      %reduce_sum3A_1864 = tpu.scan <sum>, %select_n3A_1861 masked %reduce_sum3A_1863 : vector<16xi32>, vector<16xi1> -> vector<16xi32>
      %reduce_sum3A_1865 = vector.extract %reduce_sum3A_1864[15] : i32 from vector<16xi32>
      %add3A_1866 = arith.addi %add3A_1827, %reduce_sum3A_1865 : i32
      %jit3A_1867 = arith.constant 0.000000e+00 : f32
      %broadcast_in_dim3A_1868 = vector.broadcast %jit3A_1867 : f32 to vector<16xf32>
      %select_n3A_1869 = arith.select %eq3A_1842, %scan3A_1221#1, %broadcast_in_dim3A_1868 : vector<16xi1>, vector<16xf32>
      %reduce_sum3A_1870 = arith.constant true
      %reduce_sum3A_1871 = vector.broadcast %reduce_sum3A_1870 : i1 to vector<16xi1>
      %reduce_sum3A_1872 = tpu.scan <sum>, %select_n3A_1869 masked %reduce_sum3A_1871 : vector<16xf32>, vector<16xi1> -> vector<16xf32>
      %reduce_sum3A_1873 = vector.extract %reduce_sum3A_1872[15] : f32 from vector<16xf32>
      %add3A_1874 = arith.addf %add3A_1835, %reduce_sum3A_1873 : f32
      %add3A_1875 = arith.constant 48 : i32
      %add3A_1876 = vector.broadcast %add3A_1875 : i32 to vector<16xi32>
      %add3A_1877 = arith.addi %iota3A, %add3A_1876 : vector<16xi32>
      %gt3A_1878 = vector.broadcast %sub3A_1753 : i32 to vector<16xi32>
      %gt3A_1879 = arith.cmpi sgt, %add3A_1877, %gt3A_1878 : vector<16xi32>
      %eq3A_1880 = vector.broadcast %sub3A_1753 : i32 to vector<16xi32>
      %eq3A_1881 = arith.cmpi eq, %add3A_1877, %eq3A_1880 : vector<16xi32>
      %jit3A_1882 = arith.constant 0 : i32
      %broadcast_in_dim3A_1883 = vector.broadcast %jit3A_1882 : i32 to vector<16xi32>
      %select_n3A_1884 = arith.select %gt3A_1879, %scan3A_1227#0, %broadcast_in_dim3A_1883 : vector<16xi1>, vector<16xi32>
      %reduce_sum3A_1885 = arith.constant true
      %reduce_sum3A_1886 = vector.broadcast %reduce_sum3A_1885 : i1 to vector<16xi1>
      %reduce_sum3A_1887 = tpu.scan <sum>, %select_n3A_1884 masked %reduce_sum3A_1886 : vector<16xi32>, vector<16xi1> -> vector<16xi32>
      %reduce_sum3A_1888 = vector.extract %reduce_sum3A_1887[15] : i32 from vector<16xi32>
      %add3A_1889 = arith.addi %add3A_1850, %reduce_sum3A_1888 : i32
      %jit3A_1890 = arith.constant 0.000000e+00 : f32
      %broadcast_in_dim3A_1891 = vector.broadcast %jit3A_1890 : f32 to vector<16xf32>
      %select_n3A_1892 = arith.select %gt3A_1879, %scan3A_1227#1, %broadcast_in_dim3A_1891 : vector<16xi1>, vector<16xf32>
      %reduce_sum3A_1893 = arith.constant true
      %reduce_sum3A_1894 = vector.broadcast %reduce_sum3A_1893 : i1 to vector<16xi1>
      %reduce_sum3A_1895 = tpu.scan <sum>, %select_n3A_1892 masked %reduce_sum3A_1894 : vector<16xf32>, vector<16xi1> -> vector<16xf32>
      %reduce_sum3A_1896 = vector.extract %reduce_sum3A_1895[15] : f32 from vector<16xf32>
      %add3A_1897 = arith.addf %add3A_1858, %reduce_sum3A_1896 : f32
      %jit3A_1898 = arith.constant 0 : i32
      %broadcast_in_dim3A_1899 = vector.broadcast %jit3A_1898 : i32 to vector<16xi32>
      %select_n3A_1900 = arith.select %eq3A_1881, %scan3A_1227#0, %broadcast_in_dim3A_1899 : vector<16xi1>, vector<16xi32>
      %reduce_sum3A_1901 = arith.constant true
      %reduce_sum3A_1902 = vector.broadcast %reduce_sum3A_1901 : i1 to vector<16xi1>
      %reduce_sum3A_1903 = tpu.scan <sum>, %select_n3A_1900 masked %reduce_sum3A_1902 : vector<16xi32>, vector<16xi1> -> vector<16xi32>
      %reduce_sum3A_1904 = vector.extract %reduce_sum3A_1903[15] : i32 from vector<16xi32>
      %add3A_1905 = arith.addi %add3A_1866, %reduce_sum3A_1904 : i32
      %jit3A_1906 = arith.constant 0.000000e+00 : f32
      %broadcast_in_dim3A_1907 = vector.broadcast %jit3A_1906 : f32 to vector<16xf32>
      %select_n3A_1908 = arith.select %eq3A_1881, %scan3A_1227#1, %broadcast_in_dim3A_1907 : vector<16xi1>, vector<16xf32>
      %reduce_sum3A_1909 = arith.constant true
      %reduce_sum3A_1910 = vector.broadcast %reduce_sum3A_1909 : i1 to vector<16xi1>
      %reduce_sum3A_1911 = tpu.scan <sum>, %select_n3A_1908 masked %reduce_sum3A_1910 : vector<16xf32>, vector<16xi1> -> vector<16xf32>
      %reduce_sum3A_1912 = vector.extract %reduce_sum3A_1911[15] : f32 from vector<16xf32>
      %add3A_1913 = arith.addf %add3A_1874, %reduce_sum3A_1912 : f32
      %add3A_1914 = arith.constant 64 : i32
      %add3A_1915 = vector.broadcast %add3A_1914 : i32 to vector<16xi32>
      %add3A_1916 = arith.addi %iota3A, %add3A_1915 : vector<16xi32>
      %gt3A_1917 = vector.broadcast %sub3A_1753 : i32 to vector<16xi32>
      %gt3A_1918 = arith.cmpi sgt, %add3A_1916, %gt3A_1917 : vector<16xi32>
      %eq3A_1919 = vector.broadcast %sub3A_1753 : i32 to vector<16xi32>
      %eq3A_1920 = arith.cmpi eq, %add3A_1916, %eq3A_1919 : vector<16xi32>
      %jit3A_1921 = arith.constant 0 : i32
      %broadcast_in_dim3A_1922 = vector.broadcast %jit3A_1921 : i32 to vector<16xi32>
      %select_n3A_1923 = arith.select %gt3A_1918, %scan3A_1233#0, %broadcast_in_dim3A_1922 : vector<16xi1>, vector<16xi32>
      %reduce_sum3A_1924 = arith.constant true
      %reduce_sum3A_1925 = vector.broadcast %reduce_sum3A_1924 : i1 to vector<16xi1>
      %reduce_sum3A_1926 = tpu.scan <sum>, %select_n3A_1923 masked %reduce_sum3A_1925 : vector<16xi32>, vector<16xi1> -> vector<16xi32>
      %reduce_sum3A_1927 = vector.extract %reduce_sum3A_1926[15] : i32 from vector<16xi32>
      %add3A_1928 = arith.addi %add3A_1889, %reduce_sum3A_1927 : i32
      %jit3A_1929 = arith.constant 0.000000e+00 : f32
      %broadcast_in_dim3A_1930 = vector.broadcast %jit3A_1929 : f32 to vector<16xf32>
      %select_n3A_1931 = arith.select %gt3A_1918, %scan3A_1233#1, %broadcast_in_dim3A_1930 : vector<16xi1>, vector<16xf32>
      %reduce_sum3A_1932 = arith.constant true
      %reduce_sum3A_1933 = vector.broadcast %reduce_sum3A_1932 : i1 to vector<16xi1>
      %reduce_sum3A_1934 = tpu.scan <sum>, %select_n3A_1931 masked %reduce_sum3A_1933 : vector<16xf32>, vector<16xi1> -> vector<16xf32>
      %reduce_sum3A_1935 = vector.extract %reduce_sum3A_1934[15] : f32 from vector<16xf32>
      %add3A_1936 = arith.addf %add3A_1897, %reduce_sum3A_1935 : f32
      %jit3A_1937 = arith.constant 0 : i32
      %broadcast_in_dim3A_1938 = vector.broadcast %jit3A_1937 : i32 to vector<16xi32>
      %select_n3A_1939 = arith.select %eq3A_1920, %scan3A_1233#0, %broadcast_in_dim3A_1938 : vector<16xi1>, vector<16xi32>
      %reduce_sum3A_1940 = arith.constant true
      %reduce_sum3A_1941 = vector.broadcast %reduce_sum3A_1940 : i1 to vector<16xi1>
      %reduce_sum3A_1942 = tpu.scan <sum>, %select_n3A_1939 masked %reduce_sum3A_1941 : vector<16xi32>, vector<16xi1> -> vector<16xi32>
      %reduce_sum3A_1943 = vector.extract %reduce_sum3A_1942[15] : i32 from vector<16xi32>
      %add3A_1944 = arith.addi %add3A_1905, %reduce_sum3A_1943 : i32
      %jit3A_1945 = arith.constant 0.000000e+00 : f32
      %broadcast_in_dim3A_1946 = vector.broadcast %jit3A_1945 : f32 to vector<16xf32>
      %select_n3A_1947 = arith.select %eq3A_1920, %scan3A_1233#1, %broadcast_in_dim3A_1946 : vector<16xi1>, vector<16xf32>
      %reduce_sum3A_1948 = arith.constant true
      %reduce_sum3A_1949 = vector.broadcast %reduce_sum3A_1948 : i1 to vector<16xi1>
      %reduce_sum3A_1950 = tpu.scan <sum>, %select_n3A_1947 masked %reduce_sum3A_1949 : vector<16xf32>, vector<16xi1> -> vector<16xf32>
      %reduce_sum3A_1951 = vector.extract %reduce_sum3A_1950[15] : f32 from vector<16xf32>
      %add3A_1952 = arith.addf %add3A_1913, %reduce_sum3A_1951 : f32
      %add3A_1953 = arith.constant 80 : i32
      %add3A_1954 = vector.broadcast %add3A_1953 : i32 to vector<16xi32>
      %add3A_1955 = arith.addi %iota3A, %add3A_1954 : vector<16xi32>
      %gt3A_1956 = vector.broadcast %sub3A_1753 : i32 to vector<16xi32>
      %gt3A_1957 = arith.cmpi sgt, %add3A_1955, %gt3A_1956 : vector<16xi32>
      %eq3A_1958 = vector.broadcast %sub3A_1753 : i32 to vector<16xi32>
      %eq3A_1959 = arith.cmpi eq, %add3A_1955, %eq3A_1958 : vector<16xi32>
      %jit3A_1960 = arith.constant 0 : i32
      %broadcast_in_dim3A_1961 = vector.broadcast %jit3A_1960 : i32 to vector<16xi32>
      %select_n3A_1962 = arith.select %gt3A_1957, %scan3A_1239#0, %broadcast_in_dim3A_1961 : vector<16xi1>, vector<16xi32>
      %reduce_sum3A_1963 = arith.constant true
      %reduce_sum3A_1964 = vector.broadcast %reduce_sum3A_1963 : i1 to vector<16xi1>
      %reduce_sum3A_1965 = tpu.scan <sum>, %select_n3A_1962 masked %reduce_sum3A_1964 : vector<16xi32>, vector<16xi1> -> vector<16xi32>
      %reduce_sum3A_1966 = vector.extract %reduce_sum3A_1965[15] : i32 from vector<16xi32>
      %add3A_1967 = arith.addi %add3A_1928, %reduce_sum3A_1966 : i32
      %jit3A_1968 = arith.constant 0.000000e+00 : f32
      %broadcast_in_dim3A_1969 = vector.broadcast %jit3A_1968 : f32 to vector<16xf32>
      %select_n3A_1970 = arith.select %gt3A_1957, %scan3A_1239#1, %broadcast_in_dim3A_1969 : vector<16xi1>, vector<16xf32>
      %reduce_sum3A_1971 = arith.constant true
      %reduce_sum3A_1972 = vector.broadcast %reduce_sum3A_1971 : i1 to vector<16xi1>
      %reduce_sum3A_1973 = tpu.scan <sum>, %select_n3A_1970 masked %reduce_sum3A_1972 : vector<16xf32>, vector<16xi1> -> vector<16xf32>
      %reduce_sum3A_1974 = vector.extract %reduce_sum3A_1973[15] : f32 from vector<16xf32>
      %add3A_1975 = arith.addf %add3A_1936, %reduce_sum3A_1974 : f32
      %jit3A_1976 = arith.constant 0 : i32
      %broadcast_in_dim3A_1977 = vector.broadcast %jit3A_1976 : i32 to vector<16xi32>
      %select_n3A_1978 = arith.select %eq3A_1959, %scan3A_1239#0, %broadcast_in_dim3A_1977 : vector<16xi1>, vector<16xi32>
      %reduce_sum3A_1979 = arith.constant true
      %reduce_sum3A_1980 = vector.broadcast %reduce_sum3A_1979 : i1 to vector<16xi1>
      %reduce_sum3A_1981 = tpu.scan <sum>, %select_n3A_1978 masked %reduce_sum3A_1980 : vector<16xi32>, vector<16xi1> -> vector<16xi32>
      %reduce_sum3A_1982 = vector.extract %reduce_sum3A_1981[15] : i32 from vector<16xi32>
      %add3A_1983 = arith.addi %add3A_1944, %reduce_sum3A_1982 : i32
      %jit3A_1984 = arith.constant 0.000000e+00 : f32
      %broadcast_in_dim3A_1985 = vector.broadcast %jit3A_1984 : f32 to vector<16xf32>
      %select_n3A_1986 = arith.select %eq3A_1959, %scan3A_1239#1, %broadcast_in_dim3A_1985 : vector<16xi1>, vector<16xf32>
      %reduce_sum3A_1987 = arith.constant true
      %reduce_sum3A_1988 = vector.broadcast %reduce_sum3A_1987 : i1 to vector<16xi1>
      %reduce_sum3A_1989 = tpu.scan <sum>, %select_n3A_1986 masked %reduce_sum3A_1988 : vector<16xf32>, vector<16xi1> -> vector<16xf32>
      %reduce_sum3A_1990 = vector.extract %reduce_sum3A_1989[15] : f32 from vector<16xf32>
      %add3A_1991 = arith.addf %add3A_1952, %reduce_sum3A_1990 : f32
      %add3A_1992 = arith.constant 96 : i32
      %add3A_1993 = vector.broadcast %add3A_1992 : i32 to vector<16xi32>
      %add3A_1994 = arith.addi %iota3A, %add3A_1993 : vector<16xi32>
      %gt3A_1995 = vector.broadcast %sub3A_1753 : i32 to vector<16xi32>
      %gt3A_1996 = arith.cmpi sgt, %add3A_1994, %gt3A_1995 : vector<16xi32>
      %eq3A_1997 = vector.broadcast %sub3A_1753 : i32 to vector<16xi32>
      %eq3A_1998 = arith.cmpi eq, %add3A_1994, %eq3A_1997 : vector<16xi32>
      %jit3A_1999 = arith.constant 0 : i32
      %broadcast_in_dim3A_2000 = vector.broadcast %jit3A_1999 : i32 to vector<16xi32>
      %select_n3A_2001 = arith.select %gt3A_1996, %scan3A_1245#0, %broadcast_in_dim3A_2000 : vector<16xi1>, vector<16xi32>
      %reduce_sum3A_2002 = arith.constant true
      %reduce_sum3A_2003 = vector.broadcast %reduce_sum3A_2002 : i1 to vector<16xi1>
      %reduce_sum3A_2004 = tpu.scan <sum>, %select_n3A_2001 masked %reduce_sum3A_2003 : vector<16xi32>, vector<16xi1> -> vector<16xi32>
      %reduce_sum3A_2005 = vector.extract %reduce_sum3A_2004[15] : i32 from vector<16xi32>
      %add3A_2006 = arith.addi %add3A_1967, %reduce_sum3A_2005 : i32
      %jit3A_2007 = arith.constant 0.000000e+00 : f32
      %broadcast_in_dim3A_2008 = vector.broadcast %jit3A_2007 : f32 to vector<16xf32>
      %select_n3A_2009 = arith.select %gt3A_1996, %scan3A_1245#1, %broadcast_in_dim3A_2008 : vector<16xi1>, vector<16xf32>
      %reduce_sum3A_2010 = arith.constant true
      %reduce_sum3A_2011 = vector.broadcast %reduce_sum3A_2010 : i1 to vector<16xi1>
      %reduce_sum3A_2012 = tpu.scan <sum>, %select_n3A_2009 masked %reduce_sum3A_2011 : vector<16xf32>, vector<16xi1> -> vector<16xf32>
      %reduce_sum3A_2013 = vector.extract %reduce_sum3A_2012[15] : f32 from vector<16xf32>
      %add3A_2014 = arith.addf %add3A_1975, %reduce_sum3A_2013 : f32
      %jit3A_2015 = arith.constant 0 : i32
      %broadcast_in_dim3A_2016 = vector.broadcast %jit3A_2015 : i32 to vector<16xi32>
      %select_n3A_2017 = arith.select %eq3A_1998, %scan3A_1245#0, %broadcast_in_dim3A_2016 : vector<16xi1>, vector<16xi32>
      %reduce_sum3A_2018 = arith.constant true
      %reduce_sum3A_2019 = vector.broadcast %reduce_sum3A_2018 : i1 to vector<16xi1>
      %reduce_sum3A_2020 = tpu.scan <sum>, %select_n3A_2017 masked %reduce_sum3A_2019 : vector<16xi32>, vector<16xi1> -> vector<16xi32>
      %reduce_sum3A_2021 = vector.extract %reduce_sum3A_2020[15] : i32 from vector<16xi32>
      %add3A_2022 = arith.addi %add3A_1983, %reduce_sum3A_2021 : i32
      %jit3A_2023 = arith.constant 0.000000e+00 : f32
      %broadcast_in_dim3A_2024 = vector.broadcast %jit3A_2023 : f32 to vector<16xf32>
      %select_n3A_2025 = arith.select %eq3A_1998, %scan3A_1245#1, %broadcast_in_dim3A_2024 : vector<16xi1>, vector<16xf32>
      %reduce_sum3A_2026 = arith.constant true
      %reduce_sum3A_2027 = vector.broadcast %reduce_sum3A_2026 : i1 to vector<16xi1>
      %reduce_sum3A_2028 = tpu.scan <sum>, %select_n3A_2025 masked %reduce_sum3A_2027 : vector<16xf32>, vector<16xi1> -> vector<16xf32>
      %reduce_sum3A_2029 = vector.extract %reduce_sum3A_2028[15] : f32 from vector<16xf32>
      %add3A_2030 = arith.addf %add3A_1991, %reduce_sum3A_2029 : f32
      %add3A_2031 = arith.constant 112 : i32
      %add3A_2032 = vector.broadcast %add3A_2031 : i32 to vector<16xi32>
      %add3A_2033 = arith.addi %iota3A, %add3A_2032 : vector<16xi32>
      %gt3A_2034 = vector.broadcast %sub3A_1753 : i32 to vector<16xi32>
      %gt3A_2035 = arith.cmpi sgt, %add3A_2033, %gt3A_2034 : vector<16xi32>
      %eq3A_2036 = vector.broadcast %sub3A_1753 : i32 to vector<16xi32>
      %eq3A_2037 = arith.cmpi eq, %add3A_2033, %eq3A_2036 : vector<16xi32>
      %jit3A_2038 = arith.constant 0 : i32
      %broadcast_in_dim3A_2039 = vector.broadcast %jit3A_2038 : i32 to vector<16xi32>
      %select_n3A_2040 = arith.select %gt3A_2035, %scan3A_1251#0, %broadcast_in_dim3A_2039 : vector<16xi1>, vector<16xi32>
      %reduce_sum3A_2041 = arith.constant true
      %reduce_sum3A_2042 = vector.broadcast %reduce_sum3A_2041 : i1 to vector<16xi1>
      %reduce_sum3A_2043 = tpu.scan <sum>, %select_n3A_2040 masked %reduce_sum3A_2042 : vector<16xi32>, vector<16xi1> -> vector<16xi32>
      %reduce_sum3A_2044 = vector.extract %reduce_sum3A_2043[15] : i32 from vector<16xi32>
      %add3A_2045 = arith.addi %add3A_2006, %reduce_sum3A_2044 : i32
      %jit3A_2046 = arith.constant 0.000000e+00 : f32
      %broadcast_in_dim3A_2047 = vector.broadcast %jit3A_2046 : f32 to vector<16xf32>
      %select_n3A_2048 = arith.select %gt3A_2035, %scan3A_1251#1, %broadcast_in_dim3A_2047 : vector<16xi1>, vector<16xf32>
      %reduce_sum3A_2049 = arith.constant true
      %reduce_sum3A_2050 = vector.broadcast %reduce_sum3A_2049 : i1 to vector<16xi1>
      %reduce_sum3A_2051 = tpu.scan <sum>, %select_n3A_2048 masked %reduce_sum3A_2050 : vector<16xf32>, vector<16xi1> -> vector<16xf32>
      %reduce_sum3A_2052 = vector.extract %reduce_sum3A_2051[15] : f32 from vector<16xf32>
      %add3A_2053 = arith.addf %add3A_2014, %reduce_sum3A_2052 : f32
      %jit3A_2054 = arith.constant 0 : i32
      %broadcast_in_dim3A_2055 = vector.broadcast %jit3A_2054 : i32 to vector<16xi32>
      %select_n3A_2056 = arith.select %eq3A_2037, %scan3A_1251#0, %broadcast_in_dim3A_2055 : vector<16xi1>, vector<16xi32>
      %reduce_sum3A_2057 = arith.constant true
      %reduce_sum3A_2058 = vector.broadcast %reduce_sum3A_2057 : i1 to vector<16xi1>
      %reduce_sum3A_2059 = tpu.scan <sum>, %select_n3A_2056 masked %reduce_sum3A_2058 : vector<16xi32>, vector<16xi1> -> vector<16xi32>
      %reduce_sum3A_2060 = vector.extract %reduce_sum3A_2059[15] : i32 from vector<16xi32>
      %add3A_2061 = arith.addi %add3A_2022, %reduce_sum3A_2060 : i32
      %jit3A_2062 = arith.constant 0.000000e+00 : f32
      %broadcast_in_dim3A_2063 = vector.broadcast %jit3A_2062 : f32 to vector<16xf32>
      %select_n3A_2064 = arith.select %eq3A_2037, %scan3A_1251#1, %broadcast_in_dim3A_2063 : vector<16xi1>, vector<16xf32>
      %reduce_sum3A_2065 = arith.constant true
      %reduce_sum3A_2066 = vector.broadcast %reduce_sum3A_2065 : i1 to vector<16xi1>
      %reduce_sum3A_2067 = tpu.scan <sum>, %select_n3A_2064 masked %reduce_sum3A_2066 : vector<16xf32>, vector<16xi1> -> vector<16xf32>
      %reduce_sum3A_2068 = vector.extract %reduce_sum3A_2067[15] : f32 from vector<16xf32>
      %add3A_2069 = arith.addf %add3A_2030, %reduce_sum3A_2068 : f32
      %add3A_2070 = arith.constant 128 : i32
      %add3A_2071 = vector.broadcast %add3A_2070 : i32 to vector<16xi32>
      %add3A_2072 = arith.addi %iota3A, %add3A_2071 : vector<16xi32>
      %gt3A_2073 = vector.broadcast %sub3A_1753 : i32 to vector<16xi32>
      %gt3A_2074 = arith.cmpi sgt, %add3A_2072, %gt3A_2073 : vector<16xi32>
      %eq3A_2075 = vector.broadcast %sub3A_1753 : i32 to vector<16xi32>
      %eq3A_2076 = arith.cmpi eq, %add3A_2072, %eq3A_2075 : vector<16xi32>
      %jit3A_2077 = arith.constant 0 : i32
      %broadcast_in_dim3A_2078 = vector.broadcast %jit3A_2077 : i32 to vector<16xi32>
      %select_n3A_2079 = arith.select %gt3A_2074, %scan3A_1257#0, %broadcast_in_dim3A_2078 : vector<16xi1>, vector<16xi32>
      %reduce_sum3A_2080 = arith.constant true
      %reduce_sum3A_2081 = vector.broadcast %reduce_sum3A_2080 : i1 to vector<16xi1>
      %reduce_sum3A_2082 = tpu.scan <sum>, %select_n3A_2079 masked %reduce_sum3A_2081 : vector<16xi32>, vector<16xi1> -> vector<16xi32>
      %reduce_sum3A_2083 = vector.extract %reduce_sum3A_2082[15] : i32 from vector<16xi32>
      %add3A_2084 = arith.addi %add3A_2045, %reduce_sum3A_2083 : i32
      %jit3A_2085 = arith.constant 0.000000e+00 : f32
      %broadcast_in_dim3A_2086 = vector.broadcast %jit3A_2085 : f32 to vector<16xf32>
      %select_n3A_2087 = arith.select %gt3A_2074, %scan3A_1257#1, %broadcast_in_dim3A_2086 : vector<16xi1>, vector<16xf32>
      %reduce_sum3A_2088 = arith.constant true
      %reduce_sum3A_2089 = vector.broadcast %reduce_sum3A_2088 : i1 to vector<16xi1>
      %reduce_sum3A_2090 = tpu.scan <sum>, %select_n3A_2087 masked %reduce_sum3A_2089 : vector<16xf32>, vector<16xi1> -> vector<16xf32>
      %reduce_sum3A_2091 = vector.extract %reduce_sum3A_2090[15] : f32 from vector<16xf32>
      %add3A_2092 = arith.addf %add3A_2053, %reduce_sum3A_2091 : f32
      %jit3A_2093 = arith.constant 0 : i32
      %broadcast_in_dim3A_2094 = vector.broadcast %jit3A_2093 : i32 to vector<16xi32>
      %select_n3A_2095 = arith.select %eq3A_2076, %scan3A_1257#0, %broadcast_in_dim3A_2094 : vector<16xi1>, vector<16xi32>
      %reduce_sum3A_2096 = arith.constant true
      %reduce_sum3A_2097 = vector.broadcast %reduce_sum3A_2096 : i1 to vector<16xi1>
      %reduce_sum3A_2098 = tpu.scan <sum>, %select_n3A_2095 masked %reduce_sum3A_2097 : vector<16xi32>, vector<16xi1> -> vector<16xi32>
      %reduce_sum3A_2099 = vector.extract %reduce_sum3A_2098[15] : i32 from vector<16xi32>
      %add3A_2100 = arith.addi %add3A_2061, %reduce_sum3A_2099 : i32
      %jit3A_2101 = arith.constant 0.000000e+00 : f32
      %broadcast_in_dim3A_2102 = vector.broadcast %jit3A_2101 : f32 to vector<16xf32>
      %select_n3A_2103 = arith.select %eq3A_2076, %scan3A_1257#1, %broadcast_in_dim3A_2102 : vector<16xi1>, vector<16xf32>
      %reduce_sum3A_2104 = arith.constant true
      %reduce_sum3A_2105 = vector.broadcast %reduce_sum3A_2104 : i1 to vector<16xi1>
      %reduce_sum3A_2106 = tpu.scan <sum>, %select_n3A_2103 masked %reduce_sum3A_2105 : vector<16xf32>, vector<16xi1> -> vector<16xf32>
      %reduce_sum3A_2107 = vector.extract %reduce_sum3A_2106[15] : f32 from vector<16xf32>
      %add3A_2108 = arith.addf %add3A_2069, %reduce_sum3A_2107 : f32
      %add3A_2109 = arith.constant 144 : i32
      %add3A_2110 = vector.broadcast %add3A_2109 : i32 to vector<16xi32>
      %add3A_2111 = arith.addi %iota3A, %add3A_2110 : vector<16xi32>
      %gt3A_2112 = vector.broadcast %sub3A_1753 : i32 to vector<16xi32>
      %gt3A_2113 = arith.cmpi sgt, %add3A_2111, %gt3A_2112 : vector<16xi32>
      %eq3A_2114 = vector.broadcast %sub3A_1753 : i32 to vector<16xi32>
      %eq3A_2115 = arith.cmpi eq, %add3A_2111, %eq3A_2114 : vector<16xi32>
      %jit3A_2116 = arith.constant 0 : i32
      %broadcast_in_dim3A_2117 = vector.broadcast %jit3A_2116 : i32 to vector<16xi32>
      %select_n3A_2118 = arith.select %gt3A_2113, %scan3A_1263#0, %broadcast_in_dim3A_2117 : vector<16xi1>, vector<16xi32>
      %reduce_sum3A_2119 = arith.constant true
      %reduce_sum3A_2120 = vector.broadcast %reduce_sum3A_2119 : i1 to vector<16xi1>
      %reduce_sum3A_2121 = tpu.scan <sum>, %select_n3A_2118 masked %reduce_sum3A_2120 : vector<16xi32>, vector<16xi1> -> vector<16xi32>
      %reduce_sum3A_2122 = vector.extract %reduce_sum3A_2121[15] : i32 from vector<16xi32>
      %add3A_2123 = arith.addi %add3A_2084, %reduce_sum3A_2122 : i32
      %jit3A_2124 = arith.constant 0.000000e+00 : f32
      %broadcast_in_dim3A_2125 = vector.broadcast %jit3A_2124 : f32 to vector<16xf32>
      %select_n3A_2126 = arith.select %gt3A_2113, %scan3A_1263#1, %broadcast_in_dim3A_2125 : vector<16xi1>, vector<16xf32>
      %reduce_sum3A_2127 = arith.constant true
      %reduce_sum3A_2128 = vector.broadcast %reduce_sum3A_2127 : i1 to vector<16xi1>
      %reduce_sum3A_2129 = tpu.scan <sum>, %select_n3A_2126 masked %reduce_sum3A_2128 : vector<16xf32>, vector<16xi1> -> vector<16xf32>
      %reduce_sum3A_2130 = vector.extract %reduce_sum3A_2129[15] : f32 from vector<16xf32>
      %add3A_2131 = arith.addf %add3A_2092, %reduce_sum3A_2130 : f32
      %jit3A_2132 = arith.constant 0 : i32
      %broadcast_in_dim3A_2133 = vector.broadcast %jit3A_2132 : i32 to vector<16xi32>
      %select_n3A_2134 = arith.select %eq3A_2115, %scan3A_1263#0, %broadcast_in_dim3A_2133 : vector<16xi1>, vector<16xi32>
      %reduce_sum3A_2135 = arith.constant true
      %reduce_sum3A_2136 = vector.broadcast %reduce_sum3A_2135 : i1 to vector<16xi1>
      %reduce_sum3A_2137 = tpu.scan <sum>, %select_n3A_2134 masked %reduce_sum3A_2136 : vector<16xi32>, vector<16xi1> -> vector<16xi32>
      %reduce_sum3A_2138 = vector.extract %reduce_sum3A_2137[15] : i32 from vector<16xi32>
      %add3A_2139 = arith.addi %add3A_2100, %reduce_sum3A_2138 : i32
      %jit3A_2140 = arith.constant 0.000000e+00 : f32
      %broadcast_in_dim3A_2141 = vector.broadcast %jit3A_2140 : f32 to vector<16xf32>
      %select_n3A_2142 = arith.select %eq3A_2115, %scan3A_1263#1, %broadcast_in_dim3A_2141 : vector<16xi1>, vector<16xf32>
      %reduce_sum3A_2143 = arith.constant true
      %reduce_sum3A_2144 = vector.broadcast %reduce_sum3A_2143 : i1 to vector<16xi1>
      %reduce_sum3A_2145 = tpu.scan <sum>, %select_n3A_2142 masked %reduce_sum3A_2144 : vector<16xf32>, vector<16xi1> -> vector<16xf32>
      %reduce_sum3A_2146 = vector.extract %reduce_sum3A_2145[15] : f32 from vector<16xf32>
      %add3A_2147 = arith.addf %add3A_2108, %reduce_sum3A_2146 : f32
      %add3A_2148 = arith.constant 160 : i32
      %add3A_2149 = vector.broadcast %add3A_2148 : i32 to vector<16xi32>
      %add3A_2150 = arith.addi %iota3A, %add3A_2149 : vector<16xi32>
      %gt3A_2151 = vector.broadcast %sub3A_1753 : i32 to vector<16xi32>
      %gt3A_2152 = arith.cmpi sgt, %add3A_2150, %gt3A_2151 : vector<16xi32>
      %eq3A_2153 = vector.broadcast %sub3A_1753 : i32 to vector<16xi32>
      %eq3A_2154 = arith.cmpi eq, %add3A_2150, %eq3A_2153 : vector<16xi32>
      %jit3A_2155 = arith.constant 0 : i32
      %broadcast_in_dim3A_2156 = vector.broadcast %jit3A_2155 : i32 to vector<16xi32>
      %select_n3A_2157 = arith.select %gt3A_2152, %scan3A_1269#0, %broadcast_in_dim3A_2156 : vector<16xi1>, vector<16xi32>
      %reduce_sum3A_2158 = arith.constant true
      %reduce_sum3A_2159 = vector.broadcast %reduce_sum3A_2158 : i1 to vector<16xi1>
      %reduce_sum3A_2160 = tpu.scan <sum>, %select_n3A_2157 masked %reduce_sum3A_2159 : vector<16xi32>, vector<16xi1> -> vector<16xi32>
      %reduce_sum3A_2161 = vector.extract %reduce_sum3A_2160[15] : i32 from vector<16xi32>
      %add3A_2162 = arith.addi %add3A_2123, %reduce_sum3A_2161 : i32
      %jit3A_2163 = arith.constant 0.000000e+00 : f32
      %broadcast_in_dim3A_2164 = vector.broadcast %jit3A_2163 : f32 to vector<16xf32>
      %select_n3A_2165 = arith.select %gt3A_2152, %scan3A_1269#1, %broadcast_in_dim3A_2164 : vector<16xi1>, vector<16xf32>
      %reduce_sum3A_2166 = arith.constant true
      %reduce_sum3A_2167 = vector.broadcast %reduce_sum3A_2166 : i1 to vector<16xi1>
      %reduce_sum3A_2168 = tpu.scan <sum>, %select_n3A_2165 masked %reduce_sum3A_2167 : vector<16xf32>, vector<16xi1> -> vector<16xf32>
      %reduce_sum3A_2169 = vector.extract %reduce_sum3A_2168[15] : f32 from vector<16xf32>
      %add3A_2170 = arith.addf %add3A_2131, %reduce_sum3A_2169 : f32
      %jit3A_2171 = arith.constant 0 : i32
      %broadcast_in_dim3A_2172 = vector.broadcast %jit3A_2171 : i32 to vector<16xi32>
      %select_n3A_2173 = arith.select %eq3A_2154, %scan3A_1269#0, %broadcast_in_dim3A_2172 : vector<16xi1>, vector<16xi32>
      %reduce_sum3A_2174 = arith.constant true
      %reduce_sum3A_2175 = vector.broadcast %reduce_sum3A_2174 : i1 to vector<16xi1>
      %reduce_sum3A_2176 = tpu.scan <sum>, %select_n3A_2173 masked %reduce_sum3A_2175 : vector<16xi32>, vector<16xi1> -> vector<16xi32>
      %reduce_sum3A_2177 = vector.extract %reduce_sum3A_2176[15] : i32 from vector<16xi32>
      %add3A_2178 = arith.addi %add3A_2139, %reduce_sum3A_2177 : i32
      %jit3A_2179 = arith.constant 0.000000e+00 : f32
      %broadcast_in_dim3A_2180 = vector.broadcast %jit3A_2179 : f32 to vector<16xf32>
      %select_n3A_2181 = arith.select %eq3A_2154, %scan3A_1269#1, %broadcast_in_dim3A_2180 : vector<16xi1>, vector<16xf32>
      %reduce_sum3A_2182 = arith.constant true
      %reduce_sum3A_2183 = vector.broadcast %reduce_sum3A_2182 : i1 to vector<16xi1>
      %reduce_sum3A_2184 = tpu.scan <sum>, %select_n3A_2181 masked %reduce_sum3A_2183 : vector<16xf32>, vector<16xi1> -> vector<16xf32>
      %reduce_sum3A_2185 = vector.extract %reduce_sum3A_2184[15] : f32 from vector<16xf32>
      %add3A_2186 = arith.addf %add3A_2147, %reduce_sum3A_2185 : f32
      %add3A_2187 = arith.constant 176 : i32
      %add3A_2188 = vector.broadcast %add3A_2187 : i32 to vector<16xi32>
      %add3A_2189 = arith.addi %iota3A, %add3A_2188 : vector<16xi32>
      %gt3A_2190 = vector.broadcast %sub3A_1753 : i32 to vector<16xi32>
      %gt3A_2191 = arith.cmpi sgt, %add3A_2189, %gt3A_2190 : vector<16xi32>
      %eq3A_2192 = vector.broadcast %sub3A_1753 : i32 to vector<16xi32>
      %eq3A_2193 = arith.cmpi eq, %add3A_2189, %eq3A_2192 : vector<16xi32>
      %jit3A_2194 = arith.constant 0 : i32
      %broadcast_in_dim3A_2195 = vector.broadcast %jit3A_2194 : i32 to vector<16xi32>
      %select_n3A_2196 = arith.select %gt3A_2191, %scan3A_1275#0, %broadcast_in_dim3A_2195 : vector<16xi1>, vector<16xi32>
      %reduce_sum3A_2197 = arith.constant true
      %reduce_sum3A_2198 = vector.broadcast %reduce_sum3A_2197 : i1 to vector<16xi1>
      %reduce_sum3A_2199 = tpu.scan <sum>, %select_n3A_2196 masked %reduce_sum3A_2198 : vector<16xi32>, vector<16xi1> -> vector<16xi32>
      %reduce_sum3A_2200 = vector.extract %reduce_sum3A_2199[15] : i32 from vector<16xi32>
      %add3A_2201 = arith.addi %add3A_2162, %reduce_sum3A_2200 : i32
      %jit3A_2202 = arith.constant 0.000000e+00 : f32
      %broadcast_in_dim3A_2203 = vector.broadcast %jit3A_2202 : f32 to vector<16xf32>
      %select_n3A_2204 = arith.select %gt3A_2191, %scan3A_1275#1, %broadcast_in_dim3A_2203 : vector<16xi1>, vector<16xf32>
      %reduce_sum3A_2205 = arith.constant true
      %reduce_sum3A_2206 = vector.broadcast %reduce_sum3A_2205 : i1 to vector<16xi1>
      %reduce_sum3A_2207 = tpu.scan <sum>, %select_n3A_2204 masked %reduce_sum3A_2206 : vector<16xf32>, vector<16xi1> -> vector<16xf32>
      %reduce_sum3A_2208 = vector.extract %reduce_sum3A_2207[15] : f32 from vector<16xf32>
      %add3A_2209 = arith.addf %add3A_2170, %reduce_sum3A_2208 : f32
      %jit3A_2210 = arith.constant 0 : i32
      %broadcast_in_dim3A_2211 = vector.broadcast %jit3A_2210 : i32 to vector<16xi32>
      %select_n3A_2212 = arith.select %eq3A_2193, %scan3A_1275#0, %broadcast_in_dim3A_2211 : vector<16xi1>, vector<16xi32>
      %reduce_sum3A_2213 = arith.constant true
      %reduce_sum3A_2214 = vector.broadcast %reduce_sum3A_2213 : i1 to vector<16xi1>
      %reduce_sum3A_2215 = tpu.scan <sum>, %select_n3A_2212 masked %reduce_sum3A_2214 : vector<16xi32>, vector<16xi1> -> vector<16xi32>
      %reduce_sum3A_2216 = vector.extract %reduce_sum3A_2215[15] : i32 from vector<16xi32>
      %add3A_2217 = arith.addi %add3A_2178, %reduce_sum3A_2216 : i32
      %jit3A_2218 = arith.constant 0.000000e+00 : f32
      %broadcast_in_dim3A_2219 = vector.broadcast %jit3A_2218 : f32 to vector<16xf32>
      %select_n3A_2220 = arith.select %eq3A_2193, %scan3A_1275#1, %broadcast_in_dim3A_2219 : vector<16xi1>, vector<16xf32>
      %reduce_sum3A_2221 = arith.constant true
      %reduce_sum3A_2222 = vector.broadcast %reduce_sum3A_2221 : i1 to vector<16xi1>
      %reduce_sum3A_2223 = tpu.scan <sum>, %select_n3A_2220 masked %reduce_sum3A_2222 : vector<16xf32>, vector<16xi1> -> vector<16xf32>
      %reduce_sum3A_2224 = vector.extract %reduce_sum3A_2223[15] : f32 from vector<16xf32>
      %add3A_2225 = arith.addf %add3A_2186, %reduce_sum3A_2224 : f32
      %add3A_2226 = arith.constant 192 : i32
      %add3A_2227 = vector.broadcast %add3A_2226 : i32 to vector<16xi32>
      %add3A_2228 = arith.addi %iota3A, %add3A_2227 : vector<16xi32>
      %gt3A_2229 = vector.broadcast %sub3A_1753 : i32 to vector<16xi32>
      %gt3A_2230 = arith.cmpi sgt, %add3A_2228, %gt3A_2229 : vector<16xi32>
      %eq3A_2231 = vector.broadcast %sub3A_1753 : i32 to vector<16xi32>
      %eq3A_2232 = arith.cmpi eq, %add3A_2228, %eq3A_2231 : vector<16xi32>
      %jit3A_2233 = arith.constant 0 : i32
      %broadcast_in_dim3A_2234 = vector.broadcast %jit3A_2233 : i32 to vector<16xi32>
      %select_n3A_2235 = arith.select %gt3A_2230, %scan3A_1281#0, %broadcast_in_dim3A_2234 : vector<16xi1>, vector<16xi32>
      %reduce_sum3A_2236 = arith.constant true
      %reduce_sum3A_2237 = vector.broadcast %reduce_sum3A_2236 : i1 to vector<16xi1>
      %reduce_sum3A_2238 = tpu.scan <sum>, %select_n3A_2235 masked %reduce_sum3A_2237 : vector<16xi32>, vector<16xi1> -> vector<16xi32>
      %reduce_sum3A_2239 = vector.extract %reduce_sum3A_2238[15] : i32 from vector<16xi32>
      %add3A_2240 = arith.addi %add3A_2201, %reduce_sum3A_2239 : i32
      %jit3A_2241 = arith.constant 0.000000e+00 : f32
      %broadcast_in_dim3A_2242 = vector.broadcast %jit3A_2241 : f32 to vector<16xf32>
      %select_n3A_2243 = arith.select %gt3A_2230, %scan3A_1281#1, %broadcast_in_dim3A_2242 : vector<16xi1>, vector<16xf32>
      %reduce_sum3A_2244 = arith.constant true
      %reduce_sum3A_2245 = vector.broadcast %reduce_sum3A_2244 : i1 to vector<16xi1>
      %reduce_sum3A_2246 = tpu.scan <sum>, %select_n3A_2243 masked %reduce_sum3A_2245 : vector<16xf32>, vector<16xi1> -> vector<16xf32>
      %reduce_sum3A_2247 = vector.extract %reduce_sum3A_2246[15] : f32 from vector<16xf32>
      %add3A_2248 = arith.addf %add3A_2209, %reduce_sum3A_2247 : f32
      %jit3A_2249 = arith.constant 0 : i32
      %broadcast_in_dim3A_2250 = vector.broadcast %jit3A_2249 : i32 to vector<16xi32>
      %select_n3A_2251 = arith.select %eq3A_2232, %scan3A_1281#0, %broadcast_in_dim3A_2250 : vector<16xi1>, vector<16xi32>
      %reduce_sum3A_2252 = arith.constant true
      %reduce_sum3A_2253 = vector.broadcast %reduce_sum3A_2252 : i1 to vector<16xi1>
      %reduce_sum3A_2254 = tpu.scan <sum>, %select_n3A_2251 masked %reduce_sum3A_2253 : vector<16xi32>, vector<16xi1> -> vector<16xi32>
      %reduce_sum3A_2255 = vector.extract %reduce_sum3A_2254[15] : i32 from vector<16xi32>
      %add3A_2256 = arith.addi %add3A_2217, %reduce_sum3A_2255 : i32
      %jit3A_2257 = arith.constant 0.000000e+00 : f32
      %broadcast_in_dim3A_2258 = vector.broadcast %jit3A_2257 : f32 to vector<16xf32>
      %select_n3A_2259 = arith.select %eq3A_2232, %scan3A_1281#1, %broadcast_in_dim3A_2258 : vector<16xi1>, vector<16xf32>
      %reduce_sum3A_2260 = arith.constant true
      %reduce_sum3A_2261 = vector.broadcast %reduce_sum3A_2260 : i1 to vector<16xi1>
      %reduce_sum3A_2262 = tpu.scan <sum>, %select_n3A_2259 masked %reduce_sum3A_2261 : vector<16xf32>, vector<16xi1> -> vector<16xf32>
      %reduce_sum3A_2263 = vector.extract %reduce_sum3A_2262[15] : f32 from vector<16xf32>
      %add3A_2264 = arith.addf %add3A_2225, %reduce_sum3A_2263 : f32
      %add3A_2265 = arith.constant 208 : i32
      %add3A_2266 = vector.broadcast %add3A_2265 : i32 to vector<16xi32>
      %add3A_2267 = arith.addi %iota3A, %add3A_2266 : vector<16xi32>
      %gt3A_2268 = vector.broadcast %sub3A_1753 : i32 to vector<16xi32>
      %gt3A_2269 = arith.cmpi sgt, %add3A_2267, %gt3A_2268 : vector<16xi32>
      %eq3A_2270 = vector.broadcast %sub3A_1753 : i32 to vector<16xi32>
      %eq3A_2271 = arith.cmpi eq, %add3A_2267, %eq3A_2270 : vector<16xi32>
      %jit3A_2272 = arith.constant 0 : i32
      %broadcast_in_dim3A_2273 = vector.broadcast %jit3A_2272 : i32 to vector<16xi32>
      %select_n3A_2274 = arith.select %gt3A_2269, %scan3A_1287#0, %broadcast_in_dim3A_2273 : vector<16xi1>, vector<16xi32>
      %reduce_sum3A_2275 = arith.constant true
      %reduce_sum3A_2276 = vector.broadcast %reduce_sum3A_2275 : i1 to vector<16xi1>
      %reduce_sum3A_2277 = tpu.scan <sum>, %select_n3A_2274 masked %reduce_sum3A_2276 : vector<16xi32>, vector<16xi1> -> vector<16xi32>
      %reduce_sum3A_2278 = vector.extract %reduce_sum3A_2277[15] : i32 from vector<16xi32>
      %add3A_2279 = arith.addi %add3A_2240, %reduce_sum3A_2278 : i32
      %jit3A_2280 = arith.constant 0.000000e+00 : f32
      %broadcast_in_dim3A_2281 = vector.broadcast %jit3A_2280 : f32 to vector<16xf32>
      %select_n3A_2282 = arith.select %gt3A_2269, %scan3A_1287#1, %broadcast_in_dim3A_2281 : vector<16xi1>, vector<16xf32>
      %reduce_sum3A_2283 = arith.constant true
      %reduce_sum3A_2284 = vector.broadcast %reduce_sum3A_2283 : i1 to vector<16xi1>
      %reduce_sum3A_2285 = tpu.scan <sum>, %select_n3A_2282 masked %reduce_sum3A_2284 : vector<16xf32>, vector<16xi1> -> vector<16xf32>
      %reduce_sum3A_2286 = vector.extract %reduce_sum3A_2285[15] : f32 from vector<16xf32>
      %add3A_2287 = arith.addf %add3A_2248, %reduce_sum3A_2286 : f32
      %jit3A_2288 = arith.constant 0 : i32
      %broadcast_in_dim3A_2289 = vector.broadcast %jit3A_2288 : i32 to vector<16xi32>
      %select_n3A_2290 = arith.select %eq3A_2271, %scan3A_1287#0, %broadcast_in_dim3A_2289 : vector<16xi1>, vector<16xi32>
      %reduce_sum3A_2291 = arith.constant true
      %reduce_sum3A_2292 = vector.broadcast %reduce_sum3A_2291 : i1 to vector<16xi1>
      %reduce_sum3A_2293 = tpu.scan <sum>, %select_n3A_2290 masked %reduce_sum3A_2292 : vector<16xi32>, vector<16xi1> -> vector<16xi32>
      %reduce_sum3A_2294 = vector.extract %reduce_sum3A_2293[15] : i32 from vector<16xi32>
      %add3A_2295 = arith.addi %add3A_2256, %reduce_sum3A_2294 : i32
      %jit3A_2296 = arith.constant 0.000000e+00 : f32
      %broadcast_in_dim3A_2297 = vector.broadcast %jit3A_2296 : f32 to vector<16xf32>
      %select_n3A_2298 = arith.select %eq3A_2271, %scan3A_1287#1, %broadcast_in_dim3A_2297 : vector<16xi1>, vector<16xf32>
      %reduce_sum3A_2299 = arith.constant true
      %reduce_sum3A_2300 = vector.broadcast %reduce_sum3A_2299 : i1 to vector<16xi1>
      %reduce_sum3A_2301 = tpu.scan <sum>, %select_n3A_2298 masked %reduce_sum3A_2300 : vector<16xf32>, vector<16xi1> -> vector<16xf32>
      %reduce_sum3A_2302 = vector.extract %reduce_sum3A_2301[15] : f32 from vector<16xf32>
      %add3A_2303 = arith.addf %add3A_2264, %reduce_sum3A_2302 : f32
      %add3A_2304 = arith.constant 224 : i32
      %add3A_2305 = vector.broadcast %add3A_2304 : i32 to vector<16xi32>
      %add3A_2306 = arith.addi %iota3A, %add3A_2305 : vector<16xi32>
      %gt3A_2307 = vector.broadcast %sub3A_1753 : i32 to vector<16xi32>
      %gt3A_2308 = arith.cmpi sgt, %add3A_2306, %gt3A_2307 : vector<16xi32>
      %eq3A_2309 = vector.broadcast %sub3A_1753 : i32 to vector<16xi32>
      %eq3A_2310 = arith.cmpi eq, %add3A_2306, %eq3A_2309 : vector<16xi32>
      %jit3A_2311 = arith.constant 0 : i32
      %broadcast_in_dim3A_2312 = vector.broadcast %jit3A_2311 : i32 to vector<16xi32>
      %select_n3A_2313 = arith.select %gt3A_2308, %scan3A_1293#0, %broadcast_in_dim3A_2312 : vector<16xi1>, vector<16xi32>
      %reduce_sum3A_2314 = arith.constant true
      %reduce_sum3A_2315 = vector.broadcast %reduce_sum3A_2314 : i1 to vector<16xi1>
      %reduce_sum3A_2316 = tpu.scan <sum>, %select_n3A_2313 masked %reduce_sum3A_2315 : vector<16xi32>, vector<16xi1> -> vector<16xi32>
      %reduce_sum3A_2317 = vector.extract %reduce_sum3A_2316[15] : i32 from vector<16xi32>
      %add3A_2318 = arith.addi %add3A_2279, %reduce_sum3A_2317 : i32
      %jit3A_2319 = arith.constant 0.000000e+00 : f32
      %broadcast_in_dim3A_2320 = vector.broadcast %jit3A_2319 : f32 to vector<16xf32>
      %select_n3A_2321 = arith.select %gt3A_2308, %scan3A_1293#1, %broadcast_in_dim3A_2320 : vector<16xi1>, vector<16xf32>
      %reduce_sum3A_2322 = arith.constant true
      %reduce_sum3A_2323 = vector.broadcast %reduce_sum3A_2322 : i1 to vector<16xi1>
      %reduce_sum3A_2324 = tpu.scan <sum>, %select_n3A_2321 masked %reduce_sum3A_2323 : vector<16xf32>, vector<16xi1> -> vector<16xf32>
      %reduce_sum3A_2325 = vector.extract %reduce_sum3A_2324[15] : f32 from vector<16xf32>
      %add3A_2326 = arith.addf %add3A_2287, %reduce_sum3A_2325 : f32
      %jit3A_2327 = arith.constant 0 : i32
      %broadcast_in_dim3A_2328 = vector.broadcast %jit3A_2327 : i32 to vector<16xi32>
      %select_n3A_2329 = arith.select %eq3A_2310, %scan3A_1293#0, %broadcast_in_dim3A_2328 : vector<16xi1>, vector<16xi32>
      %reduce_sum3A_2330 = arith.constant true
      %reduce_sum3A_2331 = vector.broadcast %reduce_sum3A_2330 : i1 to vector<16xi1>
      %reduce_sum3A_2332 = tpu.scan <sum>, %select_n3A_2329 masked %reduce_sum3A_2331 : vector<16xi32>, vector<16xi1> -> vector<16xi32>
      %reduce_sum3A_2333 = vector.extract %reduce_sum3A_2332[15] : i32 from vector<16xi32>
      %add3A_2334 = arith.addi %add3A_2295, %reduce_sum3A_2333 : i32
      %jit3A_2335 = arith.constant 0.000000e+00 : f32
      %broadcast_in_dim3A_2336 = vector.broadcast %jit3A_2335 : f32 to vector<16xf32>
      %select_n3A_2337 = arith.select %eq3A_2310, %scan3A_1293#1, %broadcast_in_dim3A_2336 : vector<16xi1>, vector<16xf32>
      %reduce_sum3A_2338 = arith.constant true
      %reduce_sum3A_2339 = vector.broadcast %reduce_sum3A_2338 : i1 to vector<16xi1>
      %reduce_sum3A_2340 = tpu.scan <sum>, %select_n3A_2337 masked %reduce_sum3A_2339 : vector<16xf32>, vector<16xi1> -> vector<16xf32>
      %reduce_sum3A_2341 = vector.extract %reduce_sum3A_2340[15] : f32 from vector<16xf32>
      %add3A_2342 = arith.addf %add3A_2303, %reduce_sum3A_2341 : f32
      %add3A_2343 = arith.constant 240 : i32
      %add3A_2344 = vector.broadcast %add3A_2343 : i32 to vector<16xi32>
      %add3A_2345 = arith.addi %iota3A, %add3A_2344 : vector<16xi32>
      %gt3A_2346 = vector.broadcast %sub3A_1753 : i32 to vector<16xi32>
      %gt3A_2347 = arith.cmpi sgt, %add3A_2345, %gt3A_2346 : vector<16xi32>
      %eq3A_2348 = vector.broadcast %sub3A_1753 : i32 to vector<16xi32>
      %eq3A_2349 = arith.cmpi eq, %add3A_2345, %eq3A_2348 : vector<16xi32>
      %jit3A_2350 = arith.constant 0 : i32
      %broadcast_in_dim3A_2351 = vector.broadcast %jit3A_2350 : i32 to vector<16xi32>
      %select_n3A_2352 = arith.select %gt3A_2347, %scan3A_1299#0, %broadcast_in_dim3A_2351 : vector<16xi1>, vector<16xi32>
      %reduce_sum3A_2353 = arith.constant true
      %reduce_sum3A_2354 = vector.broadcast %reduce_sum3A_2353 : i1 to vector<16xi1>
      %reduce_sum3A_2355 = tpu.scan <sum>, %select_n3A_2352 masked %reduce_sum3A_2354 : vector<16xi32>, vector<16xi1> -> vector<16xi32>
      %reduce_sum3A_2356 = vector.extract %reduce_sum3A_2355[15] : i32 from vector<16xi32>
      %add3A_2357 = arith.addi %add3A_2318, %reduce_sum3A_2356 : i32
      %jit3A_2358 = arith.constant 0.000000e+00 : f32
      %broadcast_in_dim3A_2359 = vector.broadcast %jit3A_2358 : f32 to vector<16xf32>
      %select_n3A_2360 = arith.select %gt3A_2347, %scan3A_1299#1, %broadcast_in_dim3A_2359 : vector<16xi1>, vector<16xf32>
      %reduce_sum3A_2361 = arith.constant true
      %reduce_sum3A_2362 = vector.broadcast %reduce_sum3A_2361 : i1 to vector<16xi1>
      %reduce_sum3A_2363 = tpu.scan <sum>, %select_n3A_2360 masked %reduce_sum3A_2362 : vector<16xf32>, vector<16xi1> -> vector<16xf32>
      %reduce_sum3A_2364 = vector.extract %reduce_sum3A_2363[15] : f32 from vector<16xf32>
      %add3A_2365 = arith.addf %add3A_2326, %reduce_sum3A_2364 : f32
      %jit3A_2366 = arith.constant 0 : i32
      %broadcast_in_dim3A_2367 = vector.broadcast %jit3A_2366 : i32 to vector<16xi32>
      %select_n3A_2368 = arith.select %eq3A_2349, %scan3A_1299#0, %broadcast_in_dim3A_2367 : vector<16xi1>, vector<16xi32>
      %reduce_sum3A_2369 = arith.constant true
      %reduce_sum3A_2370 = vector.broadcast %reduce_sum3A_2369 : i1 to vector<16xi1>
      %reduce_sum3A_2371 = tpu.scan <sum>, %select_n3A_2368 masked %reduce_sum3A_2370 : vector<16xi32>, vector<16xi1> -> vector<16xi32>
      %reduce_sum3A_2372 = vector.extract %reduce_sum3A_2371[15] : i32 from vector<16xi32>
      %add3A_2373 = arith.addi %add3A_2334, %reduce_sum3A_2372 : i32
      %jit3A_2374 = arith.constant 0.000000e+00 : f32
      %broadcast_in_dim3A_2375 = vector.broadcast %jit3A_2374 : f32 to vector<16xf32>
      %select_n3A_2376 = arith.select %eq3A_2349, %scan3A_1299#1, %broadcast_in_dim3A_2375 : vector<16xi1>, vector<16xf32>
      %reduce_sum3A_2377 = arith.constant true
      %reduce_sum3A_2378 = vector.broadcast %reduce_sum3A_2377 : i1 to vector<16xi1>
      %reduce_sum3A_2379 = tpu.scan <sum>, %select_n3A_2376 masked %reduce_sum3A_2378 : vector<16xf32>, vector<16xi1> -> vector<16xf32>
      %reduce_sum3A_2380 = vector.extract %reduce_sum3A_2379[15] : f32 from vector<16xf32>
      %add3A_2381 = arith.addf %add3A_2342, %reduce_sum3A_2380 : f32
      %sub3A_2382 = arith.subi %sub3A_1201, %add3A_2357 : i32
      %convert_element_type3A_2383 = arith.sitofp %sub3A_2382 : i32 to f32
      %broadcast_in_dim3A_2384 = vector.broadcast %convert_element_type3A_2383 : f32 to vector<16xf32>
      %broadcast_in_dim3A_2385 = vector.broadcast %add3A_2381 : f32 to vector<16xf32>
      %convert_element_type3A_2386 = arith.sitofp %add3A_2373 : i32 to f32
      %broadcast_in_dim3A_2387 = vector.broadcast %convert_element_type3A_2386 : f32 to vector<16xf32>
      %max3A = arith.constant 1.000000e+00 : f32
      %max3A_2388 = vector.broadcast %max3A : f32 to vector<16xf32>
      %max3A_2389 = arith.maximumf %broadcast_in_dim3A_2387, %max3A_2388 : vector<16xf32>
      %div3A = arith.divf %broadcast_in_dim3A_2385, %max3A_2389 : vector<16xf32>
      %add3A_2390 = arith.addf %add3A_1181, %add3A_2365 : f32
      %broadcast_in_dim3A_2391 = vector.broadcast %add3A_2390 : f32 to vector<16xf32>
      %broadcast_in_dim3A_2392 = vector.broadcast %min3A_21 : i32 to vector<16xi32>
      %gt3A_2393 = arith.constant 0 : i32
      %gt3A_2394 = vector.broadcast %gt3A_2393 : i32 to vector<16xi32>
      %gt3A_2395 = arith.cmpi sgt, %broadcast_in_dim3A_2392, %gt3A_2394 : vector<16xi32>
      %mul3A_2396 = arith.mulf %broadcast_in_dim3A_2384, %div3A : vector<16xf32>
      %add3A_2397 = arith.addf %broadcast_in_dim3A_2391, %mul3A_2396 : vector<16xf32>
      %broadcast_in_dim3A_2398 = arith.constant 0.000000e+00 : f32
      %broadcast_in_dim3A_2399 = vector.broadcast %broadcast_in_dim3A_2398 : f32 to vector<16xf32>
      %select_n3A_2400 = arith.select %gt3A_2395, %add3A_2397, %broadcast_in_dim3A_2399 : vector<16xi1>, vector<16xf32>
      %swap3A = arith.constant 0 : index
      %swap3A_2401 = tpu.vector_load %arg9[%swap3A] {strides = array<i32>} : memref<16xf32, #tpu.memory_space<vmem>>, vector<16xf32>,
      tpu.vector_store %arg9[%swap3A], %select_n3A_2400 {strides = array<i32>} : memref<16xf32, #tpu.memory_space<vmem>>, vector<16xf32>,
      "tpu.region"() ({
        %run_scoped3A = tpu.sem_alloc : memref<!tpu.dma_semaphore, #tpu.memory_space<semaphore_mem>>
        %dma_start3A = arith.constant 0 : i32
        %dma_start3A_2402 = tpu.memref_slice %arg4[%add3A, %dma_start3A] : memref<8x16xf32, #tpu.memory_space<hbm>> -> memref<1x16xf32, #tpu.memory_space<hbm>>
        %dma_start3A_2403 = tpu.memref_squeeze %dma_start3A_2402 : memref<1x16xf32, #tpu.memory_space<hbm>> -> memref<16xf32, #tpu.memory_space<hbm>>
        %dma_start3A_2404 = arith.constant 0 : i32
        %dma_start3A_2405 = tpu.memref_slice %arg4[%add3A, %dma_start3A_2404] : memref<8x16xf32, #tpu.memory_space<hbm>> -> memref<1x16xf32, #tpu.memory_space<hbm>>
        %dma_start3A_2406 = tpu.memref_squeeze %dma_start3A_2405 : memref<1x16xf32, #tpu.memory_space<hbm>> -> memref<16xf32, #tpu.memory_space<hbm>>
        tpu.enqueue_dma source(%arg9 : memref<16xf32, #tpu.memory_space<vmem>>) target(%dma_start3A_2406 : memref<16xf32, #tpu.memory_space<hbm>>) target_semaphore(%run_scoped3A : memref<!tpu.dma_semaphore, #tpu.memory_space<semaphore_mem>>)
        %dma_wait3A = arith.constant 0 : i32
        %dma_wait3A_2407 = tpu.memref_slice %arg4[%add3A, %dma_wait3A] : memref<8x16xf32, #tpu.memory_space<hbm>> -> memref<1x16xf32, #tpu.memory_space<hbm>>
        %dma_wait3A_2408 = tpu.memref_squeeze %dma_wait3A_2407 : memref<1x16xf32, #tpu.memory_space<hbm>> -> memref<16xf32, #tpu.memory_space<hbm>>
        %dma_wait3A_2409 = arith.constant 0 : i32
        %dma_wait3A_2410 = tpu.memref_slice %arg4[%add3A, %dma_wait3A_2409] : memref<8x16xf32, #tpu.memory_space<hbm>> -> memref<1x16xf32, #tpu.memory_space<hbm>>
        %dma_wait3A_2411 = tpu.memref_squeeze %dma_wait3A_2410 : memref<1x16xf32, #tpu.memory_space<hbm>> -> memref<16xf32, #tpu.memory_space<hbm>>
        tpu.wait_dma2 semaphore(%run_scoped3A : memref<!tpu.dma_semaphore, #tpu.memory_space<semaphore_mem>>) src(%arg9 : memref<16xf32, #tpu.memory_space<vmem>>) dst(%dma_wait3A_2411 : memref<16xf32, #tpu.memory_space<hbm>>)
        tpu.yield
      }) : () -> ()
    } else {
    }
    return
  }
}

module attributes {stable_mosaic.version = 14 : i64} {
  func.func @_image_kernel(%arg0: i32, %arg1: memref<1x4x21504xf32, #tpu.memory_space<vmem>>, %arg2: memref<1x16x4xf32, #tpu.memory_space<vmem>>, %arg3: memref<1x16x1xi32, #tpu.memory_space<vmem>>, %arg4: memref<1x4x4xf32, #tpu.memory_space<vmem>>, %arg5: memref<4x21504xf32, #tpu.memory_space<vmem>>, %arg6: memref<1x1x21504xf32, #tpu.memory_space<vmem>>, %arg7: memref<1x1x128xf32, #tpu.memory_space<vmem>>, %arg8: memref<1x1x21504xf32, #tpu.memory_space<vmem>>, %arg9: memref<1x1x21504xf32, #tpu.memory_space<vmem>>, %arg10: memref<1x2xf32, #tpu.memory_space<smem>>, %arg11: memref<2xf32, #tpu.memory_space<smem>>) attributes {dimension_semantics = [#tpu.dimension_semantics<arbitrary>], iteration_bounds = array<i64: 8>, scalar_prefetch = 0 : i64, scratch_operands = 1 : i64, tpu.core_type = #tpu.core_type<tc>, window_params = [{transform_indices = @transform_0, window_bounds = array<i64: 1, 4, 21504>}, {transform_indices = @transform_1, window_bounds = array<i64: 1, 16, 4>}, {transform_indices = @transform_2, window_bounds = array<i64: 1, 16, 1>}, {transform_indices = @transform_3, window_bounds = array<i64: 1, 4, 4>}, {pipeline_mode = #tpu.pipeline_mode<synchronous>, transform_indices = @transform_4, window_bounds = array<i64: 4, 21504>}, {transform_indices = @transform_5, window_bounds = array<i64: 1, 1, 21504>}, {transform_indices = @transform_6, window_bounds = array<i64: 1, 1, 128>}, {transform_indices = @transform_7, window_bounds = array<i64: 1, 1, 21504>}, {transform_indices = @transform_8, window_bounds = array<i64: 1, 1, 21504>}, {transform_indices = @transform_9, window_bounds = array<i64: 1, 2>}]} {
    %eq3A = arith.constant 0 : i32
    %eq3A_0 = arith.cmpi eq, %arg0, %eq3A : i32
    %convert_element_type3A = arith.extui %eq3A_0 : i1 to i32
    %cond3A = arith.constant 0 : i32
    %cond3A_1 = arith.cmpi ne, %convert_element_type3A, %cond3A : i32
    scf.if %cond3A_1 {
      %swap3A_321 = arith.constant 0.000000e+00 : f32
      %swap3A_322 = arith.constant 0 : index
      %swap3A_323 = memref.load %arg11[%swap3A_322] : memref<2xf32, #tpu.memory_space<smem>>
      memref.store %swap3A_321, %arg11[%swap3A_322] : memref<2xf32, #tpu.memory_space<smem>>
      %swap3A_324 = arith.constant 0.000000e+00 : f32
      %swap3A_325 = arith.constant 1 : index
      %swap3A_326 = memref.load %arg11[%swap3A_325] : memref<2xf32, #tpu.memory_space<smem>>
      memref.store %swap3A_324, %arg11[%swap3A_325] : memref<2xf32, #tpu.memory_space<smem>>
    } else {
    }
    %iota3A = tpu.iota {dimensions = array<i32: 1>} : vector<1x21504xi32>
    %lt3A = arith.constant 21420 : i32
    %lt3A_2 = vector.broadcast %lt3A : i32 to vector<1x21504xi32>
    %lt3A_3 = arith.cmpi slt, %iota3A, %lt3A_2 : vector<1x21504xi32>
    %get3A = arith.constant 0 : index
    %get3A_4 = arith.constant 0 : index
    %get3A_5 = vector.load %arg5[%get3A, %get3A_4] : memref<4x21504xf32, #tpu.memory_space<vmem>>, vector<1x21504xf32>
    %get3A_6 = arith.constant 1 : index
    %get3A_7 = arith.constant 0 : index
    %get3A_8 = vector.load %arg5[%get3A_6, %get3A_7] : memref<4x21504xf32, #tpu.memory_space<vmem>>, vector<1x21504xf32>
    %get3A_9 = arith.constant 2 : index
    %get3A_10 = arith.constant 0 : index
    %get3A_11 = vector.load %arg5[%get3A_9, %get3A_10] : memref<4x21504xf32, #tpu.memory_space<vmem>>, vector<1x21504xf32>
    %get3A_12 = arith.constant 3 : index
    %get3A_13 = arith.constant 0 : index
    %get3A_14 = vector.load %arg5[%get3A_12, %get3A_13] : memref<4x21504xf32, #tpu.memory_space<vmem>>, vector<1x21504xf32>
    %mul3A = arith.constant 5.000000e-01 : f32
    %mul3A_15 = vector.broadcast %mul3A : f32 to vector<1x21504xf32>
    %mul3A_16 = arith.mulf %get3A_11, %mul3A_15 : vector<1x21504xf32>
    %sub3A = arith.subf %get3A_5, %mul3A_16 : vector<1x21504xf32>
    %mul3A_17 = arith.constant 5.000000e-01 : f32
    %mul3A_18 = vector.broadcast %mul3A_17 : f32 to vector<1x21504xf32>
    %mul3A_19 = arith.mulf %get3A_14, %mul3A_18 : vector<1x21504xf32>
    %sub3A_20 = arith.subf %get3A_8, %mul3A_19 : vector<1x21504xf32>
    %mul3A_21 = arith.constant 5.000000e-01 : f32
    %mul3A_22 = vector.broadcast %mul3A_21 : f32 to vector<1x21504xf32>
    %mul3A_23 = arith.mulf %get3A_11, %mul3A_22 : vector<1x21504xf32>
    %add3A = arith.addf %get3A_5, %mul3A_23 : vector<1x21504xf32>
    %mul3A_24 = arith.constant 5.000000e-01 : f32
    %mul3A_25 = vector.broadcast %mul3A_24 : f32 to vector<1x21504xf32>
    %mul3A_26 = arith.mulf %get3A_14, %mul3A_25 : vector<1x21504xf32>
    %add3A_27 = arith.addf %get3A_8, %mul3A_26 : vector<1x21504xf32>
    %get3A_28 = arith.constant 0 : index
    %get3A_29 = arith.constant 0 : index
    %get3A_30 = arith.constant 0 : index
    %get3A_31 = vector.load %arg2[%get3A_28, %get3A_29, %get3A_30] : memref<1x16x4xf32, #tpu.memory_space<vmem>>, vector<1x16x4xf32>
    %get3A_32 = vector.shape_cast %get3A_31 : vector<1x16x4xf32> to vector<16x4xf32>
    %slice3A = vector.extract_strided_slice %get3A_32 {offsets = [0, 0], sizes = [16, 1], strides = [1, 1]} : vector<16x4xf32> to vector<16x1xf32>
    %slice3A_33 = vector.extract_strided_slice %get3A_32 {offsets = [0, 1], sizes = [16, 1], strides = [1, 1]} : vector<16x4xf32> to vector<16x1xf32>
    %slice3A_34 = vector.extract_strided_slice %get3A_32 {offsets = [0, 2], sizes = [16, 1], strides = [1, 1]} : vector<16x4xf32> to vector<16x1xf32>
    %slice3A_35 = vector.extract_strided_slice %get3A_32 {offsets = [0, 3], sizes = [16, 1], strides = [1, 1]} : vector<16x4xf32> to vector<16x1xf32>
    %max3A = vector.broadcast %slice3A : vector<16x1xf32> to vector<16x21504xf32>
    %max3A_36 = vector.broadcast %sub3A : vector<1x21504xf32> to vector<16x21504xf32>
    %max3A_37 = arith.maximumf %max3A, %max3A_36 : vector<16x21504xf32>
    %max3A_38 = vector.broadcast %slice3A_33 : vector<16x1xf32> to vector<16x21504xf32>
    %max3A_39 = vector.broadcast %sub3A_20 : vector<1x21504xf32> to vector<16x21504xf32>
    %max3A_40 = arith.maximumf %max3A_38, %max3A_39 : vector<16x21504xf32>
    %min3A = vector.broadcast %slice3A_34 : vector<16x1xf32> to vector<16x21504xf32>
    %min3A_41 = vector.broadcast %add3A : vector<1x21504xf32> to vector<16x21504xf32>
    %min3A_42 = arith.minimumf %min3A, %min3A_41 : vector<16x21504xf32>
    %min3A_43 = vector.broadcast %slice3A_35 : vector<16x1xf32> to vector<16x21504xf32>
    %min3A_44 = vector.broadcast %add3A_27 : vector<1x21504xf32> to vector<16x21504xf32>
    %min3A_45 = arith.minimumf %min3A_43, %min3A_44 : vector<16x21504xf32>
    %sub3A_46 = arith.subf %min3A_42, %max3A_37 : vector<16x21504xf32>
    %jit3A = arith.constant 0.000000e+00 : f32
    %max3A_47 = vector.broadcast %jit3A : f32 to vector<16x21504xf32>
    %max3A_48 = arith.maximumf %max3A_47, %sub3A_46 : vector<16x21504xf32>
    %sub3A_49 = arith.subf %min3A_45, %max3A_40 : vector<16x21504xf32>
    %jit3A_50 = arith.constant 0.000000e+00 : f32
    %max3A_51 = vector.broadcast %jit3A_50 : f32 to vector<16x21504xf32>
    %max3A_52 = arith.maximumf %max3A_51, %sub3A_49 : vector<16x21504xf32>
    %mul3A_53 = arith.mulf %max3A_48, %max3A_52 : vector<16x21504xf32>
    %sub3A_54 = arith.subf %slice3A_34, %slice3A : vector<16x1xf32>
    %sub3A_55 = arith.subf %slice3A_35, %slice3A_33 : vector<16x1xf32>
    %mul3A_56 = arith.mulf %sub3A_54, %sub3A_55 : vector<16x1xf32>
    %sub3A_57 = arith.subf %add3A, %sub3A : vector<1x21504xf32>
    %sub3A_58 = arith.subf %add3A_27, %sub3A_20 : vector<1x21504xf32>
    %mul3A_59 = arith.mulf %sub3A_57, %sub3A_58 : vector<1x21504xf32>
    %add3A_60 = vector.broadcast %mul3A_56 : vector<16x1xf32> to vector<16x21504xf32>
    %add3A_61 = vector.broadcast %mul3A_59 : vector<1x21504xf32> to vector<16x21504xf32>
    %add3A_62 = arith.addf %add3A_60, %add3A_61 : vector<16x21504xf32>
    %sub3A_63 = arith.subf %add3A_62, %mul3A_53 : vector<16x21504xf32>
    %div3A = arith.divf %mul3A_53, %sub3A_63 : vector<16x21504xf32>
    %iota3A_64 = tpu.iota {dimensions = array<i32: 0>} : vector<16x21504xi32>
    %iota3A_65 = tpu.iota {dimensions = array<i32: 1>} : vector<16x21504xi32>
    %reduce_max3A = arith.constant dense<0xFF800000> : vector<21504xf32>
    %reduce_max3A_66 = vector.multi_reduction <maximumf>, %div3A, %reduce_max3A [0] : vector<16x21504xf32> to vector<21504xf32>
    %broadcast_in_dim3A = vector.shape_cast %reduce_max3A_66 : vector<21504xf32> to vector<1x21504xf32>
    %eq3A_67 = vector.broadcast %broadcast_in_dim3A : vector<1x21504xf32> to vector<16x21504xf32>
    %eq3A_68 = arith.cmpf oeq, %div3A, %eq3A_67 : vector<16x21504xf32>
    %jit3A_69 = arith.constant 16 : i32
    %broadcast_in_dim3A_70 = vector.broadcast %jit3A_69 : i32 to vector<16x21504xi32>
    %select_n3A = arith.select %eq3A_68, %iota3A_64, %broadcast_in_dim3A_70 : vector<16x21504xi1>, vector<16x21504xi32>
    %reduce_min3A = arith.constant dense<2147483647> : vector<21504xi32>
    %reduce_min3A_71 = vector.multi_reduction <minsi>, %select_n3A, %reduce_min3A [0] : vector<16x21504xi32> to vector<21504xi32>
    %broadcast_in_dim3A_72 = vector.shape_cast %reduce_min3A_71 : vector<21504xi32> to vector<1x21504xi32>
    %reduce_max3A_73 = arith.constant dense<0xFF800000> : vector<16xf32>
    %reduce_max3A_74 = vector.multi_reduction <maximumf>, %div3A, %reduce_max3A_73 [1] : vector<16x21504xf32> to vector<16xf32>
    %broadcast_in_dim3A_75 = vector.shape_cast %reduce_max3A_74 : vector<16xf32> to vector<16x1xf32>
    %eq3A_76 = vector.broadcast %broadcast_in_dim3A_75 : vector<16x1xf32> to vector<16x21504xf32>
    %eq3A_77 = arith.cmpf oeq, %div3A, %eq3A_76 : vector<16x21504xf32>
    %jit3A_78 = arith.constant 21504 : i32
    %broadcast_in_dim3A_79 = vector.broadcast %jit3A_78 : i32 to vector<16x21504xi32>
    %select_n3A_80 = arith.select %eq3A_77, %iota3A_65, %broadcast_in_dim3A_79 : vector<16x21504xi1>, vector<16x21504xi32>
    %reduce_min3A_81 = arith.constant dense<2147483647> : vector<16xi32>
    %reduce_min3A_82 = vector.multi_reduction <minsi>, %select_n3A_80, %reduce_min3A_81 [1] : vector<16x21504xi32> to vector<16xi32>
    %broadcast_in_dim3A_83 = vector.shape_cast %reduce_min3A_82 : vector<16xi32> to vector<16x1xi32>
    %gt3A = arith.constant 0.000000e+00 : f32
    %gt3A_84 = vector.broadcast %gt3A : f32 to vector<16x1xf32>
    %gt3A_85 = arith.cmpf ogt, %broadcast_in_dim3A_75, %gt3A_84 : vector<16x1xf32>
    %convert_element_type3A_86 = arith.extui %gt3A_85 : vector<16x1xi1> to vector<16x1xi32>
    %broadcast_in_dim3A_87 = arith.constant 0 : i32
    %broadcast_in_dim3A_88 = vector.broadcast %broadcast_in_dim3A_87 : i32 to vector<1x1xi32>
    %slice3A_89 = vector.extract_strided_slice %convert_element_type3A_86 {offsets = [0, 0], sizes = [15, 1], strides = [1, 1]} : vector<16x1xi32> to vector<15x1xi32>
    %concatenate3A = tpu.concatenate %broadcast_in_dim3A_88, %slice3A_89 in 0 : vector<1x1xi32>, vector<15x1xi32> -> vector<16x1xi32>
    %add3A_90 = arith.addi %convert_element_type3A_86, %concatenate3A : vector<16x1xi32>
    %broadcast_in_dim3A_91 = arith.constant 0 : i32
    %broadcast_in_dim3A_92 = vector.broadcast %broadcast_in_dim3A_91 : i32 to vector<2x1xi32>
    %slice3A_93 = vector.extract_strided_slice %add3A_90 {offsets = [0, 0], sizes = [14, 1], strides = [1, 1]} : vector<16x1xi32> to vector<14x1xi32>
    %concatenate3A_94 = tpu.concatenate %broadcast_in_dim3A_92, %slice3A_93 in 0 : vector<2x1xi32>, vector<14x1xi32> -> vector<16x1xi32>
    %add3A_95 = arith.addi %add3A_90, %concatenate3A_94 : vector<16x1xi32>
    %broadcast_in_dim3A_96 = arith.constant 0 : i32
    %broadcast_in_dim3A_97 = vector.broadcast %broadcast_in_dim3A_96 : i32 to vector<4x1xi32>
    %slice3A_98 = vector.extract_strided_slice %add3A_95 {offsets = [0, 0], sizes = [12, 1], strides = [1, 1]} : vector<16x1xi32> to vector<12x1xi32>
    %concatenate3A_99 = tpu.concatenate %broadcast_in_dim3A_97, %slice3A_98 in 0 : vector<4x1xi32>, vector<12x1xi32> -> vector<16x1xi32>
    %add3A_100 = arith.addi %add3A_95, %concatenate3A_99 : vector<16x1xi32>
    %broadcast_in_dim3A_101 = arith.constant 0 : i32
    %broadcast_in_dim3A_102 = vector.broadcast %broadcast_in_dim3A_101 : i32 to vector<8x1xi32>
    %slice3A_103 = vector.extract_strided_slice %add3A_100 {offsets = [0, 0], sizes = [8, 1], strides = [1, 1]} : vector<16x1xi32> to vector<8x1xi32>
    %concatenate3A_104 = tpu.concatenate %broadcast_in_dim3A_102, %slice3A_103 in 0 : vector<8x1xi32>, vector<8x1xi32> -> vector<16x1xi32>
    %add3A_105 = arith.addi %add3A_100, %concatenate3A_104 : vector<16x1xi32>
    %sub3A_106 = arith.constant 1 : i32
    %sub3A_107 = vector.broadcast %sub3A_106 : i32 to vector<16x1xi32>
    %sub3A_108 = arith.subi %add3A_105, %sub3A_107 : vector<16x1xi32>
    %iota3A_109 = tpu.iota {dimensions = array<i32: 0>} : vector<16x1xi32>
    %eq3A_110 = vector.broadcast %broadcast_in_dim3A_83 : vector<16x1xi32> to vector<16x21504xi32>
    %eq3A_111 = vector.broadcast %iota3A : vector<1x21504xi32> to vector<16x21504xi32>
    %eq3A_112 = arith.cmpi eq, %eq3A_110, %eq3A_111 : vector<16x21504xi32>
    %jit3A_113 = arith.constant -1 : i32
    %broadcast_in_dim3A_114 = vector.shape_cast %iota3A_109 : vector<16x1xi32> to vector<16x1xi32>
    %broadcast_in_dim3A_115 = vector.broadcast %broadcast_in_dim3A_114 : vector<16x1xi32> to vector<16x21504xi32>
    %broadcast_in_dim3A_116 = vector.broadcast %jit3A_113 : i32 to vector<16x21504xi32>
    %select_n3A_117 = arith.select %eq3A_112, %broadcast_in_dim3A_115, %broadcast_in_dim3A_116 : vector<16x21504xi1>, vector<16x21504xi32>
    %reduce_max3A_118 = arith.constant dense<-2147483648> : vector<21504xi32>
    %reduce_max3A_119 = vector.multi_reduction <maxsi>, %select_n3A_117, %reduce_max3A_118 [0] : vector<16x21504xi32> to vector<21504xi32>
    %broadcast_in_dim3A_120 = vector.shape_cast %reduce_max3A_119 : vector<21504xi32> to vector<1x21504xi32>
    %eq3A_121 = vector.broadcast %broadcast_in_dim3A_120 : vector<1x21504xi32> to vector<16x21504xi32>
    %eq3A_122 = arith.cmpi eq, %eq3A_121, %iota3A_64 : vector<16x21504xi32>
    %convert_element_type3A_123 = arith.extui %eq3A_122 : vector<16x21504xi1> to vector<16x21504xi32>
    %convert_element_type3A_124 = arith.sitofp %convert_element_type3A_123 : vector<16x21504xi32> to vector<16x21504xf32>
    %convert_element_type3A_125 = arith.extui %gt3A_85 : vector<16x1xi1> to vector<16x1xi32>
    %convert_element_type3A_126 = arith.sitofp %convert_element_type3A_125 : vector<16x1xi32> to vector<16x1xf32>
    %convert_element_type3A_127 = arith.sitofp %sub3A_108 : vector<16x1xi32> to vector<16x1xf32>
    %concatenate3A_128 = tpu.concatenate %convert_element_type3A_126, %convert_element_type3A_127 in 1 : vector<16x1xf32>, vector<16x1xf32> -> vector<16x2xf32>
    %dot_general3A = arith.constant dense<0.000000e+00> : vector<2x21504xf32>
    %dot_general3A_129 = tpu.matmul %concatenate3A_128, %convert_element_type3A_124, %dot_general3A {dimension_numbers = #tpu.dot_dimension_numbers<[0], [0], [1], [1], [0, 1, 1, 1], [], []>, transpose_lhs_hint = false} : vector<16x2xf32>, vector<16x21504xf32>, vector<2x21504xf32> -> vector<2x21504xf32>
    %slice3A_130 = vector.extract_strided_slice %dot_general3A_129 {offsets = [0, 0], sizes = [1, 21504], strides = [1, 1]} : vector<2x21504xf32> to vector<1x21504xf32>
    %ge3A = arith.constant 5.000000e-01 : f32
    %ge3A_131 = vector.broadcast %ge3A : f32 to vector<1x21504xf32>
    %ge3A_132 = arith.cmpf oge, %slice3A_130, %ge3A_131 : vector<1x21504xf32>
    %jit3A_133 = arith.constant 1.000000e+00 : f32
    %broadcast_in_dim3A_134 = vector.broadcast %jit3A_133 : f32 to vector<1x21504xf32>
    %select_n3A_135 = arith.select %ge3A_132, %broadcast_in_dim3A_134, %broadcast_in_dim3A : vector<1x21504xi1>, vector<1x21504xf32>
    %slice3A_136 = vector.extract_strided_slice %dot_general3A_129 {offsets = [1, 0], sizes = [1, 21504], strides = [1, 1]} : vector<2x21504xf32> to vector<1x21504xf32>
    %convert_element_type3A_137 = arith.sitofp %broadcast_in_dim3A_72 : vector<1x21504xi32> to vector<1x21504xf32>
    %select_n3A_138 = arith.select %ge3A_132, %slice3A_136, %convert_element_type3A_137 : vector<1x21504xi1>, vector<1x21504xf32>
    %convert_element_type3A_139 = arith.sitofp %iota3A_64 : vector<16x21504xi32> to vector<16x21504xf32>
    %eq3A_140 = vector.broadcast %select_n3A_138 : vector<1x21504xf32> to vector<16x21504xf32>
    %eq3A_141 = arith.cmpf oeq, %eq3A_140, %convert_element_type3A_139 : vector<16x21504xf32>
    %convert_element_type3A_142 = arith.extui %eq3A_141 : vector<16x21504xi1> to vector<16x21504xi32>
    %convert_element_type3A_143 = arith.sitofp %convert_element_type3A_142 : vector<16x21504xi32> to vector<16x21504xf32>
    %get3A_144 = arith.constant 0 : index
    %get3A_145 = arith.constant 0 : index
    %get3A_146 = arith.constant 0 : index
    %get3A_147 = vector.load %arg3[%get3A_144, %get3A_145, %get3A_146] : memref<1x16x1xi32, #tpu.memory_space<vmem>>, vector<1x16x1xi32>
    %get3A_148 = vector.shape_cast %get3A_147 : vector<1x16x1xi32> to vector<16x1xi32>
    %convert_element_type3A_149 = arith.sitofp %get3A_148 : vector<16x1xi32> to vector<16x1xf32>
    %dot_general3A_150 = arith.constant dense<0.000000e+00> : vector<1x21504xf32>
    %dot_general3A_151 = tpu.matmul %convert_element_type3A_149, %convert_element_type3A_143, %dot_general3A_150 {dimension_numbers = #tpu.dot_dimension_numbers<[0], [0], [1], [1], [0, 1, 1, 1], [], []>, transpose_lhs_hint = false} : vector<16x1xf32>, vector<16x21504xf32>, vector<1x21504xf32> -> vector<1x21504xf32>
    %lt3A_152 = arith.constant 4.000000e-01 : f32
    %lt3A_153 = vector.broadcast %lt3A_152 : f32 to vector<1x21504xf32>
    %lt3A_154 = arith.cmpf olt, %select_n3A_135, %lt3A_153 : vector<1x21504xf32>
    %jit3A_155 = arith.constant 0.000000e+00 : f32
    %broadcast_in_dim3A_156 = vector.broadcast %jit3A_155 : f32 to vector<1x21504xf32>
    %select_n3A_157 = arith.select %lt3A_154, %broadcast_in_dim3A_156, %dot_general3A_151 : vector<1x21504xi1>, vector<1x21504xf32>
    %gt3A_158 = arith.constant 0.000000e+00 : f32
    %gt3A_159 = vector.broadcast %gt3A_158 : f32 to vector<1x21504xf32>
    %gt3A_160 = arith.cmpf ogt, %select_n3A_157, %gt3A_159 : vector<1x21504xf32>
    %convert_element_type3A_161 = arith.extui %gt3A_160 : vector<1x21504xi1> to vector<1x21504xi32>
    %convert_element_type3A_162 = arith.sitofp %convert_element_type3A_161 : vector<1x21504xi32> to vector<1x21504xf32>
    %reduce_sum3A = vector.shape_cast %convert_element_type3A_162 : vector<1x21504xf32> to vector<1x1x21504xf32>
    %reduce_sum3A_163 = arith.constant dense<0.000000e+00> : vector<1xf32>
    %reduce_sum3A_164 = vector.multi_reduction <add>, %reduce_sum3A, %reduce_sum3A_163 [1, 2] : vector<1x1x21504xf32> to vector<1xf32>
    %reduce_sum3A_165 = vector.shape_cast %reduce_sum3A_164 : vector<1xf32> to vector<1x1x1xf32>
    %reduce_sum3A_166 = vector.extract %reduce_sum3A_165[0, 0, 0] : f32 from vector<1x1x1xf32>
    %get3A_167 = arith.constant 0 : index
    %get3A_168 = arith.constant 0 : index
    %get3A_169 = arith.constant 0 : index
    %get3A_170 = vector.load %arg4[%get3A_167, %get3A_168, %get3A_169] : memref<1x4x4xf32, #tpu.memory_space<vmem>>, vector<1x4x4xf32>
    %get3A_171 = vector.shape_cast %get3A_170 : vector<1x4x4xf32> to vector<4x4xf32>
    %slice3A_172 = vector.extract_strided_slice %get3A_171 {offsets = [0, 0], sizes = [4, 1], strides = [1, 1]} : vector<4x4xf32> to vector<4x1xf32>
    %slice3A_173 = vector.extract_strided_slice %get3A_171 {offsets = [0, 1], sizes = [4, 1], strides = [1, 1]} : vector<4x4xf32> to vector<4x1xf32>
    %slice3A_174 = vector.extract_strided_slice %get3A_171 {offsets = [0, 2], sizes = [4, 1], strides = [1, 1]} : vector<4x4xf32> to vector<4x1xf32>
    %slice3A_175 = vector.extract_strided_slice %get3A_171 {offsets = [0, 3], sizes = [4, 1], strides = [1, 1]} : vector<4x4xf32> to vector<4x1xf32>
    %min3A_176 = vector.broadcast %slice3A_174 : vector<4x1xf32> to vector<4x21504xf32>
    %min3A_177 = vector.broadcast %add3A : vector<1x21504xf32> to vector<4x21504xf32>
    %min3A_178 = arith.minimumf %min3A_176, %min3A_177 : vector<4x21504xf32>
    %max3A_179 = vector.broadcast %slice3A_172 : vector<4x1xf32> to vector<4x21504xf32>
    %max3A_180 = vector.broadcast %sub3A : vector<1x21504xf32> to vector<4x21504xf32>
    %max3A_181 = arith.maximumf %max3A_179, %max3A_180 : vector<4x21504xf32>
    %sub3A_182 = arith.subf %min3A_178, %max3A_181 : vector<4x21504xf32>
    %jit3A_183 = arith.constant 0.000000e+00 : f32
    %max3A_184 = vector.broadcast %jit3A_183 : f32 to vector<4x21504xf32>
    %max3A_185 = arith.maximumf %max3A_184, %sub3A_182 : vector<4x21504xf32>
    %min3A_186 = vector.broadcast %slice3A_175 : vector<4x1xf32> to vector<4x21504xf32>
    %min3A_187 = vector.broadcast %add3A_27 : vector<1x21504xf32> to vector<4x21504xf32>
    %min3A_188 = arith.minimumf %min3A_186, %min3A_187 : vector<4x21504xf32>
    %max3A_189 = vector.broadcast %slice3A_173 : vector<4x1xf32> to vector<4x21504xf32>
    %max3A_190 = vector.broadcast %sub3A_20 : vector<1x21504xf32> to vector<4x21504xf32>
    %max3A_191 = arith.maximumf %max3A_189, %max3A_190 : vector<4x21504xf32>
    %sub3A_192 = arith.subf %min3A_188, %max3A_191 : vector<4x21504xf32>
    %jit3A_193 = arith.constant 0.000000e+00 : f32
    %max3A_194 = vector.broadcast %jit3A_193 : f32 to vector<4x21504xf32>
    %max3A_195 = arith.maximumf %max3A_194, %sub3A_192 : vector<4x21504xf32>
    %mul3A_196 = arith.mulf %max3A_185, %max3A_195 : vector<4x21504xf32>
    %sub3A_197 = arith.subf %slice3A_174, %slice3A_172 : vector<4x1xf32>
    %sub3A_198 = arith.subf %slice3A_175, %slice3A_173 : vector<4x1xf32>
    %mul3A_199 = arith.mulf %sub3A_197, %sub3A_198 : vector<4x1xf32>
    %sub3A_200 = arith.subf %add3A, %sub3A : vector<1x21504xf32>
    %sub3A_201 = arith.subf %add3A_27, %sub3A_20 : vector<1x21504xf32>
    %mul3A_202 = arith.mulf %sub3A_200, %sub3A_201 : vector<1x21504xf32>
    %add3A_203 = vector.broadcast %mul3A_199 : vector<4x1xf32> to vector<4x21504xf32>
    %add3A_204 = vector.broadcast %mul3A_202 : vector<1x21504xf32> to vector<4x21504xf32>
    %add3A_205 = arith.addf %add3A_203, %add3A_204 : vector<4x21504xf32>
    %mul3A_206 = arith.constant 1.100000e+01 : f32
    %mul3A_207 = vector.broadcast %mul3A_206 : f32 to vector<4x21504xf32>
    %mul3A_208 = arith.mulf %mul3A_207, %mul3A_196 : vector<4x21504xf32>
    %ge3A_209 = arith.cmpf oge, %mul3A_208, %add3A_205 : vector<4x21504xf32>
    %jit3A_210 = arith.constant 1 : i32
    %jit3A_211 = arith.constant 0 : i32
    %broadcast_in_dim3A_212 = vector.broadcast %jit3A_210 : i32 to vector<4x21504xi32>
    %broadcast_in_dim3A_213 = vector.broadcast %jit3A_211 : i32 to vector<4x21504xi32>
    %select_n3A_214 = arith.select %ge3A_209, %broadcast_in_dim3A_212, %broadcast_in_dim3A_213 : vector<4x21504xi1>, vector<4x21504xi32>
    %reduce_max3A_215 = arith.constant dense<-2147483648> : vector<21504xi32>
    %reduce_max3A_216 = vector.multi_reduction <maxsi>, %select_n3A_214, %reduce_max3A_215 [0] : vector<4x21504xi32> to vector<21504xi32>
    %broadcast_in_dim3A_217 = vector.shape_cast %reduce_max3A_216 : vector<21504xi32> to vector<1x21504xi32>
    %gt3A_218 = arith.constant 0 : i32
    %gt3A_219 = vector.broadcast %gt3A_218 : i32 to vector<1x21504xi32>
    %gt3A_220 = arith.cmpi sgt, %broadcast_in_dim3A_217, %gt3A_219 : vector<1x21504xi32>
    %get3A_221 = arith.constant 0 : index
    %get3A_222 = arith.constant 0 : index
    %get3A_223 = arith.constant 0 : index
    %get3A_224 = vector.load %arg1[%get3A_221, %get3A_222, %get3A_223] : memref<1x4x21504xf32, #tpu.memory_space<vmem>>, vector<1x4x21504xf32>
    %get3A_225 = vector.shape_cast %get3A_224 : vector<1x4x21504xf32> to vector<4x21504xf32>
    %slice3A_226 = vector.extract_strided_slice %get3A_225 {offsets = [0, 0], sizes = [1, 21504], strides = [1, 1]} : vector<4x21504xf32> to vector<1x21504xf32>
    %slice3A_227 = vector.extract_strided_slice %get3A_225 {offsets = [1, 0], sizes = [1, 21504], strides = [1, 1]} : vector<4x21504xf32> to vector<1x21504xf32>
    %slice3A_228 = vector.extract_strided_slice %get3A_225 {offsets = [2, 0], sizes = [1, 21504], strides = [1, 1]} : vector<4x21504xf32> to vector<1x21504xf32>
    %slice3A_229 = vector.extract_strided_slice %get3A_225 {offsets = [3, 0], sizes = [1, 21504], strides = [1, 1]} : vector<4x21504xf32> to vector<1x21504xf32>
    %max3A_230 = arith.maximumf %slice3A_226, %slice3A_227 : vector<1x21504xf32>
    %max3A_231 = arith.maximumf %slice3A_228, %slice3A_229 : vector<1x21504xf32>
    %max3A_232 = arith.maximumf %max3A_230, %max3A_231 : vector<1x21504xf32>
    %sub3A_233 = arith.subf %slice3A_226, %max3A_232 : vector<1x21504xf32>
    %exp3A = math.exp %sub3A_233 : vector<1x21504xf32>
    %sub3A_234 = arith.subf %slice3A_227, %max3A_232 : vector<1x21504xf32>
    %exp3A_235 = math.exp %sub3A_234 : vector<1x21504xf32>
    %add3A_236 = arith.addf %exp3A, %exp3A_235 : vector<1x21504xf32>
    %sub3A_237 = arith.subf %slice3A_228, %max3A_232 : vector<1x21504xf32>
    %exp3A_238 = math.exp %sub3A_237 : vector<1x21504xf32>
    %add3A_239 = arith.addf %add3A_236, %exp3A_238 : vector<1x21504xf32>
    %sub3A_240 = arith.subf %slice3A_229, %max3A_232 : vector<1x21504xf32>
    %exp3A_241 = math.exp %sub3A_240 : vector<1x21504xf32>
    %add3A_242 = arith.addf %add3A_239, %exp3A_241 : vector<1x21504xf32>
    %log3A = math.log %add3A_242 : vector<1x21504xf32>
    %add3A_243 = arith.addf %max3A_232, %log3A : vector<1x21504xf32>
    %eq3A_244 = arith.constant 0.000000e+00 : f32
    %eq3A_245 = vector.broadcast %eq3A_244 : f32 to vector<1x21504xf32>
    %eq3A_246 = arith.cmpf oeq, %select_n3A_157, %eq3A_245 : vector<1x21504xf32>
    %jit3A_247 = arith.constant 0.000000e+00 : f32
    %broadcast_in_dim3A_248 = vector.broadcast %jit3A_247 : f32 to vector<1x21504xf32>
    %select_n3A_249 = arith.select %eq3A_246, %slice3A_226, %broadcast_in_dim3A_248 : vector<1x21504xi1>, vector<1x21504xf32>
    %eq3A_250 = arith.constant 1.000000e+00 : f32
    %eq3A_251 = vector.broadcast %eq3A_250 : f32 to vector<1x21504xf32>
    %eq3A_252 = arith.cmpf oeq, %select_n3A_157, %eq3A_251 : vector<1x21504xf32>
    %jit3A_253 = arith.constant 0.000000e+00 : f32
    %broadcast_in_dim3A_254 = vector.broadcast %jit3A_253 : f32 to vector<1x21504xf32>
    %select_n3A_255 = arith.select %eq3A_252, %slice3A_227, %broadcast_in_dim3A_254 : vector<1x21504xi1>, vector<1x21504xf32>
    %add3A_256 = arith.addf %select_n3A_249, %select_n3A_255 : vector<1x21504xf32>
    %eq3A_257 = arith.constant 2.000000e+00 : f32
    %eq3A_258 = vector.broadcast %eq3A_257 : f32 to vector<1x21504xf32>
    %eq3A_259 = arith.cmpf oeq, %select_n3A_157, %eq3A_258 : vector<1x21504xf32>
    %jit3A_260 = arith.constant 0.000000e+00 : f32
    %broadcast_in_dim3A_261 = vector.broadcast %jit3A_260 : f32 to vector<1x21504xf32>
    %select_n3A_262 = arith.select %eq3A_259, %slice3A_228, %broadcast_in_dim3A_261 : vector<1x21504xi1>, vector<1x21504xf32>
    %add3A_263 = arith.addf %add3A_256, %select_n3A_262 : vector<1x21504xf32>
    %eq3A_264 = arith.constant 3.000000e+00 : f32
    %eq3A_265 = vector.broadcast %eq3A_264 : f32 to vector<1x21504xf32>
    %eq3A_266 = arith.cmpf oeq, %select_n3A_157, %eq3A_265 : vector<1x21504xf32>
    %jit3A_267 = arith.constant 0.000000e+00 : f32
    %broadcast_in_dim3A_268 = vector.broadcast %jit3A_267 : f32 to vector<1x21504xf32>
    %select_n3A_269 = arith.select %eq3A_266, %slice3A_229, %broadcast_in_dim3A_268 : vector<1x21504xi1>, vector<1x21504xf32>
    %add3A_270 = arith.addf %add3A_263, %select_n3A_269 : vector<1x21504xf32>
    %sub3A_271 = arith.subf %add3A_243, %add3A_270 : vector<1x21504xf32>
    %mul3A_272 = arith.mulf %sub3A_271, %convert_element_type3A_162 : vector<1x21504xf32>
    %reduce_sum3A_273 = vector.shape_cast %mul3A_272 : vector<1x21504xf32> to vector<1x1x21504xf32>
    %reduce_sum3A_274 = arith.constant dense<0.000000e+00> : vector<1xf32>
    %reduce_sum3A_275 = vector.multi_reduction <add>, %reduce_sum3A_273, %reduce_sum3A_274 [1, 2] : vector<1x1x21504xf32> to vector<1xf32>
    %reduce_sum3A_276 = vector.shape_cast %reduce_sum3A_275 : vector<1xf32> to vector<1x1x1xf32>
    %reduce_sum3A_277 = vector.extract %reduce_sum3A_276[0, 0, 0] : f32 from vector<1x1x1xf32>
    %or3A = arith.ori %gt3A_160, %gt3A_220 : vector<1x21504xi1>
    %not3A = arith.constant dense<true> : vector<1x21504xi1>
    %not3A_278 = arith.xori %or3A, %not3A : vector<1x21504xi1>
    %and3A = arith.andi %not3A_278, %lt3A_3 : vector<1x21504xi1>
    %jit3A_279 = arith.constant 0.000000e+00 : f32
    %broadcast_in_dim3A_280 = vector.broadcast %jit3A_279 : f32 to vector<1x21504xf32>
    %select_n3A_281 = arith.select %and3A, %sub3A_271, %broadcast_in_dim3A_280 : vector<1x21504xi1>, vector<1x21504xf32>
    %swap3A = arith.constant 0 : index
    %swap3A_282 = arith.constant 0 : index
    %swap3A_283 = arith.constant 0 : index
    %swap3A_284 = vector.load %arg6[%swap3A, %swap3A_282, %swap3A_283] : memref<1x1x21504xf32, #tpu.memory_space<vmem>>, vector<1x1x21504xf32>
    %swap3A_285 = vector.shape_cast %swap3A_284 : vector<1x1x21504xf32> to vector<1x21504xf32>
    %swap3A_286 = vector.shape_cast %select_n3A_281 : vector<1x21504xf32> to vector<1x1x21504xf32>
    tpu.vector_store %arg6[%swap3A, %swap3A_282, %swap3A_283], %swap3A_286 {strides = array<i32>} : memref<1x1x21504xf32, #tpu.memory_space<vmem>>, vector<1x1x21504xf32>,
    %broadcast_in_dim3A_287 = vector.broadcast %reduce_sum3A_166 : f32 to vector<1x128xf32>
    %swap3A_288 = arith.constant 0 : index
    %swap3A_289 = arith.constant 0 : index
    %swap3A_290 = arith.constant 0 : index
    %swap3A_291 = vector.load %arg7[%swap3A_288, %swap3A_289, %swap3A_290] : memref<1x1x128xf32, #tpu.memory_space<vmem>>, vector<1x1x128xf32>
    %swap3A_292 = vector.shape_cast %swap3A_291 : vector<1x1x128xf32> to vector<1x128xf32>
    %swap3A_293 = vector.shape_cast %broadcast_in_dim3A_287 : vector<1x128xf32> to vector<1x1x128xf32>
    tpu.vector_store %arg7[%swap3A_288, %swap3A_289, %swap3A_290], %swap3A_293 {strides = array<i32>} : memref<1x1x128xf32, #tpu.memory_space<vmem>>, vector<1x1x128xf32>,
    %swap3A_294 = arith.constant 0 : index
    %swap3A_295 = arith.constant 0 : index
    %swap3A_296 = arith.constant 0 : index
    %swap3A_297 = vector.load %arg8[%swap3A_294, %swap3A_295, %swap3A_296] : memref<1x1x21504xf32, #tpu.memory_space<vmem>>, vector<1x1x21504xf32>
    %swap3A_298 = vector.shape_cast %swap3A_297 : vector<1x1x21504xf32> to vector<1x21504xf32>
    %swap3A_299 = vector.shape_cast %select_n3A_138 : vector<1x21504xf32> to vector<1x1x21504xf32>
    tpu.vector_store %arg8[%swap3A_294, %swap3A_295, %swap3A_296], %swap3A_299 {strides = array<i32>} : memref<1x1x21504xf32, #tpu.memory_space<vmem>>, vector<1x1x21504xf32>,
    %swap3A_300 = arith.constant 0 : index
    %swap3A_301 = arith.constant 0 : index
    %swap3A_302 = arith.constant 0 : index
    %swap3A_303 = vector.load %arg9[%swap3A_300, %swap3A_301, %swap3A_302] : memref<1x1x21504xf32, #tpu.memory_space<vmem>>, vector<1x1x21504xf32>
    %swap3A_304 = vector.shape_cast %swap3A_303 : vector<1x1x21504xf32> to vector<1x21504xf32>
    %swap3A_305 = vector.shape_cast %convert_element_type3A_162 : vector<1x21504xf32> to vector<1x1x21504xf32>
    tpu.vector_store %arg9[%swap3A_300, %swap3A_301, %swap3A_302], %swap3A_305 {strides = array<i32>} : memref<1x1x21504xf32, #tpu.memory_space<vmem>>, vector<1x1x21504xf32>,
    %get3A_306 = arith.constant 0 : index
    %get3A_307 = memref.load %arg11[%get3A_306] : memref<2xf32, #tpu.memory_space<smem>>
    %add3A_308 = arith.addf %get3A_307, %reduce_sum3A_166 : f32
    %swap3A_309 = arith.constant 0 : index
    %swap3A_310 = memref.load %arg11[%swap3A_309] : memref<2xf32, #tpu.memory_space<smem>>
    memref.store %add3A_308, %arg11[%swap3A_309] : memref<2xf32, #tpu.memory_space<smem>>
    %get3A_311 = arith.constant 1 : index
    %get3A_312 = memref.load %arg11[%get3A_311] : memref<2xf32, #tpu.memory_space<smem>>
    %add3A_313 = arith.addf %get3A_312, %reduce_sum3A_277 : f32
    %swap3A_314 = arith.constant 1 : index
    %swap3A_315 = memref.load %arg11[%swap3A_314] : memref<2xf32, #tpu.memory_space<smem>>
    memref.store %add3A_313, %arg11[%swap3A_314] : memref<2xf32, #tpu.memory_space<smem>>
    %eq3A_316 = arith.constant 7 : i32
    %eq3A_317 = arith.cmpi eq, %arg0, %eq3A_316 : i32
    %convert_element_type3A_318 = arith.extui %eq3A_317 : i1 to i32
    %cond3A_319 = arith.constant 0 : i32
    %cond3A_320 = arith.cmpi ne, %convert_element_type3A_318, %cond3A_319 : i32
    scf.if %cond3A_320 {
      %get3A_321 = arith.constant 0 : index
      %get3A_322 = memref.load %arg11[%get3A_321] : memref<2xf32, #tpu.memory_space<smem>>
      %swap3A_323 = arith.constant 0 : index
      %swap3A_324 = arith.constant 0 : index
      %swap3A_325 = memref.load %arg10[%swap3A_323, %swap3A_324] : memref<1x2xf32, #tpu.memory_space<smem>>
      memref.store %get3A_322, %arg10[%swap3A_323, %swap3A_324] : memref<1x2xf32, #tpu.memory_space<smem>>
      %get3A_326 = arith.constant 1 : index
      %get3A_327 = memref.load %arg11[%get3A_326] : memref<2xf32, #tpu.memory_space<smem>>
      %swap3A_328 = arith.constant 0 : index
      %swap3A_329 = arith.constant 1 : index
      %swap3A_330 = memref.load %arg10[%swap3A_328, %swap3A_329] : memref<1x2xf32, #tpu.memory_space<smem>>
      memref.store %get3A_327, %arg10[%swap3A_328, %swap3A_329] : memref<1x2xf32, #tpu.memory_space<smem>>
    } else {
    }
    return
  }
  func.func @transform_0(%arg0: i32) -> (i32, i32, i32) {
    %c0_i32 = arith.constant 0 : i32
    %c0_i32_0 = arith.constant 0 : i32
    %c0_i32_1 = arith.constant 0 : i32
    return %arg0, %c0_i32, %c0_i32_0 : i32, i32, i32
  }
  func.func @transform_1(%arg0: i32) -> (i32, i32, i32) {
    %c0_i32 = arith.constant 0 : i32
    %c0_i32_0 = arith.constant 0 : i32
    %c0_i32_1 = arith.constant 0 : i32
    return %arg0, %c0_i32, %c0_i32_0 : i32, i32, i32
  }
  func.func @transform_2(%arg0: i32) -> (i32, i32, i32) {
    %c0_i32 = arith.constant 0 : i32
    %c0_i32_0 = arith.constant 0 : i32
    %c0_i32_1 = arith.constant 0 : i32
    return %arg0, %c0_i32, %c0_i32_0 : i32, i32, i32
  }
  func.func @transform_3(%arg0: i32) -> (i32, i32, i32) {
    %c0_i32 = arith.constant 0 : i32
    %c0_i32_0 = arith.constant 0 : i32
    %c0_i32_1 = arith.constant 0 : i32
    return %arg0, %c0_i32, %c0_i32_0 : i32, i32, i32
  }
  func.func @transform_4(%arg0: i32) -> (i32, i32) {
    %c0_i32 = arith.constant 0 : i32
    %c0_i32_0 = arith.constant 0 : i32
    %c0_i32_1 = arith.constant 0 : i32
    return %c0_i32, %c0_i32_0 : i32, i32
  }
  func.func @transform_5(%arg0: i32) -> (i32, i32, i32) {
    %c0_i32 = arith.constant 0 : i32
    %c0_i32_0 = arith.constant 0 : i32
    %c0_i32_1 = arith.constant 0 : i32
    return %arg0, %c0_i32, %c0_i32_0 : i32, i32, i32
  }
  func.func @transform_6(%arg0: i32) -> (i32, i32, i32) {
    %c0_i32 = arith.constant 0 : i32
    %c0_i32_0 = arith.constant 0 : i32
    %c0_i32_1 = arith.constant 0 : i32
    return %arg0, %c0_i32, %c0_i32_0 : i32, i32, i32
  }
  func.func @transform_7(%arg0: i32) -> (i32, i32, i32) {
    %c0_i32 = arith.constant 0 : i32
    %c0_i32_0 = arith.constant 0 : i32
    %c0_i32_1 = arith.constant 0 : i32
    return %arg0, %c0_i32, %c0_i32_0 : i32, i32, i32
  }
  func.func @transform_8(%arg0: i32) -> (i32, i32, i32) {
    %c0_i32 = arith.constant 0 : i32
    %c0_i32_0 = arith.constant 0 : i32
    %c0_i32_1 = arith.constant 0 : i32
    return %arg0, %c0_i32, %c0_i32_0 : i32, i32, i32
  }
  func.func @transform_9(%arg0: i32) -> (i32, i32) {
    %c0_i32 = arith.constant 0 : i32
    %c0_i32_0 = arith.constant 0 : i32
    %c0_i32_1 = arith.constant 0 : i32
    return %c0_i32, %c0_i32_0 : i32, i32
  }
}

module attributes {stable_mosaic.version = 14 : i64} {
  func.func @_decode_kernel(%arg0: i32, %arg1: memref<1x4x21504xf32, #tpu.memory_space<vmem>>, %arg2: memref<1x1x5376xf32, #tpu.memory_space<vmem>>, %arg3: memref<1x16x4xf32, #tpu.memory_space<vmem>>, %arg4: memref<4x21504xf32, #tpu.memory_space<vmem>>, %arg5: memref<1x1x21504xf32, #tpu.memory_space<vmem>>, %arg6: memref<1x1x21504xf32, #tpu.memory_space<vmem>>, %arg7: memref<1x2xf32, #tpu.memory_space<smem>>, %arg8: memref<2xf32, #tpu.memory_space<smem>>) attributes {dimension_semantics = [#tpu.dimension_semantics<arbitrary>], iteration_bounds = array<i64: 8>, scalar_prefetch = 0 : i64, scratch_operands = 1 : i64, tpu.core_type = #tpu.core_type<tc>, window_params = [{transform_indices = @transform_0, window_bounds = array<i64: 1, 4, 21504>}, {transform_indices = @transform_1, window_bounds = array<i64: 1, 1, 5376>}, {transform_indices = @transform_2, window_bounds = array<i64: 1, 16, 4>}, {pipeline_mode = #tpu.pipeline_mode<synchronous>, transform_indices = @transform_3, window_bounds = array<i64: 4, 21504>}, {transform_indices = @transform_4, window_bounds = array<i64: 1, 1, 21504>}, {transform_indices = @transform_5, window_bounds = array<i64: 1, 1, 21504>}, {transform_indices = @transform_6, window_bounds = array<i64: 1, 2>}]} {
    %eq3A = arith.constant 0 : i32
    %eq3A_0 = arith.cmpi eq, %arg0, %eq3A : i32
    %convert_element_type3A = arith.extui %eq3A_0 : i1 to i32
    %cond3A = arith.constant 0 : i32
    %cond3A_1 = arith.cmpi ne, %convert_element_type3A, %cond3A : i32
    scf.if %cond3A_1 {
      %swap3A_172 = arith.constant 0.000000e+00 : f32
      %swap3A_173 = arith.constant 0 : index
      %swap3A_174 = memref.load %arg8[%swap3A_173] : memref<2xf32, #tpu.memory_space<smem>>
      memref.store %swap3A_172, %arg8[%swap3A_173] : memref<2xf32, #tpu.memory_space<smem>>
      %swap3A_175 = arith.constant 0.000000e+00 : f32
      %swap3A_176 = arith.constant 1 : index
      %swap3A_177 = memref.load %arg8[%swap3A_176] : memref<2xf32, #tpu.memory_space<smem>>
      memref.store %swap3A_175, %arg8[%swap3A_176] : memref<2xf32, #tpu.memory_space<smem>>
    } else {
    }
    %get3A = arith.constant 0 : index
    %get3A_2 = arith.constant 0 : index
    %get3A_3 = vector.load %arg4[%get3A, %get3A_2] : memref<4x21504xf32, #tpu.memory_space<vmem>>, vector<1x21504xf32>
    %get3A_4 = arith.constant 1 : index
    %get3A_5 = arith.constant 0 : index
    %get3A_6 = vector.load %arg4[%get3A_4, %get3A_5] : memref<4x21504xf32, #tpu.memory_space<vmem>>, vector<1x21504xf32>
    %get3A_7 = arith.constant 2 : index
    %get3A_8 = arith.constant 0 : index
    %get3A_9 = vector.load %arg4[%get3A_7, %get3A_8] : memref<4x21504xf32, #tpu.memory_space<vmem>>, vector<1x21504xf32>
    %get3A_10 = arith.constant 3 : index
    %get3A_11 = arith.constant 0 : index
    %get3A_12 = vector.load %arg4[%get3A_10, %get3A_11] : memref<4x21504xf32, #tpu.memory_space<vmem>>, vector<1x21504xf32>
    %get3A_13 = arith.constant 0 : index
    %get3A_14 = arith.constant 0 : index
    %get3A_15 = arith.constant 0 : index
    %get3A_16 = vector.load %arg3[%get3A_13, %get3A_14, %get3A_15] : memref<1x16x4xf32, #tpu.memory_space<vmem>>, vector<1x16x4xf32>
    %get3A_17 = vector.shape_cast %get3A_16 : vector<1x16x4xf32> to vector<16x4xf32>
    %get3A_18 = arith.constant 0 : index
    %get3A_19 = arith.constant 0 : index
    %get3A_20 = arith.constant 0 : index
    %get3A_21 = vector.load %arg5[%get3A_18, %get3A_19, %get3A_20] : memref<1x1x21504xf32, #tpu.memory_space<vmem>>, vector<1x1x21504xf32>
    %get3A_22 = vector.shape_cast %get3A_21 : vector<1x1x21504xf32> to vector<1x21504xf32>
    %get3A_23 = arith.constant 0 : index
    %get3A_24 = arith.constant 0 : index
    %get3A_25 = arith.constant 0 : index
    %get3A_26 = vector.load %arg6[%get3A_23, %get3A_24, %get3A_25] : memref<1x1x21504xf32, #tpu.memory_space<vmem>>, vector<1x1x21504xf32>
    %get3A_27 = vector.shape_cast %get3A_26 : vector<1x1x21504xf32> to vector<1x21504xf32>
    %iota3A = tpu.iota {dimensions = array<i32: 0>} : vector<16x21504xi32>
    %convert_element_type3A_28 = arith.sitofp %iota3A : vector<16x21504xi32> to vector<16x21504xf32>
    %eq3A_29 = vector.broadcast %get3A_22 : vector<1x21504xf32> to vector<16x21504xf32>
    %eq3A_30 = arith.cmpf oeq, %eq3A_29, %convert_element_type3A_28 : vector<16x21504xf32>
    %convert_element_type3A_31 = arith.extui %eq3A_30 : vector<16x21504xi1> to vector<16x21504xi32>
    %convert_element_type3A_32 = arith.sitofp %convert_element_type3A_31 : vector<16x21504xi32> to vector<16x21504xf32>
    %dot_general3A = arith.constant dense<0.000000e+00> : vector<4x21504xf32>
    %dot_general3A_33 = tpu.matmul %get3A_17, %convert_element_type3A_32, %dot_general3A {dimension_numbers = #tpu.dot_dimension_numbers<[0], [0], [1], [1], [0, 1, 1, 1], [], []>, transpose_lhs_hint = false} : vector<16x4xf32>, vector<16x21504xf32>, vector<4x21504xf32> -> vector<4x21504xf32>
    %slice3A = vector.extract_strided_slice %dot_general3A_33 {offsets = [0, 0], sizes = [1, 21504], strides = [1, 1]} : vector<4x21504xf32> to vector<1x21504xf32>
    %slice3A_34 = vector.extract_strided_slice %dot_general3A_33 {offsets = [1, 0], sizes = [1, 21504], strides = [1, 1]} : vector<4x21504xf32> to vector<1x21504xf32>
    %slice3A_35 = vector.extract_strided_slice %dot_general3A_33 {offsets = [2, 0], sizes = [1, 21504], strides = [1, 1]} : vector<4x21504xf32> to vector<1x21504xf32>
    %slice3A_36 = vector.extract_strided_slice %dot_general3A_33 {offsets = [3, 0], sizes = [1, 21504], strides = [1, 1]} : vector<4x21504xf32> to vector<1x21504xf32>
    %get3A_37 = arith.constant 0 : index
    %get3A_38 = arith.constant 0 : index
    %get3A_39 = arith.constant 0 : index
    %get3A_40 = vector.load %arg1[%get3A_37, %get3A_38, %get3A_39] : memref<1x4x21504xf32, #tpu.memory_space<vmem>>, vector<1x4x21504xf32>
    %get3A_41 = vector.shape_cast %get3A_40 : vector<1x4x21504xf32> to vector<4x21504xf32>
    %slice3A_42 = vector.extract_strided_slice %get3A_41 {offsets = [0, 0], sizes = [1, 21504], strides = [1, 1]} : vector<4x21504xf32> to vector<1x21504xf32>
    %mul3A = arith.mulf %slice3A_42, %get3A_9 : vector<1x21504xf32>
    %div3A = arith.constant 1.000000e+01 : f32
    %div3A_43 = vector.broadcast %div3A : f32 to vector<1x21504xf32>
    %div3A_44 = arith.divf %mul3A, %div3A_43 : vector<1x21504xf32>
    %add3A = arith.addf %div3A_44, %get3A_3 : vector<1x21504xf32>
    %slice3A_45 = vector.extract_strided_slice %get3A_41 {offsets = [1, 0], sizes = [1, 21504], strides = [1, 1]} : vector<4x21504xf32> to vector<1x21504xf32>
    %mul3A_46 = arith.mulf %slice3A_45, %get3A_12 : vector<1x21504xf32>
    %div3A_47 = arith.constant 1.000000e+01 : f32
    %div3A_48 = vector.broadcast %div3A_47 : f32 to vector<1x21504xf32>
    %div3A_49 = arith.divf %mul3A_46, %div3A_48 : vector<1x21504xf32>
    %add3A_50 = arith.addf %div3A_49, %get3A_6 : vector<1x21504xf32>
    %slice3A_51 = vector.extract_strided_slice %get3A_41 {offsets = [2, 0], sizes = [1, 21504], strides = [1, 1]} : vector<4x21504xf32> to vector<1x21504xf32>
    %div3A_52 = arith.constant 5.000000e+00 : f32
    %div3A_53 = vector.broadcast %div3A_52 : f32 to vector<1x21504xf32>
    %div3A_54 = arith.divf %slice3A_51, %div3A_53 : vector<1x21504xf32>
    %exp3A = math.exp %div3A_54 : vector<1x21504xf32>
    %mul3A_55 = arith.mulf %exp3A, %get3A_9 : vector<1x21504xf32>
    %slice3A_56 = vector.extract_strided_slice %get3A_41 {offsets = [3, 0], sizes = [1, 21504], strides = [1, 1]} : vector<4x21504xf32> to vector<1x21504xf32>
    %div3A_57 = arith.constant 5.000000e+00 : f32
    %div3A_58 = vector.broadcast %div3A_57 : f32 to vector<1x21504xf32>
    %div3A_59 = arith.divf %slice3A_56, %div3A_58 : vector<1x21504xf32>
    %exp3A_60 = math.exp %div3A_59 : vector<1x21504xf32>
    %mul3A_61 = arith.mulf %exp3A_60, %get3A_12 : vector<1x21504xf32>
    %mul3A_62 = arith.constant 5.000000e-01 : f32
    %mul3A_63 = vector.broadcast %mul3A_62 : f32 to vector<1x21504xf32>
    %mul3A_64 = arith.mulf %mul3A_55, %mul3A_63 : vector<1x21504xf32>
    %sub3A = arith.subf %add3A, %mul3A_64 : vector<1x21504xf32>
    %mul3A_65 = arith.constant 5.000000e-01 : f32
    %mul3A_66 = vector.broadcast %mul3A_65 : f32 to vector<1x21504xf32>
    %mul3A_67 = arith.mulf %mul3A_61, %mul3A_66 : vector<1x21504xf32>
    %sub3A_68 = arith.subf %add3A_50, %mul3A_67 : vector<1x21504xf32>
    %mul3A_69 = arith.constant 5.000000e-01 : f32
    %mul3A_70 = vector.broadcast %mul3A_69 : f32 to vector<1x21504xf32>
    %mul3A_71 = arith.mulf %mul3A_55, %mul3A_70 : vector<1x21504xf32>
    %add3A_72 = arith.addf %add3A, %mul3A_71 : vector<1x21504xf32>
    %mul3A_73 = arith.constant 5.000000e-01 : f32
    %mul3A_74 = vector.broadcast %mul3A_73 : f32 to vector<1x21504xf32>
    %mul3A_75 = arith.mulf %mul3A_61, %mul3A_74 : vector<1x21504xf32>
    %add3A_76 = arith.addf %add3A_50, %mul3A_75 : vector<1x21504xf32>
    %max3A = arith.maximumf %sub3A, %slice3A : vector<1x21504xf32>
    %max3A_77 = arith.maximumf %sub3A_68, %slice3A_34 : vector<1x21504xf32>
    %min3A = arith.minimumf %add3A_72, %slice3A_35 : vector<1x21504xf32>
    %min3A_78 = arith.minimumf %add3A_76, %slice3A_36 : vector<1x21504xf32>
    %sub3A_79 = arith.subf %min3A, %max3A : vector<1x21504xf32>
    %jit3A = arith.constant 0.000000e+00 : f32
    %max3A_80 = vector.broadcast %jit3A : f32 to vector<1x21504xf32>
    %max3A_81 = arith.maximumf %max3A_80, %sub3A_79 : vector<1x21504xf32>
    %sub3A_82 = arith.subf %min3A_78, %max3A_77 : vector<1x21504xf32>
    %jit3A_83 = arith.constant 0.000000e+00 : f32
    %max3A_84 = vector.broadcast %jit3A_83 : f32 to vector<1x21504xf32>
    %max3A_85 = arith.maximumf %max3A_84, %sub3A_82 : vector<1x21504xf32>
    %mul3A_86 = arith.mulf %max3A_81, %max3A_85 : vector<1x21504xf32>
    %sub3A_87 = arith.subf %add3A_72, %sub3A : vector<1x21504xf32>
    %sub3A_88 = arith.subf %add3A_76, %sub3A_68 : vector<1x21504xf32>
    %mul3A_89 = arith.mulf %sub3A_87, %sub3A_88 : vector<1x21504xf32>
    %sub3A_90 = arith.subf %slice3A_35, %slice3A : vector<1x21504xf32>
    %sub3A_91 = arith.subf %slice3A_36, %slice3A_34 : vector<1x21504xf32>
    %mul3A_92 = arith.mulf %sub3A_90, %sub3A_91 : vector<1x21504xf32>
    %add3A_93 = arith.addf %mul3A_89, %mul3A_92 : vector<1x21504xf32>
    %sub3A_94 = arith.subf %add3A_93, %mul3A_86 : vector<1x21504xf32>
    %add3A_95 = arith.constant 9.99999971E-10 : f32
    %add3A_96 = vector.broadcast %add3A_95 : f32 to vector<1x21504xf32>
    %add3A_97 = arith.addf %sub3A_94, %add3A_96 : vector<1x21504xf32>
    %div3A_98 = arith.divf %mul3A_86, %add3A_97 : vector<1x21504xf32>
    %add3A_99 = arith.addf %sub3A, %add3A_72 : vector<1x21504xf32>
    %mul3A_100 = arith.constant 5.000000e-01 : f32
    %mul3A_101 = vector.broadcast %mul3A_100 : f32 to vector<1x21504xf32>
    %mul3A_102 = arith.mulf %add3A_99, %mul3A_101 : vector<1x21504xf32>
    %add3A_103 = arith.addf %sub3A_68, %add3A_76 : vector<1x21504xf32>
    %mul3A_104 = arith.constant 5.000000e-01 : f32
    %mul3A_105 = vector.broadcast %mul3A_104 : f32 to vector<1x21504xf32>
    %mul3A_106 = arith.mulf %add3A_103, %mul3A_105 : vector<1x21504xf32>
    %add3A_107 = arith.addf %slice3A, %slice3A_35 : vector<1x21504xf32>
    %mul3A_108 = arith.constant 5.000000e-01 : f32
    %mul3A_109 = vector.broadcast %mul3A_108 : f32 to vector<1x21504xf32>
    %mul3A_110 = arith.mulf %add3A_107, %mul3A_109 : vector<1x21504xf32>
    %add3A_111 = arith.addf %slice3A_34, %slice3A_36 : vector<1x21504xf32>
    %mul3A_112 = arith.constant 5.000000e-01 : f32
    %mul3A_113 = vector.broadcast %mul3A_112 : f32 to vector<1x21504xf32>
    %mul3A_114 = arith.mulf %add3A_111, %mul3A_113 : vector<1x21504xf32>
    %sub3A_115 = arith.subf %mul3A_102, %mul3A_110 : vector<1x21504xf32>
    %integer_pow3A = arith.mulf %sub3A_115, %sub3A_115 : vector<1x21504xf32>
    %sub3A_116 = arith.subf %mul3A_106, %mul3A_114 : vector<1x21504xf32>
    %integer_pow3A_117 = arith.mulf %sub3A_116, %sub3A_116 : vector<1x21504xf32>
    %add3A_118 = arith.addf %integer_pow3A, %integer_pow3A_117 : vector<1x21504xf32>
    %min3A_119 = arith.minimumf %sub3A, %slice3A : vector<1x21504xf32>
    %min3A_120 = arith.minimumf %sub3A_68, %slice3A_34 : vector<1x21504xf32>
    %max3A_121 = arith.maximumf %add3A_72, %slice3A_35 : vector<1x21504xf32>
    %max3A_122 = arith.maximumf %add3A_76, %slice3A_36 : vector<1x21504xf32>
    %sub3A_123 = arith.subf %max3A_121, %min3A_119 : vector<1x21504xf32>
    %integer_pow3A_124 = arith.mulf %sub3A_123, %sub3A_123 : vector<1x21504xf32>
    %sub3A_125 = arith.subf %max3A_122, %min3A_120 : vector<1x21504xf32>
    %integer_pow3A_126 = arith.mulf %sub3A_125, %sub3A_125 : vector<1x21504xf32>
    %add3A_127 = arith.addf %integer_pow3A_124, %integer_pow3A_126 : vector<1x21504xf32>
    %add3A_128 = arith.constant 1.000000e-07 : f32
    %add3A_129 = vector.broadcast %add3A_128 : f32 to vector<1x21504xf32>
    %add3A_130 = arith.addf %add3A_127, %add3A_129 : vector<1x21504xf32>
    %sub3A_131 = arith.constant 1.000000e+00 : f32
    %sub3A_132 = vector.broadcast %sub3A_131 : f32 to vector<1x21504xf32>
    %sub3A_133 = arith.subf %sub3A_132, %div3A_98 : vector<1x21504xf32>
    %div3A_134 = arith.divf %add3A_118, %add3A_130 : vector<1x21504xf32>
    %add3A_135 = arith.addf %sub3A_133, %div3A_134 : vector<1x21504xf32>
    %mul3A_136 = arith.mulf %add3A_135, %get3A_27 : vector<1x21504xf32>
    %reduce_sum3A = vector.shape_cast %mul3A_136 : vector<1x21504xf32> to vector<1x1x21504xf32>
    %reduce_sum3A_137 = arith.constant dense<0.000000e+00> : vector<1xf32>
    %reduce_sum3A_138 = vector.multi_reduction <add>, %reduce_sum3A, %reduce_sum3A_137 [1, 2] : vector<1x1x21504xf32> to vector<1xf32>
    %reduce_sum3A_139 = vector.shape_cast %reduce_sum3A_138 : vector<1xf32> to vector<1x1x1xf32>
    %reduce_sum3A_140 = vector.extract %reduce_sum3A_139[0, 0, 0] : f32 from vector<1x1x1xf32>
    %get3A_141 = arith.constant 0 : index
    %get3A_142 = arith.constant 0 : index
    %get3A_143 = arith.constant 0 : index
    %get3A_144 = vector.load %arg2[%get3A_141, %get3A_142, %get3A_143] : memref<1x1x5376xf32, #tpu.memory_space<vmem>>, vector<1x1x5376xf32>
    %get3A_145 = vector.shape_cast %get3A_144 : vector<1x1x5376xf32> to vector<1x5376xf32>
    %sub3A_146 = arith.constant 1.000000e+00 : f32
    %sub3A_147 = vector.broadcast %sub3A_146 : f32 to vector<1x5376xf32>
    %sub3A_148 = arith.subf %sub3A_147, %get3A_145 : vector<1x5376xf32>
    %log3A = math.log %sub3A_148 : vector<1x5376xf32>
    %jit3A_149 = arith.constant -1.000000e+02 : f32
    %max3A_150 = vector.broadcast %jit3A_149 : f32 to vector<1x5376xf32>
    %max3A_151 = arith.maximumf %max3A_150, %log3A : vector<1x5376xf32>
    %reduce_sum3A_152 = vector.shape_cast %max3A_151 : vector<1x5376xf32> to vector<1x1x5376xf32>
    %reduce_sum3A_153 = arith.constant dense<0.000000e+00> : vector<1xf32>
    %reduce_sum3A_154 = vector.multi_reduction <add>, %reduce_sum3A_152, %reduce_sum3A_153 [1, 2] : vector<1x1x5376xf32> to vector<1xf32>
    %reduce_sum3A_155 = vector.shape_cast %reduce_sum3A_154 : vector<1xf32> to vector<1x1x1xf32>
    %reduce_sum3A_156 = vector.extract %reduce_sum3A_155[0, 0, 0] : f32 from vector<1x1x1xf32>
    %neg3A = arith.constant 0.000000e+00 : f32
    %neg3A_157 = arith.subf %neg3A, %reduce_sum3A_156 : f32
    %get3A_158 = arith.constant 0 : index
    %get3A_159 = memref.load %arg8[%get3A_158] : memref<2xf32, #tpu.memory_space<smem>>
    %add3A_160 = arith.addf %get3A_159, %reduce_sum3A_140 : f32
    %swap3A = arith.constant 0 : index
    %swap3A_161 = memref.load %arg8[%swap3A] : memref<2xf32, #tpu.memory_space<smem>>
    memref.store %add3A_160, %arg8[%swap3A] : memref<2xf32, #tpu.memory_space<smem>>
    %get3A_162 = arith.constant 1 : index
    %get3A_163 = memref.load %arg8[%get3A_162] : memref<2xf32, #tpu.memory_space<smem>>
    %add3A_164 = arith.addf %get3A_163, %neg3A_157 : f32
    %swap3A_165 = arith.constant 1 : index
    %swap3A_166 = memref.load %arg8[%swap3A_165] : memref<2xf32, #tpu.memory_space<smem>>
    memref.store %add3A_164, %arg8[%swap3A_165] : memref<2xf32, #tpu.memory_space<smem>>
    %eq3A_167 = arith.constant 7 : i32
    %eq3A_168 = arith.cmpi eq, %arg0, %eq3A_167 : i32
    %convert_element_type3A_169 = arith.extui %eq3A_168 : i1 to i32
    %cond3A_170 = arith.constant 0 : i32
    %cond3A_171 = arith.cmpi ne, %convert_element_type3A_169, %cond3A_170 : i32
    scf.if %cond3A_171 {
      %get3A_172 = arith.constant 0 : index
      %get3A_173 = memref.load %arg8[%get3A_172] : memref<2xf32, #tpu.memory_space<smem>>
      %swap3A_174 = arith.constant 0 : index
      %swap3A_175 = arith.constant 0 : index
      %swap3A_176 = memref.load %arg7[%swap3A_174, %swap3A_175] : memref<1x2xf32, #tpu.memory_space<smem>>
      memref.store %get3A_173, %arg7[%swap3A_174, %swap3A_175] : memref<1x2xf32, #tpu.memory_space<smem>>
      %get3A_177 = arith.constant 1 : index
      %get3A_178 = memref.load %arg8[%get3A_177] : memref<2xf32, #tpu.memory_space<smem>>
      %swap3A_179 = arith.constant 0 : index
      %swap3A_180 = arith.constant 1 : index
      %swap3A_181 = memref.load %arg7[%swap3A_179, %swap3A_180] : memref<1x2xf32, #tpu.memory_space<smem>>
      memref.store %get3A_178, %arg7[%swap3A_179, %swap3A_180] : memref<1x2xf32, #tpu.memory_space<smem>>
    } else {
    }
    return
  }
  func.func @transform_0(%arg0: i32) -> (i32, i32, i32) {
    %c0_i32 = arith.constant 0 : i32
    %c0_i32_0 = arith.constant 0 : i32
    %c0_i32_1 = arith.constant 0 : i32
    return %arg0, %c0_i32, %c0_i32_0 : i32, i32, i32
  }
  func.func @transform_1(%arg0: i32) -> (i32, i32, i32) {
    %c0_i32 = arith.constant 0 : i32
    %c0_i32_0 = arith.constant 0 : i32
    %c0_i32_1 = arith.constant 0 : i32
    return %arg0, %c0_i32, %c0_i32_0 : i32, i32, i32
  }
  func.func @transform_2(%arg0: i32) -> (i32, i32, i32) {
    %c0_i32 = arith.constant 0 : i32
    %c0_i32_0 = arith.constant 0 : i32
    %c0_i32_1 = arith.constant 0 : i32
    return %arg0, %c0_i32, %c0_i32_0 : i32, i32, i32
  }
  func.func @transform_3(%arg0: i32) -> (i32, i32) {
    %c0_i32 = arith.constant 0 : i32
    %c0_i32_0 = arith.constant 0 : i32
    %c0_i32_1 = arith.constant 0 : i32
    return %c0_i32, %c0_i32_0 : i32, i32
  }
  func.func @transform_4(%arg0: i32) -> (i32, i32, i32) {
    %c0_i32 = arith.constant 0 : i32
    %c0_i32_0 = arith.constant 0 : i32
    %c0_i32_1 = arith.constant 0 : i32
    return %arg0, %c0_i32, %c0_i32_0 : i32, i32, i32
  }
  func.func @transform_5(%arg0: i32) -> (i32, i32, i32) {
    %c0_i32 = arith.constant 0 : i32
    %c0_i32_0 = arith.constant 0 : i32
    %c0_i32_1 = arith.constant 0 : i32
    return %arg0, %c0_i32, %c0_i32_0 : i32, i32, i32
  }
  func.func @transform_6(%arg0: i32) -> (i32, i32) {
    %c0_i32 = arith.constant 0 : i32
    %c0_i32_0 = arith.constant 0 : i32
    %c0_i32_1 = arith.constant 0 : i32
    return %c0_i32, %c0_i32_0 : i32, i32
  }
}

</mosaic_0001>

<sc_bundles>
// kernel: kernel.5.cloned.1.call-start
scs
__scs_entry_jumppad:
0x0: {  	(pc) =	sbr.rel $0x88, $3  }
0x1: {  	(tag) =	ssettag $0x0;
	lr =	simm.s32 $0x1  }
0x2: {  	[smem:$0x3F9A] =	sst lr;
	_ =	strace $0xD0000000  }
0x3: {  	_ = 	snop  }
0x4: {  	_ = 	snop  }
0x5: {  	_ = 	snop  }
0x6: {  	_ = 	snop  }
0x7: {  	_ = 	snop  }
__scs_overlays_trampoline_lowered:
0x8: {  	[smem:$0x3FA9] =	sst s0  }
0x9: {  	[smem:$0x3FAA] =	sst s1  }
0xa: {  	[smem:$0x3FAB] =	sst s2  }
0xb: {  	[smem:$0x3FAC] =	sst s3  }
0xc: {  	[smem:$0x3FAD] =	sst s4  }
0xd: {  	[smem:$0x3FAE] =	sst s5  }
0xe: {  	[smem:$0x3FAF] =	sst s6  }
0xf: {  	[smem:$0x3FB0] =	sst s7  }
0x10: {  	[smem:$0x3FB1] =	sst s8  }
0x11: {  	[smem:$0x3FB2] =	sst s9;
	s0 =	simm.s32 @!p0 $0x0  }
0x12: {  	s1 =	sld [smem:$0x3F98];
	s0 =	simm.s32 @p0 $0x1  }
0x13: {  	[smem:$0x3FB3] =	sst s0;
	s0 =	simm.s32 @!p1 $0x0  }
0x14: {  	s2 =	sld [smem:$0x3F97];
	s0 =	simm.s32 @p1 $0x1  }
0x15: {  	[smem:$0x3FB4] =	sst s0;
	s0 =	simm.s32 @!p2 $0x0  }
0x16: {  	s3 =	sld [smem:$0x3FDB];
	s0 =	simm.s32 @p2 $0x1  }
0x17: {  	s4 =	simm.s32 $0x1BF5;
	[smem:$0x3FB6] =	sst s0  }
0x18: {  	s0 =	sld [smem:$0x3F99];
	_ =	swait.ge [sflag:s4], $0x0  }
0x19: {  	s7 =	sld [smem:$0x3F9A]  }
0x1a: {  	s8 =	sadd.s32 $0xFFFFE003, lr  }
0x1b: {  	s9 =	sadd.s32 $0xFFFFFEF7, lr;
	s5 =	simm.s32 $0xFFFFFFFF;
	p2 =	slt.u32 s8, $0xFFFFF086  }
0x1c: {  	p1 =	slt.u32 s9, $0xF7A;
	s5 =	simm.s32 @!p2 $0x0  }
0x1d: {  	s5 =	simm.s32 @p1 $0x1;
	p0 =	seq.s32 s7, s2  }
0x1e: {  	s7 =	smul.u32 @!p0 $0xF7A, s2;
	p2 =	seq.s32 @!p0 s5, $0x0  }
0x1f: {  	s9 =	smul.u32 $0xF7A, s1;
	s8 =	simm.s32 @!p0 $0x1BF5;
	p2 =	por !p2, p0  }
0x20: {  	[sflag:s8] =	ssyncset.s32 @!p0 $0xFFFFF086;
	s6 =	sadd.s32 @!p0 s3, s7;
	s7 =	simm.s32 @!p0 $0x108  }
0x21: {  	s3 =	sadd.s32 s3, s9;
	s6 =	sadd.s32 @!p0 $0x88, s6;
	s7 =	simm.s32 @p2 $0x1082  }
0x22: {  	[simem:s7], [sflag:s8] =	dma.local @!p0 [hbm:s6], $0xF7A  }
0x23: {  	s9 =	sor.u32 $0xD0000000, s2;
	s6 =	simm.s32 $0x108;
	_ =	swait.ge @!p0 [sflag:s8], $0x0  }
0x24: {  	s3 =	sadd.s32 $0x88, s3;
	s6 =	simm.s32 @!p1 $0x1082;
	[sflag:s4] =	ssyncset.s32 $0xFFFFF086  }
0x25: {  	[simem:s6], [sflag:s4] =	dma.local [hbm:s3], $0xF7A  }
0x26: {  	[smem:$0x3F9A] =	sst s1;
	(tag) =	ssettag s2;
	_ =	strace s9  }
0x27: {  	s1 =	sld [smem:$0x3FAA]  }
0x28: {  	s2 =	sld [smem:$0x3FAB]  }
0x29: {  	s4 =	sld [smem:$0x3FAD]  }
0x2a: {  	p0 =	seq.s32 s5, $0x0;
	s5 =	sld [smem:$0x3FAE]  }
0x2b: {  	s6 =	sld [smem:$0x3FAF]  }
0x2c: {  	s7 =	sld [smem:$0x3FB0]  }
0x2d: {  	s3 =	simm.s32 $0x108;
	s8 =	sld [smem:$0x3FB1]  }
0x2e: {  	s3 =	simm.s32 @!p0 $0x1082;
	s9 =	sld [smem:$0x3FB2]  }
0x2f: {  	lr =	sadd.s32 s0, s3;
	s0 =	sld [smem:$0x3FA9]  }
0x30: {  	s3 =	sld [smem:$0x3FAC]  }
0x31: {  	[smem:$0x3FB5] =	sst s10  }
0x32: {  	s10 =	sld [smem:$0x3FB3];
	_ =	sdelay $0x3  }
0x33: {  	p0 =	seq.s32 s10, $0x1;
	s10 =	sld [smem:$0x3FB5];
	_ =	sdelay $0x3  }
0x34: {  	[smem:$0x3FB5] =	sst s10  }
0x35: {  	s10 =	sld [smem:$0x3FB4];
	_ =	sdelay $0x3  }
0x36: {  	p1 =	seq.s32 s10, $0x1;
	s10 =	sld [smem:$0x3FB5];
	_ =	sdelay $0x3  }
0x37: {  	[smem:$0x3FB5] =	sst s10  }
0x38: {  	s10 =	sld [smem:$0x3FB6]  }
0x39: {  	_ = 	snop;
	(pc) =	sbr.ind lr, $3  }
0x3a: {  	_ = 	snop  }
0x3b: {  	_ = 	snop  }
0x3c: {  	p2 =	seq.s32 s10, $0x1;
	s10 =	sld [smem:$0x3FB5]  }
0x3d: {  	_ =	shalt  }
0x3e: {  	_ =	shalt  }
0x3f: {  	_ =	shalt  }
0x40: {  	_ =	shalt  }
0x41: {  	_ =	shalt  }
0x42: {  	_ =	shalt  }
0x43: {  	_ =	shalt  }
0x44: {  	_ =	shalt  }
0x45: {  	_ =	shalt  }
0x46: {  	_ =	shalt  }
0x47: {  	_ =	shalt  }
0x48: {  	_ =	shalt  }
0x49: {  	_ =	shalt  }
0x4a: {  	_ =	shalt  }
0x4b: {  	_ =	shalt  }
0x4c: {  	_ =	shalt  }
0x4d: {  	_ =	shalt  }
0x4e: {  	_ =	shalt  }
0x4f: {  	_ =	shalt  }
0x50: {  	_ =	shalt  }
0x51: {  	_ =	shalt  }
0x52: {  	_ =	shalt  }
0x53: {  	_ =	shalt  }
0x54: {  	_ =	shalt  }
0x55: {  	_ =	shalt  }
0x56: {  	_ =	shalt  }
0x57: {  	_ =	shalt  }
0x58: {  	_ =	shalt  }
0x59: {  	_ =	shalt  }
0x5a: {  	_ =	shalt  }
0x5b: {  	_ =	shalt  }
0x5c: {  	_ =	shalt  }
0x5d: {  	_ =	shalt  }
0x5e: {  	_ =	shalt  }
0x5f: {  	_ =	shalt  }
0x60: {  	_ =	shalt  }
0x61: {  	_ =	shalt  }
0x62: {  	_ =	shalt  }
0x63: {  	_ =	shalt  }
0x64: {  	_ =	shalt  }
0x65: {  	_ =	shalt  }
0x66: {  	_ =	shalt  }
0x67: {  	_ =	shalt  }
0x68: {  	_ =	shalt  }
0x69: {  	_ =	shalt  }
0x6a: {  	_ =	shalt  }
0x6b: {  	_ =	shalt  }
0x6c: {  	_ =	shalt  }
0x6d: {  	_ =	shalt  }
0x6e: {  	_ =	shalt  }
0x6f: {  	_ =	shalt  }
0x70: {  	_ =	shalt  }
0x71: {  	_ =	shalt  }
0x72: {  	_ =	shalt  }
0x73: {  	_ =	shalt  }
0x74: {  	_ =	shalt  }
0x75: {  	_ =	shalt  }
0x76: {  	_ =	shalt  }
0x77: {  	_ =	shalt  }
0x78: {  	_ =	shalt  }
0x79: {  	_ =	shalt  }
0x7a: {  	_ =	shalt  }
0x7b: {  	_ =	shalt  }
0x7c: {  	_ =	shalt  }
0x7d: {  	_ =	shalt  }
0x7e: {  	_ =	shalt  }
0x7f: {  	_ =	shalt  }
0x80: {  	_ =	shalt  }
0x81: {  	_ =	shalt  }
0x82: {  	_ =	shalt  }
0x83: {  	_ =	shalt  }
0x84: {  	_ =	shalt  }
0x85: {  	_ =	shalt  }
0x86: {  	_ =	shalt  }
0x87: {  	_ =	shalt  }
.Lfunc_end0:
.L_simem_size_0:
called_computation_lowered:
.L_overlay_start_0:
0x88: {  	s2 =	sld [smem:$0x3FD9]  }
0x89: {  	s3 =	sld [smem:$0x3FFE];
	_ =	sdelay $0x1  }
0x8a: {  	s1 =	srdreg.scid  }
0x8b: {  	s0 =	sand.u32 $0x1, s1  }
0x8c: {  	s16 =	sshll.u32 s0, $0xA;
	s2 =	sadd.s32 s3, s2  }
0x8d: {  	s2 =	sadd.s32 s2, s16  }
0x8e: {  	[smem:$0x3FC1] =	sst s2  }
0x8f: {  	_ = 	snop  }
0x90: {  	(tm) =	ssettm $0x1  }
0x91: {  	s17 =	sld [smem:$0x3FFB];
	_ =	sdelay $0x3  }
0x92: {  	_ =	strace s17  }
0x93: {  	s2 =	sld [smem:$0x3FFC];
	_ =	sdelay $0x3  }
0x94: {  	_ =	strace s2  }
0x95: {  	s2 =	sld [smem:$0x3FFD];
	_ =	sdelay $0x3  }
0x96: {  	_ =	strace s2  }
0x97: {  	_ =	strace $0x8FFFFFFF  }
0x98: {  	s18 =	sld [smem:$0x3FDB];
	_ =	sdelay $0x1  }
0x99: {  	s19 =	simm.s32 $_scs_section_size  }
0x9a: {  	s4 =	simm.s32 $_size__tile_overlayer_lowered;
	s5 =	simm.s32 $_tile_overlayer_lowered  }
0x9b: {  	s22 =	simm.s32 $0x1BFF;
	s21 =	sshll.u32 s5, $0x1;
	s2 =	sadd.s32 s19, s18  }
0x9c: {  	s6 =	simm.s32 $0x0;
	s20 =	sshll.u32 s4, $0x1;
	s4 =	sadd.s32 s21, s2  }
0x9d: {  	[timem:s6], [sflag:s22] =	dma.local [hbm:s4], s20  }
0x9e: {  	_ =	swait.ge [sflag:s22], s20  }
0x9f: {  	s3 =	ssub.s32 $0x0, s20;
	[sflag:s22] =	ssyncset.done $0x0  }
0xa0: {  	[sflag:s22] =	ssyncadd.s32 s3;
	_ =	sdelay $0x1  }
0xa1: {  	s23 =	simm.s32 $0x1B8B  }
0xa2: {  	_ =	swait.ge [sflag:s23], $0x1  }
0xa3: {  	[sflag:s23] =	ssyncset.done $0x0  }
0xa4: {  	s25 =	simm.s32 $0x1B8E;
	s24 =	sld [smem:$0x3FFE];
	[sflag:s23] =	ssyncadd.s32 $0xFFFFFFFF  }
0xa5: {  	s26 =	simm.s32 $execute0_lowered;
	[smem:$0x3FD2] =	sst s25  }
0xa6: {  	s4 =	sshll.u32 s26, $0x1;
	_ =	strace $0x80000046;
	[dreg:$0x1] =	wrdreg $0xFFFFFFFF  }
0xa7: {  	s28 =	simm.s32 $_size_execute0_lowered;
	s2 =	sadd.s32 s2, s4;
	[dreg:$0x0] =	wrdreg $0x0  }
0xa8: {  	s4 =	sshll.u32 s28, $0x1;
	[dreg:$0x2] =	wrdreg s2  }
0xa9: {  	[dreg:$0x3] =	wrdreg s4  }
0xaa: {  	[dreg:$0x4] =	wrdreg $0xC0  }
0xab: {  	_ =	task [dreg:s6], $0x5FFFF  }
0xac: {  	[dreg:$0x1] =	wrdreg $0xFFFFFFFF  }
0xad: {  	[dreg:$0x0] =	wrdreg $0x60  }
0xae: {  	[dreg:$0x2] =	wrdreg s24  }
0xaf: {  	[dreg:$0x3] =	wrdreg $0x9  }
0xb0: {  	_ =	task.clear_ibuf [dreg:s6], $0x4FFFF;
	_ =	strace $0x90000046  }
0xb1: {  	s29 =	simm.s32 $0x9;
	_ =	strace $0x80000048  }
0xb2: {  	_ =	swait.ge [sflag:s29], $0x1  }
0xb3: {  	[sflag:s29] =	ssyncadd.s32 $0xFFFFFFFF  }
0xb4: {  	_ =	strace $0x90000048  }
0xb5: {  	_ =	sfence  }
0xb6: {  	s30 =	sld [smem:$0x0];
	_ =	sdelay $0x2  }
0xb7: {  	s31 =	sshll.u32 s1, $0xD;
	s1 =	sshrl.u32 s1, $0x2  }
0xb8: {  	s3 =	sand.u32 $0x4000, s31;
	s1 =	sadd.s32 s1, s30  }
0xb9: {  	s0 =	sor.u32 s3, s0;
	s1 =	sshll.u32 s1, $0x11  }
0xba: {  	s0 =	sor.u32 s1, s0  }
0xbb: {  	s0 =	sadd.s32 $0x8F2B, s0  }
0xbc: {  	[sflag:s0] =	ssyncadd.remote.s32 $0x1  }
0xbd: {  	_ =	sfence.sel $0xFFFF  }
0xbe: {  	[dreg:$0x0] =	wrdreg $0xFFFFFFFF;
	(pc) =	sbr.abs _section_cstart, $3  }
0xbf: {  	[dreg:$0x1] =	wrdreg $0xFFFFFFFF  }
0xc0: {  	_ =	task.clear_ibuf [dreg:s6], $0x2FFFF;
	_ =	strace $0x9FFFFFFF  }
0xc1: {  	(tm) =	ssettm $0x7FFFFFFF  }
tec
execute0_lowered:
.L_overlay_start_1:
0x0: {  	(tag) =	ssettag $0x1  }
0x1: {  	s1 =	stileid.u32  }
0x2: {  	p0 =	sgt.u32 s1, $0x3  }
.Ltmp0:
0x3: {  	_ = 	snop;
	(pc) =	sbr.rel @p0 .LBB2_75-.Ltmp0, $4  }
0x4: {  	_ = 	snop  }
0x5: {  	s5 =	simm.s32 $0x0  }
0x6: {  	[smem:$0x7FF] =	sst s5  }
0x7: {  	s0 =	rddreg [dreg:$0x0];
	_ =	strace $0x80000047  }
0x8: {  	s1 =	srdreg.scid  }
0x9: {  	s2 =	stileid.u32;
	s1 =	sand.u32 $0x1, s1  }
0xa: {  	s2 =	sshll.u32 s2, $0x5;
	s3 =	sshll.u32 s1, $0x4  }
0xb: {  	s29 =	sadd.s32 $0xE00, s0;
	s11 =	simm.s32 $0x5480;
	s2 =	sor.u32 s3, s2  }
0xc: {  	s1 =	ssub.s32 $0x2, s1;
	s3 =	sadd.s32 s2, s0;
	s0 =	sadd.s32 s29, s2  }
0xd: {  	v0 =	vlaneseq.u32;
	s30 =	sshrl.u32 s1, $0x1;
	s4 =	sadd.s32 $0xC00, s3;
	[dreg:$0x4] =	wrdreg s0  }
0xe: {  	v1 =	vmul.u32 $0x100, v0;
	s1 =	ssub.s32 s1, s30;
	s3 =	sadd.s32 $0x6200, s3;
	[dreg:$0x2] =	wrdreg s4  }
0xf: {  	v2 =	vimm.s32 $0x0;
	v3 =	vimm.f32 $0.0e+00;
	v4 =	vimm.s32 $0x1;
	s12 =	simm.s32 $0x9480;
	s31 =	smax.u32 s1, $0x1;
	[dreg:$0x3] =	wrdreg s3  }
0x10: {  	v5 =	vor.u32 $0x1000, v1;
	v6 =	vor.u32 $0x2000, v1;
	v7 =	vor.u32 $0x3000, v1;
	s1 =	simm.s32 $0x0;
	[dreg:$0x5] =	wrdreg s31;
	s3 =	simm.s32 $0x1  }
.LBB2_2:
0x11: {  	[dreg:$0x6] =	wrdreg s1  }
0x12: {  	s0 =	rddreg [dreg:$0x4];
	s29 =	simm.s32 $0x80;
	s2 =	simm.s32 $0x400  }
0x13: {  	[tilespmem:s5], [sflag:$0x1] =	stream.strided.gather [hbm4b:s0+s29], $0x5400, s2, s29, $0x38;
	[tilespmem:$0xD500] =	vst v63  }
0x14: {  	_ =	swait.ge [sflag:s3], $0x5400  }
0x15: {  	[sflag:s3] =	ssyncset.done $0x0  }
0x16: {  	s31 =	simm.s32 $0x5400;
	s30 =	rddreg [dreg:$0x2];
	[sflag:s3] =	ssyncadd.s32 $0xFFFFAC00  }
0x17: {  	[tilespmem:s31], [sflag:$0x1] =	stream.linear.gather [hbm4b:s30+s5], $0x80, $0x38;
	[tilespmem:$0xD500] =	vst v63  }
0x18: {  	_ =	swait.ge [sflag:s3], $0x80  }
0x19: {  	[sflag:s3] =	ssyncset.done $0x0  }
0x1a: {  	s0 =	simm.s32 $0x54C0;
	[sflag:s3] =	ssyncadd.s32 $0xFFFFFF80  }
0x1b: {  	v8 =	vld [tilespmem:$0x5400];
	[tilespmem:s0+$0x30] =	vst v2  }
0x1c: {  	[tilespmem:s0+$0xFFFFFFF0] =	vst v2  }
0x1d: {  	[tilespmem:s0+$0xFFFFFFC0] =	vst v2  }
0x1e: {  	[tilespmem:s0+$0xFFFFFFE0] =	vst v2  }
0x1f: {  	[tilespmem:s0+$0x10] =	vst v2  }
0x20: {  	[tilespmem:s0+$0x20] =	vst v2  }
0x21: {  	[tilespmem:s0+$0x0] =	vst v2  }
0x22: {  	s1 =	simm.s32 $0x94C0;
	[tilespmem:s0+$0xFFFFFFD0] =	vst v2  }
0x23: {  	[tilespmem:s1+$0xFFFFFFC0] =	vst v3  }
0x24: {  	[tilespmem:s1+$0x30] =	vst v3  }
0x25: {  	[tilespmem:s1+$0x20] =	vst v3  }
0x26: {  	[tilespmem:s1+$0x10] =	vst v3  }
0x27: {  	[tilespmem:s1+$0xFFFFFFE0] =	vst v3  }
0x28: {  	[tilespmem:s1+$0x0] =	vst v3  }
0x29: {  	s2 =	simm.s32 $0x20;
	s3 =	simm.s32 $0x0;
	[tilespmem:s1+$0xFFFFFFF0] =	vst v3  }
.LBB2_3:
0x2a: {  	s3 =	sadd.s32 $0x8, s3;
	[tilespmem:s1+$0xFFFFFFD0] =	vst v3;
	s0 =	sadd.s32 $0x80, s0;
	s1 =	sadd.s32 $0x80, s1  }
0x2b: {  	[tilespmem:s0+$0x30] =	vst v2;
	p0 =	slt.u32 s3, $0x3F8  }
0x2c: {  	[tilespmem:s0+$0xFFFFFFF0] =	vst v2  }
0x2d: {  	[tilespmem:s0+$0xFFFFFFC0] =	vst v2  }
0x2e: {  	[tilespmem:s1+$0xFFFFFFC0] =	vst v3  }
0x2f: {  	[tilespmem:s1+$0x30] =	vst v3  }
0x30: {  	[tilespmem:s0+$0xFFFFFFE0] =	vst v2  }
0x31: {  	[tilespmem:s0+$0x10] =	vst v2  }
0x32: {  	[tilespmem:s0+$0x20] =	vst v2  }
0x33: {  	[tilespmem:s1+$0x20] =	vst v3  }
0x34: {  	[tilespmem:s1+$0x10] =	vst v3  }
.Ltmp1:
0x35: {  	[tilespmem:s1+$0xFFFFFFE0] =	vst v3;
	(pc) =	sbr.rel @p0 .LBB2_3-.Ltmp1, $4  }
0x36: {  	[tilespmem:s0+$0x0] =	vst v2  }
0x37: {  	[tilespmem:s1+$0x0] =	vst v3  }
0x38: {  	[tilespmem:s1+$0xFFFFFFF0] =	vst v3  }
0x39: {  	[tilespmem:s0+$0xFFFFFFD0] =	vst v2  }
0x3a: {  	[tilespmem:s1+$0xFFFFFFD0] =	vst v3  }
0x3b: {  	v11 =	vld [tilespmem:s2+$0x10];
	_ =	sdelay $0x1  }
0x3c: {  	v10 =	vld [tilespmem:s2+$0xFFFFFFF0]  }
0x3d: {  	v12 =	vld [tilespmem:s2+$0xFFFFFFE0]  }
0x3e: {  	v9 =	vld [tilespmem:s2+$0x0]  }
0x3f: {  	v13 =	vshrl.u32 v11, $0x17  }
0x40: {  	v14 =	vadd.s32 v7, v13  }
0x41: {  	v13 =	vand.u32 $0x7F, v13;
	v14 =	vand.u32 $0x7F80, v14  }
0x42: {  	v15 =	vshrl.u32 v10, $0x17;
	v17 =	vshrl.u32 v12, $0x17;
	v13 =	vor.u32 v13, v14  }
0x43: {  	v16 =	vadd.s32 v5, v15;
	v14 =	vand.u32 $0x7F, v15;
	v15 =	vshrl.u32 v9, $0x17  }
0x44: {  	v19 =	vadd.s32 v1, v17;
	v20 =	vadd.s32 v6, v15  }
0x45: {  	s0 =	simm.s32 $0x0;
	s1 =	simm.s32 $0x60;
	v18 =	vand.u32 $0x7F, v17;
	v16 =	vand.u32 $0x3F80, v16;
	v17 =	vand.u32 $0x3F80, v20  }
.LBB2_5:
0x46: {  	v20 =	vld [tilespmem:s1+$0x10];
	v19 =	vand.u32 $0x1F80, v19;
	v16 =	vor.u32 v14, v16;
	v14 =	vand.u32 $0x7F, v15  }
0x47: {  	s0 =	sadd.s32 $0x4, s0;
	v15 =	vor.u32 v18, v19;
	v21 =	vor.u32 v14, v17;
	[tilespmem:v13+s11+$0x0] =	vst.idx.add.s32.msk $0xffff, v4  }
0x48: {  	p0 =	slt.u32 s0, $0x53C;
	[tilespmem:v13+s12+$0x0] =	vst.idx.add.f32.msk $0xffff, v11  }
0x49: {  	v17 =	vld [tilespmem:s1+$0xFFFFFFF0]  }
0x4a: {  	v22 =	vld [tilespmem:s1+$0x0]  }
0x4b: {  	v18 =	vld [tilespmem:s1+$0xFFFFFFE0];
	v13 =	vshrl.u32 v20, $0x17;
	v11 =	vmov v20  }
0x4c: {  	v14 =	vadd.s32 v7, v13;
	[tilespmem:v15+s11+$0x0] =	vst.idx.add.s32.msk $0xffff, v4  }
.Ltmp2:
0x4d: {  	v13 =	vand.u32 $0x7F, v13;
	v14 =	vand.u32 $0x7F80, v14;
	[tilespmem:v15+s12+$0x0] =	vst.idx.add.f32.msk $0xffff, v12;
	(pc) =	sbr.rel @p0 .LBB2_5-.Ltmp2, $4  }
0x4e: {  	v23 =	vshrl.u32 v17, $0x17;
	v13 =	vor.u32 v13, v14;
	[tilespmem:v16+s11+$0x0] =	vst.idx.add.s32.msk $0xffff, v4  }
0x4f: {  	v19 =	vadd.s32 v5, v23;
	v14 =	vand.u32 $0x7F, v23;
	v15 =	vshrl.u32 v22, $0x17;
	[tilespmem:v16+s12+$0x0] =	vst.idx.add.f32.msk $0xffff, v10;
	v10 =	vmovc v17  }
0x50: {  	v17 =	vshrl.u32 v18, $0x17;
	v16 =	vand.u32 $0x3F80, v19;
	v20 =	vadd.s32 v6, v15;
	[tilespmem:v21+s11+$0x0] =	vst.idx.add.s32.msk $0xffff, v4;
	v12 =	vmovc v18  }
0x51: {  	s1 =	sadd.s32 $0x40, s1;
	v19 =	vadd.s32 v1, v17;
	v18 =	vand.u32 $0x7F, v17;
	v17 =	vand.u32 $0x3F80, v20;
	[tilespmem:v21+s12+$0x0] =	vst.idx.add.f32.msk $0xffff, v9;
	v9 =	vmovc v22  }
0x52: {  	_ = 	snop  }
0x53: {  	v19 =	vand.u32 $0x1F80, v19;
	v14 =	vor.u32 v14, v16  }
0x54: {  	v18 =	vor.u32 v18, v19  }
0x55: {  	v15 =	vand.u32 $0x7F, v15  }
0x56: {  	[tilespmem:v13+s11+$0x0] =	vst.idx.add.s32.msk $0xffff, v4;
	v15 =	vor.u32 v15, v17  }
0x57: {  	[tilespmem:v13+s12+$0x0] =	vst.idx.add.f32.msk $0xffff, v11  }
0x58: {  	[tilespmem:v14+s11+$0x0] =	vst.idx.add.s32.msk $0xffff, v4  }
0x59: {  	[tilespmem:v18+s11+$0x0] =	vst.idx.add.s32.msk $0xffff, v4  }
0x5a: {  	[tilespmem:v14+s12+$0x0] =	vst.idx.add.f32.msk $0xffff, v10  }
0x5b: {  	[tilespmem:v15+s11+$0x0] =	vst.idx.add.s32.msk $0xffff, v4  }
0x5c: {  	[tilespmem:v18+s12+$0x0] =	vst.idx.add.f32.msk $0xffff, v12  }
0x5d: {  	s0 =	simm.s32 $0x0;
	[tilespmem:v15+s12+$0x0] =	vst.idx.add.f32.msk $0xffff, v9  }
0x5e: {  	v11 =	vimm.s32 $0x0;
	v10 =	vld [tilespmem:s0+$0x9480]  }
0x5f: {  	s1 =	simm.s32 $0x400;
	v13 =	vimm.f32 $0.0e+00;
	v9 =	vimm.f32 $0.0e+00;
	v15 =	vimm.s32 $0x0;
	v14 =	vld [tilespmem:s0+$0x5480]  }
.LBB2_7:
0x60: {  	p0 =	sne.s32 s1, $0xFC00  }
.Ltmp3:
0x61: {  	_ = 	snop;
	(pc) =	sbr.rel @p0 .LBB2_7-.Ltmp3, $4  }
0x62: {  	_ = 	snop  }
0x63: {  	s2 =	sshra.s32 s1, $0x2;
	s1 =	sadd.s32 $0x400, s1;
	v13 =	vadd.f32 v10, v13  }
0x64: {  	v10 =	vld [tilespmem:s2+$0x9480];
	v15 =	vadd.s32 v15, v14  }
0x65: {  	v14 =	vld [tilespmem:s2+$0x5480]  }
0x66: {  	_ =	sdelay $0x1  }
0x67: {  	v12 =	vld [tilespmem:s0+$0x9490]  }
0x68: {  	v53 =	vadd.f32 v10, v13;
	v13 =	vld [tilespmem:s0+$0x5490];
	_ =	sdelay $0x2  }
0x69: {  	s1 =	simm.s32 $0x400;
	v10 =	vadd.s32 v15, v14  }
.LBB2_9:
0x6a: {  	s0 =	sshra.s32 s1, $0x2;
	p0 =	sne.s32 s1, $0xFC00;
	s1 =	sadd.s32 $0x400, s1;
	v9 =	vadd.f32 v12, v9  }
.Ltmp4:
0x6b: {  	v12 =	vld [tilespmem:s0+$0x9490];
	v11 =	vadd.s32 v11, v13;
	(pc) =	sbr.rel @p0 .LBB2_9-.Ltmp4, $1  }
0x6c: {  	v13 =	vld [tilespmem:s0+$0x5490];
	_ =	sdelay $0x3  }
0x6d: {  	s0 =	simm.s32 $0x0  }
0x6e: {  	v62 =	vadd.f32 v12, v9;
	v9 =	vimm.s32 $0x0;
	v12 =	vimm.f32 $0.0e+00;
	v14 =	vld [tilespmem:s0+$0x94A0]  }
0x6f: {  	s1 =	simm.s32 $0x400;
	v16 =	vimm.s32 $0x0;
	v31 =	vadd.s32 v11, v13;
	v15 =	vld [tilespmem:s0+$0x54A0];
	v13 =	vimm.f32 $0.0e+00  }
.LBB2_11:
0x70: {  	p0 =	sne.s32 s1, $0xFC00  }
.Ltmp5:
0x71: {  	_ = 	snop;
	(pc) =	sbr.rel @p0 .LBB2_11-.Ltmp5, $4  }
0x72: {  	_ = 	snop  }
0x73: {  	s2 =	sshra.s32 s1, $0x2;
	s1 =	sadd.s32 $0x400, s1;
	v13 =	vadd.f32 v14, v13  }
0x74: {  	v14 =	vld [tilespmem:s2+$0x94A0];
	v16 =	vadd.s32 v16, v15  }
0x75: {  	v15 =	vld [tilespmem:s2+$0x54A0]  }
0x76: {  	_ =	sdelay $0x1  }
0x77: {  	v11 =	vld [tilespmem:s0+$0x94B0]  }
0x78: {  	v63 =	vadd.f32 v14, v13;
	v13 =	vld [tilespmem:s0+$0x54B0];
	_ =	sdelay $0x2  }
0x79: {  	s1 =	simm.s32 $0x400;
	v14 =	vadd.s32 v16, v15  }
.LBB2_13:
0x7a: {  	s0 =	sshra.s32 s1, $0x2;
	p0 =	sne.s32 s1, $0xFC00;
	s1 =	sadd.s32 $0x400, s1;
	v12 =	vadd.f32 v11, v12  }
.Ltmp6:
0x7b: {  	v11 =	vld [tilespmem:s0+$0x94B0];
	v9 =	vadd.s32 v9, v13;
	(pc) =	sbr.rel @p0 .LBB2_13-.Ltmp6, $1  }
0x7c: {  	v13 =	vld [tilespmem:s0+$0x54B0];
	_ =	sdelay $0x3  }
0x7d: {  	s0 =	simm.s32 $0x0;
	v11 =	vadd.f32 v11, v12  }
0x7e: {  	v12 =	vimm.f32 $0.0e+00;
	v18 =	vimm.s32 $0x0;
	v15 =	vld [tilespmem:s0+$0x94C0]  }
0x7f: {  	s1 =	simm.s32 $0x400;
	v16 =	vadd.s32 v9, v13;
	v17 =	vld [tilespmem:s0+$0x54C0];
	v13 =	vimm.f32 $0.0e+00;
	[tilespmem:$0x1FFF0] =	vst v11;
	v11 =	vimm.s32 $0x0  }
.LBB2_15:
0x80: {  	p0 =	sne.s32 s1, $0xFC00  }
.Ltmp7:
0x81: {  	_ = 	snop;
	(pc) =	sbr.rel @p0 .LBB2_15-.Ltmp7, $4  }
0x82: {  	_ = 	snop  }
0x83: {  	s2 =	sshra.s32 s1, $0x2;
	s1 =	sadd.s32 $0x400, s1;
	v13 =	vadd.f32 v15, v13  }
0x84: {  	v15 =	vld [tilespmem:s2+$0x94C0];
	v18 =	vadd.s32 v18, v17  }
0x85: {  	v17 =	vld [tilespmem:s2+$0x54C0]  }
0x86: {  	_ =	sdelay $0x2  }
0x87: {  	v13 =	vadd.f32 v15, v13  }
0x88: {  	v9 =	vld [tilespmem:s0+$0x94D0]  }
0x89: {  	[tilespmem:$0x1FFE0] =	vst v13;
	v13 =	vld [tilespmem:s0+$0x54D0];
	_ =	sdelay $0x2  }
0x8a: {  	s1 =	simm.s32 $0x400;
	v20 =	vadd.s32 v18, v17  }
.LBB2_17:
0x8b: {  	s0 =	sshra.s32 s1, $0x2;
	p0 =	sne.s32 s1, $0xFC00;
	s1 =	sadd.s32 $0x400, s1;
	v12 =	vadd.f32 v9, v12  }
.Ltmp8:
0x8c: {  	v9 =	vld [tilespmem:s0+$0x94D0];
	v11 =	vadd.s32 v11, v13;
	(pc) =	sbr.rel @p0 .LBB2_17-.Ltmp8, $1  }
0x8d: {  	v13 =	vld [tilespmem:s0+$0x54D0];
	_ =	sdelay $0x3  }
0x8e: {  	s0 =	simm.s32 $0x0;
	v9 =	vadd.f32 v9, v12  }
0x8f: {  	v12 =	vimm.f32 $0.0e+00;
	v18 =	vimm.s32 $0x0;
	v15 =	vld [tilespmem:s0+$0x94E0]  }
0x90: {  	s1 =	simm.s32 $0x400;
	v24 =	vadd.s32 v11, v13;
	v17 =	vld [tilespmem:s0+$0x54E0];
	v13 =	vimm.f32 $0.0e+00;
	[tilespmem:$0x1FFD0] =	vst v9;
	v9 =	vimm.s32 $0x0  }
.LBB2_19:
0x91: {  	p0 =	sne.s32 s1, $0xFC00  }
.Ltmp9:
0x92: {  	_ = 	snop;
	(pc) =	sbr.rel @p0 .LBB2_19-.Ltmp9, $4  }
0x93: {  	_ = 	snop  }
0x94: {  	s2 =	sshra.s32 s1, $0x2;
	s1 =	sadd.s32 $0x400, s1;
	v13 =	vadd.f32 v15, v13  }
0x95: {  	v15 =	vld [tilespmem:s2+$0x94E0];
	v18 =	vadd.s32 v18, v17  }
0x96: {  	v17 =	vld [tilespmem:s2+$0x54E0]  }
0x97: {  	_ =	sdelay $0x2  }
0x98: {  	v13 =	vadd.f32 v15, v13  }
0x99: {  	v11 =	vld [tilespmem:s0+$0x94F0]  }
0x9a: {  	[tilespmem:$0x1FFC0] =	vst v13;
	v13 =	vld [tilespmem:s0+$0x54F0];
	_ =	sdelay $0x2  }
0x9b: {  	s1 =	simm.s32 $0x400;
	v19 =	vadd.s32 v18, v17  }
.LBB2_21:
0x9c: {  	s0 =	sshra.s32 s1, $0x2;
	p0 =	sne.s32 s1, $0xFC00;
	s1 =	sadd.s32 $0x400, s1;
	v12 =	vadd.f32 v11, v12  }
.Ltmp10:
0x9d: {  	v11 =	vld [tilespmem:s0+$0x94F0];
	v9 =	vadd.s32 v9, v13;
	(pc) =	sbr.rel @p0 .LBB2_21-.Ltmp10, $1  }
0x9e: {  	v13 =	vld [tilespmem:s0+$0x54F0];
	_ =	sdelay $0x3  }
0x9f: {  	s0 =	simm.s32 $0x0;
	v11 =	vadd.f32 v11, v12  }
0xa0: {  	v12 =	vimm.f32 $0.0e+00;
	v18 =	vimm.s32 $0x0;
	v15 =	vld [tilespmem:s0+$0x9500]  }
0xa1: {  	s1 =	simm.s32 $0x400;
	v23 =	vadd.s32 v9, v13;
	v17 =	vld [tilespmem:s0+$0x5500];
	v13 =	vimm.f32 $0.0e+00;
	[tilespmem:$0x1FFB0] =	vst v11;
	v11 =	vimm.s32 $0x0  }
.LBB2_23:
0xa2: {  	p0 =	sne.s32 s1, $0xFC00  }
.Ltmp11:
0xa3: {  	_ = 	snop;
	(pc) =	sbr.rel @p0 .LBB2_23-.Ltmp11, $4  }
0xa4: {  	_ = 	snop  }
0xa5: {  	s2 =	sshra.s32 s1, $0x2;
	s1 =	sadd.s32 $0x400, s1;
	v13 =	vadd.f32 v15, v13  }
0xa6: {  	v15 =	vld [tilespmem:s2+$0x9500];
	v18 =	vadd.s32 v18, v17  }
0xa7: {  	v17 =	vld [tilespmem:s2+$0x5500]  }
0xa8: {  	_ =	sdelay $0x2  }
0xa9: {  	v13 =	vadd.f32 v15, v13  }
0xaa: {  	v9 =	vld [tilespmem:s0+$0x9510]  }
0xab: {  	[tilespmem:$0x1FFA0] =	vst v13;
	v13 =	vld [tilespmem:s0+$0x5510];
	_ =	sdelay $0x2  }
0xac: {  	s1 =	simm.s32 $0x400;
	v26 =	vadd.s32 v18, v17  }
.LBB2_25:
0xad: {  	s0 =	sshra.s32 s1, $0x2;
	p0 =	sne.s32 s1, $0xFC00;
	s1 =	sadd.s32 $0x400, s1;
	v12 =	vadd.f32 v9, v12  }
.Ltmp12:
0xae: {  	v9 =	vld [tilespmem:s0+$0x9510];
	v11 =	vadd.s32 v11, v13;
	(pc) =	sbr.rel @p0 .LBB2_25-.Ltmp12, $1  }
0xaf: {  	v13 =	vld [tilespmem:s0+$0x5510];
	_ =	sdelay $0x3  }
0xb0: {  	s0 =	simm.s32 $0x0;
	v9 =	vadd.f32 v9, v12  }
0xb1: {  	v12 =	vimm.f32 $0.0e+00;
	v18 =	vimm.s32 $0x0;
	v15 =	vld [tilespmem:s0+$0x9520]  }
0xb2: {  	s1 =	simm.s32 $0x400;
	v28 =	vadd.s32 v11, v13;
	v17 =	vld [tilespmem:s0+$0x5520];
	v13 =	vimm.f32 $0.0e+00;
	[tilespmem:$0x1FF90] =	vst v9;
	v9 =	vimm.s32 $0x0  }
.LBB2_27:
0xb3: {  	p0 =	sne.s32 s1, $0xFC00  }
.Ltmp13:
0xb4: {  	_ = 	snop;
	(pc) =	sbr.rel @p0 .LBB2_27-.Ltmp13, $4  }
0xb5: {  	_ = 	snop  }
0xb6: {  	s2 =	sshra.s32 s1, $0x2;
	s1 =	sadd.s32 $0x400, s1;
	v13 =	vadd.f32 v15, v13  }
0xb7: {  	v15 =	vld [tilespmem:s2+$0x9520];
	v18 =	vadd.s32 v18, v17  }
0xb8: {  	v17 =	vld [tilespmem:s2+$0x5520]  }
0xb9: {  	_ =	sdelay $0x2  }
0xba: {  	v13 =	vadd.f32 v15, v13  }
0xbb: {  	v11 =	vld [tilespmem:s0+$0x9530]  }
0xbc: {  	[tilespmem:$0x1FF80] =	vst v13;
	v13 =	vld [tilespmem:s0+$0x5530];
	_ =	sdelay $0x2  }
0xbd: {  	s1 =	simm.s32 $0x400;
	v30 =	vadd.s32 v18, v17  }
.LBB2_29:
0xbe: {  	s0 =	sshra.s32 s1, $0x2;
	p0 =	sne.s32 s1, $0xFC00;
	s1 =	sadd.s32 $0x400, s1;
	v12 =	vadd.f32 v11, v12  }
.Ltmp14:
0xbf: {  	v11 =	vld [tilespmem:s0+$0x9530];
	v9 =	vadd.s32 v9, v13;
	(pc) =	sbr.rel @p0 .LBB2_29-.Ltmp14, $1  }
0xc0: {  	v13 =	vld [tilespmem:s0+$0x5530];
	_ =	sdelay $0x3  }
0xc1: {  	s0 =	simm.s32 $0x0;
	v11 =	vadd.f32 v11, v12  }
0xc2: {  	v12 =	vimm.f32 $0.0e+00;
	v18 =	vimm.s32 $0x0;
	v15 =	vld [tilespmem:s0+$0x9540]  }
0xc3: {  	s1 =	simm.s32 $0x400;
	v32 =	vadd.s32 v9, v13;
	v17 =	vld [tilespmem:s0+$0x5540];
	v13 =	vimm.f32 $0.0e+00;
	[tilespmem:$0x1FF70] =	vst v11;
	v11 =	vimm.s32 $0x0  }
.LBB2_31:
0xc4: {  	p0 =	sne.s32 s1, $0xFC00  }
.Ltmp15:
0xc5: {  	_ = 	snop;
	(pc) =	sbr.rel @p0 .LBB2_31-.Ltmp15, $4  }
0xc6: {  	_ = 	snop  }
0xc7: {  	s2 =	sshra.s32 s1, $0x2;
	s1 =	sadd.s32 $0x400, s1;
	v13 =	vadd.f32 v15, v13  }
0xc8: {  	v15 =	vld [tilespmem:s2+$0x9540];
	v18 =	vadd.s32 v18, v17  }
0xc9: {  	v17 =	vld [tilespmem:s2+$0x5540]  }
0xca: {  	_ =	sdelay $0x2  }
0xcb: {  	v13 =	vadd.f32 v15, v13  }
0xcc: {  	v9 =	vld [tilespmem:s0+$0x9550]  }
0xcd: {  	[tilespmem:$0x1FF60] =	vst v13;
	v13 =	vld [tilespmem:s0+$0x5550];
	_ =	sdelay $0x2  }
0xce: {  	s1 =	simm.s32 $0x400;
	v34 =	vadd.s32 v18, v17  }
.LBB2_33:
0xcf: {  	s0 =	sshra.s32 s1, $0x2;
	p0 =	sne.s32 s1, $0xFC00;
	s1 =	sadd.s32 $0x400, s1;
	v12 =	vadd.f32 v9, v12  }
.Ltmp16:
0xd0: {  	v9 =	vld [tilespmem:s0+$0x9550];
	v11 =	vadd.s32 v11, v13;
	(pc) =	sbr.rel @p0 .LBB2_33-.Ltmp16, $1  }
0xd1: {  	v13 =	vld [tilespmem:s0+$0x5550];
	_ =	sdelay $0x3  }
0xd2: {  	s0 =	simm.s32 $0x0;
	v9 =	vadd.f32 v9, v12  }
0xd3: {  	v39 =	vimm.f32 $0.0e+00;
	v15 =	vimm.s32 $0x0;
	v12 =	vld [tilespmem:s0+$0x9560]  }
0xd4: {  	s1 =	simm.s32 $0x400;
	v36 =	vadd.s32 v11, v13;
	v13 =	vld [tilespmem:s0+$0x5560];
	v11 =	vimm.f32 $0.0e+00;
	[tilespmem:$0x1FF50] =	vst v9;
	v9 =	vimm.s32 $0x0  }
.LBB2_35:
0xd5: {  	p0 =	sne.s32 s1, $0xFC00  }
.Ltmp17:
0xd6: {  	_ = 	snop;
	(pc) =	sbr.rel @p0 .LBB2_35-.Ltmp17, $4  }
0xd7: {  	_ = 	snop  }
0xd8: {  	s2 =	sshra.s32 s1, $0x2;
	s1 =	sadd.s32 $0x400, s1;
	v11 =	vadd.f32 v12, v11  }
0xd9: {  	v12 =	vld [tilespmem:s2+$0x9560];
	v15 =	vadd.s32 v15, v13  }
0xda: {  	v13 =	vld [tilespmem:s2+$0x5560]  }
0xdb: {  	_ =	sdelay $0x2  }
0xdc: {  	v11 =	vadd.f32 v12, v11  }
0xdd: {  	v41 =	vld [tilespmem:s0+$0x9570]  }
0xde: {  	s1 =	simm.s32 $0x400;
	v38 =	vadd.s32 v15, v13;
	[tilespmem:$0x1FF40] =	vst v11;
	v11 =	vld [tilespmem:s0+$0x5570]  }
.LBB2_37:
0xdf: {  	p0 =	sne.s32 s1, $0xFC00  }
.Ltmp18:
0xe0: {  	_ = 	snop;
	(pc) =	sbr.rel @p0 .LBB2_37-.Ltmp18, $4  }
0xe1: {  	_ = 	snop  }
0xe2: {  	s0 =	sshra.s32 s1, $0x2;
	s1 =	sadd.s32 $0x400, s1;
	v39 =	vadd.f32 v41, v39  }
0xe3: {  	v41 =	vld [tilespmem:s0+$0x9570];
	v9 =	vadd.s32 v9, v11  }
0xe4: {  	v11 =	vld [tilespmem:s0+$0x5570]  }
0xe5: {  	_ =	sdelay $0x1  }
0xe6: {  	v12 =	vmul.u32 $0xFFFFFFFF, v0;
	_ =	sdelay $0x1  }
0xe7: {  	v40 =	vadd.s32 v9, v11;
	v9 =	vadd.s32 $0xF, v12  }
0xe8: {  	v11 =	vperm.xlane v40, v9  }
0xe9: {  	v12 =	vperm.xlane v38, v9  }
0xea: {  	(xrf0) =	vadd.scan.msk.s32 $0xffff, v11;
	v11 =	vperm.xlane v36, v9  }
0xeb: {  	(xrf0) =	vadd.scan.msk.s32 $0xffff, v12;
	v12 =	vperm.xlane v34, v9  }
0xec: {  	(xrf0) =	vadd.scan.msk.s32 $0xffff, v11;
	v11 =	vperm.xlane v32, v9  }
0xed: {  	(xrf0) =	vadd.scan.msk.s32 $0xffff, v12;
	v12 =	vperm.xlane v30, v9  }
0xee: {  	(xrf0) =	vadd.scan.msk.s32 $0xffff, v11;
	v11 =	vperm.xlane v28, v9  }
0xef: {  	(xrf0) =	vadd.scan.msk.s32 $0xffff, v12;
	v12 =	vperm.xlane v26, v9  }
0xf0: {  	s1 =	simm.s32 $0x54C0;
	v13, _, _ =	vpop (xrf0);
	(xrf0) =	vadd.scan.msk.s32 $0xffff, v11;
	v11 =	vperm.xlane v23, v9  }
0xf1: {  	[tilespmem:s1+$0x30] =	vst v2;
	v15, _, _ =	vpop (xrf0);
	(xrf0) =	vadd.scan.msk.s32 $0xffff, v12;
	v12 =	vperm.xlane v19, v9  }
0xf2: {  	[tilespmem:s1+$0xFFFFFFF0] =	vst v2;
	v17, _, _ =	vpop (xrf0);
	(xrf0) =	vadd.scan.msk.s32 $0xffff, v11;
	v11 =	vperm.xlane v24, v9  }
0xf3: {  	[tilespmem:s1+$0xFFFFFFC0] =	vst v2;
	v21, _, _ =	vpop (xrf0);
	(xrf0) =	vadd.scan.msk.s32 $0xffff, v12;
	v12 =	vperm.xlane v20, v9  }
0xf4: {  	[tilespmem:s1+$0xFFFFFFE0] =	vst v2;
	v25, _, _ =	vpop (xrf0);
	(xrf0) =	vadd.scan.msk.s32 $0xffff, v11;
	v11 =	vperm.xlane v16, v9  }
0xf5: {  	[tilespmem:s1+$0x10] =	vst v2;
	v33, _, _ =	vpop (xrf0);
	(xrf0) =	vadd.scan.msk.s32 $0xffff, v12;
	v12 =	vperm.xlane v14, v9  }
0xf6: {  	[tilespmem:s1+$0x20] =	vst v2;
	v35, _, _ =	vpop (xrf0);
	(xrf0) =	vadd.scan.msk.s32 $0xffff, v11;
	v11 =	vperm.xlane v31, v9  }
0xf7: {  	s0 =	simm.s32 $0x94C0;
	[tilespmem:s1+$0x0] =	vst v2;
	v37, _, _ =	vpop (xrf0);
	(xrf0) =	vadd.scan.msk.s32 $0xffff, v12;
	v12 =	vperm.xlane v10, v9  }
0xf8: {  	[tilespmem:s0+$0xFFFFFFC0] =	vst v3;
	v42, _, _ =	vpop (xrf0);
	(xrf0) =	vadd.scan.msk.s32 $0xffff, v11  }
0xf9: {  	[tilespmem:s0+$0x30] =	vst v3;
	v18 =	vperm.xlane v15, v9;
	v27 =	vperm.xlane v17, v9;
	v43, _, _ =	vpop (xrf0);
	(xrf0) =	vadd.scan.msk.s32 $0xffff, v12  }
0xfa: {  	[tilespmem:s0+$0x20] =	vst v3;
	v22 =	vperm.xlane v21, v9;
	v29 =	vperm.xlane v25, v9;
	v44, _, _ =	vpop (xrf0)  }
0xfb: {  	[tilespmem:s0+$0x10] =	vst v3;
	v25 =	vperm.xlane v33, v9;
	v11 =	vperm.xlane v13, v9;
	v45, _, _ =	vpop (xrf0)  }
0xfc: {  	[tilespmem:s0+$0xFFFFFFE0] =	vst v3;
	v13 =	vperm.xlane v35, v9;
	v12 =	vperm.xlane v37, v9;
	v46, _, _ =	vpop (xrf0)  }
0xfd: {  	[tilespmem:s0+$0x0] =	vst v3;
	v39 =	vadd.f32 v41, v39;
	v15 =	vperm.xlane v42, v9;
	v17 =	vperm.xlane v43, v9;
	v59, _, _ =	vpop (xrf0)  }
0xfe: {  	[tilespmem:s0+$0xFFFFFFF0] =	vst v3;
	v21 =	vperm.xlane v44, v9;
	v33 =	vperm.xlane v45, v9;
	v60, _, _ =	vpop (xrf0)  }
0xff: {  	[tilespmem:$0x1FF30] =	vst v39;
	v35 =	vperm.xlane v46, v9;
	v37 =	vperm.xlane v59, v9;
	v61, _, _ =	vpop (xrf0)  }
0x100: {  	s2 =	simm.s32 $0x0;
	[tilespmem:s1+$0xFFFFFFD0] =	vst v2;
	v39 =	vperm.xlane v60, v9;
	v41 =	vperm.xlane v61, v9  }
.LBB2_39:
0x101: {  	s2 =	sadd.s32 $0x8, s2;
	[tilespmem:s0+$0xFFFFFFD0] =	vst v3;
	s1 =	sadd.s32 $0x80, s1;
	s0 =	sadd.s32 $0x80, s0  }
0x102: {  	[tilespmem:s1+$0x30] =	vst v2;
	p0 =	slt.u32 s2, $0x3F8  }
0x103: {  	[tilespmem:s1+$0xFFFFFFF0] =	vst v2  }
0x104: {  	[tilespmem:s1+$0xFFFFFFC0] =	vst v2  }
0x105: {  	[tilespmem:s0+$0xFFFFFFC0] =	vst v3  }
0x106: {  	[tilespmem:s0+$0x30] =	vst v3  }
0x107: {  	[tilespmem:s1+$0xFFFFFFE0] =	vst v2  }
0x108: {  	[tilespmem:s1+$0x10] =	vst v2  }
0x109: {  	[tilespmem:s1+$0x20] =	vst v2  }
0x10a: {  	[tilespmem:s0+$0x20] =	vst v3  }
0x10b: {  	[tilespmem:s0+$0x10] =	vst v3  }
.Ltmp19:
0x10c: {  	[tilespmem:s0+$0xFFFFFFE0] =	vst v3;
	(pc) =	sbr.rel @p0 .LBB2_39-.Ltmp19, $4  }
0x10d: {  	[tilespmem:s1+$0x0] =	vst v2  }
0x10e: {  	[tilespmem:s0+$0x0] =	vst v3  }
0x10f: {  	[tilespmem:s0+$0xFFFFFFF0] =	vst v3  }
0x110: {  	[tilespmem:s1+$0xFFFFFFD0] =	vst v2  }
0x111: {  	vm0 =	vmmov $0x1  }
0x112: {  	v8 =	vnsel vm0, $0x0, v8  }
0x113: {  	(xrf2) =	vadd.scan.msk.f32 $0xffff, v8;
	_ =	sdelay $0x4  }
0x114: {  	(xrf0) =	vadd.scan.msk.s32 $0xffff, v40  }
0x115: {  	(xrf0) =	vadd.scan.msk.s32 $0xffff, v38  }
0x116: {  	(xrf0) =	vadd.scan.msk.s32 $0xffff, v36  }
0x117: {  	(xrf0) =	vadd.scan.msk.s32 $0xffff, v34  }
0x118: {  	(xrf0) =	vadd.scan.msk.s32 $0xffff, v32  }
0x119: {  	(xrf0) =	vadd.scan.msk.s32 $0xffff, v30;
	v8, _, _ =	vpop (xrf2)  }
0x11a: {  	(v2sf) =	vpush v8, $0xF;
	v8, _, _ =	vpop (xrf0);
	(xrf0) =	vadd.scan.msk.s32 $0xffff, v28  }
0x11b: {  	(v2sf) =	vpush v8, $0xF;
	v42, _, _ =	vpop (xrf0);
	(xrf0) =	vadd.scan.msk.s32 $0xffff, v26  }
0x11c: {  	(v2sf) =	vpush v42, $0xF;
	v61, _, _ =	vpop (xrf0);
	(xrf0) =	vadd.scan.msk.s32 $0xffff, v23  }
0x11d: {  	(v2sf) =	vpush v61, $0xF;
	v45, _, _ =	vpop (xrf0);
	(xrf0) =	vadd.scan.msk.s32 $0xffff, v19  }
0x11e: {  	(v2sf) =	vpush v45, $0xF;
	v46, _, _ =	vpop (xrf0);
	(xrf0) =	vadd.scan.msk.s32 $0xffff, v24  }
0x11f: {  	(v2sf) =	vpush v46, $0xF;
	v47, _, _ =	vpop (xrf0);
	(xrf0) =	vadd.scan.msk.s32 $0xffff, v20  }
0x120: {  	(v2sf) =	vpush v47, $0xF;
	v48, _, _ =	vpop (xrf0);
	(xrf0) =	vadd.scan.msk.s32 $0xffff, v16  }
0x121: {  	(v2sf) =	vpush v48, $0xF;
	v49, _, _ =	vpop (xrf0);
	(xrf0) =	vadd.scan.msk.s32 $0xffff, v14  }
0x122: {  	(v2sf) =	vpush v49, $0xF;
	v50, _, _ =	vpop (xrf0);
	(xrf0) =	vadd.scan.msk.s32 $0xffff, v31  }
0x123: {  	(v2sf) =	vpush v50, $0xF;
	v51, _, _ =	vpop (xrf0)  }
0x124: {  	(v2sf) =	vpush v51, $0xF;
	v52, _, _ =	vpop (xrf0)  }
0x125: {  	(v2sf) =	vpush v52, $0xF;
	v54, _, _ =	vpop (xrf0)  }
0x126: {  	(v2sf) =	vpush v54, $0xF;
	v55, _, _ =	vpop (xrf0)  }
0x127: {  	(v2sf) =	vpush v55, $0xF;
	v56, _, _ =	vpop (xrf0)  }
0x128: {  	(v2sf) =	vpush v56, $0xF;
	v57, _, _ =	vpop (xrf0)  }
0x129: {  	(v2sf) =	vpush v57, $0xF;
	s1 =	spop (v2sf)  }
0x12a: {  	s2 =	spop (v2sf)  }
0x12b: {  	s3 =	spop (v2sf)  }
0x12c: {  	s2 =	sadd.s32 s3, s2;
	s26 =	spop (v2sf)  }
0x12d: {  	s3 =	sadd.s32 s26, s2;
	s4 =	spop (v2sf)  }
0x12e: {  	s4 =	sadd.s32 s4, s3;
	s5 =	spop (v2sf)  }
0x12f: {  	s5 =	sadd.s32 s5, s4;
	s6 =	spop (v2sf)  }
0x130: {  	s6 =	sadd.s32 s6, s5;
	s7 =	spop (v2sf)  }
0x131: {  	s7 =	sadd.s32 s7, s6;
	s8 =	spop (v2sf)  }
0x132: {  	s8 =	sadd.s32 s8, s7;
	s9 =	spop (v2sf)  }
0x133: {  	s9 =	sadd.s32 s9, s8;
	s10 =	spop (v2sf)  }
0x134: {  	s10 =	sadd.s32 s10, s9;
	s13 =	spop (v2sf)  }
0x135: {  	s13 =	sadd.s32 s13, s10;
	s14 =	spop (v2sf)  }
0x136: {  	s1 =	scvt.f32.s32 s1;
	s14 =	sadd.s32 s14, s13;
	s15 =	spop (v2sf)  }
0x137: {  	v8 =	vbroadcast v8, $0xF;
	s16 =	sadd.s32 s15, s14;
	s17 =	spop (v2sf)  }
0x138: {  	s15 =	sshll.u32 s1, $0x1;
	s28 =	sadd.s32 s17, s16;
	s29 =	spop (v2sf)  }
0x139: {  	v8 =	vadd.s32 v8, v18;
	v18 =	vadd.s32 s2, v27;
	p0 =	slt.s32 s15, $0x53AC;
	s30 =	sadd.s32 s29, s28  }
0x13a: {  	v22 =	vadd.s32 s3, v22;
	v27 =	vadd.s32 s4, v29;
	s15 =	simm.s32 @!p0 $0x53AC;
	v29 =	vadd.s32 s30, v41  }
0x13b: {  	v15 =	vadd.s32 s8, v15;
	v39 =	vadd.s32 s28, v39;
	vm0 =	vge.s32 v29, s15  }
0x13c: {  	v29 =	vadd.s32 s16, v37;
	v58 =	vsel vm0, $0x1, v2;
	vm0 =	vge.s32 v39, s15  }
0x13d: {  	v35 =	vadd.s32 s14, v35;
	(xrf0) =	vadd.scan.msk.s32 $0xffff, v58;
	v59 =	vsel vm0, $0x1, v2;
	vm0 =	vge.s32 v29, s15  }
0x13e: {  	v29 =	vadd.s32 s13, v33;
	(xrf0) =	vadd.scan.msk.s32 $0xffff, v59;
	v60 =	vsel vm0, $0x1, v2;
	vm0 =	vge.s32 v35, s15  }
0x13f: {  	v21 =	vadd.s32 s10, v21;
	(xrf0) =	vadd.scan.msk.s32 $0xffff, v60;
	v61 =	vsel vm0, $0x1, v2;
	vm0 =	vge.s32 v29, s15  }
0x140: {  	v17 =	vadd.s32 s9, v17;
	(xrf0) =	vadd.scan.msk.s32 $0xffff, v61;
	v29 =	vsel vm0, $0x1, v2;
	vm0 =	vge.s32 v21, s15  }
0x141: {  	v12 =	vadd.s32 s7, v12;
	(xrf0) =	vadd.scan.msk.s32 $0xffff, v29;
	v21 =	vsel vm0, $0x1, v2;
	vm0 =	vge.s32 v17, s15  }
0x142: {  	v25 =	vadd.s32 s5, v25;
	(xrf0) =	vadd.scan.msk.s32 $0xffff, v21;
	v17 =	vsel vm0, $0x1, v2;
	vm0 =	vge.s32 v15, s15  }
0x143: {  	v13 =	vadd.s32 s6, v13;
	v15, _, _ =	vpop (xrf0);
	(xrf0) =	vadd.scan.msk.s32 $0xffff, v17;
	v17 =	vsel vm0, $0x1, v2;
	vm0 =	vge.s32 v12, s15  }
0x144: {  	(v2sf) =	vpush v15, $0xF;
	v12, _, _ =	vpop (xrf0);
	(xrf0) =	vadd.scan.msk.s32 $0xffff, v17;
	v15 =	vsel vm0, $0x1, v2;
	vm0 =	vge.s32 v13, s15  }
0x145: {  	(v2sf) =	vpush v12, $0xF;
	v12, _, _ =	vpop (xrf0);
	(xrf0) =	vadd.scan.msk.s32 $0xffff, v15;
	v13 =	vsel vm0, $0x1, v2;
	vm0 =	vge.s32 v25, s15  }
0x146: {  	(v2sf) =	vpush v12, $0xF;
	v12, _, _ =	vpop (xrf0);
	(xrf0) =	vadd.scan.msk.s32 $0xffff, v13;
	v13 =	vsel vm0, $0x1, v2;
	vm0 =	vge.s32 v27, s15  }
0x147: {  	(v2sf) =	vpush v12, $0xF;
	v12, _, _ =	vpop (xrf0);
	(xrf0) =	vadd.scan.msk.s32 $0xffff, v13;
	v13 =	vsel vm0, $0x1, v2;
	vm0 =	vge.s32 v22, s15  }
0x148: {  	(v2sf) =	vpush v12, $0xF;
	v12, _, _ =	vpop (xrf0);
	(xrf0) =	vadd.scan.msk.s32 $0xffff, v13;
	v13 =	vsel vm0, $0x1, v2;
	vm0 =	vge.s32 v18, s15  }
0x149: {  	(v2sf) =	vpush v12, $0xF;
	v12, _, _ =	vpop (xrf0);
	(xrf0) =	vadd.scan.msk.s32 $0xffff, v13;
	v13 =	vsel vm0, $0x1, v2;
	vm0 =	vge.s32 v8, s15  }
0x14a: {  	(v2sf) =	vpush v12, $0xF;
	v12 =	vsel vm0, $0x1, v2;
	vm0 =	vge.s32 v11, s15  }
0x14b: {  	v8, _, _ =	vpop (xrf0);
	(xrf0) =	vadd.scan.msk.s32 $0xffff, v13;
	v11 =	vsel vm0, $0x1, v2  }
0x14c: {  	(v2sf) =	vpush v8, $0xF;
	v8, _, _ =	vpop (xrf0);
	(xrf0) =	vadd.scan.msk.s32 $0xffff, v12  }
0x14d: {  	(v2sf) =	vpush v8, $0xF;
	v8, _, _ =	vpop (xrf0);
	(xrf0) =	vadd.scan.msk.s32 $0xffff, v11  }
0x14e: {  	(v2sf) =	vpush v8, $0xF;
	v11, _, _ =	vpop (xrf0)  }
0x14f: {  	v8, _, _ =	vpop (xrf0);
	(v2sf) =	vpush v11, $0xF  }
0x150: {  	v11, _, _ =	vpop (xrf0);
	(v2sf) =	vpush v8, $0xF  }
0x151: {  	v8, _, _ =	vpop (xrf0);
	(v2sf) =	vpush v11, $0xF  }
0x152: {  	v11, _, _ =	vpop (xrf0);
	(v2sf) =	vpush v8, $0xF  }
0x153: {  	(v2sf) =	vpush v11, $0xF;
	v8, _, _ =	vpop (xrf0)  }
0x154: {  	s1 =	spop (v2sf);
	(v2sf) =	vpush v8, $0xF  }
0x155: {  	s2 =	spop (v2sf)  }
0x156: {  	s3 =	spop (v2sf)  }
0x157: {  	s4 =	spop (v2sf)  }
0x158: {  	s31 =	spop (v2sf)  }
0x159: {  	s20 =	spop (v2sf)  }
0x15a: {  	s21 =	spop (v2sf)  }
0x15b: {  	s22 =	spop (v2sf)  }
0x15c: {  	s23 =	spop (v2sf)  }
0x15d: {  	s24 =	spop (v2sf)  }
0x15e: {  	s25 =	spop (v2sf)  }
0x15f: {  	s26 =	spop (v2sf)  }
0x160: {  	s28 =	spop (v2sf)  }
0x161: {  	s29 =	spop (v2sf)  }
0x162: {  	s18 =	spop (v2sf)  }
0x163: {  	s19 =	spop (v2sf)  }
0x164: {  	s18 =	sadd.s32 s18, s19  }
0x165: {  	s17 =	sadd.s32 s29, s18  }
0x166: {  	s16 =	sadd.s32 s28, s17  }
0x167: {  	s14 =	sadd.s32 s26, s16  }
0x168: {  	s13 =	sadd.s32 s25, s14  }
0x169: {  	s10 =	sadd.s32 s24, s13  }
0x16a: {  	s9 =	sadd.s32 s23, s10  }
0x16b: {  	s8 =	sadd.s32 s22, s9  }
0x16c: {  	s7 =	sadd.s32 s21, s8  }
0x16d: {  	s6 =	sadd.s32 s20, s7  }
0x16e: {  	[tilespmem:s0+$0xFFFFFFD0] =	vst v3;
	s30 =	sadd.s32 s31, s6;
	s31 =	simm.s32 $0x20  }
0x16f: {  	s0 =	sadd.s32 s4, s30;
	v11 =	vld [tilespmem:s31+$0x10]  }
0x170: {  	v8 =	vld [tilespmem:s31+$0xFFFFFFF0];
	s0 =	sadd.s32 s3, s0  }
0x171: {  	v12 =	vld [tilespmem:s31+$0x0];
	s0 =	sadd.s32 s2, s0  }
0x172: {  	v13 =	vld [tilespmem:s31+$0xFFFFFFE0];
	s0 =	sadd.s32 s1, s0  }
0x173: {  	s0 =	sadd.s32 $0xFFFFFFFF, s0  }
0x174: {  	v29 =	vmov s0;
	v15 =	vshrl.u32 v11, $0x17;
	v17 =	vshrl.u32 v11, $0xF  }
0x175: {  	v18 =	vmov s15;
	vm0 =	veq.s32 v15, v29;
	v15 =	vand.u32 $0xFF, v17  }
0x176: {  	[tilespmem:$0x1FF20] =	vst v18;
	v25 =	vshrl.u32 v8, $0x17;
	v18 =	vshrl.u32 v12, $0x17;
	v15 =	vor.u32 v7, v15  }
0x177: {  	v21 =	vshrl.u32 v12, $0xF;
	v22 =	vshrl.u32 v13, $0x17;
	v27 =	vshrl.u32 v13, $0xF  }
0x178: {  	v17 =	vshrl.u32 v8, $0xF;
	v21 =	vand.u32 $0xFF, v21;
	vm2 =	veq.s32 v22, v29  }
0x179: {  	s1 =	simm.s32 $0x60;
	s0 =	simm.s32 $0x0;
	v22 =	vand.u32 $0xFF, v27;
	vm1 =	veq.s32 v25, v29;
	v17 =	vand.u32 $0xFF, v17  }
.LBB2_41:
0x17a: {  	v25 =	vld [tilespmem:s1+$0x10];
	v22 =	vor.u32 v1, v22;
	v27 =	vor.u32 v5, v17;
	vm3 =	veq.s32 v18, v29;
	v33 =	vmovc v12  }
0x17b: {  	v35 =	vor.u32 v6, v21;
	[tilespmem:v15+s11+$0x0] =	vst.idx.add.s32.msk vm0, v4  }
0x17c: {  	s0 =	sadd.s32 $0x4, s0;
	[tilespmem:v15+s12+$0x0] =	vst.idx.add.f32.msk vm0, v11  }
0x17d: {  	p0 =	slt.u32 s0, $0x53C;
	v21 =	vld [tilespmem:s1+$0xFFFFFFF0]  }
0x17e: {  	v12 =	vld [tilespmem:s1+$0x0]  }
0x17f: {  	v37 =	vld [tilespmem:s1+$0xFFFFFFE0];
	v11 =	vmov v25  }
0x180: {  	v15 =	vshrl.u32 v11, $0x17;
	v17 =	vshrl.u32 v11, $0xF;
	[tilespmem:v22+s11+$0x0] =	vst.idx.add.s32.msk vm2, v4  }
.Ltmp20:
0x181: {  	vm0 =	veq.s32 v15, v29;
	v15 =	vand.u32 $0xFF, v17;
	[tilespmem:v22+s12+$0x0] =	vst.idx.add.f32.msk vm2, v13;
	(pc) =	sbr.rel @p0 .LBB2_41-.Ltmp20, $4  }
0x182: {  	v25 =	vshrl.u32 v21, $0x17;
	v41 =	vshrl.u32 v21, $0xF;
	v15 =	vor.u32 v7, v15;
	[tilespmem:v27+s11+$0x0] =	vst.idx.add.s32.msk vm1, v4  }
0x183: {  	v17 =	vand.u32 $0xFF, v41;
	v18 =	vshrl.u32 v12, $0x17;
	v39 =	vshrl.u32 v12, $0xF;
	[tilespmem:v27+s12+$0x0] =	vst.idx.add.f32.msk vm1, v8;
	v8 =	vmovc v21  }
0x184: {  	v22 =	vshrl.u32 v37, $0x17;
	v27 =	vshrl.u32 v37, $0xF;
	v21 =	vand.u32 $0xFF, v39;
	[tilespmem:v35+s11+$0x0] =	vst.idx.add.s32.msk vm3, v4;
	v13 =	vmovc v37  }
0x185: {  	s1 =	sadd.s32 $0x40, s1;
	vm1 =	veq.s32 v25, v29;
	vm2 =	veq.s32 v22, v29;
	v22 =	vand.u32 $0xFF, v27;
	[tilespmem:v35+s12+$0x0] =	vst.idx.add.f32.msk vm3, v33  }
0x186: {  	_ =	sdelay $0x1  }
0x187: {  	v22 =	vor.u32 v1, v22  }
0x188: {  	v17 =	vor.u32 v5, v17;
	_ =	sdelay $0x1  }
0x189: {  	vm3 =	veq.s32 v18, v29;
	[tilespmem:v15+s11+$0x0] =	vst.idx.add.s32.msk vm0, v4  }
0x18a: {  	v18 =	vor.u32 v6, v21;
	[tilespmem:v15+s12+$0x0] =	vst.idx.add.f32.msk vm0, v11  }
0x18b: {  	[tilespmem:v22+s11+$0x0] =	vst.idx.add.s32.msk vm2, v4  }
0x18c: {  	[tilespmem:v17+s11+$0x0] =	vst.idx.add.s32.msk vm1, v4  }
0x18d: {  	[tilespmem:v22+s12+$0x0] =	vst.idx.add.f32.msk vm2, v13  }
0x18e: {  	[tilespmem:v17+s12+$0x0] =	vst.idx.add.f32.msk vm1, v8  }
0x18f: {  	[tilespmem:v18+s11+$0x0] =	vst.idx.add.s32.msk vm3, v4  }
0x190: {  	s0 =	simm.s32 $0x0;
	[tilespmem:v18+s12+$0x0] =	vst.idx.add.f32.msk vm3, v12  }
0x191: {  	v11 =	vimm.s32 $0x0;
	v13 =	vld [tilespmem:s0+$0x9480]  }
0x192: {  	s1 =	simm.s32 $0x400;
	v15 =	vimm.f32 $0.0e+00;
	v8 =	vimm.f32 $0.0e+00;
	v18 =	vimm.s32 $0x0;
	v17 =	vld [tilespmem:s0+$0x5480]  }
.LBB2_43:
0x193: {  	p0 =	sne.s32 s1, $0xFC00  }
.Ltmp21:
0x194: {  	_ = 	snop;
	(pc) =	sbr.rel @p0 .LBB2_43-.Ltmp21, $4  }
0x195: {  	_ = 	snop  }
0x196: {  	s2 =	sshra.s32 s1, $0x2;
	s1 =	sadd.s32 $0x400, s1;
	v15 =	vadd.f32 v13, v15  }
0x197: {  	v13 =	vld [tilespmem:s2+$0x9480];
	v18 =	vadd.s32 v18, v17  }
0x198: {  	v17 =	vld [tilespmem:s2+$0x5480]  }
0x199: {  	_ =	sdelay $0x2  }
0x19a: {  	v13 =	vadd.f32 v13, v15  }
0x19b: {  	v12 =	vld [tilespmem:s0+$0x9490]  }
0x19c: {  	[tilespmem:$0x1FF10] =	vst v13;
	v13 =	vld [tilespmem:s0+$0x5490];
	_ =	sdelay $0x2  }
0x19d: {  	s1 =	simm.s32 $0x400;
	v42 =	vadd.s32 v18, v17  }
.LBB2_45:
0x19e: {  	s0 =	sshra.s32 s1, $0x2;
	p0 =	sne.s32 s1, $0xFC00;
	s1 =	sadd.s32 $0x400, s1;
	v8 =	vadd.f32 v12, v8  }
.Ltmp22:
0x19f: {  	v12 =	vld [tilespmem:s0+$0x9490];
	v11 =	vadd.s32 v11, v13;
	(pc) =	sbr.rel @p0 .LBB2_45-.Ltmp22, $1  }
0x1a0: {  	v13 =	vld [tilespmem:s0+$0x5490];
	_ =	sdelay $0x3  }
0x1a1: {  	s0 =	simm.s32 $0x0;
	v8 =	vadd.f32 v12, v8  }
0x1a2: {  	v12 =	vimm.f32 $0.0e+00;
	v18 =	vimm.s32 $0x0;
	v15 =	vld [tilespmem:s0+$0x94A0]  }
0x1a3: {  	s1 =	simm.s32 $0x400;
	v44 =	vadd.s32 v11, v13;
	v17 =	vld [tilespmem:s0+$0x54A0];
	v13 =	vimm.f32 $0.0e+00;
	[tilespmem:$0x1FF00] =	vst v8;
	v8 =	vimm.s32 $0x0  }
.LBB2_47:
0x1a4: {  	p0 =	sne.s32 s1, $0xFC00  }
.Ltmp23:
0x1a5: {  	_ = 	snop;
	(pc) =	sbr.rel @p0 .LBB2_47-.Ltmp23, $4  }
0x1a6: {  	_ = 	snop  }
0x1a7: {  	s2 =	sshra.s32 s1, $0x2;
	s1 =	sadd.s32 $0x400, s1;
	v13 =	vadd.f32 v15, v13  }
0x1a8: {  	v15 =	vld [tilespmem:s2+$0x94A0];
	v18 =	vadd.s32 v18, v17  }
0x1a9: {  	v17 =	vld [tilespmem:s2+$0x54A0]  }
0x1aa: {  	_ =	sdelay $0x2  }
0x1ab: {  	v13 =	vadd.f32 v15, v13  }
0x1ac: {  	v11 =	vld [tilespmem:s0+$0x94B0]  }
0x1ad: {  	[tilespmem:$0x1FEF0] =	vst v13;
	v13 =	vld [tilespmem:s0+$0x54B0];
	_ =	sdelay $0x2  }
0x1ae: {  	s1 =	simm.s32 $0x400;
	v46 =	vadd.s32 v18, v17  }
.LBB2_49:
0x1af: {  	s0 =	sshra.s32 s1, $0x2;
	p0 =	sne.s32 s1, $0xFC00;
	s1 =	sadd.s32 $0x400, s1;
	v12 =	vadd.f32 v11, v12  }
.Ltmp24:
0x1b0: {  	v11 =	vld [tilespmem:s0+$0x94B0];
	v8 =	vadd.s32 v8, v13;
	(pc) =	sbr.rel @p0 .LBB2_49-.Ltmp24, $1  }
0x1b1: {  	v13 =	vld [tilespmem:s0+$0x54B0];
	_ =	sdelay $0x3  }
0x1b2: {  	s0 =	simm.s32 $0x0;
	v11 =	vadd.f32 v11, v12  }
0x1b3: {  	v12 =	vimm.f32 $0.0e+00;
	v18 =	vimm.s32 $0x0;
	v15 =	vld [tilespmem:s0+$0x94C0]  }
0x1b4: {  	s1 =	simm.s32 $0x400;
	v47 =	vadd.s32 v8, v13;
	v17 =	vld [tilespmem:s0+$0x54C0];
	v13 =	vimm.f32 $0.0e+00;
	[tilespmem:$0x1FEE0] =	vst v11;
	v11 =	vimm.s32 $0x0  }
.LBB2_51:
0x1b5: {  	p0 =	sne.s32 s1, $0xFC00  }
.Ltmp25:
0x1b6: {  	_ = 	snop;
	(pc) =	sbr.rel @p0 .LBB2_51-.Ltmp25, $4  }
0x1b7: {  	_ = 	snop  }
0x1b8: {  	s2 =	sshra.s32 s1, $0x2;
	s1 =	sadd.s32 $0x400, s1;
	v13 =	vadd.f32 v15, v13  }
0x1b9: {  	v15 =	vld [tilespmem:s2+$0x94C0];
	v18 =	vadd.s32 v18, v17  }
0x1ba: {  	v17 =	vld [tilespmem:s2+$0x54C0]  }
0x1bb: {  	_ =	sdelay $0x1  }
0x1bc: {  	v8 =	vld [tilespmem:s0+$0x94D0]  }
0x1bd: {  	v13 =	vadd.f32 v15, v13;
	v15 =	vld [tilespmem:s0+$0x54D0];
	_ =	sdelay $0x2  }
0x1be: {  	s1 =	simm.s32 $0x400;
	v48 =	vadd.s32 v18, v17;
	[tilespmem:$0x1FED0] =	vst v13  }
.LBB2_53:
0x1bf: {  	s0 =	sshra.s32 s1, $0x2;
	p0 =	sne.s32 s1, $0xFC00;
	s1 =	sadd.s32 $0x400, s1;
	v12 =	vadd.f32 v8, v12  }
.Ltmp26:
0x1c0: {  	v8 =	vld [tilespmem:s0+$0x94D0];
	v11 =	vadd.s32 v11, v15;
	(pc) =	sbr.rel @p0 .LBB2_53-.Ltmp26, $1  }
0x1c1: {  	v15 =	vld [tilespmem:s0+$0x54D0];
	_ =	sdelay $0x3  }
0x1c2: {  	v8 =	vadd.f32 v8, v12  }
0x1c3: {  	s0 =	simm.s32 $0x0  }
0x1c4: {  	v12 =	vimm.s32 $0x0;
	v13 =	vimm.f32 $0.0e+00;
	[tilespmem:$0x1FEC0] =	vst v8;
	v8 =	vld [tilespmem:s0+$0x94E0]  }
0x1c5: {  	s1 =	simm.s32 $0x400;
	v18 =	vimm.s32 $0x0;
	v54 =	vadd.s32 v11, v15;
	v17 =	vld [tilespmem:s0+$0x54E0];
	v15 =	vimm.f32 $0.0e+00  }
.LBB2_55:
0x1c6: {  	p0 =	sne.s32 s1, $0xFC00  }
.Ltmp27:
0x1c7: {  	_ = 	snop;
	(pc) =	sbr.rel @p0 .LBB2_55-.Ltmp27, $4  }
0x1c8: {  	_ = 	snop  }
0x1c9: {  	s2 =	sshra.s32 s1, $0x2;
	s1 =	sadd.s32 $0x400, s1;
	v15 =	vadd.f32 v8, v15  }
0x1ca: {  	v8 =	vld [tilespmem:s2+$0x94E0];
	v18 =	vadd.s32 v18, v17  }
0x1cb: {  	v17 =	vld [tilespmem:s2+$0x54E0]  }
0x1cc: {  	_ =	sdelay $0x1  }
0x1cd: {  	v11 =	vld [tilespmem:s0+$0x94F0]  }
0x1ce: {  	v8 =	vadd.f32 v8, v15;
	v15 =	vld [tilespmem:s0+$0x54F0];
	_ =	sdelay $0x2  }
0x1cf: {  	s1 =	simm.s32 $0x400;
	v51 =	vadd.s32 v18, v17;
	[tilespmem:$0x1FEB0] =	vst v8  }
.LBB2_57:
0x1d0: {  	s0 =	sshra.s32 s1, $0x2;
	p0 =	sne.s32 s1, $0xFC00;
	s1 =	sadd.s32 $0x400, s1;
	v13 =	vadd.f32 v11, v13  }
.Ltmp28:
0x1d1: {  	v11 =	vld [tilespmem:s0+$0x94F0];
	v12 =	vadd.s32 v12, v15;
	(pc) =	sbr.rel @p0 .LBB2_57-.Ltmp28, $1  }
0x1d2: {  	v15 =	vld [tilespmem:s0+$0x54F0];
	_ =	sdelay $0x3  }
0x1d3: {  	s0 =	simm.s32 $0x0;
	v8 =	vadd.f32 v11, v13  }
0x1d4: {  	v13 =	vimm.s32 $0x0;
	v17 =	vimm.f32 $0.0e+00;
	v18 =	vld [tilespmem:s0+$0x9500]  }
0x1d5: {  	s1 =	simm.s32 $0x400;
	v22 =	vimm.s32 $0x0;
	v56 =	vadd.s32 v12, v15;
	v21 =	vld [tilespmem:s0+$0x5500];
	v15 =	vimm.f32 $0.0e+00;
	[tilespmem:$0x1FEA0] =	vst v8  }
.LBB2_59:
0x1d6: {  	p0 =	sne.s32 s1, $0xFC00  }
.Ltmp29:
0x1d7: {  	_ = 	snop;
	(pc) =	sbr.rel @p0 .LBB2_59-.Ltmp29, $4  }
0x1d8: {  	_ = 	snop  }
0x1d9: {  	s2 =	sshra.s32 s1, $0x2;
	s1 =	sadd.s32 $0x400, s1;
	v15 =	vadd.f32 v18, v15  }
0x1da: {  	v18 =	vld [tilespmem:s2+$0x9500];
	v22 =	vadd.s32 v22, v21  }
0x1db: {  	v21 =	vld [tilespmem:s2+$0x5500]  }
0x1dc: {  	_ =	sdelay $0x2  }
0x1dd: {  	v12 =	vld [tilespmem:s0+$0x9510]  }
0x1de: {  	v57 =	vadd.s32 v22, v21;
	v21 =	vld [tilespmem:s0+$0x5510]  }
0x1df: {  	v8 =	vadd.f32 v18, v15;
	_ =	sdelay $0x1  }
0x1e0: {  	s1 =	simm.s32 $0x400;
	[tilespmem:$0x1FE90] =	vst v8  }
.LBB2_61:
0x1e1: {  	s0 =	sshra.s32 s1, $0x2;
	p0 =	sne.s32 s1, $0xFC00;
	s1 =	sadd.s32 $0x400, s1;
	v17 =	vadd.f32 v12, v17  }
.Ltmp30:
0x1e2: {  	v12 =	vld [tilespmem:s0+$0x9510];
	v13 =	vadd.s32 v13, v21;
	(pc) =	sbr.rel @p0 .LBB2_61-.Ltmp30, $1  }
0x1e3: {  	v21 =	vld [tilespmem:s0+$0x5510];
	_ =	sdelay $0x3  }
0x1e4: {  	s0 =	simm.s32 $0x0;
	v8 =	vadd.f32 v12, v17  }
0x1e5: {  	v12 =	vimm.s32 $0x0;
	v17 =	vimm.f32 $0.0e+00;
	v22 =	vld [tilespmem:s0+$0x9520]  }
0x1e6: {  	s1 =	simm.s32 $0x400;
	v33 =	vimm.s32 $0x0;
	v61 =	vadd.s32 v13, v21;
	v27 =	vld [tilespmem:s0+$0x5520];
	v21 =	vimm.f32 $0.0e+00;
	[tilespmem:$0x1FE80] =	vst v8  }
.LBB2_63:
0x1e7: {  	p0 =	sne.s32 s1, $0xFC00  }
.Ltmp31:
0x1e8: {  	_ = 	snop;
	(pc) =	sbr.rel @p0 .LBB2_63-.Ltmp31, $4  }
0x1e9: {  	_ = 	snop  }
0x1ea: {  	s2 =	sshra.s32 s1, $0x2;
	s1 =	sadd.s32 $0x400, s1;
	v21 =	vadd.f32 v22, v21  }
0x1eb: {  	v22 =	vld [tilespmem:s2+$0x9520];
	v33 =	vadd.s32 v33, v27  }
0x1ec: {  	v27 =	vld [tilespmem:s2+$0x5520]  }
0x1ed: {  	_ =	sdelay $0x1  }
0x1ee: {  	v13 =	vld [tilespmem:s0+$0x9530]  }
0x1ef: {  	v25 =	vadd.f32 v22, v21;
	v22 =	vld [tilespmem:s0+$0x5530];
	_ =	sdelay $0x2  }
0x1f0: {  	s1 =	simm.s32 $0x400;
	v58 =	vadd.s32 v33, v27  }
.LBB2_65:
0x1f1: {  	s0 =	sshra.s32 s1, $0x2;
	p0 =	sne.s32 s1, $0xFC00;
	s1 =	sadd.s32 $0x400, s1;
	v17 =	vadd.f32 v13, v17  }
.Ltmp32:
0x1f2: {  	v13 =	vld [tilespmem:s0+$0x9530];
	v12 =	vadd.s32 v12, v22;
	(pc) =	sbr.rel @p0 .LBB2_65-.Ltmp32, $1  }
0x1f3: {  	v22 =	vld [tilespmem:s0+$0x5530];
	_ =	sdelay $0x3  }
0x1f4: {  	s0 =	simm.s32 $0x0;
	v8 =	vadd.f32 v13, v17  }
0x1f5: {  	v13 =	vimm.s32 $0x0;
	v17 =	vimm.f32 $0.0e+00;
	v27 =	vld [tilespmem:s0+$0x9540]  }
0x1f6: {  	s1 =	simm.s32 $0x400;
	v35 =	vimm.s32 $0x0;
	v59 =	vadd.s32 v12, v22;
	v33 =	vld [tilespmem:s0+$0x5540];
	v22 =	vimm.f32 $0.0e+00;
	[tilespmem:$0x1FE70] =	vst v8  }
.LBB2_67:
0x1f7: {  	p0 =	sne.s32 s1, $0xFC00  }
.Ltmp33:
0x1f8: {  	_ = 	snop;
	(pc) =	sbr.rel @p0 .LBB2_67-.Ltmp33, $4  }
0x1f9: {  	_ = 	snop  }
0x1fa: {  	s2 =	sshra.s32 s1, $0x2;
	s1 =	sadd.s32 $0x400, s1;
	v22 =	vadd.f32 v27, v22  }
0x1fb: {  	v27 =	vld [tilespmem:s2+$0x9540];
	v35 =	vadd.s32 v35, v33  }
0x1fc: {  	v33 =	vld [tilespmem:s2+$0x5540]  }
0x1fd: {  	_ =	sdelay $0x1  }
0x1fe: {  	v12 =	vld [tilespmem:s0+$0x9550]  }
0x1ff: {  	v8 =	vadd.f32 v27, v22;
	v27 =	vld [tilespmem:s0+$0x5550];
	_ =	sdelay $0x2  }
0x200: {  	s1 =	simm.s32 $0x400;
	v55 =	vadd.s32 v35, v33;
	[tilespmem:$0x1FE60] =	vst v8  }
.LBB2_69:
0x201: {  	s0 =	sshra.s32 s1, $0x2;
	p0 =	sne.s32 s1, $0xFC00;
	s1 =	sadd.s32 $0x400, s1;
	v17 =	vadd.f32 v12, v17  }
.Ltmp34:
0x202: {  	v12 =	vld [tilespmem:s0+$0x9550];
	v13 =	vadd.s32 v13, v27;
	(pc) =	sbr.rel @p0 .LBB2_69-.Ltmp34, $1  }
0x203: {  	v27 =	vld [tilespmem:s0+$0x5550];
	_ =	sdelay $0x3  }
0x204: {  	s0 =	simm.s32 $0x0;
	v8 =	vadd.f32 v12, v17  }
0x205: {  	v12 =	vimm.s32 $0x0;
	v50 =	vimm.f32 $0.0e+00;
	v33 =	vld [tilespmem:s0+$0x9560]  }
0x206: {  	s1 =	simm.s32 $0x400;
	v37 =	vimm.s32 $0x0;
	v60 =	vadd.s32 v13, v27;
	v35 =	vld [tilespmem:s0+$0x5560];
	v13 =	vimm.f32 $0.0e+00;
	[tilespmem:$0x1FE50] =	vst v8  }
.LBB2_71:
0x207: {  	p0 =	sne.s32 s1, $0xFC00  }
.Ltmp35:
0x208: {  	_ = 	snop;
	(pc) =	sbr.rel @p0 .LBB2_71-.Ltmp35, $4  }
0x209: {  	_ = 	snop  }
0x20a: {  	s2 =	sshra.s32 s1, $0x2;
	s1 =	sadd.s32 $0x400, s1;
	v13 =	vadd.f32 v33, v13  }
0x20b: {  	v33 =	vld [tilespmem:s2+$0x9560];
	v37 =	vadd.s32 v37, v35  }
0x20c: {  	v35 =	vld [tilespmem:s2+$0x5560]  }
0x20d: {  	_ =	sdelay $0x2  }
0x20e: {  	v8 =	vadd.f32 v33, v13  }
0x20f: {  	v27 =	vld [tilespmem:s0+$0x9570]  }
0x210: {  	s1 =	simm.s32 $0x400;
	v49 =	vld [tilespmem:s0+$0x5570];
	v52 =	vadd.s32 v37, v35;
	[tilespmem:$0x1FE40] =	vst v8  }
.LBB2_73:
0x211: {  	p0 =	sne.s32 s1, $0xFC00  }
.Ltmp36:
0x212: {  	_ = 	snop;
	(pc) =	sbr.rel @p0 .LBB2_73-.Ltmp36, $4  }
0x213: {  	_ = 	snop  }
0x214: {  	s0 =	sshra.s32 s1, $0x2;
	s1 =	sadd.s32 $0x400, s1;
	v50 =	vadd.f32 v27, v50  }
0x215: {  	v27 =	vld [tilespmem:s0+$0x9570];
	v12 =	vadd.s32 v12, v49  }
0x216: {  	v49 =	vld [tilespmem:s0+$0x5570]  }
0x217: {  	v8 =	vld [tilespmem:$0x1FFF0]  }
0x218: {  	vm0 =	vlt.s32 v29, v0  }
0x219: {  	v45 =	vor.u32 $0x10, v0;
	v33 =	vnsel vm0, $0x0, v53  }
0x21a: {  	v39 =	vor.u32 $0x30, v0;
	vm1 =	vlt.s32 v29, v45;
	(xrf2) =	vadd.scan.msk.f32 $0xffff, v33  }
0x21b: {  	v43 =	vor.u32 $0x20, v0;
	vm15 =	vlt.s32 v29, v39;
	v21 =	vnsel vm1, $0x0, v62  }
0x21c: {  	v10 =	vnsel vm0, $0x0, v10;
	vm14 =	vlt.s32 v29, v43;
	(xrf2) =	vadd.scan.msk.f32 $0xffff, v21;
	v33 =	vnsel vm15, $0x0, v8;
	v8 =	vld [tilespmem:$0x1FFE0]  }
0x21d: {  	(xrf0) =	vadd.scan.msk.s32 $0xffff, v10;
	v22 =	vnsel vm14, $0x0, v63  }
0x21e: {  	v31 =	vnsel vm1, $0x0, v31;
	(xrf2) =	vadd.scan.msk.f32 $0xffff, v22  }
0x21f: {  	v37 =	vor.u32 $0x40, v0;
	(xrf0) =	vadd.scan.msk.s32 $0xffff, v31  }
0x220: {  	vm4 =	vlt.s32 v29, v37;
	v35 =	vnsel vm14, $0x0, v14;
	(xrf2) =	vadd.scan.msk.f32 $0xffff, v33  }
0x221: {  	(xrf0) =	vadd.scan.msk.s32 $0xffff, v35;
	v41 =	vnsel vm4, $0x0, v8  }
0x222: {  	v53 =	vnsel vm15, $0x0, v16;
	(xrf2) =	vadd.scan.msk.f32 $0xffff, v41  }
0x223: {  	(xrf0) =	vadd.scan.msk.s32 $0xffff, v53;
	v62, _, _ =	vpop (xrf0)  }
0x224: {  	v63 =	vnsel vm4, $0x0, v20;
	v33 =	vor.u32 $0x50, v0;
	(v2sf) =	vpush v62, $0xF;
	v11, _, _ =	vpop (xrf2)  }
0x225: {  	(xrf0) =	vadd.scan.msk.s32 $0xffff, v63;
	vm5 =	vlt.s32 v29, v33;
	v16, _, _ =	vpop (xrf0);
	(v2sf) =	vpush v11, $0xF  }
0x226: {  	v17 =	vnsel vm5, $0x0, v24;
	v8 =	vld [tilespmem:$0x1FFD0];
	v18, _, _ =	vpop (xrf2);
	(v2sf) =	vpush v16, $0xF  }
0x227: {  	(xrf0) =	vadd.scan.msk.s32 $0xffff, v17;
	v20, _, _ =	vpop (xrf0);
	(v2sf) =	vpush v18, $0xF  }
0x228: {  	v21, _, _ =	vpop (xrf2);
	(v2sf) =	vpush v20, $0xF  }
0x229: {  	v22, _, _ =	vpop (xrf0);
	(v2sf) =	vpush v21, $0xF  }
0x22a: {  	v24, _, _ =	vpop (xrf2);
	(v2sf) =	vpush v22, $0xF  }
0x22b: {  	v31, _, _ =	vpop (xrf0);
	v53 =	vnsel vm5, $0x0, v8;
	v8 =	vld [tilespmem:$0x1FFC0];
	(v2sf) =	vpush v24, $0xF  }
0x22c: {  	(v2sf) =	vpush v31, $0xF;
	v35, _, _ =	vpop (xrf2)  }
0x22d: {  	v41, _, _ =	vpop (xrf0);
	(v2sf) =	vpush v35, $0xF  }
0x22e: {  	(v2sf) =	vpush v41, $0xF;
	v41 =	vor.u32 $0x60, v0  }
0x22f: {  	vm6 =	vlt.s32 v29, v41  }
0x230: {  	v62 =	vnsel vm6, $0x0, v8;
	v8 =	vld [tilespmem:$0x1FFB0];
	_ =	sdelay $0x2  }
0x231: {  	v35 =	vor.u32 $0x70, v0  }
0x232: {  	vm7 =	vlt.s32 v29, v35  }
0x233: {  	v63 =	vnsel vm7, $0x0, v8;
	v8 =	vld [tilespmem:$0x1FFA0];
	_ =	sdelay $0x2  }
0x234: {  	v31 =	vor.u32 $0x80, v0  }
0x235: {  	vm8 =	vlt.s32 v29, v31  }
0x236: {  	v17 =	vnsel vm8, $0x0, v8;
	v8 =	vld [tilespmem:$0x1FF90];
	_ =	sdelay $0x2  }
0x237: {  	v24 =	vor.u32 $0x90, v0  }
0x238: {  	vm9 =	vlt.s32 v29, v24  }
0x239: {  	v16 =	vnsel vm6, $0x0, v19;
	v19 =	vnsel vm9, $0x0, v8;
	v8 =	vld [tilespmem:$0x1FF80];
	_ =	sdelay $0x2  }
0x23a: {  	v18 =	vnsel vm7, $0x0, v23;
	v23 =	vor.u32 $0xA0, v0  }
0x23b: {  	vm10 =	vlt.s32 v29, v23  }
0x23c: {  	v22 =	vnsel vm8, $0x0, v26;
	v26 =	vnsel vm10, $0x0, v8;
	v8 =	vld [tilespmem:$0x1FF70]  }
0x23d: {  	(xrf2) =	vadd.scan.msk.f32 $0xffff, v53  }
0x23e: {  	(xrf2) =	vadd.scan.msk.f32 $0xffff, v62  }
0x23f: {  	v20 =	vor.u32 $0xB0, v0  }
0x240: {  	vm11 =	vlt.s32 v29, v20;
	(xrf0) =	vadd.scan.msk.s32 $0xffff, v16  }
0x241: {  	(xrf0) =	vadd.scan.msk.s32 $0xffff, v18;
	v53 =	vnsel vm11, $0x0, v8;
	v8 =	vld [tilespmem:$0x1FF60]  }
0x242: {  	(xrf2) =	vadd.scan.msk.f32 $0xffff, v63  }
0x243: {  	(xrf2) =	vadd.scan.msk.f32 $0xffff, v17  }
0x244: {  	(xrf2) =	vadd.scan.msk.f32 $0xffff, v19;
	v19 =	vor.u32 $0xC0, v0  }
0x245: {  	v28 =	vnsel vm9, $0x0, v28;
	(xrf0) =	vadd.scan.msk.s32 $0xffff, v22;
	vm12 =	vlt.s32 v29, v19  }
0x246: {  	v63 =	vnsel vm12, $0x0, v8;
	v8 =	vld [tilespmem:$0x1FF50]  }
0x247: {  	v10, _, _ =	vpop (xrf2);
	(xrf2) =	vadd.scan.msk.f32 $0xffff, v26  }
0x248: {  	(xrf0) =	vadd.scan.msk.s32 $0xffff, v28;
	v28, _, _ =	vpop (xrf2)  }
0x249: {  	v62 =	vnsel vm10, $0x0, v30;
	v16 =	vor.u32 $0xD0, v0;
	v26, _, _ =	vpop (xrf0);
	(xrf2) =	vadd.scan.msk.f32 $0xffff, v53  }
0x24a: {  	vm13 =	vlt.s32 v29, v16;
	(xrf0) =	vadd.scan.msk.s32 $0xffff, v62;
	v30, _, _ =	vpop (xrf0)  }
0x24b: {  	v21 =	vnsel vm11, $0x0, v32;
	v34 =	vnsel vm12, $0x0, v34;
	v32, _, _ =	vpop (xrf0);
	(xrf2) =	vadd.scan.msk.f32 $0xffff, v63;
	v22 =	vnsel vm13, $0x0, v8;
	v8 =	vld [tilespmem:$0x1FF40]  }
0x24c: {  	(xrf0) =	vadd.scan.msk.s32 $0xffff, v21;
	v53, _, _ =	vpop (xrf2)  }
0x24d: {  	v14 =	vor.u32 $0xE0, v0;
	v11 =	vld [tilespmem:$0x1FF30];
	v62, _, _ =	vpop (xrf2);
	(xrf2) =	vadd.scan.msk.f32 $0xffff, v22  }
0x24e: {  	vm14 =	vlt.s32 v29, v14;
	s1 =	spop (v2sf);
	v36 =	vnsel vm13, $0x0, v36;
	(xrf0) =	vadd.scan.msk.s32 $0xffff, v34;
	v34, _, _ =	vpop (xrf2)  }
0x24f: {  	v38 =	vnsel vm14, $0x0, v38;
	s6 =	spop (v2sf);
	(v2sf) =	vpush v10, $0xF;
	v10 =	vor.u32 $0xF0, v0;
	v63, _, _ =	vpop (xrf0);
	(xrf0) =	vadd.scan.msk.s32 $0xffff, v36  }
0x250: {  	vm15 =	vlt.s32 v29, v10;
	v17 =	vnsel vm14, $0x0, v8;
	v8, _, _ =	vpop (xrf0);
	(xrf0) =	vadd.scan.msk.s32 $0xffff, v38  }
0x251: {  	v12 =	vadd.s32 v12, v49;
	v18 =	vnsel vm15, $0x0, v40;
	v36, _, _ =	vpop (xrf2);
	(xrf2) =	vadd.scan.msk.f32 $0xffff, v17  }
0x252: {  	v21 =	vperm.xlane v12, v9;
	v29 =	vnsel vm15, $0x0, v11;
	v11, _, _ =	vpop (xrf0);
	(xrf0) =	vadd.scan.msk.s32 $0xffff, v18  }
0x253: {  	v38, _, _ =	vpop (xrf2);
	(xrf2) =	vadd.scan.msk.f32 $0xffff, v29  }
0x254: {  	v22 =	vperm.xlane v52, v9;
	v40, _, _ =	vpop (xrf0);
	(xrf0) =	vadd.scan.msk.s32 $0xffff, v21  }
0x255: {  	v49, _, _ =	vpop (xrf2);
	(xrf0) =	vadd.scan.msk.s32 $0xffff, v12  }
0x256: {  	v13, _, _ =	vpop (xrf0);
	(xrf0) =	vadd.scan.msk.s32 $0xffff, v22  }
0x257: {  	s7 =	spop (v2sf);
	(v2sf) =	vpush v26, $0xF;
	v15, _, _ =	vpop (xrf2)  }
0x258: {  	s26 =	spop (v2sf);
	(v2sf) =	vpush v28, $0xF;
	v29 =	vperm.xlane v60, v9;
	(xrf0) =	vadd.scan.msk.s32 $0xffff, v52;
	v17, _, _ =	vpop (xrf0)  }
0x259: {  	s8 =	spop (v2sf);
	(v2sf) =	vpush v30, $0xF;
	v21, _, _ =	vpop (xrf0)  }
0x25a: {  	s25 =	spop (v2sf);
	v30 =	vperm.xlane v55, v9;
	(v2sf) =	vpush v53, $0xF;
	(xrf0) =	vadd.scan.msk.s32 $0xffff, v29;
	v26, _, _ =	vpop (xrf0)  }
0x25b: {  	s5 =	spop (v2sf);
	(v2sf) =	vpush v32, $0xF;
	(xrf0) =	vadd.scan.msk.s32 $0xffff, v60;
	v28, _, _ =	vpop (xrf0)  }
0x25c: {  	s24 =	spop (v2sf);
	v32 =	vperm.xlane v59, v9;
	(v2sf) =	vpush v62, $0xF;
	(xrf0) =	vadd.scan.msk.s32 $0xffff, v30;
	v29, _, _ =	vpop (xrf0)  }
0x25d: {  	s3 =	spop (v2sf);
	(v2sf) =	vpush v63, $0xF;
	(xrf0) =	vadd.scan.msk.s32 $0xffff, v55;
	v18, _, _ =	vpop (xrf2)  }
0x25e: {  	s23 =	spop (v2sf);
	(v2sf) =	vpush v34, $0xF;
	v22 =	vperm.xlane v58, v9;
	(xrf0) =	vadd.scan.msk.s32 $0xffff, v32;
	v62, _, _ =	vpop (xrf0)  }
0x25f: {  	s4 =	spop (v2sf);
	(v2sf) =	vpush v8, $0xF;
	(xrf0) =	vadd.scan.msk.s32 $0xffff, v59;
	v53, _, _ =	vpop (xrf2)  }
0x260: {  	v8 =	vperm.xlane v61, v9;
	(v2sf) =	vpush v36, $0xF;
	(xrf0) =	vadd.scan.msk.s32 $0xffff, v22;
	v30, _, _ =	vpop (xrf0)  }
0x261: {  	(v2sf) =	vpush v11, $0xF;
	(xrf0) =	vadd.scan.msk.s32 $0xffff, v58;
	v63, _, _ =	vpop (xrf0)  }
0x262: {  	(v2sf) =	vpush v38, $0xF;
	(xrf0) =	vadd.scan.msk.s32 $0xffff, v8;
	v32, _, _ =	vpop (xrf0);
	v8 =	vperm.xlane v57, v9  }
0x263: {  	(v2sf) =	vpush v40, $0xF;
	(xrf0) =	vadd.scan.msk.s32 $0xffff, v61;
	v11, _, _ =	vpop (xrf0)  }
0x264: {  	(v2sf) =	vpush v49, $0xF;
	(xrf0) =	vadd.scan.msk.s32 $0xffff, v8;
	v34, _, _ =	vpop (xrf0);
	v8 =	vperm.xlane v56, v9  }
0x265: {  	(v2sf) =	vpush v13, $0xF;
	(xrf0) =	vadd.scan.msk.s32 $0xffff, v57;
	v22, _, _ =	vpop (xrf0)  }
0x266: {  	s22 =	spop (v2sf);
	(v2sf) =	vpush v15, $0xF;
	(xrf0) =	vadd.scan.msk.s32 $0xffff, v8;
	v36, _, _ =	vpop (xrf0)  }
0x267: {  	v8 =	vperm.xlane v51, v9;
	s9 =	spop (v2sf)  }
0x268: {  	(xrf0) =	vadd.scan.msk.s32 $0xffff, v56  }
0x269: {  	v13, _, _ =	vpop (xrf0);
	(xrf0) =	vadd.scan.msk.s32 $0xffff, v8;
	v8 =	vperm.xlane v54, v9  }
0x26a: {  	(v2sf) =	vpush v17, $0xF;
	s29 =	spop (v2sf);
	v38, _, _ =	vpop (xrf0);
	(xrf0) =	vadd.scan.msk.s32 $0xffff, v51  }
0x26b: {  	(v2sf) =	vpush v18, $0xF;
	s10 =	spop (v2sf);
	v15, _, _ =	vpop (xrf0);
	(xrf0) =	vadd.scan.msk.s32 $0xffff, v8;
	v8 =	vperm.xlane v48, v9  }
0x26c: {  	(v2sf) =	vpush v21, $0xF;
	s0 =	spop (v2sf);
	v40, _, _ =	vpop (xrf0);
	(xrf0) =	vadd.scan.msk.s32 $0xffff, v54  }
0x26d: {  	(v2sf) =	vpush v53, $0xF;
	s13 =	spop (v2sf);
	v17, _, _ =	vpop (xrf0);
	(xrf0) =	vadd.scan.msk.s32 $0xffff, v8;
	v8 =	vperm.xlane v47, v9  }
0x26e: {  	s30 =	spop (v2sf);
	(v2sf) =	vpush v28, $0xF;
	v49, _, _ =	vpop (xrf0);
	(xrf0) =	vadd.scan.msk.s32 $0xffff, v48  }
0x26f: {  	(v2sf) =	vpush v62, $0xF;
	s14 =	spop (v2sf);
	v18, _, _ =	vpop (xrf0);
	(xrf0) =	vadd.scan.msk.s32 $0xffff, v8;
	v8 =	vperm.xlane v46, v9  }
0x270: {  	(v2sf) =	vpush v63, $0xF;
	s16 =	spop (v2sf)  }
0x271: {  	[dreg:$0xc] =	wrdreg s16;
	v53, _, _ =	vpop (xrf0);
	(v2sf) =	vpush v11, $0xF;
	s16 =	spop (v2sf)  }
0x272: {  	(xrf0) =	vadd.scan.msk.s32 $0xffff, v47;
	v11, _, _ =	vpop (xrf0);
	(v2sf) =	vpush v22, $0xF;
	s17 =	spop (v2sf)  }
0x273: {  	v62 =	vperm.xlane v44, v9;
	(xrf0) =	vadd.scan.msk.s32 $0xffff, v8;
	[dreg:$0x9] =	wrdreg s17;
	(v2sf) =	vpush v13, $0xF;
	s17 =	spop (v2sf);
	v8, _, _ =	vpop (xrf0)  }
0x274: {  	s18 =	spop (v2sf);
	(xrf0) =	vadd.scan.msk.s32 $0xffff, v46;
	v63, _, _ =	vpop (xrf0)  }
0x275: {  	(v2sf) =	vpush v15, $0xF;
	[dreg:$0xa] =	wrdreg s18;
	s18 =	spop (v2sf);
	(xrf0) =	vadd.scan.msk.s32 $0xffff, v62;
	v15, _, _ =	vpop (xrf0)  }
0x276: {  	(v2sf) =	vpush v17, $0xF;
	s19 =	spop (v2sf);
	(xrf0) =	vadd.scan.msk.s32 $0xffff, v44;
	v21, _, _ =	vpop (xrf0)  }
0x277: {  	(v2sf) =	vpush v18, $0xF;
	[dreg:$0xd] =	wrdreg s19;
	s19 =	spop (v2sf);
	v18, _, _ =	vpop (xrf0)  }
0x278: {  	(v2sf) =	vpush v11, $0xF;
	s20 =	spop (v2sf);
	v22, _, _ =	vpop (xrf0)  }
0x279: {  	(v2sf) =	vpush v63, $0xF;
	[dreg:$0xb] =	wrdreg s20;
	s20 =	spop (v2sf);
	v13, _, _ =	vpop (xrf0)  }
0x27a: {  	(v2sf) =	vpush v21, $0xF;
	s21 =	spop (v2sf);
	v62, _, _ =	vpop (xrf0)  }
0x27b: {  	s1 =	sadd.s32 s1, s7;
	(v2sf) =	vpush v22, $0xF;
	[dreg:$0x8] =	wrdreg s21;
	s21 =	spop (v2sf);
	v63, _, _ =	vpop (xrf0)  }
0x27c: {  	s1 =	sadd.s32 s8, s1;
	s28 =	spop (v2sf);
	(v2sf) =	vpush v62, $0xF;
	v21, _, _ =	vpop (xrf0)  }
0x27d: {  	s5 =	sadd.s32 s5, s1;
	s31 =	spop (v2sf);
	(v2sf) =	vpush v21, $0xF  }
0x27e: {  	s3 =	sadd.s32 s3, s5;
	s2 =	spop (v2sf)  }
0x27f: {  	[dreg:$0xe] =	wrdreg s0;
	s0 =	sadd.s32 s2, s31;
	s8 =	spop (v2sf)  }
0x280: {  	[dreg:$0x7] =	wrdreg s28;
	s1 =	sadd.s32 s8, s0;
	s28 =	spop (v2sf)  }
0x281: {  	s4 =	sadd.s32 s4, s3;
	s2 =	sadd.s32 s28, s1;
	s31 =	spop (v2sf)  }
0x282: {  	s8 =	sadd.s32 s9, s4;
	s3 =	sadd.s32 s31, s2;
	s7 =	spop (v2sf)  }
0x283: {  	v22 =	vperm.xlane v42, v9;
	s4 =	sadd.s32 s7, s3;
	s7 =	sadd.s32 s10, s8  }
0x284: {  	s9 =	spop (v2sf);
	s28 =	sadd.s32 s13, s7  }
0x285: {  	(xrf0) =	vadd.scan.msk.s32 $0xffff, v22;
	s5 =	sadd.s32 s9, s4;
	s10 =	spop (v2sf);
	s9 =	sadd.s32 s14, s28  }
0x286: {  	s31 =	sadd.s32 s10, s5;
	s10 =	spop (v2sf);
	s9 =	sadd.s32 s16, s9  }
0x287: {  	s8 =	sadd.s32 s10, s31;
	s13 =	spop (v2sf);
	s9 =	sadd.s32 s17, s9  }
0x288: {  	v49 =	vperm.xlane v49, v9;
	s10 =	sadd.s32 s13, s8;
	s14 =	spop (v2sf);
	s9 =	sadd.s32 s18, s9  }
0x289: {  	v8 =	vperm.xlane v8, v9;
	v13 =	vperm.xlane v13, v9;
	s13 =	sadd.s32 s14, s10;
	s16 =	spop (v2sf);
	s9 =	sadd.s32 s19, s9  }
0x28a: {  	v62 =	vperm.xlane v18, v9;
	v22 =	vperm.xlane v29, v9;
	s14 =	sadd.s32 s16, s13;
	s17 =	spop (v2sf);
	s9 =	sadd.s32 s20, s9  }
0x28b: {  	v29 =	vbroadcast v28, $0xF;
	v11 =	vperm.xlane v63, v9;
	v17, _, _ =	vpop (xrf0);
	s16 =	sadd.s32 s17, s14;
	s9 =	sadd.s32 s21, s9;
	s18 =	spop (v2sf)  }
0x28c: {  	v21 =	vperm.xlane v15, v9;
	v17 =	vperm.xlane v17, v9;
	s15 =	ssub.s32 s15, s9;
	v13 =	vadd.s32 s16, v13;
	s17 =	sadd.s32 s18, s16;
	s19 =	spop (v2sf)  }
0x28d: {  	v15 =	vperm.xlane v32, v9;
	v8 =	vadd.s32 s10, v8;
	vm6 =	vge.s32 v13, s15;
	s18 =	sadd.s32 s19, s17  }
0x28e: {  	vm9 =	vge.s32 v8, s15;
	v11 =	vadd.s32 s17, v11;
	v17 =	vadd.s32 s18, v17  }
0x28f: {  	vm5 =	vge.s32 v11, s15;
	v11 =	vadd.s32 s13, v21;
	vm4 =	vge.s32 v17, s15  }
0x290: {  	v21 =	vperm.xlane v34, v9;
	v34 =	vperm.xlane v38, v9;
	v63 =	vsel vm4, $0x1, v2  }
0x291: {  	v38 =	vperm.xlane v40, v9;
	v13 =	vsel vm5, $0x1, v2;
	v17 =	vadd.s32 s14, v62;
	(xrf0) =	vadd.scan.msk.s32 $0xffff, v63  }
0x292: {  	vm8 =	vge.s32 v11, s15;
	v62 =	vperm.xlane v53, v9;
	vm7 =	vge.s32 v17, s15  }
0x293: {  	v8 =	vsel vm8, $0x1, v2;
	v17 =	vsel vm6, $0x1, v2;
	v18 =	vsel vm7, $0x1, v2;
	(xrf0) =	vadd.scan.msk.s32 $0xffff, v13  }
0x294: {  	v13 =	vadd.s32 v29, v22;
	v22 =	vsel vm9, $0x1, v2;
	(xrf0) =	vadd.scan.msk.s32 $0xffff, v17;
	v17 =	vperm.xlane v26, v9  }
0x295: {  	v26 =	vperm.xlane v36, v9;
	(xrf0) =	vadd.scan.msk.s32 $0xffff, v18;
	v18 =	vperm.xlane v30, v9;
	v9 =	vadd.s32 s8, v62  }
0x296: {  	v30 =	vadd.s32 s5, v38;
	(xrf0) =	vadd.scan.msk.s32 $0xffff, v8;
	v8 =	vadd.s32 s31, v49;
	vm10 =	vge.s32 v9, s15  }
0x297: {  	vm12 =	vge.s32 v30, s15;
	(xrf0) =	vadd.scan.msk.s32 $0xffff, v22;
	vm11 =	vge.s32 v8, s15;
	v8 =	vsel vm10, $0x1, v2;
	v32, _, _ =	vpop (xrf0)  }
0x298: {  	(xrf0) =	vadd.scan.msk.s32 $0xffff, v8;
	v8 =	vadd.s32 s4, v34;
	(v2sf) =	vpush v32, $0xF;
	v32 =	vsel vm11, $0x1, v2  }
0x299: {  	v34 =	vadd.s32 s3, v26;
	vm13 =	vge.s32 v8, s15;
	v8 =	vsel vm12, $0x1, v2;
	(xrf0) =	vadd.scan.msk.s32 $0xffff, v32  }
0x29a: {  	v36, _, _ =	vpop (xrf0);
	vm14 =	vge.s32 v34, s15;
	(xrf0) =	vadd.scan.msk.s32 $0xffff, v8;
	v8 =	vadd.s32 s2, v21  }
0x29b: {  	vm15 =	vge.s32 v8, s15;
	v8 =	vsel vm14, $0x1, v2  }
0x29c: {  	v38 =	vadd.s32 s1, v15;
	(v2sf) =	vpush v36, $0xF;
	v40, _, _ =	vpop (xrf0);
	v36 =	vsel vm13, $0x1, v2  }
0x29d: {  	vm4 =	vge.s32 v38, s15;
	(v2sf) =	vpush v40, $0xF;
	v63, _, _ =	vpop (xrf0);
	(xrf0) =	vadd.scan.msk.s32 $0xffff, v36  }
0x29e: {  	v40 =	vadd.s32 s0, v18;
	(v2sf) =	vpush v63, $0xF;
	(xrf0) =	vadd.scan.msk.s32 $0xffff, v8;
	v49 =	vsel vm15, $0x1, v2;
	v8, _, _ =	vpop (xrf0)  }
0x29f: {  	v53 =	vsel vm4, $0x1, v2;
	vm5 =	vge.s32 v40, s15;
	(xrf0) =	vadd.scan.msk.s32 $0xffff, v49;
	(v2sf) =	vpush v8, $0xF;
	v8, _, _ =	vpop (xrf0)  }
0x2a0: {  	vm6 =	vge.s32 v13, s15;
	v62 =	vsel vm5, $0x1, v2;
	(xrf0) =	vadd.scan.msk.s32 $0xffff, v53;
	(v2sf) =	vpush v8, $0xF;
	v8, _, _ =	vpop (xrf0)  }
0x2a1: {  	vm7 =	vge.s32 v17, s15;
	v63 =	vsel vm6, $0x1, v2;
	(xrf0) =	vadd.scan.msk.s32 $0xffff, v62;
	(v2sf) =	vpush v8, $0xF;
	v8, _, _ =	vpop (xrf0)  }
0x2a2: {  	v13 =	vsel vm7, $0x1, v2;
	(xrf0) =	vadd.scan.msk.s32 $0xffff, v63;
	(v2sf) =	vpush v8, $0xF;
	v8, _, _ =	vpop (xrf0)  }
0x2a3: {  	(xrf0) =	vadd.scan.msk.s32 $0xffff, v13;
	(v2sf) =	vpush v8, $0xF;
	v8, _, _ =	vpop (xrf0)  }
0x2a4: {  	v15, _, _ =	vpop (xrf0);
	(v2sf) =	vpush v8, $0xF  }
0x2a5: {  	v8, _, _ =	vpop (xrf0);
	(v2sf) =	vpush v15, $0xF  }
0x2a6: {  	(v2sf) =	vpush v8, $0xF;
	v8, _, _ =	vpop (xrf0)  }
0x2a7: {  	(v2sf) =	vpush v8, $0xF;
	v8, _, _ =	vpop (xrf0)  }
0x2a8: {  	(v2sf) =	vpush v8, $0xF;
	v8, _, _ =	vpop (xrf0)  }
0x2a9: {  	(v2sf) =	vpush v8, $0xF;
	v8, _, _ =	vpop (xrf0)  }
0x2aa: {  	s0 =	spop (v2sf);
	(v2sf) =	vpush v8, $0xF  }
0x2ab: {  	s1 =	spop (v2sf)  }
0x2ac: {  	s2 =	spop (v2sf)  }
0x2ad: {  	s3 =	spop (v2sf)  }
0x2ae: {  	s4 =	spop (v2sf)  }
0x2af: {  	s5 =	spop (v2sf)  }
0x2b0: {  	s7 =	spop (v2sf)  }
0x2b1: {  	s8 =	spop (v2sf)  }
0x2b2: {  	s9 =	spop (v2sf)  }
0x2b3: {  	s10 =	spop (v2sf)  }
0x2b4: {  	s13 =	spop (v2sf)  }
0x2b5: {  	s14 =	spop (v2sf)  }
0x2b6: {  	s20 =	spop (v2sf)  }
0x2b7: {  	s21 =	spop (v2sf)  }
0x2b8: {  	s28 =	spop (v2sf)  }
0x2b9: {  	s31 =	spop (v2sf)  }
0x2ba: {  	s18 =	sadd.s32 s28, s31  }
0x2bb: {  	s17 =	sadd.s32 s21, s18  }
0x2bc: {  	s16 =	sadd.s32 s20, s17  }
0x2bd: {  	s14 =	sadd.s32 s14, s16  }
0x2be: {  	s13 =	sadd.s32 s13, s14  }
0x2bf: {  	s10 =	sadd.s32 s10, s13  }
0x2c0: {  	s9 =	sadd.s32 s9, s10  }
0x2c1: {  	s8 =	sadd.s32 s8, s9  }
0x2c2: {  	s7 =	sadd.s32 s7, s8  }
0x2c3: {  	s5 =	sadd.s32 s5, s7  }
0x2c4: {  	s4 =	sadd.s32 s4, s5  }
0x2c5: {  	s3 =	sadd.s32 s3, s4  }
0x2c6: {  	s2 =	sadd.s32 s2, s3  }
0x2c7: {  	v17 =	vld [tilespmem:$0x1FF10];
	s1 =	sadd.s32 s1, s2  }
0x2c8: {  	s0 =	sadd.s32 s0, s1  }
0x2c9: {  	s0 =	sadd.s32 $0xFFFFFFFF, s0  }
0x2ca: {  	v18 =	vld [tilespmem:$0x1FF00];
	v9 =	vmov s0  }
0x2cb: {  	vm8 =	vlt.s32 v9, v0  }
0x2cc: {  	vm9 =	veq.s32 v9, v0;
	v8 =	vnsel vm8, $0x0, v17  }
0x2cd: {  	(xrf2) =	vadd.scan.msk.f32 $0xffff, v8;
	v8 =	vnsel vm9, $0x0, v17  }
0x2ce: {  	v21 =	vld [tilespmem:$0x1FEF0];
	vm10 =	vlt.s32 v9, v45;
	(xrf2) =	vadd.scan.msk.f32 $0xffff, v8;
	v8 =	vnsel vm8, $0x0, v42  }
0x2cf: {  	(xrf0) =	vadd.scan.msk.s32 $0xffff, v8;
	v8 =	vnsel vm10, $0x0, v18  }
0x2d0: {  	vm2 =	veq.s32 v9, v45;
	(xrf2) =	vadd.scan.msk.f32 $0xffff, v8;
	v8 =	vnsel vm9, $0x0, v42  }
0x2d1: {  	(xrf0) =	vadd.scan.msk.s32 $0xffff, v8;
	v8 =	vnsel vm2, $0x0, v18  }
0x2d2: {  	vm11 =	vlt.s32 v9, v43;
	(xrf2) =	vadd.scan.msk.f32 $0xffff, v8;
	v8 =	vnsel vm10, $0x0, v44  }
0x2d3: {  	(xrf0) =	vadd.scan.msk.s32 $0xffff, v8;
	v8 =	vnsel vm11, $0x0, v21  }
0x2d4: {  	v26 =	vld [tilespmem:$0x1FEE0];
	(xrf2) =	vadd.scan.msk.f32 $0xffff, v8;
	v8 =	vnsel vm2, $0x0, v44;
	_ =	sdelay $0x1  }
0x2d5: {  	vm12 =	veq.s32 v9, v43  }
0x2d6: {  	v11 =	vnsel vm12, $0x0, v21;
	(xrf0) =	vadd.scan.msk.s32 $0xffff, v8;
	v8, _, _ =	vpop (xrf0)  }
0x2d7: {  	v34 =	vld [tilespmem:$0x1FED0];
	vm13 =	vlt.s32 v9, v39;
	v22 =	vnsel vm11, $0x0, v46;
	(xrf2) =	vadd.scan.msk.f32 $0xffff, v11;
	(v2sf) =	vpush v8, $0xF;
	v8, _, _ =	vpop (xrf2)  }
0x2d8: {  	v28 =	vnsel vm13, $0x0, v26;
	(xrf0) =	vadd.scan.msk.s32 $0xffff, v22;
	(v2sf) =	vpush v8, $0xF;
	v8, _, _ =	vpop (xrf0)  }
0x2d9: {  	vm14 =	veq.s32 v9, v39;
	v29 =	vnsel vm12, $0x0, v46;
	(xrf2) =	vadd.scan.msk.f32 $0xffff, v28;
	(v2sf) =	vpush v8, $0xF;
	v8, _, _ =	vpop (xrf2)  }
0x2da: {  	v30 =	vnsel vm14, $0x0, v26;
	(xrf0) =	vadd.scan.msk.s32 $0xffff, v29;
	(v2sf) =	vpush v8, $0xF;
	v8, _, _ =	vpop (xrf0)  }
0x2db: {  	s19 =	sadd.f32 $0.0e+00, s6;
	vm15 =	vlt.s32 v9, v37;
	v32 =	vnsel vm13, $0x0, v47;
	(xrf2) =	vadd.scan.msk.f32 $0xffff, v30;
	(v2sf) =	vpush v8, $0xF;
	v8, _, _ =	vpop (xrf2)  }
0x2dc: {  	v36 =	vnsel vm15, $0x0, v34;
	(xrf0) =	vadd.scan.msk.s32 $0xffff, v32;
	(v2sf) =	vpush v8, $0xF;
	v8, _, _ =	vpop (xrf0)  }
0x2dd: {  	s0 =	sadd.f32 s19, s26;
	vm4 =	veq.s32 v9, v37;
	v37 =	vnsel vm14, $0x0, v47;
	(xrf2) =	vadd.scan.msk.f32 $0xffff, v36;
	(v2sf) =	vpush v8, $0xF;
	v8, _, _ =	vpop (xrf2)  }
0x2de: {  	v38 =	vnsel vm4, $0x0, v34;
	(xrf0) =	vadd.scan.msk.s32 $0xffff, v37;
	(v2sf) =	vpush v8, $0xF;
	v8, _, _ =	vpop (xrf0)  }
0x2df: {  	v40 =	vld [tilespmem:$0x1FEC0];
	v39 =	vnsel vm15, $0x0, v48;
	s0 =	sadd.f32 s0, s25;
	(xrf2) =	vadd.scan.msk.f32 $0xffff, v38;
	(v2sf) =	vpush v8, $0xF;
	v8, _, _ =	vpop (xrf2)  }
0x2e0: {  	(xrf0) =	vadd.scan.msk.s32 $0xffff, v39;
	(v2sf) =	vpush v8, $0xF;
	v8, _, _ =	vpop (xrf0)  }
0x2e1: {  	s0 =	sadd.f32 s0, s24;
	(v2sf) =	vpush v8, $0xF;
	v8, _, _ =	vpop (xrf2)  }
0x2e2: {  	v43 =	vnsel vm4, $0x0, v48;
	(v2sf) =	vpush v8, $0xF;
	v8, _, _ =	vpop (xrf0)  }
0x2e3: {  	vm5 =	vlt.s32 v9, v33;
	s0 =	sadd.f32 s0, s23;
	(xrf0) =	vadd.scan.msk.s32 $0xffff, v43;
	(v2sf) =	vpush v8, $0xF;
	v8, _, _ =	vpop (xrf2)  }
0x2e4: {  	v42 =	vnsel vm5, $0x0, v40;
	(v2sf) =	vpush v8, $0xF;
	v8, _, _ =	vpop (xrf0)  }
0x2e5: {  	v45 =	vnsel vm5, $0x0, v54;
	s0 =	sadd.f32 s0, s22;
	(xrf2) =	vadd.scan.msk.f32 $0xffff, v42;
	(v2sf) =	vpush v8, $0xF;
	v8, _, _ =	vpop (xrf2)  }
0x2e6: {  	s19 =	rddreg [dreg:$0xc];
	(xrf0) =	vadd.scan.msk.s32 $0xffff, v45;
	(v2sf) =	vpush v8, $0xF;
	s20 =	spop (v2sf);
	v8, _, _ =	vpop (xrf0)  }
0x2e7: {  	s0 =	sadd.f32 s0, s29;
	s2 =	spop (v2sf);
	(v2sf) =	vpush v8, $0xF;
	v8, _, _ =	vpop (xrf2)  }
0x2e8: {  	s29 =	rddreg [dreg:$0xd];
	s3 =	spop (v2sf);
	(v2sf) =	vpush v8, $0xF  }
0x2e9: {  	vm6 =	veq.s32 v9, v33;
	[dreg:$0xf] =	wrdreg s20;
	v8, _, _ =	vpop (xrf0);
	s7 =	spop (v2sf)  }
0x2ea: {  	v44 =	vnsel vm6, $0x0, v40;
	s2 =	sadd.f32 $0.0e+00, s2;
	(v2sf) =	vpush v8, $0xF;
	v8, _, _ =	vpop (xrf2);
	s21 =	spop (v2sf)  }
0x2eb: {  	v48 =	vnsel vm6, $0x0, v54;
	(xrf2) =	vadd.scan.msk.f32 $0xffff, v44;
	(v2sf) =	vpush v8, $0xF;
	s7 =	sadd.f32 $0.0e+00, s7;
	s28 =	spop (v2sf)  }
0x2ec: {  	(xrf0) =	vadd.scan.msk.s32 $0xffff, v48;
	v8, _, _ =	vpop (xrf0);
	[dreg:$0x10] =	wrdreg s21;
	s10 =	spop (v2sf)  }
0x2ed: {  	(v2sf) =	vpush v8, $0xF;
	[dreg:$0x13] =	wrdreg s28;
	s31 =	spop (v2sf)  }
0x2ee: {  	vm7 =	vlt.s32 v9, v41;
	[dreg:$0x15] =	wrdreg s31;
	s1 =	spop (v2sf)  }
0x2ef: {  	v46 =	vld [tilespmem:$0x1FEB0];
	v53 =	vnsel vm7, $0x0, v51;
	[dreg:$0x11] =	wrdreg s1;
	s4 =	spop (v2sf)  }
0x2f0: {  	(xrf0) =	vadd.scan.msk.s32 $0xffff, v53;
	v8, _, _ =	vpop (xrf2);
	[dreg:$0x16] =	wrdreg s4;
	s5 =	spop (v2sf)  }
0x2f1: {  	(v2sf) =	vpush v8, $0xF;
	[dreg:$0x18] =	wrdreg s5;
	s8 =	spop (v2sf)  }
0x2f2: {  	v8, _, _ =	vpop (xrf0);
	[dreg:$0x17] =	wrdreg s8;
	s9 =	spop (v2sf)  }
0x2f3: {  	v54 =	vld [tilespmem:$0x1FEA0];
	(v2sf) =	vpush v8, $0xF;
	[dreg:$0x12] =	wrdreg s9;
	s13 =	spop (v2sf)  }
0x2f4: {  	v47 =	vnsel vm7, $0x0, v46;
	[dreg:$0x1a] =	wrdreg s13;
	s14 =	spop (v2sf)  }
0x2f5: {  	vm8 =	veq.s32 v9, v41;
	(xrf2) =	vadd.scan.msk.f32 $0xffff, v47;
	v8, _, _ =	vpop (xrf2);
	[dreg:$0x1d] =	wrdreg s14;
	s16 =	spop (v2sf)  }
0x2f6: {  	v49 =	vnsel vm8, $0x0, v46;
	(v2sf) =	vpush v8, $0xF;
	v8, _, _ =	vpop (xrf0);
	[dreg:$0x1b] =	wrdreg s16;
	s17 =	spop (v2sf)  }
0x2f7: {  	vm9 =	vlt.s32 v9, v35;
	(xrf2) =	vadd.scan.msk.f32 $0xffff, v49;
	(v2sf) =	vpush v8, $0xF;
	[dreg:$0x14] =	wrdreg s17;
	s18 =	spop (v2sf)  }
0x2f8: {  	v62 =	vnsel vm9, $0x0, v54;
	[dreg:$0x1c] =	wrdreg s18  }
0x2f9: {  	v63 =	vnsel vm8, $0x0, v51;
	vm10 =	veq.s32 v9, v35;
	(xrf2) =	vadd.scan.msk.f32 $0xffff, v62;
	s28 =	spop (v2sf);
	s18 =	rddreg [dreg:$0xe]  }
0x2fa: {  	v13 =	vnsel vm10, $0x0, v54;
	(xrf0) =	vadd.scan.msk.s32 $0xffff, v63;
	s20 =	spop (v2sf);
	s0 =	sadd.f32 s0, s18  }
0x2fb: {  	v17 =	vld [tilespmem:$0x1FE90];
	v15 =	vnsel vm9, $0x0, v56;
	(xrf2) =	vadd.scan.msk.f32 $0xffff, v13;
	[dreg:$0x1f] =	wrdreg s20  }
0x2fc: {  	(xrf0) =	vadd.scan.msk.s32 $0xffff, v15;
	s21 =	spop (v2sf);
	s20 =	rddreg [dreg:$0x9]  }
0x2fd: {  	v21 =	vnsel vm10, $0x0, v56;
	[dreg:$0x19] =	wrdreg s21  }
0x2fe: {  	vm11 =	vlt.s32 v9, v31;
	(xrf0) =	vadd.scan.msk.s32 $0xffff, v21;
	s0 =	sadd.f32 s0, s30  }
0x2ff: {  	v26 =	vnsel vm11, $0x0, v57;
	v28 =	vld [tilespmem:$0x1FE80];
	v8, _, _ =	vpop (xrf2);
	s21 =	rddreg [dreg:$0xa]  }
0x300: {  	v18 =	vnsel vm11, $0x0, v17;
	(xrf0) =	vadd.scan.msk.s32 $0xffff, v26;
	(v2sf) =	vpush v8, $0xF;
	v8, _, _ =	vpop (xrf0);
	s31 =	spop (v2sf);
	s1 =	sadd.f32 s0, s19  }
0x301: {  	vm12 =	veq.s32 v9, v31;
	(xrf2) =	vadd.scan.msk.f32 $0xffff, v18;
	(v2sf) =	vpush v8, $0xF;
	v8, _, _ =	vpop (xrf2);
	[smem:$0x7F7] =	sst s31  }
0x302: {  	v22 =	vnsel vm12, $0x0, v17;
	(v2sf) =	vpush v8, $0xF;
	v8, _, _ =	vpop (xrf0);
	s4 =	spop (v2sf);
	s1 =	sadd.f32 s1, s20  }
0x303: {  	vm13 =	vlt.s32 v9, v24;
	(xrf2) =	vadd.scan.msk.f32 $0xffff, v22;
	(v2sf) =	vpush v8, $0xF;
	v8, _, _ =	vpop (xrf2);
	[smem:$0x7F5] =	sst s4  }
0x304: {  	v29 =	vnsel vm13, $0x0, v28;
	(v2sf) =	vpush v8, $0xF;
	v8, _, _ =	vpop (xrf0);
	s1 =	sadd.f32 s1, s21  }
0x305: {  	vm14 =	veq.s32 v9, v24;
	v30 =	vnsel vm12, $0x0, v57;
	(xrf2) =	vadd.scan.msk.f32 $0xffff, v29;
	(v2sf) =	vpush v8, $0xF;
	v8, _, _ =	vpop (xrf2);
	s5 =	spop (v2sf);
	s4 =	rddreg [dreg:$0xb]  }
0x306: {  	v31 =	vnsel vm14, $0x0, v28;
	(xrf0) =	vadd.scan.msk.s32 $0xffff, v30;
	(v2sf) =	vpush v8, $0xF;
	v8, _, _ =	vpop (xrf0);
	s6 =	spop (v2sf);
	s1 =	sadd.f32 s1, s29  }
0x307: {  	vm15 =	vlt.s32 v9, v23;
	v32 =	vnsel vm13, $0x0, v61;
	v37 =	vld [tilespmem:$0x1FE70];
	(xrf2) =	vadd.scan.msk.f32 $0xffff, v31;
	(v2sf) =	vpush v8, $0xF;
	[dreg:$0x1e] =	wrdreg s6  }
0x308: {  	v33 =	vnsel vm15, $0x0, v25;
	(xrf0) =	vadd.scan.msk.s32 $0xffff, v32;
	s1 =	sadd.f32 s1, s4  }
0x309: {  	vm4 =	veq.s32 v9, v23;
	v34 =	vnsel vm14, $0x0, v61;
	(xrf2) =	vadd.scan.msk.f32 $0xffff, v33;
	s6 =	rddreg [dreg:$0x8]  }
0x30a: {  	v35 =	vnsel vm4, $0x0, v25;
	(xrf0) =	vadd.scan.msk.s32 $0xffff, v34;
	s21 =	sadd.f32 s1, s6  }
0x30b: {  	vm5 =	vlt.s32 v9, v20;
	v36 =	vnsel vm15, $0x0, v58;
	(xrf2) =	vadd.scan.msk.f32 $0xffff, v35;
	v8, _, _ =	vpop (xrf2);
	s6 =	rddreg [dreg:$0x15]  }
0x30c: {  	v38 =	vnsel vm5, $0x0, v37;
	(xrf0) =	vadd.scan.msk.s32 $0xffff, v36;
	(v2sf) =	vpush v8, $0xF;
	v8, _, _ =	vpop (xrf0);
	s1 =	sadd.f32 s7, s6  }
0x30d: {  	v39 =	vnsel vm4, $0x0, v58;
	v42 =	vld [tilespmem:$0x1FE60];
	(xrf2) =	vadd.scan.msk.f32 $0xffff, v38;
	(v2sf) =	vpush v8, $0xF;
	v8, _, _ =	vpop (xrf2);
	s29 =	sadd.s32 s10, s3;
	s7 =	rddreg [dreg:$0x18]  }
0x30e: {  	(xrf0) =	vadd.scan.msk.s32 $0xffff, v39;
	(v2sf) =	vpush v8, $0xF;
	v8, _, _ =	vpop (xrf0);
	s0 =	sadd.s32 s7, s29;
	s29 =	rddreg [dreg:$0x13]  }
0x30f: {  	v41 =	vnsel vm5, $0x0, v59;
	vm6 =	veq.s32 v9, v20;
	(v2sf) =	vpush v8, $0xF;
	v8, _, _ =	vpop (xrf2);
	s8 =	spop (v2sf);
	s7 =	rddreg [dreg:$0x1d]  }
0x310: {  	v40 =	vnsel vm6, $0x0, v37;
	(v2sf) =	vpush v8, $0xF;
	v8, _, _ =	vpop (xrf0);
	(xrf0) =	vadd.scan.msk.s32 $0xffff, v41;
	s31 =	spop (v2sf);
	s2 =	sadd.f32 s2, s29  }
0x311: {  	vm7 =	vlt.s32 v9, v19;
	v44 =	vnsel vm6, $0x0, v59;
	(xrf2) =	vadd.scan.msk.f32 $0xffff, v40;
	(v2sf) =	vpush v8, $0xF;
	v8, _, _ =	vpop (xrf2);
	s9 =	spop (v2sf);
	s29 =	rddreg [dreg:$0x17]  }
0x312: {  	v43 =	vnsel vm7, $0x0, v42;
	(xrf0) =	vadd.scan.msk.s32 $0xffff, v44;
	(v2sf) =	vpush v8, $0xF;
	v8, _, _ =	vpop (xrf0);
	s13 =	spop (v2sf);
	s1 =	sadd.f32 s1, s29  }
0x313: {  	vm8 =	veq.s32 v9, v19;
	v47 =	vld [tilespmem:$0x1FE50];
	(xrf2) =	vadd.scan.msk.f32 $0xffff, v43;
	(v2sf) =	vpush v8, $0xF;
	v8, _, _ =	vpop (xrf2);
	s14 =	spop (v2sf);
	s29 =	rddreg [dreg:$0x16]  }
0x314: {  	v45 =	vnsel vm8, $0x0, v42;
	(v2sf) =	vpush v8, $0xF;
	v8, _, _ =	vpop (xrf0);
	s25 =	spop (v2sf);
	s2 =	sadd.f32 s2, s29  }
0x315: {  	v46 =	vnsel vm7, $0x0, v55;
	(xrf2) =	vadd.scan.msk.f32 $0xffff, v45;
	(v2sf) =	vpush v8, $0xF;
	v8, _, _ =	vpop (xrf2);
	s16 =	spop (v2sf);
	s29 =	sld [smem:$0x7F5]  }
0x316: {  	[smem:$0x7F6] =	sst s5;
	(xrf0) =	vadd.scan.msk.s32 $0xffff, v46;
	(v2sf) =	vpush v8, $0xF;
	v8, _, _ =	vpop (xrf0);
	s17 =	spop (v2sf);
	s0 =	sadd.s32 s7, s0  }
0x317: {  	vm9 =	vlt.s32 v9, v16;
	v54 =	vld [tilespmem:$0x1FE40];
	v49 =	vnsel vm8, $0x0, v55;
	(v2sf) =	vpush v8, $0xF;
	v8, _, _ =	vpop (xrf2);
	[smem:$0x7FD] =	sst s17;
	s0 =	sadd.s32 s28, s0  }
0x318: {  	vm10 =	veq.s32 v9, v16;
	v48 =	vnsel vm9, $0x0, v47;
	(xrf0) =	vadd.scan.msk.s32 $0xffff, v49;
	(v2sf) =	vpush v8, $0xF;
	v8, _, _ =	vpop (xrf0);
	s0 =	sadd.s32 s29, s0;
	s29 =	rddreg [dreg:$0x1b]  }
0x319: {  	v53 =	vnsel vm9, $0x0, v60;
	(xrf2) =	vadd.scan.msk.f32 $0xffff, v48;
	(v2sf) =	vpush v8, $0xF;
	v8 =	vnsel vm10, $0x0, v60;
	s1 =	sadd.f32 s1, s29  }
0x31a: {  	v51 =	vnsel vm10, $0x0, v47;
	(xrf0) =	vadd.scan.msk.s32 $0xffff, v53;
	s29 =	rddreg [dreg:$0x1a]  }
0x31b: {  	vm11 =	vlt.s32 v9, v14;
	(xrf2) =	vadd.scan.msk.f32 $0xffff, v51;
	v56, _, _ =	vpop (xrf2);
	s2 =	sadd.f32 s2, s29  }
0x31c: {  	v55 =	vnsel vm11, $0x0, v54;
	(v2sf) =	vpush v56, $0xF;
	(xrf0) =	vadd.scan.msk.s32 $0xffff, v8;
	v8, _, _ =	vpop (xrf0);
	s29 =	rddreg [dreg:$0x1f]  }
0x31d: {  	vm12 =	veq.s32 v9, v14;
	(xrf2) =	vadd.scan.msk.f32 $0xffff, v55;
	(v2sf) =	vpush v8, $0xF;
	v8, _, _ =	vpop (xrf2);
	s1 =	sadd.f32 s1, s29  }
0x31e: {  	v57 =	vadd.f32 v27, v50;
	v58 =	vnsel vm12, $0x0, v54;
	s26 =	spop (v2sf);
	(v2sf) =	vpush v8, $0xF;
	v8, _, _ =	vpop (xrf0);
	s29 =	rddreg [dreg:$0x1c]  }
0x31f: {  	vm13 =	vlt.s32 v9, v10;
	v59 =	vnsel vm11, $0x0, v52;
	(xrf2) =	vadd.scan.msk.f32 $0xffff, v58;
	s17 =	spop (v2sf);
	(v2sf) =	vpush v8, $0xF;
	v8, _, _ =	vpop (xrf2);
	s2 =	sadd.f32 s2, s29  }
0x320: {  	v60 =	vnsel vm13, $0x0, v57;
	(xrf0) =	vadd.scan.msk.s32 $0xffff, v59;
	s23 =	spop (v2sf);
	(v2sf) =	vpush v8, $0xF;
	v8, _, _ =	vpop (xrf0);
	s29 =	sld [smem:$0x7F6]  }
0x321: {  	v61 =	vnsel vm12, $0x0, v52;
	(xrf2) =	vadd.scan.msk.f32 $0xffff, v60;
	s30 =	spop (v2sf);
	(v2sf) =	vpush v8, $0xF;
	v8 =	vnsel vm13, $0x0, v12  }
0x322: {  	[smem:$0x7F9] =	sst s8;
	(xrf0) =	vadd.scan.msk.s32 $0xffff, v61  }
0x323: {  	s22 =	spop (v2sf);
	v62, _, _ =	vpop (xrf2);
	s1 =	sadd.f32 s1, s29  }
0x324: {  	vm14 =	veq.s32 v9, v10;
	s8 =	spop (v2sf);
	(v2sf) =	vpush v62, $0xF;
	(xrf0) =	vadd.scan.msk.s32 $0xffff, v8;
	v8, _, _ =	vpop (xrf0);
	s29 =	sld [smem:$0x7F7]  }
0x325: {  	v9 =	vnsel vm14, $0x0, v12;
	s18 =	spop (v2sf);
	(v2sf) =	vpush v8, $0xF;
	v8, _, _ =	vpop (xrf2)  }
0x326: {  	[smem:$0x7F8] =	sst s9;
	s24 =	spop (v2sf);
	(xrf0) =	vadd.scan.msk.s32 $0xffff, v9;
	(v2sf) =	vpush v8, $0xF;
	v8, _, _ =	vpop (xrf0)  }
0x327: {  	s19 =	spop (v2sf);
	(v2sf) =	vpush v8, $0xF;
	v8, _, _ =	vpop (xrf2);
	s2 =	sadd.f32 s2, s29  }
0x328: {  	s5 =	spop (v2sf);
	(v2sf) =	vpush v8, $0xF;
	v8, _, _ =	vpop (xrf0);
	s29 =	sld [smem:$0x7F8]  }
0x329: {  	[smem:$0x7FC] =	sst s13;
	s13 =	spop (v2sf);
	(v2sf) =	vpush v8, $0xF;
	v8, _, _ =	vpop (xrf2)  }
0x32a: {  	[smem:$0x7FB] =	sst s14;
	s20 =	spop (v2sf);
	(v2sf) =	vpush v8, $0xF;
	v8, _, _ =	vpop (xrf0)  }
0x32b: {  	s14 =	spop (v2sf);
	(v2sf) =	vpush v8, $0xF;
	v8, _, _ =	vpop (xrf2);
	s1 =	sadd.f32 s1, s29  }
0x32c: {  	s4 =	spop (v2sf);
	(v2sf) =	vpush v8, $0xF;
	v8, _, _ =	vpop (xrf0);
	s29 =	sld [smem:$0x7F9]  }
0x32d: {  	s9 =	spop (v2sf);
	(v2sf) =	vpush v8, $0xF  }
0x32e: {  	[smem:$0x7FA] =	sst s16;
	s16 =	spop (v2sf)  }
0x32f: {  	s10 =	spop (v2sf);
	s2 =	sadd.f32 s2, s29  }
0x330: {  	s3 =	spop (v2sf);
	s29 =	sld [smem:$0x7FA]  }
0x331: {  	s6 =	spop (v2sf)  }
0x332: {  	s28 =	spop (v2sf)  }
0x333: {  	v8 =	vnsel vm14, $0x0, v57;
	s7 =	spop (v2sf);
	s1 =	sadd.f32 s1, s29  }
0x334: {  	s0 =	sadd.s32 s31, s0;
	(xrf2) =	vadd.scan.msk.f32 $0xffff, v8;
	s31 =	spop (v2sf);
	s29 =	sld [smem:$0x7FB]  }
0x335: {  	s0 =	sadd.s32 s25, s0;
	s25 =	spop (v2sf);
	s1 =	sadd.f32 s1, s23  }
0x336: {  	s0 =	sadd.s32 s17, s0;
	s17 =	spop (v2sf);
	s23 =	rddreg [dreg:$0xf]  }
0x337: {  	s0 =	sadd.s32 s8, s0;
	s8 =	spop (v2sf);
	s2 =	sadd.f32 s2, s29  }
0x338: {  	s0 =	sadd.s32 s5, s0;
	s5 =	spop (v2sf);
	s29 =	rddreg [dreg:$0x10]  }
0x339: {  	s0 =	sadd.s32 s4, s0;
	s4 =	spop (v2sf);
	s1 =	sadd.f32 s1, s18  }
0x33a: {  	s0 =	sadd.s32 s3, s0;
	s3 =	spop (v2sf);
	s18 =	rddreg [dreg:$0x19]  }
0x33b: {  	s0 =	sadd.s32 s31, s0;
	s31 =	spop (v2sf);
	s2 =	sadd.f32 s2, s26  }
0x33c: {  	s0 =	sadd.s32 s5, s0;
	s5 =	spop (v2sf);
	s1 =	sadd.f32 s1, s13  }
0x33d: {  	s0 =	sadd.s32 s5, s0;
	s5 =	sadd.s32 s23, s29;
	s29 =	rddreg [dreg:$0x11]  }
0x33e: {  	v8, _, _ =	vpop (xrf2);
	s23 =	rddreg [dreg:$0x12]  }
0x33f: {  	(v2sf) =	vpush v8, $0xF;
	s26 =	sadd.f32 s2, s22  }
0x340: {  	s22 =	sld [smem:$0x7FC]  }
0x341: {  	s0 =	scvt.s32.f32 s0;
	s5 =	sadd.s32 s29, s5;
	s29 =	rddreg [dreg:$0x14]  }
0x342: {  	s1 =	sadd.f32 s1, s9  }
0x343: {  	s5 =	sadd.s32 s23, s5;
	s23 =	sld [smem:$0x7FD];
	v8 =	vmov s0  }
0x344: {  	s2 =	sadd.s32 s29, s5;
	s0 =	sadd.f32 s26, s19;
	v8 =	vmax.f32 v8, $1.000000000e+00  }
0x345: {  	s19 =	rddreg [dreg:$0x1e];
	s2 =	sadd.s32 s18, s2;
	v8 =	vbroadcast v8, $0x0  }
0x346: {  	s2 =	sadd.s32 s19, s2  }
0x347: {  	s1 =	sadd.f32 s1, s6;
	s2 =	sadd.s32 s22, s2;
	(erf) = vrcp.f32 v8  }
0x348: {  	s0 =	sadd.f32 s0, s14;
	s2 =	sadd.s32 s23, s2  }
0x349: {  	s1 =	sadd.f32 s1, s25;
	s2 =	sadd.s32 s30, s2  }
0x34a: {  	s0 =	sadd.f32 s0, s10;
	s2 =	sadd.s32 s24, s2  }
0x34b: {  	s25 =	rddreg [dreg:$0x7];
	s2 =	sadd.s32 s20, s2  }
0x34c: {  	s0 =	sadd.f32 s0, s7;
	s2 =	sadd.s32 s16, s2  }
0x34d: {  	s1 =	sadd.f32 s1, s4;
	s2 =	sadd.s32 s28, s2  }
0x34e: {  	s0 =	sadd.f32 s0, s8;
	s24 =	spop (v2sf);
	s2 =	sadd.s32 s17, s2  }
0x34f: {  	s1 =	sadd.f32 s1, s24;
	s2 =	sadd.s32 s3, s2  }
0x350: {  	s0 =	sadd.f32 s0, s31;
	s2 =	ssub.s32 s15, s2;
	v8 =	vpop (erf)  }
0x351: {  	v63 =	vld [tilespmem:$0x1FF20];
	s3 =	sadd.f32 s21, s25;
	s26 =	scvt.s32.f32 s2;
	v8 =	vmul.f32 s1, v8  }
0x352: {  	_ = 	snop  }
0x353: {  	s0 =	sadd.f32 s0, s3;
	v8 =	vmul.f32 s26, v8;
	_ =	sdelay $0x1  }
0x354: {  	v8 =	vadd.f32 s0, v8  }
0x355: {  	vm15 =	vgt.s32 v63, $0x0  }
0x356: {  	s5 =	simm.s32 $0x0;
	v8 =	vnsel vm15, $0x0, v8  }
0x357: {  	s29 =	simm.s32 $0xD480;
	s28 =	rddreg [dreg:$0x3];
	s3 =	simm.s32 $0x1;
	[tilespmem:$0xD480] =	vst v8  }
0x358: {  	[hbm4b:s28+s5] =	stream.linear.scatter [tilespmem:s29], [sflag:$0x1], $0x80, $0x38;
	[tilespmem:$0xD500] =	vst v63  }
0x359: {  	_ =	swait.ge [sflag:s3], $0x80  }
0x35a: {  	s30 =	rddreg [dreg:$0x6]  }
0x35b: {  	s31 =	rddreg [dreg:$0x5];
	s1 =	sadd.s32 $0x1, s30  }
0x35c: {  	p0 =	sne.s32 s1, s31  }
.Ltmp37:
0x35d: {  	_ = 	snop;
	(pc) =	sbr.rel @p0 .LBB2_2-.Ltmp37, $3  }
0x35e: {  	_ =	sdelay $0x1  }
0x35f: {  	[sflag:s3] =	ssyncset.done $0x0  }
0x360: {  	[sflag:s3] =	ssyncadd.s32 $0xFFFFFF80  }
.LBB2_75:
0x361: {  	_ =	sfence.sel $0x180000  }
0x362: {  	[bflag:$0x0] =	sbarrier.arrive $0xFFFF  }
0x363: {  	_ =	strace $0x90000047  }
0x364: {  	s0 =	stileid.u32;
	[bflag:$0x2] =	sbarrier.arrive $0xFFFF  }
0x365: {  	p0 =	sne.s32 s0, $0x0;
	s0 =	rddreg [dreg:$0x1]  }
0x366: {  	s0 =	sadd.s32 @!p0 $0x100000, s0  }
0x367: {  	[sflag:s0] =	ssyncadd.tile.s32 @!p0 $0x1;
	_ =	shalt  }
.Lfunc_end2:
_tile_overlayer_lowered:
.L_overlay_start_2:
0x368: {  	(tag) =	ssettag $0x2  }
0x369: {  	s0 =	rddreg [dreg:$0x0];
	s2 =	stileid.u32  }
0x36a: {  	s1 =	rddreg [dreg:$0x1];
	p0 =	sne.s32 s2, $0x0  }
0x36b: {  	s3 =	rddreg [dreg:$0x2];
	[bflag:$0x3] =	sbarrier.arrive $0xFFFF;
	s2 =	simm.s32 @!p0 $0x1C01  }
0x36c: {  	[timem:s3], [sflag:s2] =	dma.local @!p0 [hbm:s0], s1  }
0x36d: {  	s0 =	simm.s32 @!p0 $0x1  }
0x36e: {  	_ =	swait.ge @!p0 [sflag:s0], s1  }
0x36f: {  	s1 =	ssub.s32 @!p0 $0x0, s1;
	[sflag:s0] =	ssyncset.done @!p0 $0x0  }
0x370: {  	[sflag:s0] =	ssyncadd.s32 @!p0 s1  }
0x371: {  	[bflag:$0x3] =	sbarrier.arrive $0xFFFF  }
0x372: {  	_ =	shalt  }

</sc_bundles>
